<compile_context>
chip_gen: v7x
topology: tpu7x:2x2x1
jax: 0.10.2.dev20260603
libtpu: 0.0.44.dev20260713+nightly
codegen_flags: <defaults>
</compile_context>

<pallas_src>
import jax
import jax.numpy as jnp
from jax import lax
from jax.experimental import pallas as pl
from jax.experimental.pallas import tpu as pltpu
from jax.experimental.pallas import tpu_sc as plsc

_N, _E, _D, _B, _C = 10000, 320000, 128, 64, 40
_NPAD = 10240
_NC, _NS = 2, 16
_NW = _NC * _NS
_NCH = 80
_EPAD = _NW * _NCH * 128
_K0 = 48
_K1 = 2 * _NCH - _K0
_KMAX = max(_K0, _K1)
_RPS = _NPAD // _NS
_GRID = _NPAD // 512

_MESH = dict(core_axis_name="c", subcore_axis_name="s")


def _sc_deg(dsts, ones16, zeros16, iden):
    def body(d_h, o_h, z_h, i_h, out_h, idx_c, ones_v, zrows, buf, acc, sem):
        c = lax.axis_index("c")
        s = lax.axis_index("s")
        w = s * _NC + c
        pltpu.sync_copy(o_h, ones_v)
        pltpu.sync_copy(z_h.at[pl.ds(0, 128)], zrows)

        def zchunk(z, carry):
            pltpu.sync_copy(i_h.at[s, z], idx_c)
            pltpu.sync_copy(zrows, acc.at[idx_c])
            return carry

        lax.fori_loop(0, _RPS // 128, zchunk, 0)
        plsc.subcore_barrier()

        def chunk(i, carry):
            pltpu.sync_copy(d_h.at[w, i], idx_c)
            pltpu.sync_copy(ones_v, acc.at[idx_c], add=True)
            return carry

        @pl.when(c == 0)
        def _():
            lax.fori_loop(0, _K0, chunk, 0)

        @pl.when(c == 1)
        def _():
            lax.fori_loop(0, _K1, chunk, 0)
        plsc.subcore_barrier()

        def rchunk(z, carry):
            pltpu.sync_copy(i_h.at[s, z], idx_c)
            pltpu.async_copy(acc.at[idx_c], buf, sem).wait()
            pltpu.sync_copy(buf, out_h.at[c, pl.ds(s * _RPS + z * 128, 128)])
            return carry

        lax.fori_loop(0, _RPS // 128, rchunk, 0)

    f = pl.kernel(
        body,
        out_type=jax.ShapeDtypeStruct((_NC, _NPAD, 16), jnp.float32),
        mesh=plsc.VectorSubcoreMesh(**_MESH),
        scratch_types=[
            pltpu.VMEM((128,), jnp.int32),
            pltpu.VMEM((128, 16), jnp.float32),
            pltpu.VMEM((128, 16), jnp.float32),
            pltpu.VMEM((128, 16), jnp.float32),
            pltpu.MemorySpace.VMEM_SHARED((_NPAD, 16), jnp.float32),
            pltpu.SemaphoreType.DMA,
        ],
    )
    return f(dsts, ones16, zeros16, iden)


def _sc_scatter(g, srcs, dsts, zeros, iden):
    def body(g_h, s_h, d_h, z_h, i_h, out_h, idx_s, ic0, ic1, r0, r1, acc,
             si0, si1, sg0, sg1, ss0, ss1):
        c = lax.axis_index("c")
        s = lax.axis_index("s")
        w = s * _NC + c
        pltpu.sync_copy(s_h.at[w], idx_s)
        pltpu.sync_copy(z_h.at[pl.ds(0, 128)], r0)

        def zchunk(z, carry):
            pltpu.sync_copy(i_h.at[s, z], ic0)
            pltpu.sync_copy(r0, acc.at[ic0])
            return carry

        lax.fori_loop(0, _RPS // 128, zchunk, 0)
        plsc.subcore_barrier()

        def pair(j, carry):
            a = 2 * j
            b = a + 1

            @pl.when(j > 0)
            def _():
                pltpu.make_async_copy(z_h.at[pl.ds(0, 128)], r0, ss0).wait()
                pltpu.make_async_copy(z_h.at[pl.ds(0, 128)], r1, ss1).wait()

            ia = pltpu.async_copy(d_h.at[w, a], ic0, si0)
            ga = pltpu.async_copy(g_h.at[idx_s.at[a]], r0, sg0)
            ib = pltpu.async_copy(d_h.at[w, b], ic1, si1)
            gb = pltpu.async_copy(g_h.at[idx_s.at[b]], r1, sg1)
            ga.wait()
            ia.wait()
            pltpu.async_copy(r0, acc.at[ic0], ss0, add=True)
            gb.wait()
            ib.wait()
            pltpu.async_copy(r1, acc.at[ic1], ss1, add=True)
            return carry

        @pl.when(c == 0)
        def _():
            lax.fori_loop(0, _K0 // 2, pair, 0)

        @pl.when(c == 1)
        def _():
            lax.fori_loop(0, _K1 // 2, pair, 0)

        pltpu.make_async_copy(z_h.at[pl.ds(0, 128)], r0, ss0).wait()
        pltpu.make_async_copy(z_h.at[pl.ds(0, 128)], r1, ss1).wait()
        plsc.subcore_barrier()

        def rchunk(z, carry):
            pltpu.sync_copy(i_h.at[s, z], ic0)
            pltpu.async_copy(acc.at[ic0], r0, sg0).wait()
            pltpu.sync_copy(r0, out_h.at[c, pl.ds(s * _RPS + z * 128, 128)])
            return carry

        lax.fori_loop(0, _RPS // 128, rchunk, 0)

    f = pl.kernel(
        body,
        out_type=jax.ShapeDtypeStruct((_NC, _NPAD, _D), jnp.float32),
        mesh=plsc.VectorSubcoreMesh(**_MESH),
        scratch_types=[
            pltpu.VMEM((_KMAX, 128), jnp.int32),
            pltpu.VMEM((128,), jnp.int32),
            pltpu.VMEM((128,), jnp.int32),
            pltpu.VMEM((128, _D), jnp.float32),
            pltpu.VMEM((128, _D), jnp.float32),
            pltpu.MemorySpace.VMEM_SHARED((_NPAD, _D), jnp.float32),
            pltpu.SemaphoreType.DMA,
            pltpu.SemaphoreType.DMA,
            pltpu.SemaphoreType.DMA,
            pltpu.SemaphoreType.DMA,
            pltpu.SemaphoreType.DMA,
            pltpu.SemaphoreType.DMA,
        ],
    )
    return f(g, srcs, dsts, zeros, iden)


def _dinv_block(dv):
    return jnp.broadcast_to(dv[:, 0:1], (512, _D))


def _tc_first(degP, x, W1):
    def body(degp_ref, x_ref, w_ref, dinv_ref, g_ref):
        deg = degp_ref[0] + degp_ref[1] + 1.0
        dinv = lax.rsqrt(deg)
        dinv_ref[...] = dinv
        db = _dinv_block(dinv)
        g_ref[...] = jnp.dot(x_ref[...] * db, w_ref[...],
                             preferred_element_type=jnp.float32)

    return pl.pallas_call(
        body,
        grid=(_GRID,),
        in_specs=[
            pl.BlockSpec((2, 512, 16), lambda i: (0, i, 0)),
            pl.BlockSpec((512, _D), lambda i: (i, 0)),
            pl.BlockSpec((_D, _D), lambda i: (0, 0)),
        ],
        out_specs=[
            pl.BlockSpec((512, 16), lambda i: (i, 0)),
            pl.BlockSpec((512, _D), lambda i: (i, 0)),
        ],
        out_shape=[
            jax.ShapeDtypeStruct((_NPAD, 16), jnp.float32),
            jax.ShapeDtypeStruct((_NPAD, _D), jnp.float32),
        ],
    )(degP, x, W1)


def _tc_layer(accP, gprev, dinv16, bvec, W):
    def body(acc_ref, g_ref, dv_ref, b_ref, w_ref, out_ref):
        db = _dinv_block(dv_ref[...])
        h = acc_ref[0] + acc_ref[1] + g_ref[...]
        h = jnp.maximum(h * db + b_ref[...], 0.0)
        out_ref[...] = jnp.dot(h * db, w_ref[...],
                               preferred_element_type=jnp.float32)

    return pl.pallas_call(
        body,
        grid=(_GRID,),
        in_specs=[
            pl.BlockSpec((2, 512, _D), lambda i: (0, i, 0)),
            pl.BlockSpec((512, _D), lambda i: (i, 0)),
            pl.BlockSpec((512, 16), lambda i: (i, 0)),
            pl.BlockSpec((1, _D), lambda i: (0, 0)),
            pl.BlockSpec((_D, _D), lambda i: (0, 0)),
        ],
        out_specs=pl.BlockSpec((512, _D), lambda i: (i, 0)),
        out_shape=jax.ShapeDtypeStruct((_NPAD, _D), jnp.float32),
    )(accP, gprev, dinv16, bvec, W)


def _tc_pool(accP, g3, dinv16, bvec, batch16):
    def body(acc_ref, g_ref, dv_ref, b_ref, bt_ref, out_ref):
        i = pl.program_id(0)
        db = _dinv_block(dv_ref[...])
        h = acc_ref[0] + acc_ref[1] + g_ref[...]
        h = jnp.maximum(h * db + b_ref[...], 0.0)
        lanes = lax.broadcasted_iota(jnp.int32, (512, _D), 1)
        bc = jnp.broadcast_to(bt_ref[:, 0:1], (512, _D))
        oh = (bc == lanes).astype(jnp.float32)
        onescol = (lanes == 0).astype(jnp.float32)
        haug = jnp.concatenate([h, onescol], axis=1)
        S = lax.dot_general(oh, haug, (((0,), (0,)), ((), ())),
                            preferred_element_type=jnp.float32)

        @pl.when(i == 0)
        def _():
            out_ref[...] = jnp.zeros_like(out_ref)

        out_ref[...] += S

    return pl.pallas_call(
        body,
        grid=(_GRID,),
        in_specs=[
            pl.BlockSpec((2, 512, _D), lambda i: (0, i, 0)),
            pl.BlockSpec((512, _D), lambda i: (i, 0)),
            pl.BlockSpec((512, 16), lambda i: (i, 0)),
            pl.BlockSpec((1, _D), lambda i: (0, 0)),
            pl.BlockSpec((512, 16), lambda i: (i, 0)),
        ],
        out_specs=pl.BlockSpec((_D, 2 * _D), lambda i: (0, 0)),
        out_shape=jax.ShapeDtypeStruct((_D, 2 * _D), jnp.float32),
    )(accP, g3, dinv16, bvec, batch16)


def _tc_head(Saug, Wl1, bl1, Wl2p, bl2p):
    def body(s_ref, w1_ref, b1_ref, w2_ref, b2_ref, out_ref):
        sums = s_ref[:, :_D]
        cnt = jnp.broadcast_to(s_ref[:, _D:_D + 1], (_D, _D))
        pooled = sums / jnp.maximum(cnt, 1.0)
        z = jnp.maximum(
            jnp.dot(pooled, w1_ref[...], preferred_element_type=jnp.float32)
            + b1_ref[...], 0.0)
        z2 = jnp.dot(z, w2_ref[...], preferred_element_type=jnp.float32) \
            + b2_ref[...]
        m = jnp.max(z2, axis=1, keepdims=True)
        e = jnp.exp(z2 - m)
        lse = jnp.log(jnp.sum(e, axis=1, keepdims=True)) + m
        out_ref[...] = z2 - lse

    return pl.pallas_call(
        body,
        out_shape=jax.ShapeDtypeStruct((_D, _D), jnp.float32),
    )(Saug, Wl1, bl1, Wl2p, bl2p)


def kernel(x, edge_index, batch, W1, b1, W2, b2, W3, b3, Wl1, bl1, Wl2, bl2):
    xp = jnp.pad(x, ((0, _NPAD - _N), (0, 0)))
    def _split(flat, fill):
        a = flat.reshape(_NS, 2 * _NCH, 128)
        c0 = jnp.pad(a[:, :_K0], ((0, 0), (0, _KMAX - _K0), (0, 0)),
                     constant_values=fill)
        c1 = a[:, _K0:]
        return jnp.stack([c0, c1], axis=1).reshape(_NW, _KMAX, 128)

    src = _split(jnp.pad(edge_index[0], (0, _EPAD - _E)), 0)
    dst = _split(jnp.pad(edge_index[1], (0, _EPAD - _E),
                         constant_values=_NPAD - 1), _NPAD - 1)
    z128 = jnp.zeros((_NPAD, _D), jnp.float32)
    z16 = jnp.zeros((_NPAD, 16), jnp.float32)
    ones16 = jnp.ones((128, 16), jnp.float32)
    bt = jnp.broadcast_to(
        jnp.pad(batch, (0, _NPAD - _N), constant_values=_B)[:, None],
        (_NPAD, 16))

    iden = jnp.arange(_NPAD, dtype=jnp.int32).reshape(_NS, _RPS // 128, 128)
    degP = _sc_deg(dst, ones16, z16, iden)
    dinv16, g = _tc_first(degP, xp, W1)
    accP = _sc_scatter(g, src, dst, z128, iden)
    g = _tc_layer(accP, g, dinv16, b1.reshape(1, _D), W2)
    accP = _sc_scatter(g, src, dst, z128, iden)
    g = _tc_layer(accP, g, dinv16, b2.reshape(1, _D), W3)
    accP = _sc_scatter(g, src, dst, z128, iden)
    Saug = _tc_pool(accP, g, dinv16, b3.reshape(1, _D), bt)

    w2p = jnp.pad(Wl2, ((0, 0), (0, _D - _C)))
    b2p = jnp.concatenate(
        [bl2, jnp.full((_D - _C,), -1e30, jnp.float32)]).reshape(1, _D)
    logits = _tc_head(Saug, Wl1, bl1.reshape(1, _D), w2p, b2p)
    return (logits[:_B, :_C], 0)

# --- scband reference (transcript-rebuilt; emitter-appended) ---
"""Pipeline reference for scband-model-76562087018929 (READ-ONLY COPY).

The authoritative reference and input builder live on the scoring server;
editing this copy changes nothing except your own understanding.
"""

import jax, jax.numpy as jnp
import numpy as np

N = 10000
E = 320000
D = 128
H = 128
L = 128
C = 40
B = 64


def setup_inputs(seed: int = 0) -> dict:
    key = jax.random.key(seed)
    ks = jax.random.split(key, 14)
    x = jax.random.normal(ks[0], (N, D), dtype=jnp.float32)
    edge_index = jax.random.randint(ks[1], (2, E), 0, N, dtype=jnp.int32)
    batch = jnp.sort(jax.random.randint(ks[2], (N,), 0, B, dtype=jnp.int32))
    s1 = 1.0 / np.sqrt(D)
    s2 = 1.0 / np.sqrt(H)
    s3 = 1.0 / np.sqrt(L)
    W1 = jax.random.normal(ks[3], (D, H), dtype=jnp.float32) * s1
    b1 = jnp.zeros((H,), dtype=jnp.float32)
    W2 = jax.random.normal(ks[4], (H, H), dtype=jnp.float32) * s2
    b2 = jnp.zeros((H,), dtype=jnp.float32)
    W3 = jax.random.normal(ks[5], (H, H), dtype=jnp.float32) * s2
    b3 = jnp.zeros((H,), dtype=jnp.float32)
    Wl1 = jax.random.normal(ks[6], (H, L), dtype=jnp.float32) * s2
    bl1 = jnp.zeros((L,), dtype=jnp.float32)
    Wl2 = jax.random.normal(ks[7], (L, C), dtype=jnp.float32) * s3
    bl2 = jnp.zeros((C,), dtype=jnp.float32)
    return {"x": x, "edge_index": edge_index, "batch": batch,
            "W1": W1, "b1": b1, "W2": W2, "b2": b2, "W3": W3, "b3": b3,
            "Wl1": Wl1, "bl1": bl1, "Wl2": Wl2, "bl2": bl2}


def _gcn_conv(x, edge_index, W, b):
    # GCNConv: x' = D^{-1/2} (A + I) D^{-1/2} (x W) + b
    loop = jnp.arange(N, dtype=edge_index.dtype)
    src = jnp.concatenate([edge_index[0], loop])
    dst = jnp.concatenate([edge_index[1], loop])
    deg = jnp.zeros((N,), jnp.float32).at[dst].add(1.0)
    dinv = jnp.where(deg > 0, 1.0 / jnp.sqrt(deg), 0.0)
    norm = dinv[src] * dinv[dst]
    h = x @ W
    out = jnp.zeros((N, W.shape[1]), jnp.float32).at[dst].add(h[src] * norm[:, None])
    return out + b


def reference(x, edge_index, batch, W1, b1, W2, b2, W3, b3, Wl1, bl1, Wl2, bl2):
    h = jax.nn.relu(_gcn_conv(x, edge_index, W1, b1))
    h = jax.nn.relu(_gcn_conv(h, edge_index, W2, b2))
    h = jax.nn.relu(_gcn_conv(h, edge_index, W3, b3))
    sums = jax.ops.segment_sum(h, batch, num_segments=B)
    cnt = jax.ops.segment_sum(jnp.ones((N, 1), jnp.float32), batch, num_segments=B)
    pooled = sums / jnp.maximum(cnt, 1.0)
    z = jax.nn.relu(pooled @ Wl1 + bl1)
    z = z @ Wl2 + bl2
    return (jax.nn.log_softmax(z, axis=-1), 0)

if __name__ == "__main__":
    import jax
    _d = setup_inputs()
    print(jax.jit(kernel)(*tuple(_d.values())))

</pallas_src>

<mosaic_0001>
#map = affine_map<(d0, d1) -> (0, 0)>
#map1 = affine_map<(d0, d1) -> (0, 0, 0)>
module attributes {stable_mosaic.version = 14 : i64} {
  func.func @body(%arg0: i32, %arg1: i32, %arg2: memref<10240x128xf32, #tpu.memory_space<hbm>>, %arg3: memref<32x112x128xi32, #tpu.memory_space<hbm>>, %arg4: memref<32x112x128xi32, #tpu.memory_space<hbm>>, %arg5: memref<10240x128xf32, #tpu.memory_space<hbm>>, %arg6: memref<16x5x128xi32, #tpu.memory_space<hbm>>, %arg7: memref<2x10240x128xf32, #tpu.memory_space<hbm>>, %arg8: memref<112x128xi32, #tpu.memory_space<vmem>>, %arg9: memref<128xi32, #tpu.memory_space<vmem>>, %arg10: memref<128xi32, #tpu.memory_space<vmem>>, %arg11: memref<128x128xf32, #tpu.memory_space<vmem>>, %arg12: memref<128x128xf32, #tpu.memory_space<vmem>>, %arg13: memref<10240x128xf32, #tpu.memory_space<vmem_shared>>, %arg14: memref<!tpu.dma_semaphore, #tpu.memory_space<semaphore_mem>>, %arg15: memref<!tpu.dma_semaphore, #tpu.memory_space<semaphore_mem>>, %arg16: memref<!tpu.dma_semaphore, #tpu.memory_space<semaphore_mem>>, %arg17: memref<!tpu.dma_semaphore, #tpu.memory_space<semaphore_mem>>, %arg18: memref<!tpu.dma_semaphore, #tpu.memory_space<semaphore_mem>>, %arg19: memref<!tpu.dma_semaphore, #tpu.memory_space<semaphore_mem>>) attributes {dimension_semantics = [#tpu.dimension_semantics<core_parallel>, #tpu.dimension_semantics<subcore_parallel>], iteration_bounds = array<i64: 2, 16>, scalar_prefetch = 0 : i64, scratch_operands = 12 : i64, tpu.core_type = #tpu.core_type<sc_vector_subcore>, window_params = [{transform_indices = #map}, {transform_indices = #map1}, {transform_indices = #map1}, {transform_indices = #map}, {transform_indices = #map1}, {transform_indices = #map1}]} {
    %mul3A = arith.constant 2 : i32
    %mul3A_0 = arith.muli %arg1, %mul3A : i32
    %add3A = arith.addi %mul3A_0, %arg0 : i32
    "tpu.region"() ({
      %run_scoped3A = tpu.sem_alloc : memref<!tpu.dma_semaphore, #tpu.memory_space<semaphore_mem>>
      %dma_start3A = arith.constant 0 : i32
      %dma_start3A_31 = arith.constant 0 : i32
      %dma_start3A_32 = tpu.memref_slice %arg3[%add3A, %dma_start3A, %dma_start3A_31] : memref<32x112x128xi32, #tpu.memory_space<hbm>> -> memref<1x112x128xi32, #tpu.memory_space<hbm>>
      %dma_start3A_33 = tpu.memref_squeeze %dma_start3A_32 : memref<1x112x128xi32, #tpu.memory_space<hbm>> -> memref<112x128xi32, #tpu.memory_space<hbm>>
      %dma_start3A_34 = arith.constant 0 : i32
      %dma_start3A_35 = arith.constant 0 : i32
      %dma_start3A_36 = tpu.memref_slice %arg3[%add3A, %dma_start3A_34, %dma_start3A_35] : memref<32x112x128xi32, #tpu.memory_space<hbm>> -> memref<1x112x128xi32, #tpu.memory_space<hbm>>
      %dma_start3A_37 = tpu.memref_squeeze %dma_start3A_36 : memref<1x112x128xi32, #tpu.memory_space<hbm>> -> memref<112x128xi32, #tpu.memory_space<hbm>>
      tpu.enqueue_dma source(%dma_start3A_37 : memref<112x128xi32, #tpu.memory_space<hbm>>) target(%arg8 : memref<112x128xi32, #tpu.memory_space<vmem>>) target_semaphore(%run_scoped3A : memref<!tpu.dma_semaphore, #tpu.memory_space<semaphore_mem>>)
      %dma_wait3A_38 = arith.constant 0 : i32
      %dma_wait3A_39 = arith.constant 0 : i32
      %dma_wait3A_40 = tpu.memref_slice %arg3[%add3A, %dma_wait3A_38, %dma_wait3A_39] : memref<32x112x128xi32, #tpu.memory_space<hbm>> -> memref<1x112x128xi32, #tpu.memory_space<hbm>>
      %dma_wait3A_41 = tpu.memref_squeeze %dma_wait3A_40 : memref<1x112x128xi32, #tpu.memory_space<hbm>> -> memref<112x128xi32, #tpu.memory_space<hbm>>
      %dma_wait3A_42 = arith.constant 0 : i32
      %dma_wait3A_43 = arith.constant 0 : i32
      %dma_wait3A_44 = tpu.memref_slice %arg3[%add3A, %dma_wait3A_42, %dma_wait3A_43] : memref<32x112x128xi32, #tpu.memory_space<hbm>> -> memref<1x112x128xi32, #tpu.memory_space<hbm>>
      %dma_wait3A_45 = tpu.memref_squeeze %dma_wait3A_44 : memref<1x112x128xi32, #tpu.memory_space<hbm>> -> memref<112x128xi32, #tpu.memory_space<hbm>>
      tpu.wait_dma2 semaphore(%run_scoped3A : memref<!tpu.dma_semaphore, #tpu.memory_space<semaphore_mem>>) src(%dma_wait3A_45 : memref<112x128xi32, #tpu.memory_space<hbm>>) dst(%arg8 : memref<112x128xi32, #tpu.memory_space<vmem>>)
      tpu.yield
    }) : () -> ()
    "tpu.region"() ({
      %run_scoped3A = tpu.sem_alloc : memref<!tpu.dma_semaphore, #tpu.memory_space<semaphore_mem>>
      %dma_start3A = arith.constant 0 : i32
      %dma_start3A_31 = arith.constant 0 : i32
      %dma_start3A_32 = tpu.memref_slice %arg5[%dma_start3A, %dma_start3A_31] : memref<10240x128xf32, #tpu.memory_space<hbm>> -> memref<128x128xf32, #tpu.memory_space<hbm>>
      %dma_start3A_33 = arith.constant 0 : i32
      %dma_start3A_34 = arith.constant 0 : i32
      %dma_start3A_35 = tpu.memref_slice %arg5[%dma_start3A_33, %dma_start3A_34] : memref<10240x128xf32, #tpu.memory_space<hbm>> -> memref<128x128xf32, #tpu.memory_space<hbm>>
      tpu.enqueue_dma source(%dma_start3A_35 : memref<128x128xf32, #tpu.memory_space<hbm>>) target(%arg11 : memref<128x128xf32, #tpu.memory_space<vmem>>) target_semaphore(%run_scoped3A : memref<!tpu.dma_semaphore, #tpu.memory_space<semaphore_mem>>)
      %dma_wait3A_36 = arith.constant 0 : i32
      %dma_wait3A_37 = arith.constant 0 : i32
      %dma_wait3A_38 = tpu.memref_slice %arg5[%dma_wait3A_36, %dma_wait3A_37] : memref<10240x128xf32, #tpu.memory_space<hbm>> -> memref<128x128xf32, #tpu.memory_space<hbm>>
      %dma_wait3A_39 = arith.constant 0 : i32
      %dma_wait3A_40 = arith.constant 0 : i32
      %dma_wait3A_41 = tpu.memref_slice %arg5[%dma_wait3A_39, %dma_wait3A_40] : memref<10240x128xf32, #tpu.memory_space<hbm>> -> memref<128x128xf32, #tpu.memory_space<hbm>>
      tpu.wait_dma2 semaphore(%run_scoped3A : memref<!tpu.dma_semaphore, #tpu.memory_space<semaphore_mem>>) src(%dma_wait3A_41 : memref<128x128xf32, #tpu.memory_space<hbm>>) dst(%arg11 : memref<128x128xf32, #tpu.memory_space<vmem>>)
      tpu.yield
    }) : () -> ()
    %scan3A = arith.constant 0 : i32
    %scan3A_1 = arith.constant 0 : i32
    %scan3A_2 = arith.constant 5 : i32
    %scan3A_3 = arith.addi %scan3A_1, %scan3A_2 : i32
    %scan3A_4 = arith.constant 1 : i32
    scf.for %scan3A_31 = %scan3A_1 to %scan3A_3 step %scan3A_4  : i32 {
      "tpu.region"() ({
        %run_scoped3A = tpu.sem_alloc : memref<!tpu.dma_semaphore, #tpu.memory_space<semaphore_mem>>
        %dma_start3A = arith.constant 0 : i32
        %dma_start3A_32 = tpu.memref_slice %arg6[%arg1, %scan3A_31, %dma_start3A] : memref<16x5x128xi32, #tpu.memory_space<hbm>> -> memref<1x1x128xi32, #tpu.memory_space<hbm>>
        %dma_start3A_33 = tpu.memref_squeeze %dma_start3A_32 : memref<1x1x128xi32, #tpu.memory_space<hbm>> -> memref<128xi32, #tpu.memory_space<hbm>>
        %dma_start3A_34 = arith.constant 0 : i32
        %dma_start3A_35 = tpu.memref_slice %arg6[%arg1, %scan3A_31, %dma_start3A_34] : memref<16x5x128xi32, #tpu.memory_space<hbm>> -> memref<1x1x128xi32, #tpu.memory_space<hbm>>
        %dma_start3A_36 = tpu.memref_squeeze %dma_start3A_35 : memref<1x1x128xi32, #tpu.memory_space<hbm>> -> memref<128xi32, #tpu.memory_space<hbm>>
        tpu.enqueue_dma source(%dma_start3A_36 : memref<128xi32, #tpu.memory_space<hbm>>) target(%arg9 : memref<128xi32, #tpu.memory_space<vmem>>) target_semaphore(%run_scoped3A : memref<!tpu.dma_semaphore, #tpu.memory_space<semaphore_mem>>)
        %dma_wait3A_37 = arith.constant 0 : i32
        %dma_wait3A_38 = tpu.memref_slice %arg6[%arg1, %scan3A_31, %dma_wait3A_37] : memref<16x5x128xi32, #tpu.memory_space<hbm>> -> memref<1x1x128xi32, #tpu.memory_space<hbm>>
        %dma_wait3A_39 = tpu.memref_squeeze %dma_wait3A_38 : memref<1x1x128xi32, #tpu.memory_space<hbm>> -> memref<128xi32, #tpu.memory_space<hbm>>
        %dma_wait3A_40 = arith.constant 0 : i32
        %dma_wait3A_41 = tpu.memref_slice %arg6[%arg1, %scan3A_31, %dma_wait3A_40] : memref<16x5x128xi32, #tpu.memory_space<hbm>> -> memref<1x1x128xi32, #tpu.memory_space<hbm>>
        %dma_wait3A_42 = tpu.memref_squeeze %dma_wait3A_41 : memref<1x1x128xi32, #tpu.memory_space<hbm>> -> memref<128xi32, #tpu.memory_space<hbm>>
        tpu.wait_dma2 semaphore(%run_scoped3A : memref<!tpu.dma_semaphore, #tpu.memory_space<semaphore_mem>>) src(%dma_wait3A_42 : memref<128xi32, #tpu.memory_space<hbm>>) dst(%arg9 : memref<128xi32, #tpu.memory_space<vmem>>)
        tpu.yield
      }) : () -> ()
      "tpu.region"() ({
        %run_scoped3A = tpu.sem_alloc : memref<!tpu.dma_semaphore, #tpu.memory_space<semaphore_mem>>
        %dma_start3A = arith.constant 0 : i32
        %dma_start3A_32 = arith.constant 0 : i32
        %dma_start3A_33 = tpu.memref_slice %arg13[%dma_start3A, %dma_start3A_32] : memref<10240x128xf32, #tpu.memory_space<vmem_shared>> -> memref<10240x128xf32, #tpu.memory_space<vmem_shared>>
        tpu.enqueue_indirect_dma source(%arg11 : memref<128x128xf32, #tpu.memory_space<vmem>>) target(%dma_start3A_33 : memref<10240x128xf32, #tpu.memory_space<vmem_shared>>) offsets(%arg9 : memref<128xi32, #tpu.memory_space<vmem>>) semaphore(%run_scoped3A : memref<!tpu.dma_semaphore, #tpu.memory_space<semaphore_mem>>)
        %dma_wait3A_34 = arith.constant 0 : i32
        %dma_wait3A_35 = arith.constant 0 : i32
        %dma_wait3A_36 = tpu.memref_slice %arg13[%dma_wait3A_34, %dma_wait3A_35] : memref<10240x128xf32, #tpu.memory_space<vmem_shared>> -> memref<10240x128xf32, #tpu.memory_space<vmem_shared>>
        tpu.wait_indirect_dma semaphore(%run_scoped3A : memref<!tpu.dma_semaphore, #tpu.memory_space<semaphore_mem>>) src(%arg11 : memref<128x128xf32, #tpu.memory_space<vmem>>) dst(%dma_wait3A_36 : memref<10240x128xf32, #tpu.memory_space<vmem_shared>>)
        tpu.yield
      }) : () -> ()
    }
    %scan3A_5 = arith.constant 5 : i32
    %barrier3A = arith.constant 0 : index
    tpu.barrier barrier_id(%barrier3A)
    %eq3A = arith.constant 0 : i32
    %eq3A_6 = arith.cmpi eq, %arg0, %eq3A : i32
    %convert_element_type3A = arith.extui %eq3A_6 : i1 to i32
    %cond3A = arith.constant 0 : i32
    %cond3A_7 = arith.cmpi ne, %convert_element_type3A, %cond3A : i32
    scf.if %cond3A_7 {
      %scan3A_31 = arith.constant 0 : i32
      %scan3A_32 = arith.constant 0 : i32
      %scan3A_33 = arith.constant 24 : i32
      %scan3A_34 = arith.addi %scan3A_32, %scan3A_33 : i32
      %scan3A_35 = arith.constant 1 : i32
      scf.for %scan3A_37 = %scan3A_32 to %scan3A_34 step %scan3A_35  : i32 {
        %mul3A_38 = arith.constant 2 : i32
        %mul3A_39 = arith.muli %mul3A_38, %scan3A_37 : i32
        %add3A_40 = arith.constant 1 : i32
        %add3A_41 = arith.addi %mul3A_39, %add3A_40 : i32
        %gt3A = arith.constant 0 : i32
        %gt3A_42 = arith.cmpi sgt, %scan3A_37, %gt3A : i32
        %convert_element_type3A_43 = arith.extui %gt3A_42 : i1 to i32
        %cond3A_44 = arith.constant 0 : i32
        %cond3A_45 = arith.cmpi ne, %convert_element_type3A_43, %cond3A_44 : i32
        scf.if %cond3A_45 {
          %dma_wait3A_99 = arith.constant 0 : i32
          %dma_wait3A_100 = arith.constant 0 : i32
          %dma_wait3A_101 = tpu.memref_slice %arg5[%dma_wait3A_99, %dma_wait3A_100] : memref<10240x128xf32, #tpu.memory_space<hbm>> -> memref<128x128xf32, #tpu.memory_space<hbm>>
          %dma_wait3A_102 = arith.constant 0 : i32
          %dma_wait3A_103 = arith.constant 0 : i32
          %dma_wait3A_104 = tpu.memref_slice %arg5[%dma_wait3A_102, %dma_wait3A_103] : memref<10240x128xf32, #tpu.memory_space<hbm>> -> memref<128x128xf32, #tpu.memory_space<hbm>>
          tpu.wait_dma2 semaphore(%arg18 : memref<!tpu.dma_semaphore, #tpu.memory_space<semaphore_mem>>) src(%dma_wait3A_104 : memref<128x128xf32, #tpu.memory_space<hbm>>) dst(%arg11 : memref<128x128xf32, #tpu.memory_space<vmem>>)
          %dma_wait3A_105 = arith.constant 0 : i32
          %dma_wait3A_106 = arith.constant 0 : i32
          %dma_wait3A_107 = tpu.memref_slice %arg5[%dma_wait3A_105, %dma_wait3A_106] : memref<10240x128xf32, #tpu.memory_space<hbm>> -> memref<128x128xf32, #tpu.memory_space<hbm>>
          %dma_wait3A_108 = arith.constant 0 : i32
          %dma_wait3A_109 = arith.constant 0 : i32
          %dma_wait3A_110 = tpu.memref_slice %arg5[%dma_wait3A_108, %dma_wait3A_109] : memref<10240x128xf32, #tpu.memory_space<hbm>> -> memref<128x128xf32, #tpu.memory_space<hbm>>
          tpu.wait_dma2 semaphore(%arg19 : memref<!tpu.dma_semaphore, #tpu.memory_space<semaphore_mem>>) src(%dma_wait3A_110 : memref<128x128xf32, #tpu.memory_space<hbm>>) dst(%arg12 : memref<128x128xf32, #tpu.memory_space<vmem>>)
        } else {
        }
        %dma_start3A = arith.constant 0 : i32
        %dma_start3A_46 = tpu.memref_slice %arg4[%add3A, %mul3A_39, %dma_start3A] : memref<32x112x128xi32, #tpu.memory_space<hbm>> -> memref<1x1x128xi32, #tpu.memory_space<hbm>>
        %dma_start3A_47 = tpu.memref_squeeze %dma_start3A_46 : memref<1x1x128xi32, #tpu.memory_space<hbm>> -> memref<128xi32, #tpu.memory_space<hbm>>
        %dma_start3A_48 = arith.constant 0 : i32
        %dma_start3A_49 = tpu.memref_slice %arg4[%add3A, %mul3A_39, %dma_start3A_48] : memref<32x112x128xi32, #tpu.memory_space<hbm>> -> memref<1x1x128xi32, #tpu.memory_space<hbm>>
        %dma_start3A_50 = tpu.memref_squeeze %dma_start3A_49 : memref<1x1x128xi32, #tpu.memory_space<hbm>> -> memref<128xi32, #tpu.memory_space<hbm>>
        tpu.enqueue_dma source(%dma_start3A_50 : memref<128xi32, #tpu.memory_space<hbm>>) target(%arg9 : memref<128xi32, #tpu.memory_space<vmem>>) target_semaphore(%arg14 : memref<!tpu.dma_semaphore, #tpu.memory_space<semaphore_mem>>)
        %dma_start3A_51 = arith.constant 0 : i32
        %dma_start3A_52 = tpu.memref_slice %arg8[%mul3A_39, %dma_start3A_51] : memref<112x128xi32, #tpu.memory_space<vmem>> -> memref<1x128xi32, #tpu.memory_space<vmem>>
        %dma_start3A_53 = tpu.memref_squeeze %dma_start3A_52 : memref<1x128xi32, #tpu.memory_space<vmem>> -> memref<128xi32, #tpu.memory_space<vmem>>
        %dma_start3A_54 = arith.constant 0 : i32
        %dma_start3A_55 = arith.constant 0 : i32
        %dma_start3A_56 = tpu.memref_slice %arg2[%dma_start3A_54, %dma_start3A_55] : memref<10240x128xf32, #tpu.memory_space<hbm>> -> memref<10240x128xf32, #tpu.memory_space<hbm>>
        tpu.enqueue_indirect_dma source(%dma_start3A_56 : memref<10240x128xf32, #tpu.memory_space<hbm>>) target(%arg11 : memref<128x128xf32, #tpu.memory_space<vmem>>) offsets(%dma_start3A_53 : memref<128xi32, #tpu.memory_space<vmem>>) semaphore(%arg16 : memref<!tpu.dma_semaphore, #tpu.memory_space<semaphore_mem>>)
        %dma_start3A_57 = arith.constant 0 : i32
        %dma_start3A_58 = tpu.memref_slice %arg4[%add3A, %add3A_41, %dma_start3A_57] : memref<32x112x128xi32, #tpu.memory_space<hbm>> -> memref<1x1x128xi32, #tpu.memory_space<hbm>>
        %dma_start3A_59 = tpu.memref_squeeze %dma_start3A_58 : memref<1x1x128xi32, #tpu.memory_space<hbm>> -> memref<128xi32, #tpu.memory_space<hbm>>
        %dma_start3A_60 = arith.constant 0 : i32
        %dma_start3A_61 = tpu.memref_slice %arg4[%add3A, %add3A_41, %dma_start3A_60] : memref<32x112x128xi32, #tpu.memory_space<hbm>> -> memref<1x1x128xi32, #tpu.memory_space<hbm>>
        %dma_start3A_62 = tpu.memref_squeeze %dma_start3A_61 : memref<1x1x128xi32, #tpu.memory_space<hbm>> -> memref<128xi32, #tpu.memory_space<hbm>>
        tpu.enqueue_dma source(%dma_start3A_62 : memref<128xi32, #tpu.memory_space<hbm>>) target(%arg10 : memref<128xi32, #tpu.memory_space<vmem>>) target_semaphore(%arg15 : memref<!tpu.dma_semaphore, #tpu.memory_space<semaphore_mem>>)
        %dma_start3A_63 = arith.constant 0 : i32
        %dma_start3A_64 = tpu.memref_slice %arg8[%add3A_41, %dma_start3A_63] : memref<112x128xi32, #tpu.memory_space<vmem>> -> memref<1x128xi32, #tpu.memory_space<vmem>>
        %dma_start3A_65 = tpu.memref_squeeze %dma_start3A_64 : memref<1x128xi32, #tpu.memory_space<vmem>> -> memref<128xi32, #tpu.memory_space<vmem>>
        %dma_start3A_66 = arith.constant 0 : i32
        %dma_start3A_67 = arith.constant 0 : i32
        %dma_start3A_68 = tpu.memref_slice %arg2[%dma_start3A_66, %dma_start3A_67] : memref<10240x128xf32, #tpu.memory_space<hbm>> -> memref<10240x128xf32, #tpu.memory_space<hbm>>
        tpu.enqueue_indirect_dma source(%dma_start3A_68 : memref<10240x128xf32, #tpu.memory_space<hbm>>) target(%arg12 : memref<128x128xf32, #tpu.memory_space<vmem>>) offsets(%dma_start3A_65 : memref<128xi32, #tpu.memory_space<vmem>>) semaphore(%arg17 : memref<!tpu.dma_semaphore, #tpu.memory_space<semaphore_mem>>)
        %dma_wait3A_69 = arith.constant 0 : i32
        %dma_wait3A_70 = tpu.memref_slice %arg8[%mul3A_39, %dma_wait3A_69] : memref<112x128xi32, #tpu.memory_space<vmem>> -> memref<1x128xi32, #tpu.memory_space<vmem>>
        %dma_wait3A_71 = tpu.memref_squeeze %dma_wait3A_70 : memref<1x128xi32, #tpu.memory_space<vmem>> -> memref<128xi32, #tpu.memory_space<vmem>>
        %dma_wait3A_72 = arith.constant 0 : i32
        %dma_wait3A_73 = arith.constant 0 : i32
        %dma_wait3A_74 = tpu.memref_slice %arg2[%dma_wait3A_72, %dma_wait3A_73] : memref<10240x128xf32, #tpu.memory_space<hbm>> -> memref<10240x128xf32, #tpu.memory_space<hbm>>
        tpu.wait_indirect_dma semaphore(%arg16 : memref<!tpu.dma_semaphore, #tpu.memory_space<semaphore_mem>>) src(%dma_wait3A_74 : memref<10240x128xf32, #tpu.memory_space<hbm>>) dst(%arg11 : memref<128x128xf32, #tpu.memory_space<vmem>>)
        %dma_wait3A_75 = arith.constant 0 : i32
        %dma_wait3A_76 = tpu.memref_slice %arg4[%add3A, %mul3A_39, %dma_wait3A_75] : memref<32x112x128xi32, #tpu.memory_space<hbm>> -> memref<1x1x128xi32, #tpu.memory_space<hbm>>
        %dma_wait3A_77 = tpu.memref_squeeze %dma_wait3A_76 : memref<1x1x128xi32, #tpu.memory_space<hbm>> -> memref<128xi32, #tpu.memory_space<hbm>>
        %dma_wait3A_78 = arith.constant 0 : i32
        %dma_wait3A_79 = tpu.memref_slice %arg4[%add3A, %mul3A_39, %dma_wait3A_78] : memref<32x112x128xi32, #tpu.memory_space<hbm>> -> memref<1x1x128xi32, #tpu.memory_space<hbm>>
        %dma_wait3A_80 = tpu.memref_squeeze %dma_wait3A_79 : memref<1x1x128xi32, #tpu.memory_space<hbm>> -> memref<128xi32, #tpu.memory_space<hbm>>
        tpu.wait_dma2 semaphore(%arg14 : memref<!tpu.dma_semaphore, #tpu.memory_space<semaphore_mem>>) src(%dma_wait3A_80 : memref<128xi32, #tpu.memory_space<hbm>>) dst(%arg9 : memref<128xi32, #tpu.memory_space<vmem>>)
        %dma_start3A_81 = arith.constant 0 : i32
        %dma_start3A_82 = arith.constant 0 : i32
        %dma_start3A_83 = tpu.memref_slice %arg13[%dma_start3A_81, %dma_start3A_82] : memref<10240x128xf32, #tpu.memory_space<vmem_shared>> -> memref<10240x128xf32, #tpu.memory_space<vmem_shared>>
        tpu.enqueue_indirect_dma source(%arg11 : memref<128x128xf32, #tpu.memory_space<vmem>>) target(%dma_start3A_83 : memref<10240x128xf32, #tpu.memory_space<vmem_shared>>) offsets(%arg9 : memref<128xi32, #tpu.memory_space<vmem>>) semaphore(%arg18 : memref<!tpu.dma_semaphore, #tpu.memory_space<semaphore_mem>>) {add = true}
        %dma_wait3A_84 = arith.constant 0 : i32
        %dma_wait3A_85 = tpu.memref_slice %arg8[%add3A_41, %dma_wait3A_84] : memref<112x128xi32, #tpu.memory_space<vmem>> -> memref<1x128xi32, #tpu.memory_space<vmem>>
        %dma_wait3A_86 = tpu.memref_squeeze %dma_wait3A_85 : memref<1x128xi32, #tpu.memory_space<vmem>> -> memref<128xi32, #tpu.memory_space<vmem>>
        %dma_wait3A_87 = arith.constant 0 : i32
        %dma_wait3A_88 = arith.constant 0 : i32
        %dma_wait3A_89 = tpu.memref_slice %arg2[%dma_wait3A_87, %dma_wait3A_88] : memref<10240x128xf32, #tpu.memory_space<hbm>> -> memref<10240x128xf32, #tpu.memory_space<hbm>>
        tpu.wait_indirect_dma semaphore(%arg17 : memref<!tpu.dma_semaphore, #tpu.memory_space<semaphore_mem>>) src(%dma_wait3A_89 : memref<10240x128xf32, #tpu.memory_space<hbm>>) dst(%arg12 : memref<128x128xf32, #tpu.memory_space<vmem>>)
        %dma_wait3A_90 = arith.constant 0 : i32
        %dma_wait3A_91 = tpu.memref_slice %arg4[%add3A, %add3A_41, %dma_wait3A_90] : memref<32x112x128xi32, #tpu.memory_space<hbm>> -> memref<1x1x128xi32, #tpu.memory_space<hbm>>
        %dma_wait3A_92 = tpu.memref_squeeze %dma_wait3A_91 : memref<1x1x128xi32, #tpu.memory_space<hbm>> -> memref<128xi32, #tpu.memory_space<hbm>>
        %dma_wait3A_93 = arith.constant 0 : i32
        %dma_wait3A_94 = tpu.memref_slice %arg4[%add3A, %add3A_41, %dma_wait3A_93] : memref<32x112x128xi32, #tpu.memory_space<hbm>> -> memref<1x1x128xi32, #tpu.memory_space<hbm>>
        %dma_wait3A_95 = tpu.memref_squeeze %dma_wait3A_94 : memref<1x1x128xi32, #tpu.memory_space<hbm>> -> memref<128xi32, #tpu.memory_space<hbm>>
        tpu.wait_dma2 semaphore(%arg15 : memref<!tpu.dma_semaphore, #tpu.memory_space<semaphore_mem>>) src(%dma_wait3A_95 : memref<128xi32, #tpu.memory_space<hbm>>) dst(%arg10 : memref<128xi32, #tpu.memory_space<vmem>>)
        %dma_start3A_96 = arith.constant 0 : i32
        %dma_start3A_97 = arith.constant 0 : i32
        %dma_start3A_98 = tpu.memref_slice %arg13[%dma_start3A_96, %dma_start3A_97] : memref<10240x128xf32, #tpu.memory_space<vmem_shared>> -> memref<10240x128xf32, #tpu.memory_space<vmem_shared>>
        tpu.enqueue_indirect_dma source(%arg12 : memref<128x128xf32, #tpu.memory_space<vmem>>) target(%dma_start3A_98 : memref<10240x128xf32, #tpu.memory_space<vmem_shared>>) offsets(%arg10 : memref<128xi32, #tpu.memory_space<vmem>>) semaphore(%arg19 : memref<!tpu.dma_semaphore, #tpu.memory_space<semaphore_mem>>) {add = true}
      }
      %scan3A_36 = arith.constant 24 : i32
    } else {
    }
    %eq3A_8 = arith.constant 1 : i32
    %eq3A_9 = arith.cmpi eq, %arg0, %eq3A_8 : i32
    %convert_element_type3A_10 = arith.extui %eq3A_9 : i1 to i32
    %cond3A_11 = arith.constant 0 : i32
    %cond3A_12 = arith.cmpi ne, %convert_element_type3A_10, %cond3A_11 : i32
    scf.if %cond3A_12 {
      %scan3A_31 = arith.constant 0 : i32
      %scan3A_32 = arith.constant 0 : i32
      %scan3A_33 = arith.constant 56 : i32
      %scan3A_34 = arith.addi %scan3A_32, %scan3A_33 : i32
      %scan3A_35 = arith.constant 1 : i32
      scf.for %scan3A_37 = %scan3A_32 to %scan3A_34 step %scan3A_35  : i32 {
        %mul3A_38 = arith.constant 2 : i32
        %mul3A_39 = arith.muli %mul3A_38, %scan3A_37 : i32
        %add3A_40 = arith.constant 1 : i32
        %add3A_41 = arith.addi %mul3A_39, %add3A_40 : i32
        %gt3A = arith.constant 0 : i32
        %gt3A_42 = arith.cmpi sgt, %scan3A_37, %gt3A : i32
        %convert_element_type3A_43 = arith.extui %gt3A_42 : i1 to i32
        %cond3A_44 = arith.constant 0 : i32
        %cond3A_45 = arith.cmpi ne, %convert_element_type3A_43, %cond3A_44 : i32
        scf.if %cond3A_45 {
          %dma_wait3A_99 = arith.constant 0 : i32
          %dma_wait3A_100 = arith.constant 0 : i32
          %dma_wait3A_101 = tpu.memref_slice %arg5[%dma_wait3A_99, %dma_wait3A_100] : memref<10240x128xf32, #tpu.memory_space<hbm>> -> memref<128x128xf32, #tpu.memory_space<hbm>>
          %dma_wait3A_102 = arith.constant 0 : i32
          %dma_wait3A_103 = arith.constant 0 : i32
          %dma_wait3A_104 = tpu.memref_slice %arg5[%dma_wait3A_102, %dma_wait3A_103] : memref<10240x128xf32, #tpu.memory_space<hbm>> -> memref<128x128xf32, #tpu.memory_space<hbm>>
          tpu.wait_dma2 semaphore(%arg18 : memref<!tpu.dma_semaphore, #tpu.memory_space<semaphore_mem>>) src(%dma_wait3A_104 : memref<128x128xf32, #tpu.memory_space<hbm>>) dst(%arg11 : memref<128x128xf32, #tpu.memory_space<vmem>>)
          %dma_wait3A_105 = arith.constant 0 : i32
          %dma_wait3A_106 = arith.constant 0 : i32
          %dma_wait3A_107 = tpu.memref_slice %arg5[%dma_wait3A_105, %dma_wait3A_106] : memref<10240x128xf32, #tpu.memory_space<hbm>> -> memref<128x128xf32, #tpu.memory_space<hbm>>
          %dma_wait3A_108 = arith.constant 0 : i32
          %dma_wait3A_109 = arith.constant 0 : i32
          %dma_wait3A_110 = tpu.memref_slice %arg5[%dma_wait3A_108, %dma_wait3A_109] : memref<10240x128xf32, #tpu.memory_space<hbm>> -> memref<128x128xf32, #tpu.memory_space<hbm>>
          tpu.wait_dma2 semaphore(%arg19 : memref<!tpu.dma_semaphore, #tpu.memory_space<semaphore_mem>>) src(%dma_wait3A_110 : memref<128x128xf32, #tpu.memory_space<hbm>>) dst(%arg12 : memref<128x128xf32, #tpu.memory_space<vmem>>)
        } else {
        }
        %dma_start3A = arith.constant 0 : i32
        %dma_start3A_46 = tpu.memref_slice %arg4[%add3A, %mul3A_39, %dma_start3A] : memref<32x112x128xi32, #tpu.memory_space<hbm>> -> memref<1x1x128xi32, #tpu.memory_space<hbm>>
        %dma_start3A_47 = tpu.memref_squeeze %dma_start3A_46 : memref<1x1x128xi32, #tpu.memory_space<hbm>> -> memref<128xi32, #tpu.memory_space<hbm>>
        %dma_start3A_48 = arith.constant 0 : i32
        %dma_start3A_49 = tpu.memref_slice %arg4[%add3A, %mul3A_39, %dma_start3A_48] : memref<32x112x128xi32, #tpu.memory_space<hbm>> -> memref<1x1x128xi32, #tpu.memory_space<hbm>>
        %dma_start3A_50 = tpu.memref_squeeze %dma_start3A_49 : memref<1x1x128xi32, #tpu.memory_space<hbm>> -> memref<128xi32, #tpu.memory_space<hbm>>
        tpu.enqueue_dma source(%dma_start3A_50 : memref<128xi32, #tpu.memory_space<hbm>>) target(%arg9 : memref<128xi32, #tpu.memory_space<vmem>>) target_semaphore(%arg14 : memref<!tpu.dma_semaphore, #tpu.memory_space<semaphore_mem>>)
        %dma_start3A_51 = arith.constant 0 : i32
        %dma_start3A_52 = tpu.memref_slice %arg8[%mul3A_39, %dma_start3A_51] : memref<112x128xi32, #tpu.memory_space<vmem>> -> memref<1x128xi32, #tpu.memory_space<vmem>>
        %dma_start3A_53 = tpu.memref_squeeze %dma_start3A_52 : memref<1x128xi32, #tpu.memory_space<vmem>> -> memref<128xi32, #tpu.memory_space<vmem>>
        %dma_start3A_54 = arith.constant 0 : i32
        %dma_start3A_55 = arith.constant 0 : i32
        %dma_start3A_56 = tpu.memref_slice %arg2[%dma_start3A_54, %dma_start3A_55] : memref<10240x128xf32, #tpu.memory_space<hbm>> -> memref<10240x128xf32, #tpu.memory_space<hbm>>
        tpu.enqueue_indirect_dma source(%dma_start3A_56 : memref<10240x128xf32, #tpu.memory_space<hbm>>) target(%arg11 : memref<128x128xf32, #tpu.memory_space<vmem>>) offsets(%dma_start3A_53 : memref<128xi32, #tpu.memory_space<vmem>>) semaphore(%arg16 : memref<!tpu.dma_semaphore, #tpu.memory_space<semaphore_mem>>)
        %dma_start3A_57 = arith.constant 0 : i32
        %dma_start3A_58 = tpu.memref_slice %arg4[%add3A, %add3A_41, %dma_start3A_57] : memref<32x112x128xi32, #tpu.memory_space<hbm>> -> memref<1x1x128xi32, #tpu.memory_space<hbm>>
        %dma_start3A_59 = tpu.memref_squeeze %dma_start3A_58 : memref<1x1x128xi32, #tpu.memory_space<hbm>> -> memref<128xi32, #tpu.memory_space<hbm>>
        %dma_start3A_60 = arith.constant 0 : i32
        %dma_start3A_61 = tpu.memref_slice %arg4[%add3A, %add3A_41, %dma_start3A_60] : memref<32x112x128xi32, #tpu.memory_space<hbm>> -> memref<1x1x128xi32, #tpu.memory_space<hbm>>
        %dma_start3A_62 = tpu.memref_squeeze %dma_start3A_61 : memref<1x1x128xi32, #tpu.memory_space<hbm>> -> memref<128xi32, #tpu.memory_space<hbm>>
        tpu.enqueue_dma source(%dma_start3A_62 : memref<128xi32, #tpu.memory_space<hbm>>) target(%arg10 : memref<128xi32, #tpu.memory_space<vmem>>) target_semaphore(%arg15 : memref<!tpu.dma_semaphore, #tpu.memory_space<semaphore_mem>>)
        %dma_start3A_63 = arith.constant 0 : i32
        %dma_start3A_64 = tpu.memref_slice %arg8[%add3A_41, %dma_start3A_63] : memref<112x128xi32, #tpu.memory_space<vmem>> -> memref<1x128xi32, #tpu.memory_space<vmem>>
        %dma_start3A_65 = tpu.memref_squeeze %dma_start3A_64 : memref<1x128xi32, #tpu.memory_space<vmem>> -> memref<128xi32, #tpu.memory_space<vmem>>
        %dma_start3A_66 = arith.constant 0 : i32
        %dma_start3A_67 = arith.constant 0 : i32
        %dma_start3A_68 = tpu.memref_slice %arg2[%dma_start3A_66, %dma_start3A_67] : memref<10240x128xf32, #tpu.memory_space<hbm>> -> memref<10240x128xf32, #tpu.memory_space<hbm>>
        tpu.enqueue_indirect_dma source(%dma_start3A_68 : memref<10240x128xf32, #tpu.memory_space<hbm>>) target(%arg12 : memref<128x128xf32, #tpu.memory_space<vmem>>) offsets(%dma_start3A_65 : memref<128xi32, #tpu.memory_space<vmem>>) semaphore(%arg17 : memref<!tpu.dma_semaphore, #tpu.memory_space<semaphore_mem>>)
        %dma_wait3A_69 = arith.constant 0 : i32
        %dma_wait3A_70 = tpu.memref_slice %arg8[%mul3A_39, %dma_wait3A_69] : memref<112x128xi32, #tpu.memory_space<vmem>> -> memref<1x128xi32, #tpu.memory_space<vmem>>
        %dma_wait3A_71 = tpu.memref_squeeze %dma_wait3A_70 : memref<1x128xi32, #tpu.memory_space<vmem>> -> memref<128xi32, #tpu.memory_space<vmem>>
        %dma_wait3A_72 = arith.constant 0 : i32
        %dma_wait3A_73 = arith.constant 0 : i32
        %dma_wait3A_74 = tpu.memref_slice %arg2[%dma_wait3A_72, %dma_wait3A_73] : memref<10240x128xf32, #tpu.memory_space<hbm>> -> memref<10240x128xf32, #tpu.memory_space<hbm>>
        tpu.wait_indirect_dma semaphore(%arg16 : memref<!tpu.dma_semaphore, #tpu.memory_space<semaphore_mem>>) src(%dma_wait3A_74 : memref<10240x128xf32, #tpu.memory_space<hbm>>) dst(%arg11 : memref<128x128xf32, #tpu.memory_space<vmem>>)
        %dma_wait3A_75 = arith.constant 0 : i32
        %dma_wait3A_76 = tpu.memref_slice %arg4[%add3A, %mul3A_39, %dma_wait3A_75] : memref<32x112x128xi32, #tpu.memory_space<hbm>> -> memref<1x1x128xi32, #tpu.memory_space<hbm>>
        %dma_wait3A_77 = tpu.memref_squeeze %dma_wait3A_76 : memref<1x1x128xi32, #tpu.memory_space<hbm>> -> memref<128xi32, #tpu.memory_space<hbm>>
        %dma_wait3A_78 = arith.constant 0 : i32
        %dma_wait3A_79 = tpu.memref_slice %arg4[%add3A, %mul3A_39, %dma_wait3A_78] : memref<32x112x128xi32, #tpu.memory_space<hbm>> -> memref<1x1x128xi32, #tpu.memory_space<hbm>>
        %dma_wait3A_80 = tpu.memref_squeeze %dma_wait3A_79 : memref<1x1x128xi32, #tpu.memory_space<hbm>> -> memref<128xi32, #tpu.memory_space<hbm>>
        tpu.wait_dma2 semaphore(%arg14 : memref<!tpu.dma_semaphore, #tpu.memory_space<semaphore_mem>>) src(%dma_wait3A_80 : memref<128xi32, #tpu.memory_space<hbm>>) dst(%arg9 : memref<128xi32, #tpu.memory_space<vmem>>)
        %dma_start3A_81 = arith.constant 0 : i32
        %dma_start3A_82 = arith.constant 0 : i32
        %dma_start3A_83 = tpu.memref_slice %arg13[%dma_start3A_81, %dma_start3A_82] : memref<10240x128xf32, #tpu.memory_space<vmem_shared>> -> memref<10240x128xf32, #tpu.memory_space<vmem_shared>>
        tpu.enqueue_indirect_dma source(%arg11 : memref<128x128xf32, #tpu.memory_space<vmem>>) target(%dma_start3A_83 : memref<10240x128xf32, #tpu.memory_space<vmem_shared>>) offsets(%arg9 : memref<128xi32, #tpu.memory_space<vmem>>) semaphore(%arg18 : memref<!tpu.dma_semaphore, #tpu.memory_space<semaphore_mem>>) {add = true}
        %dma_wait3A_84 = arith.constant 0 : i32
        %dma_wait3A_85 = tpu.memref_slice %arg8[%add3A_41, %dma_wait3A_84] : memref<112x128xi32, #tpu.memory_space<vmem>> -> memref<1x128xi32, #tpu.memory_space<vmem>>
        %dma_wait3A_86 = tpu.memref_squeeze %dma_wait3A_85 : memref<1x128xi32, #tpu.memory_space<vmem>> -> memref<128xi32, #tpu.memory_space<vmem>>
        %dma_wait3A_87 = arith.constant 0 : i32
        %dma_wait3A_88 = arith.constant 0 : i32
        %dma_wait3A_89 = tpu.memref_slice %arg2[%dma_wait3A_87, %dma_wait3A_88] : memref<10240x128xf32, #tpu.memory_space<hbm>> -> memref<10240x128xf32, #tpu.memory_space<hbm>>
        tpu.wait_indirect_dma semaphore(%arg17 : memref<!tpu.dma_semaphore, #tpu.memory_space<semaphore_mem>>) src(%dma_wait3A_89 : memref<10240x128xf32, #tpu.memory_space<hbm>>) dst(%arg12 : memref<128x128xf32, #tpu.memory_space<vmem>>)
        %dma_wait3A_90 = arith.constant 0 : i32
        %dma_wait3A_91 = tpu.memref_slice %arg4[%add3A, %add3A_41, %dma_wait3A_90] : memref<32x112x128xi32, #tpu.memory_space<hbm>> -> memref<1x1x128xi32, #tpu.memory_space<hbm>>
        %dma_wait3A_92 = tpu.memref_squeeze %dma_wait3A_91 : memref<1x1x128xi32, #tpu.memory_space<hbm>> -> memref<128xi32, #tpu.memory_space<hbm>>
        %dma_wait3A_93 = arith.constant 0 : i32
        %dma_wait3A_94 = tpu.memref_slice %arg4[%add3A, %add3A_41, %dma_wait3A_93] : memref<32x112x128xi32, #tpu.memory_space<hbm>> -> memref<1x1x128xi32, #tpu.memory_space<hbm>>
        %dma_wait3A_95 = tpu.memref_squeeze %dma_wait3A_94 : memref<1x1x128xi32, #tpu.memory_space<hbm>> -> memref<128xi32, #tpu.memory_space<hbm>>
        tpu.wait_dma2 semaphore(%arg15 : memref<!tpu.dma_semaphore, #tpu.memory_space<semaphore_mem>>) src(%dma_wait3A_95 : memref<128xi32, #tpu.memory_space<hbm>>) dst(%arg10 : memref<128xi32, #tpu.memory_space<vmem>>)
        %dma_start3A_96 = arith.constant 0 : i32
        %dma_start3A_97 = arith.constant 0 : i32
        %dma_start3A_98 = tpu.memref_slice %arg13[%dma_start3A_96, %dma_start3A_97] : memref<10240x128xf32, #tpu.memory_space<vmem_shared>> -> memref<10240x128xf32, #tpu.memory_space<vmem_shared>>
        tpu.enqueue_indirect_dma source(%arg12 : memref<128x128xf32, #tpu.memory_space<vmem>>) target(%dma_start3A_98 : memref<10240x128xf32, #tpu.memory_space<vmem_shared>>) offsets(%arg10 : memref<128xi32, #tpu.memory_space<vmem>>) semaphore(%arg19 : memref<!tpu.dma_semaphore, #tpu.memory_space<semaphore_mem>>) {add = true}
      }
      %scan3A_36 = arith.constant 56 : i32
    } else {
    }
    %dma_wait3A = arith.constant 0 : i32
    %dma_wait3A_13 = arith.constant 0 : i32
    %dma_wait3A_14 = tpu.memref_slice %arg5[%dma_wait3A, %dma_wait3A_13] : memref<10240x128xf32, #tpu.memory_space<hbm>> -> memref<128x128xf32, #tpu.memory_space<hbm>>
    %dma_wait3A_15 = arith.constant 0 : i32
    %dma_wait3A_16 = arith.constant 0 : i32
    %dma_wait3A_17 = tpu.memref_slice %arg5[%dma_wait3A_15, %dma_wait3A_16] : memref<10240x128xf32, #tpu.memory_space<hbm>> -> memref<128x128xf32, #tpu.memory_space<hbm>>
    tpu.wait_dma2 semaphore(%arg18 : memref<!tpu.dma_semaphore, #tpu.memory_space<semaphore_mem>>) src(%dma_wait3A_17 : memref<128x128xf32, #tpu.memory_space<hbm>>) dst(%arg11 : memref<128x128xf32, #tpu.memory_space<vmem>>)
    %dma_wait3A_18 = arith.constant 0 : i32
    %dma_wait3A_19 = arith.constant 0 : i32
    %dma_wait3A_20 = tpu.memref_slice %arg5[%dma_wait3A_18, %dma_wait3A_19] : memref<10240x128xf32, #tpu.memory_space<hbm>> -> memref<128x128xf32, #tpu.memory_space<hbm>>
    %dma_wait3A_21 = arith.constant 0 : i32
    %dma_wait3A_22 = arith.constant 0 : i32
    %dma_wait3A_23 = tpu.memref_slice %arg5[%dma_wait3A_21, %dma_wait3A_22] : memref<10240x128xf32, #tpu.memory_space<hbm>> -> memref<128x128xf32, #tpu.memory_space<hbm>>
    tpu.wait_dma2 semaphore(%arg19 : memref<!tpu.dma_semaphore, #tpu.memory_space<semaphore_mem>>) src(%dma_wait3A_23 : memref<128x128xf32, #tpu.memory_space<hbm>>) dst(%arg12 : memref<128x128xf32, #tpu.memory_space<vmem>>)
    %barrier3A_24 = arith.constant 0 : index
    tpu.barrier barrier_id(%barrier3A_24)
    %scan3A_25 = arith.constant 0 : i32
    %scan3A_26 = arith.constant 0 : i32
    %scan3A_27 = arith.constant 5 : i32
    %scan3A_28 = arith.addi %scan3A_26, %scan3A_27 : i32
    %scan3A_29 = arith.constant 1 : i32
    scf.for %scan3A_31 = %scan3A_26 to %scan3A_28 step %scan3A_29  : i32 {
      "tpu.region"() ({
        %run_scoped3A = tpu.sem_alloc : memref<!tpu.dma_semaphore, #tpu.memory_space<semaphore_mem>>
        %dma_start3A_42 = arith.constant 0 : i32
        %dma_start3A_43 = tpu.memref_slice %arg6[%arg1, %scan3A_31, %dma_start3A_42] : memref<16x5x128xi32, #tpu.memory_space<hbm>> -> memref<1x1x128xi32, #tpu.memory_space<hbm>>
        %dma_start3A_44 = tpu.memref_squeeze %dma_start3A_43 : memref<1x1x128xi32, #tpu.memory_space<hbm>> -> memref<128xi32, #tpu.memory_space<hbm>>
        %dma_start3A_45 = arith.constant 0 : i32
        %dma_start3A_46 = tpu.memref_slice %arg6[%arg1, %scan3A_31, %dma_start3A_45] : memref<16x5x128xi32, #tpu.memory_space<hbm>> -> memref<1x1x128xi32, #tpu.memory_space<hbm>>
        %dma_start3A_47 = tpu.memref_squeeze %dma_start3A_46 : memref<1x1x128xi32, #tpu.memory_space<hbm>> -> memref<128xi32, #tpu.memory_space<hbm>>
        tpu.enqueue_dma source(%dma_start3A_47 : memref<128xi32, #tpu.memory_space<hbm>>) target(%arg9 : memref<128xi32, #tpu.memory_space<vmem>>) target_semaphore(%run_scoped3A : memref<!tpu.dma_semaphore, #tpu.memory_space<semaphore_mem>>)
        %dma_wait3A_48 = arith.constant 0 : i32
        %dma_wait3A_49 = tpu.memref_slice %arg6[%arg1, %scan3A_31, %dma_wait3A_48] : memref<16x5x128xi32, #tpu.memory_space<hbm>> -> memref<1x1x128xi32, #tpu.memory_space<hbm>>
        %dma_wait3A_50 = tpu.memref_squeeze %dma_wait3A_49 : memref<1x1x128xi32, #tpu.memory_space<hbm>> -> memref<128xi32, #tpu.memory_space<hbm>>
        %dma_wait3A_51 = arith.constant 0 : i32
        %dma_wait3A_52 = tpu.memref_slice %arg6[%arg1, %scan3A_31, %dma_wait3A_51] : memref<16x5x128xi32, #tpu.memory_space<hbm>> -> memref<1x1x128xi32, #tpu.memory_space<hbm>>
        %dma_wait3A_53 = tpu.memref_squeeze %dma_wait3A_52 : memref<1x1x128xi32, #tpu.memory_space<hbm>> -> memref<128xi32, #tpu.memory_space<hbm>>
        tpu.wait_dma2 semaphore(%run_scoped3A : memref<!tpu.dma_semaphore, #tpu.memory_space<semaphore_mem>>) src(%dma_wait3A_53 : memref<128xi32, #tpu.memory_space<hbm>>) dst(%arg9 : memref<128xi32, #tpu.memory_space<vmem>>)
        tpu.yield
      }) : () -> ()
      %dma_start3A = arith.constant 0 : i32
      %dma_start3A_32 = arith.constant 0 : i32
      %dma_start3A_33 = tpu.memref_slice %arg13[%dma_start3A, %dma_start3A_32] : memref<10240x128xf32, #tpu.memory_space<vmem_shared>> -> memref<10240x128xf32, #tpu.memory_space<vmem_shared>>
      tpu.enqueue_indirect_dma source(%dma_start3A_33 : memref<10240x128xf32, #tpu.memory_space<vmem_shared>>) target(%arg11 : memref<128x128xf32, #tpu.memory_space<vmem>>) offsets(%arg9 : memref<128xi32, #tpu.memory_space<vmem>>) semaphore(%arg16 : memref<!tpu.dma_semaphore, #tpu.memory_space<semaphore_mem>>)
      %dma_wait3A_34 = arith.constant 0 : i32
      %dma_wait3A_35 = arith.constant 0 : i32
      %dma_wait3A_36 = tpu.memref_slice %arg13[%dma_wait3A_34, %dma_wait3A_35] : memref<10240x128xf32, #tpu.memory_space<vmem_shared>> -> memref<10240x128xf32, #tpu.memory_space<vmem_shared>>
      tpu.wait_indirect_dma semaphore(%arg16 : memref<!tpu.dma_semaphore, #tpu.memory_space<semaphore_mem>>) src(%dma_wait3A_36 : memref<10240x128xf32, #tpu.memory_space<vmem_shared>>) dst(%arg11 : memref<128x128xf32, #tpu.memory_space<vmem>>)
      %mul3A_37 = arith.constant 640 : i32
      %mul3A_38 = arith.muli %arg1, %mul3A_37 : i32
      %mul3A_39 = arith.constant 128 : i32
      %mul3A_40 = arith.muli %scan3A_31, %mul3A_39 : i32
      %add3A_41 = arith.addi %mul3A_38, %mul3A_40 : i32
      "tpu.region"() ({
        %run_scoped3A = tpu.sem_alloc : memref<!tpu.dma_semaphore, #tpu.memory_space<semaphore_mem>>
        %dma_start3A_42 = arith.constant 0 : i32
        %dma_start3A_43 = tpu.memref_slice %arg7[%arg0, %add3A_41, %dma_start3A_42] : memref<2x10240x128xf32, #tpu.memory_space<hbm>> -> memref<1x128x128xf32, #tpu.memory_space<hbm>>
        %dma_start3A_44 = tpu.memref_squeeze %dma_start3A_43 : memref<1x128x128xf32, #tpu.memory_space<hbm>> -> memref<128x128xf32, #tpu.memory_space<hbm>>
        %dma_start3A_45 = arith.constant 0 : i32
        %dma_start3A_46 = tpu.memref_slice %arg7[%arg0, %add3A_41, %dma_start3A_45] : memref<2x10240x128xf32, #tpu.memory_space<hbm>> -> memref<1x128x128xf32, #tpu.memory_space<hbm>>
        %dma_start3A_47 = tpu.memref_squeeze %dma_start3A_46 : memref<1x128x128xf32, #tpu.memory_space<hbm>> -> memref<128x128xf32, #tpu.memory_space<hbm>>
        tpu.enqueue_dma source(%arg11 : memref<128x128xf32, #tpu.memory_space<vmem>>) target(%dma_start3A_47 : memref<128x128xf32, #tpu.memory_space<hbm>>) target_semaphore(%run_scoped3A : memref<!tpu.dma_semaphore, #tpu.memory_space<semaphore_mem>>)
        %dma_wait3A_48 = arith.constant 0 : i32
        %dma_wait3A_49 = tpu.memref_slice %arg7[%arg0, %add3A_41, %dma_wait3A_48] : memref<2x10240x128xf32, #tpu.memory_space<hbm>> -> memref<1x128x128xf32, #tpu.memory_space<hbm>>
        %dma_wait3A_50 = tpu.memref_squeeze %dma_wait3A_49 : memref<1x128x128xf32, #tpu.memory_space<hbm>> -> memref<128x128xf32, #tpu.memory_space<hbm>>
        %dma_wait3A_51 = arith.constant 0 : i32
        %dma_wait3A_52 = tpu.memref_slice %arg7[%arg0, %add3A_41, %dma_wait3A_51] : memref<2x10240x128xf32, #tpu.memory_space<hbm>> -> memref<1x128x128xf32, #tpu.memory_space<hbm>>
        %dma_wait3A_53 = tpu.memref_squeeze %dma_wait3A_52 : memref<1x128x128xf32, #tpu.memory_space<hbm>> -> memref<128x128xf32, #tpu.memory_space<hbm>>
        tpu.wait_dma2 semaphore(%run_scoped3A : memref<!tpu.dma_semaphore, #tpu.memory_space<semaphore_mem>>) src(%arg11 : memref<128x128xf32, #tpu.memory_space<vmem>>) dst(%dma_wait3A_53 : memref<128x128xf32, #tpu.memory_space<hbm>>)
        tpu.yield
      }) : () -> ()
    }
    %scan3A_30 = arith.constant 5 : i32
    return
  }
}

#map = affine_map<(d0, d1) -> (0, 0)>
#map1 = affine_map<(d0, d1) -> (0, 0, 0)>
module attributes {stable_mosaic.version = 14 : i64} {
  func.func @body(%arg0: i32, %arg1: i32, %arg2: memref<10240x128xf32, #tpu.memory_space<hbm>>, %arg3: memref<32x112x128xi32, #tpu.memory_space<hbm>>, %arg4: memref<32x112x128xi32, #tpu.memory_space<hbm>>, %arg5: memref<10240x128xf32, #tpu.memory_space<hbm>>, %arg6: memref<16x5x128xi32, #tpu.memory_space<hbm>>, %arg7: memref<2x10240x128xf32, #tpu.memory_space<hbm>>, %arg8: memref<112x128xi32, #tpu.memory_space<vmem>>, %arg9: memref<128xi32, #tpu.memory_space<vmem>>, %arg10: memref<128xi32, #tpu.memory_space<vmem>>, %arg11: memref<128x128xf32, #tpu.memory_space<vmem>>, %arg12: memref<128x128xf32, #tpu.memory_space<vmem>>, %arg13: memref<10240x128xf32, #tpu.memory_space<vmem_shared>>, %arg14: memref<!tpu.dma_semaphore, #tpu.memory_space<semaphore_mem>>, %arg15: memref<!tpu.dma_semaphore, #tpu.memory_space<semaphore_mem>>, %arg16: memref<!tpu.dma_semaphore, #tpu.memory_space<semaphore_mem>>, %arg17: memref<!tpu.dma_semaphore, #tpu.memory_space<semaphore_mem>>, %arg18: memref<!tpu.dma_semaphore, #tpu.memory_space<semaphore_mem>>, %arg19: memref<!tpu.dma_semaphore, #tpu.memory_space<semaphore_mem>>) attributes {dimension_semantics = [#tpu.dimension_semantics<core_parallel>, #tpu.dimension_semantics<subcore_parallel>], iteration_bounds = array<i64: 2, 16>, scalar_prefetch = 0 : i64, scratch_operands = 12 : i64, tpu.core_type = #tpu.core_type<sc_vector_subcore>, window_params = [{transform_indices = #map}, {transform_indices = #map1}, {transform_indices = #map1}, {transform_indices = #map}, {transform_indices = #map1}, {transform_indices = #map1}]} {
    %mul3A = arith.constant 2 : i32
    %mul3A_0 = arith.muli %arg1, %mul3A : i32
    %add3A = arith.addi %mul3A_0, %arg0 : i32
    "tpu.region"() ({
      %run_scoped3A = tpu.sem_alloc : memref<!tpu.dma_semaphore, #tpu.memory_space<semaphore_mem>>
      %dma_start3A = arith.constant 0 : i32
      %dma_start3A_31 = arith.constant 0 : i32
      %dma_start3A_32 = tpu.memref_slice %arg3[%add3A, %dma_start3A, %dma_start3A_31] : memref<32x112x128xi32, #tpu.memory_space<hbm>> -> memref<1x112x128xi32, #tpu.memory_space<hbm>>
      %dma_start3A_33 = tpu.memref_squeeze %dma_start3A_32 : memref<1x112x128xi32, #tpu.memory_space<hbm>> -> memref<112x128xi32, #tpu.memory_space<hbm>>
      %dma_start3A_34 = arith.constant 0 : i32
      %dma_start3A_35 = arith.constant 0 : i32
      %dma_start3A_36 = tpu.memref_slice %arg3[%add3A, %dma_start3A_34, %dma_start3A_35] : memref<32x112x128xi32, #tpu.memory_space<hbm>> -> memref<1x112x128xi32, #tpu.memory_space<hbm>>
      %dma_start3A_37 = tpu.memref_squeeze %dma_start3A_36 : memref<1x112x128xi32, #tpu.memory_space<hbm>> -> memref<112x128xi32, #tpu.memory_space<hbm>>
      tpu.enqueue_dma source(%dma_start3A_37 : memref<112x128xi32, #tpu.memory_space<hbm>>) target(%arg8 : memref<112x128xi32, #tpu.memory_space<vmem>>) target_semaphore(%run_scoped3A : memref<!tpu.dma_semaphore, #tpu.memory_space<semaphore_mem>>)
      %dma_wait3A_38 = arith.constant 0 : i32
      %dma_wait3A_39 = arith.constant 0 : i32
      %dma_wait3A_40 = tpu.memref_slice %arg3[%add3A, %dma_wait3A_38, %dma_wait3A_39] : memref<32x112x128xi32, #tpu.memory_space<hbm>> -> memref<1x112x128xi32, #tpu.memory_space<hbm>>
      %dma_wait3A_41 = tpu.memref_squeeze %dma_wait3A_40 : memref<1x112x128xi32, #tpu.memory_space<hbm>> -> memref<112x128xi32, #tpu.memory_space<hbm>>
      %dma_wait3A_42 = arith.constant 0 : i32
      %dma_wait3A_43 = arith.constant 0 : i32
      %dma_wait3A_44 = tpu.memref_slice %arg3[%add3A, %dma_wait3A_42, %dma_wait3A_43] : memref<32x112x128xi32, #tpu.memory_space<hbm>> -> memref<1x112x128xi32, #tpu.memory_space<hbm>>
      %dma_wait3A_45 = tpu.memref_squeeze %dma_wait3A_44 : memref<1x112x128xi32, #tpu.memory_space<hbm>> -> memref<112x128xi32, #tpu.memory_space<hbm>>
      tpu.wait_dma2 semaphore(%run_scoped3A : memref<!tpu.dma_semaphore, #tpu.memory_space<semaphore_mem>>) src(%dma_wait3A_45 : memref<112x128xi32, #tpu.memory_space<hbm>>) dst(%arg8 : memref<112x128xi32, #tpu.memory_space<vmem>>)
      tpu.yield
    }) : () -> ()
    "tpu.region"() ({
      %run_scoped3A = tpu.sem_alloc : memref<!tpu.dma_semaphore, #tpu.memory_space<semaphore_mem>>
      %dma_start3A = arith.constant 0 : i32
      %dma_start3A_31 = arith.constant 0 : i32
      %dma_start3A_32 = tpu.memref_slice %arg5[%dma_start3A, %dma_start3A_31] : memref<10240x128xf32, #tpu.memory_space<hbm>> -> memref<128x128xf32, #tpu.memory_space<hbm>>
      %dma_start3A_33 = arith.constant 0 : i32
      %dma_start3A_34 = arith.constant 0 : i32
      %dma_start3A_35 = tpu.memref_slice %arg5[%dma_start3A_33, %dma_start3A_34] : memref<10240x128xf32, #tpu.memory_space<hbm>> -> memref<128x128xf32, #tpu.memory_space<hbm>>
      tpu.enqueue_dma source(%dma_start3A_35 : memref<128x128xf32, #tpu.memory_space<hbm>>) target(%arg11 : memref<128x128xf32, #tpu.memory_space<vmem>>) target_semaphore(%run_scoped3A : memref<!tpu.dma_semaphore, #tpu.memory_space<semaphore_mem>>)
      %dma_wait3A_36 = arith.constant 0 : i32
      %dma_wait3A_37 = arith.constant 0 : i32
      %dma_wait3A_38 = tpu.memref_slice %arg5[%dma_wait3A_36, %dma_wait3A_37] : memref<10240x128xf32, #tpu.memory_space<hbm>> -> memref<128x128xf32, #tpu.memory_space<hbm>>
      %dma_wait3A_39 = arith.constant 0 : i32
      %dma_wait3A_40 = arith.constant 0 : i32
      %dma_wait3A_41 = tpu.memref_slice %arg5[%dma_wait3A_39, %dma_wait3A_40] : memref<10240x128xf32, #tpu.memory_space<hbm>> -> memref<128x128xf32, #tpu.memory_space<hbm>>
      tpu.wait_dma2 semaphore(%run_scoped3A : memref<!tpu.dma_semaphore, #tpu.memory_space<semaphore_mem>>) src(%dma_wait3A_41 : memref<128x128xf32, #tpu.memory_space<hbm>>) dst(%arg11 : memref<128x128xf32, #tpu.memory_space<vmem>>)
      tpu.yield
    }) : () -> ()
    %scan3A = arith.constant 0 : i32
    %scan3A_1 = arith.constant 0 : i32
    %scan3A_2 = arith.constant 5 : i32
    %scan3A_3 = arith.addi %scan3A_1, %scan3A_2 : i32
    %scan3A_4 = arith.constant 1 : i32
    scf.for %scan3A_31 = %scan3A_1 to %scan3A_3 step %scan3A_4  : i32 {
      "tpu.region"() ({
        %run_scoped3A = tpu.sem_alloc : memref<!tpu.dma_semaphore, #tpu.memory_space<semaphore_mem>>
        %dma_start3A = arith.constant 0 : i32
        %dma_start3A_32 = tpu.memref_slice %arg6[%arg1, %scan3A_31, %dma_start3A] : memref<16x5x128xi32, #tpu.memory_space<hbm>> -> memref<1x1x128xi32, #tpu.memory_space<hbm>>
        %dma_start3A_33 = tpu.memref_squeeze %dma_start3A_32 : memref<1x1x128xi32, #tpu.memory_space<hbm>> -> memref<128xi32, #tpu.memory_space<hbm>>
        %dma_start3A_34 = arith.constant 0 : i32
        %dma_start3A_35 = tpu.memref_slice %arg6[%arg1, %scan3A_31, %dma_start3A_34] : memref<16x5x128xi32, #tpu.memory_space<hbm>> -> memref<1x1x128xi32, #tpu.memory_space<hbm>>
        %dma_start3A_36 = tpu.memref_squeeze %dma_start3A_35 : memref<1x1x128xi32, #tpu.memory_space<hbm>> -> memref<128xi32, #tpu.memory_space<hbm>>
        tpu.enqueue_dma source(%dma_start3A_36 : memref<128xi32, #tpu.memory_space<hbm>>) target(%arg9 : memref<128xi32, #tpu.memory_space<vmem>>) target_semaphore(%run_scoped3A : memref<!tpu.dma_semaphore, #tpu.memory_space<semaphore_mem>>)
        %dma_wait3A_37 = arith.constant 0 : i32
        %dma_wait3A_38 = tpu.memref_slice %arg6[%arg1, %scan3A_31, %dma_wait3A_37] : memref<16x5x128xi32, #tpu.memory_space<hbm>> -> memref<1x1x128xi32, #tpu.memory_space<hbm>>
        %dma_wait3A_39 = tpu.memref_squeeze %dma_wait3A_38 : memref<1x1x128xi32, #tpu.memory_space<hbm>> -> memref<128xi32, #tpu.memory_space<hbm>>
        %dma_wait3A_40 = arith.constant 0 : i32
        %dma_wait3A_41 = tpu.memref_slice %arg6[%arg1, %scan3A_31, %dma_wait3A_40] : memref<16x5x128xi32, #tpu.memory_space<hbm>> -> memref<1x1x128xi32, #tpu.memory_space<hbm>>
        %dma_wait3A_42 = tpu.memref_squeeze %dma_wait3A_41 : memref<1x1x128xi32, #tpu.memory_space<hbm>> -> memref<128xi32, #tpu.memory_space<hbm>>
        tpu.wait_dma2 semaphore(%run_scoped3A : memref<!tpu.dma_semaphore, #tpu.memory_space<semaphore_mem>>) src(%dma_wait3A_42 : memref<128xi32, #tpu.memory_space<hbm>>) dst(%arg9 : memref<128xi32, #tpu.memory_space<vmem>>)
        tpu.yield
      }) : () -> ()
      "tpu.region"() ({
        %run_scoped3A = tpu.sem_alloc : memref<!tpu.dma_semaphore, #tpu.memory_space<semaphore_mem>>
        %dma_start3A = arith.constant 0 : i32
        %dma_start3A_32 = arith.constant 0 : i32
        %dma_start3A_33 = tpu.memref_slice %arg13[%dma_start3A, %dma_start3A_32] : memref<10240x128xf32, #tpu.memory_space<vmem_shared>> -> memref<10240x128xf32, #tpu.memory_space<vmem_shared>>
        tpu.enqueue_indirect_dma source(%arg11 : memref<128x128xf32, #tpu.memory_space<vmem>>) target(%dma_start3A_33 : memref<10240x128xf32, #tpu.memory_space<vmem_shared>>) offsets(%arg9 : memref<128xi32, #tpu.memory_space<vmem>>) semaphore(%run_scoped3A : memref<!tpu.dma_semaphore, #tpu.memory_space<semaphore_mem>>)
        %dma_wait3A_34 = arith.constant 0 : i32
        %dma_wait3A_35 = arith.constant 0 : i32
        %dma_wait3A_36 = tpu.memref_slice %arg13[%dma_wait3A_34, %dma_wait3A_35] : memref<10240x128xf32, #tpu.memory_space<vmem_shared>> -> memref<10240x128xf32, #tpu.memory_space<vmem_shared>>
        tpu.wait_indirect_dma semaphore(%run_scoped3A : memref<!tpu.dma_semaphore, #tpu.memory_space<semaphore_mem>>) src(%arg11 : memref<128x128xf32, #tpu.memory_space<vmem>>) dst(%dma_wait3A_36 : memref<10240x128xf32, #tpu.memory_space<vmem_shared>>)
        tpu.yield
      }) : () -> ()
    }
    %scan3A_5 = arith.constant 5 : i32
    %barrier3A = arith.constant 0 : index
    tpu.barrier barrier_id(%barrier3A)
    %eq3A = arith.constant 0 : i32
    %eq3A_6 = arith.cmpi eq, %arg0, %eq3A : i32
    %convert_element_type3A = arith.extui %eq3A_6 : i1 to i32
    %cond3A = arith.constant 0 : i32
    %cond3A_7 = arith.cmpi ne, %convert_element_type3A, %cond3A : i32
    scf.if %cond3A_7 {
      %scan3A_31 = arith.constant 0 : i32
      %scan3A_32 = arith.constant 0 : i32
      %scan3A_33 = arith.constant 24 : i32
      %scan3A_34 = arith.addi %scan3A_32, %scan3A_33 : i32
      %scan3A_35 = arith.constant 1 : i32
      scf.for %scan3A_37 = %scan3A_32 to %scan3A_34 step %scan3A_35  : i32 {
        %mul3A_38 = arith.constant 2 : i32
        %mul3A_39 = arith.muli %mul3A_38, %scan3A_37 : i32
        %add3A_40 = arith.constant 1 : i32
        %add3A_41 = arith.addi %mul3A_39, %add3A_40 : i32
        %gt3A = arith.constant 0 : i32
        %gt3A_42 = arith.cmpi sgt, %scan3A_37, %gt3A : i32
        %convert_element_type3A_43 = arith.extui %gt3A_42 : i1 to i32
        %cond3A_44 = arith.constant 0 : i32
        %cond3A_45 = arith.cmpi ne, %convert_element_type3A_43, %cond3A_44 : i32
        scf.if %cond3A_45 {
          %dma_wait3A_99 = arith.constant 0 : i32
          %dma_wait3A_100 = arith.constant 0 : i32
          %dma_wait3A_101 = tpu.memref_slice %arg5[%dma_wait3A_99, %dma_wait3A_100] : memref<10240x128xf32, #tpu.memory_space<hbm>> -> memref<128x128xf32, #tpu.memory_space<hbm>>
          %dma_wait3A_102 = arith.constant 0 : i32
          %dma_wait3A_103 = arith.constant 0 : i32
          %dma_wait3A_104 = tpu.memref_slice %arg5[%dma_wait3A_102, %dma_wait3A_103] : memref<10240x128xf32, #tpu.memory_space<hbm>> -> memref<128x128xf32, #tpu.memory_space<hbm>>
          tpu.wait_dma2 semaphore(%arg18 : memref<!tpu.dma_semaphore, #tpu.memory_space<semaphore_mem>>) src(%dma_wait3A_104 : memref<128x128xf32, #tpu.memory_space<hbm>>) dst(%arg11 : memref<128x128xf32, #tpu.memory_space<vmem>>)
          %dma_wait3A_105 = arith.constant 0 : i32
          %dma_wait3A_106 = arith.constant 0 : i32
          %dma_wait3A_107 = tpu.memref_slice %arg5[%dma_wait3A_105, %dma_wait3A_106] : memref<10240x128xf32, #tpu.memory_space<hbm>> -> memref<128x128xf32, #tpu.memory_space<hbm>>
          %dma_wait3A_108 = arith.constant 0 : i32
          %dma_wait3A_109 = arith.constant 0 : i32
          %dma_wait3A_110 = tpu.memref_slice %arg5[%dma_wait3A_108, %dma_wait3A_109] : memref<10240x128xf32, #tpu.memory_space<hbm>> -> memref<128x128xf32, #tpu.memory_space<hbm>>
          tpu.wait_dma2 semaphore(%arg19 : memref<!tpu.dma_semaphore, #tpu.memory_space<semaphore_mem>>) src(%dma_wait3A_110 : memref<128x128xf32, #tpu.memory_space<hbm>>) dst(%arg12 : memref<128x128xf32, #tpu.memory_space<vmem>>)
        } else {
        }
        %dma_start3A = arith.constant 0 : i32
        %dma_start3A_46 = tpu.memref_slice %arg4[%add3A, %mul3A_39, %dma_start3A] : memref<32x112x128xi32, #tpu.memory_space<hbm>> -> memref<1x1x128xi32, #tpu.memory_space<hbm>>
        %dma_start3A_47 = tpu.memref_squeeze %dma_start3A_46 : memref<1x1x128xi32, #tpu.memory_space<hbm>> -> memref<128xi32, #tpu.memory_space<hbm>>
        %dma_start3A_48 = arith.constant 0 : i32
        %dma_start3A_49 = tpu.memref_slice %arg4[%add3A, %mul3A_39, %dma_start3A_48] : memref<32x112x128xi32, #tpu.memory_space<hbm>> -> memref<1x1x128xi32, #tpu.memory_space<hbm>>
        %dma_start3A_50 = tpu.memref_squeeze %dma_start3A_49 : memref<1x1x128xi32, #tpu.memory_space<hbm>> -> memref<128xi32, #tpu.memory_space<hbm>>
        tpu.enqueue_dma source(%dma_start3A_50 : memref<128xi32, #tpu.memory_space<hbm>>) target(%arg9 : memref<128xi32, #tpu.memory_space<vmem>>) target_semaphore(%arg14 : memref<!tpu.dma_semaphore, #tpu.memory_space<semaphore_mem>>)
        %dma_start3A_51 = arith.constant 0 : i32
        %dma_start3A_52 = tpu.memref_slice %arg8[%mul3A_39, %dma_start3A_51] : memref<112x128xi32, #tpu.memory_space<vmem>> -> memref<1x128xi32, #tpu.memory_space<vmem>>
        %dma_start3A_53 = tpu.memref_squeeze %dma_start3A_52 : memref<1x128xi32, #tpu.memory_space<vmem>> -> memref<128xi32, #tpu.memory_space<vmem>>
        %dma_start3A_54 = arith.constant 0 : i32
        %dma_start3A_55 = arith.constant 0 : i32
        %dma_start3A_56 = tpu.memref_slice %arg2[%dma_start3A_54, %dma_start3A_55] : memref<10240x128xf32, #tpu.memory_space<hbm>> -> memref<10240x128xf32, #tpu.memory_space<hbm>>
        tpu.enqueue_indirect_dma source(%dma_start3A_56 : memref<10240x128xf32, #tpu.memory_space<hbm>>) target(%arg11 : memref<128x128xf32, #tpu.memory_space<vmem>>) offsets(%dma_start3A_53 : memref<128xi32, #tpu.memory_space<vmem>>) semaphore(%arg16 : memref<!tpu.dma_semaphore, #tpu.memory_space<semaphore_mem>>)
        %dma_start3A_57 = arith.constant 0 : i32
        %dma_start3A_58 = tpu.memref_slice %arg4[%add3A, %add3A_41, %dma_start3A_57] : memref<32x112x128xi32, #tpu.memory_space<hbm>> -> memref<1x1x128xi32, #tpu.memory_space<hbm>>
        %dma_start3A_59 = tpu.memref_squeeze %dma_start3A_58 : memref<1x1x128xi32, #tpu.memory_space<hbm>> -> memref<128xi32, #tpu.memory_space<hbm>>
        %dma_start3A_60 = arith.constant 0 : i32
        %dma_start3A_61 = tpu.memref_slice %arg4[%add3A, %add3A_41, %dma_start3A_60] : memref<32x112x128xi32, #tpu.memory_space<hbm>> -> memref<1x1x128xi32, #tpu.memory_space<hbm>>
        %dma_start3A_62 = tpu.memref_squeeze %dma_start3A_61 : memref<1x1x128xi32, #tpu.memory_space<hbm>> -> memref<128xi32, #tpu.memory_space<hbm>>
        tpu.enqueue_dma source(%dma_start3A_62 : memref<128xi32, #tpu.memory_space<hbm>>) target(%arg10 : memref<128xi32, #tpu.memory_space<vmem>>) target_semaphore(%arg15 : memref<!tpu.dma_semaphore, #tpu.memory_space<semaphore_mem>>)
        %dma_start3A_63 = arith.constant 0 : i32
        %dma_start3A_64 = tpu.memref_slice %arg8[%add3A_41, %dma_start3A_63] : memref<112x128xi32, #tpu.memory_space<vmem>> -> memref<1x128xi32, #tpu.memory_space<vmem>>
        %dma_start3A_65 = tpu.memref_squeeze %dma_start3A_64 : memref<1x128xi32, #tpu.memory_space<vmem>> -> memref<128xi32, #tpu.memory_space<vmem>>
        %dma_start3A_66 = arith.constant 0 : i32
        %dma_start3A_67 = arith.constant 0 : i32
        %dma_start3A_68 = tpu.memref_slice %arg2[%dma_start3A_66, %dma_start3A_67] : memref<10240x128xf32, #tpu.memory_space<hbm>> -> memref<10240x128xf32, #tpu.memory_space<hbm>>
        tpu.enqueue_indirect_dma source(%dma_start3A_68 : memref<10240x128xf32, #tpu.memory_space<hbm>>) target(%arg12 : memref<128x128xf32, #tpu.memory_space<vmem>>) offsets(%dma_start3A_65 : memref<128xi32, #tpu.memory_space<vmem>>) semaphore(%arg17 : memref<!tpu.dma_semaphore, #tpu.memory_space<semaphore_mem>>)
        %dma_wait3A_69 = arith.constant 0 : i32
        %dma_wait3A_70 = tpu.memref_slice %arg8[%mul3A_39, %dma_wait3A_69] : memref<112x128xi32, #tpu.memory_space<vmem>> -> memref<1x128xi32, #tpu.memory_space<vmem>>
        %dma_wait3A_71 = tpu.memref_squeeze %dma_wait3A_70 : memref<1x128xi32, #tpu.memory_space<vmem>> -> memref<128xi32, #tpu.memory_space<vmem>>
        %dma_wait3A_72 = arith.constant 0 : i32
        %dma_wait3A_73 = arith.constant 0 : i32
        %dma_wait3A_74 = tpu.memref_slice %arg2[%dma_wait3A_72, %dma_wait3A_73] : memref<10240x128xf32, #tpu.memory_space<hbm>> -> memref<10240x128xf32, #tpu.memory_space<hbm>>
        tpu.wait_indirect_dma semaphore(%arg16 : memref<!tpu.dma_semaphore, #tpu.memory_space<semaphore_mem>>) src(%dma_wait3A_74 : memref<10240x128xf32, #tpu.memory_space<hbm>>) dst(%arg11 : memref<128x128xf32, #tpu.memory_space<vmem>>)
        %dma_wait3A_75 = arith.constant 0 : i32
        %dma_wait3A_76 = tpu.memref_slice %arg4[%add3A, %mul3A_39, %dma_wait3A_75] : memref<32x112x128xi32, #tpu.memory_space<hbm>> -> memref<1x1x128xi32, #tpu.memory_space<hbm>>
        %dma_wait3A_77 = tpu.memref_squeeze %dma_wait3A_76 : memref<1x1x128xi32, #tpu.memory_space<hbm>> -> memref<128xi32, #tpu.memory_space<hbm>>
        %dma_wait3A_78 = arith.constant 0 : i32
        %dma_wait3A_79 = tpu.memref_slice %arg4[%add3A, %mul3A_39, %dma_wait3A_78] : memref<32x112x128xi32, #tpu.memory_space<hbm>> -> memref<1x1x128xi32, #tpu.memory_space<hbm>>
        %dma_wait3A_80 = tpu.memref_squeeze %dma_wait3A_79 : memref<1x1x128xi32, #tpu.memory_space<hbm>> -> memref<128xi32, #tpu.memory_space<hbm>>
        tpu.wait_dma2 semaphore(%arg14 : memref<!tpu.dma_semaphore, #tpu.memory_space<semaphore_mem>>) src(%dma_wait3A_80 : memref<128xi32, #tpu.memory_space<hbm>>) dst(%arg9 : memref<128xi32, #tpu.memory_space<vmem>>)
        %dma_start3A_81 = arith.constant 0 : i32
        %dma_start3A_82 = arith.constant 0 : i32
        %dma_start3A_83 = tpu.memref_slice %arg13[%dma_start3A_81, %dma_start3A_82] : memref<10240x128xf32, #tpu.memory_space<vmem_shared>> -> memref<10240x128xf32, #tpu.memory_space<vmem_shared>>
        tpu.enqueue_indirect_dma source(%arg11 : memref<128x128xf32, #tpu.memory_space<vmem>>) target(%dma_start3A_83 : memref<10240x128xf32, #tpu.memory_space<vmem_shared>>) offsets(%arg9 : memref<128xi32, #tpu.memory_space<vmem>>) semaphore(%arg18 : memref<!tpu.dma_semaphore, #tpu.memory_space<semaphore_mem>>) {add = true}
        %dma_wait3A_84 = arith.constant 0 : i32
        %dma_wait3A_85 = tpu.memref_slice %arg8[%add3A_41, %dma_wait3A_84] : memref<112x128xi32, #tpu.memory_space<vmem>> -> memref<1x128xi32, #tpu.memory_space<vmem>>
        %dma_wait3A_86 = tpu.memref_squeeze %dma_wait3A_85 : memref<1x128xi32, #tpu.memory_space<vmem>> -> memref<128xi32, #tpu.memory_space<vmem>>
        %dma_wait3A_87 = arith.constant 0 : i32
        %dma_wait3A_88 = arith.constant 0 : i32
        %dma_wait3A_89 = tpu.memref_slice %arg2[%dma_wait3A_87, %dma_wait3A_88] : memref<10240x128xf32, #tpu.memory_space<hbm>> -> memref<10240x128xf32, #tpu.memory_space<hbm>>
        tpu.wait_indirect_dma semaphore(%arg17 : memref<!tpu.dma_semaphore, #tpu.memory_space<semaphore_mem>>) src(%dma_wait3A_89 : memref<10240x128xf32, #tpu.memory_space<hbm>>) dst(%arg12 : memref<128x128xf32, #tpu.memory_space<vmem>>)
        %dma_wait3A_90 = arith.constant 0 : i32
        %dma_wait3A_91 = tpu.memref_slice %arg4[%add3A, %add3A_41, %dma_wait3A_90] : memref<32x112x128xi32, #tpu.memory_space<hbm>> -> memref<1x1x128xi32, #tpu.memory_space<hbm>>
        %dma_wait3A_92 = tpu.memref_squeeze %dma_wait3A_91 : memref<1x1x128xi32, #tpu.memory_space<hbm>> -> memref<128xi32, #tpu.memory_space<hbm>>
        %dma_wait3A_93 = arith.constant 0 : i32
        %dma_wait3A_94 = tpu.memref_slice %arg4[%add3A, %add3A_41, %dma_wait3A_93] : memref<32x112x128xi32, #tpu.memory_space<hbm>> -> memref<1x1x128xi32, #tpu.memory_space<hbm>>
        %dma_wait3A_95 = tpu.memref_squeeze %dma_wait3A_94 : memref<1x1x128xi32, #tpu.memory_space<hbm>> -> memref<128xi32, #tpu.memory_space<hbm>>
        tpu.wait_dma2 semaphore(%arg15 : memref<!tpu.dma_semaphore, #tpu.memory_space<semaphore_mem>>) src(%dma_wait3A_95 : memref<128xi32, #tpu.memory_space<hbm>>) dst(%arg10 : memref<128xi32, #tpu.memory_space<vmem>>)
        %dma_start3A_96 = arith.constant 0 : i32
        %dma_start3A_97 = arith.constant 0 : i32
        %dma_start3A_98 = tpu.memref_slice %arg13[%dma_start3A_96, %dma_start3A_97] : memref<10240x128xf32, #tpu.memory_space<vmem_shared>> -> memref<10240x128xf32, #tpu.memory_space<vmem_shared>>
        tpu.enqueue_indirect_dma source(%arg12 : memref<128x128xf32, #tpu.memory_space<vmem>>) target(%dma_start3A_98 : memref<10240x128xf32, #tpu.memory_space<vmem_shared>>) offsets(%arg10 : memref<128xi32, #tpu.memory_space<vmem>>) semaphore(%arg19 : memref<!tpu.dma_semaphore, #tpu.memory_space<semaphore_mem>>) {add = true}
      }
      %scan3A_36 = arith.constant 24 : i32
    } else {
    }
    %eq3A_8 = arith.constant 1 : i32
    %eq3A_9 = arith.cmpi eq, %arg0, %eq3A_8 : i32
    %convert_element_type3A_10 = arith.extui %eq3A_9 : i1 to i32
    %cond3A_11 = arith.constant 0 : i32
    %cond3A_12 = arith.cmpi ne, %convert_element_type3A_10, %cond3A_11 : i32
    scf.if %cond3A_12 {
      %scan3A_31 = arith.constant 0 : i32
      %scan3A_32 = arith.constant 0 : i32
      %scan3A_33 = arith.constant 56 : i32
      %scan3A_34 = arith.addi %scan3A_32, %scan3A_33 : i32
      %scan3A_35 = arith.constant 1 : i32
      scf.for %scan3A_37 = %scan3A_32 to %scan3A_34 step %scan3A_35  : i32 {
        %mul3A_38 = arith.constant 2 : i32
        %mul3A_39 = arith.muli %mul3A_38, %scan3A_37 : i32
        %add3A_40 = arith.constant 1 : i32
        %add3A_41 = arith.addi %mul3A_39, %add3A_40 : i32
        %gt3A = arith.constant 0 : i32
        %gt3A_42 = arith.cmpi sgt, %scan3A_37, %gt3A : i32
        %convert_element_type3A_43 = arith.extui %gt3A_42 : i1 to i32
        %cond3A_44 = arith.constant 0 : i32
        %cond3A_45 = arith.cmpi ne, %convert_element_type3A_43, %cond3A_44 : i32
        scf.if %cond3A_45 {
          %dma_wait3A_99 = arith.constant 0 : i32
          %dma_wait3A_100 = arith.constant 0 : i32
          %dma_wait3A_101 = tpu.memref_slice %arg5[%dma_wait3A_99, %dma_wait3A_100] : memref<10240x128xf32, #tpu.memory_space<hbm>> -> memref<128x128xf32, #tpu.memory_space<hbm>>
          %dma_wait3A_102 = arith.constant 0 : i32
          %dma_wait3A_103 = arith.constant 0 : i32
          %dma_wait3A_104 = tpu.memref_slice %arg5[%dma_wait3A_102, %dma_wait3A_103] : memref<10240x128xf32, #tpu.memory_space<hbm>> -> memref<128x128xf32, #tpu.memory_space<hbm>>
          tpu.wait_dma2 semaphore(%arg18 : memref<!tpu.dma_semaphore, #tpu.memory_space<semaphore_mem>>) src(%dma_wait3A_104 : memref<128x128xf32, #tpu.memory_space<hbm>>) dst(%arg11 : memref<128x128xf32, #tpu.memory_space<vmem>>)
          %dma_wait3A_105 = arith.constant 0 : i32
          %dma_wait3A_106 = arith.constant 0 : i32
          %dma_wait3A_107 = tpu.memref_slice %arg5[%dma_wait3A_105, %dma_wait3A_106] : memref<10240x128xf32, #tpu.memory_space<hbm>> -> memref<128x128xf32, #tpu.memory_space<hbm>>
          %dma_wait3A_108 = arith.constant 0 : i32
          %dma_wait3A_109 = arith.constant 0 : i32
          %dma_wait3A_110 = tpu.memref_slice %arg5[%dma_wait3A_108, %dma_wait3A_109] : memref<10240x128xf32, #tpu.memory_space<hbm>> -> memref<128x128xf32, #tpu.memory_space<hbm>>
          tpu.wait_dma2 semaphore(%arg19 : memref<!tpu.dma_semaphore, #tpu.memory_space<semaphore_mem>>) src(%dma_wait3A_110 : memref<128x128xf32, #tpu.memory_space<hbm>>) dst(%arg12 : memref<128x128xf32, #tpu.memory_space<vmem>>)
        } else {
        }
        %dma_start3A = arith.constant 0 : i32
        %dma_start3A_46 = tpu.memref_slice %arg4[%add3A, %mul3A_39, %dma_start3A] : memref<32x112x128xi32, #tpu.memory_space<hbm>> -> memref<1x1x128xi32, #tpu.memory_space<hbm>>
        %dma_start3A_47 = tpu.memref_squeeze %dma_start3A_46 : memref<1x1x128xi32, #tpu.memory_space<hbm>> -> memref<128xi32, #tpu.memory_space<hbm>>
        %dma_start3A_48 = arith.constant 0 : i32
        %dma_start3A_49 = tpu.memref_slice %arg4[%add3A, %mul3A_39, %dma_start3A_48] : memref<32x112x128xi32, #tpu.memory_space<hbm>> -> memref<1x1x128xi32, #tpu.memory_space<hbm>>
        %dma_start3A_50 = tpu.memref_squeeze %dma_start3A_49 : memref<1x1x128xi32, #tpu.memory_space<hbm>> -> memref<128xi32, #tpu.memory_space<hbm>>
        tpu.enqueue_dma source(%dma_start3A_50 : memref<128xi32, #tpu.memory_space<hbm>>) target(%arg9 : memref<128xi32, #tpu.memory_space<vmem>>) target_semaphore(%arg14 : memref<!tpu.dma_semaphore, #tpu.memory_space<semaphore_mem>>)
        %dma_start3A_51 = arith.constant 0 : i32
        %dma_start3A_52 = tpu.memref_slice %arg8[%mul3A_39, %dma_start3A_51] : memref<112x128xi32, #tpu.memory_space<vmem>> -> memref<1x128xi32, #tpu.memory_space<vmem>>
        %dma_start3A_53 = tpu.memref_squeeze %dma_start3A_52 : memref<1x128xi32, #tpu.memory_space<vmem>> -> memref<128xi32, #tpu.memory_space<vmem>>
        %dma_start3A_54 = arith.constant 0 : i32
        %dma_start3A_55 = arith.constant 0 : i32
        %dma_start3A_56 = tpu.memref_slice %arg2[%dma_start3A_54, %dma_start3A_55] : memref<10240x128xf32, #tpu.memory_space<hbm>> -> memref<10240x128xf32, #tpu.memory_space<hbm>>
        tpu.enqueue_indirect_dma source(%dma_start3A_56 : memref<10240x128xf32, #tpu.memory_space<hbm>>) target(%arg11 : memref<128x128xf32, #tpu.memory_space<vmem>>) offsets(%dma_start3A_53 : memref<128xi32, #tpu.memory_space<vmem>>) semaphore(%arg16 : memref<!tpu.dma_semaphore, #tpu.memory_space<semaphore_mem>>)
        %dma_start3A_57 = arith.constant 0 : i32
        %dma_start3A_58 = tpu.memref_slice %arg4[%add3A, %add3A_41, %dma_start3A_57] : memref<32x112x128xi32, #tpu.memory_space<hbm>> -> memref<1x1x128xi32, #tpu.memory_space<hbm>>
        %dma_start3A_59 = tpu.memref_squeeze %dma_start3A_58 : memref<1x1x128xi32, #tpu.memory_space<hbm>> -> memref<128xi32, #tpu.memory_space<hbm>>
        %dma_start3A_60 = arith.constant 0 : i32
        %dma_start3A_61 = tpu.memref_slice %arg4[%add3A, %add3A_41, %dma_start3A_60] : memref<32x112x128xi32, #tpu.memory_space<hbm>> -> memref<1x1x128xi32, #tpu.memory_space<hbm>>
        %dma_start3A_62 = tpu.memref_squeeze %dma_start3A_61 : memref<1x1x128xi32, #tpu.memory_space<hbm>> -> memref<128xi32, #tpu.memory_space<hbm>>
        tpu.enqueue_dma source(%dma_start3A_62 : memref<128xi32, #tpu.memory_space<hbm>>) target(%arg10 : memref<128xi32, #tpu.memory_space<vmem>>) target_semaphore(%arg15 : memref<!tpu.dma_semaphore, #tpu.memory_space<semaphore_mem>>)
        %dma_start3A_63 = arith.constant 0 : i32
        %dma_start3A_64 = tpu.memref_slice %arg8[%add3A_41, %dma_start3A_63] : memref<112x128xi32, #tpu.memory_space<vmem>> -> memref<1x128xi32, #tpu.memory_space<vmem>>
        %dma_start3A_65 = tpu.memref_squeeze %dma_start3A_64 : memref<1x128xi32, #tpu.memory_space<vmem>> -> memref<128xi32, #tpu.memory_space<vmem>>
        %dma_start3A_66 = arith.constant 0 : i32
        %dma_start3A_67 = arith.constant 0 : i32
        %dma_start3A_68 = tpu.memref_slice %arg2[%dma_start3A_66, %dma_start3A_67] : memref<10240x128xf32, #tpu.memory_space<hbm>> -> memref<10240x128xf32, #tpu.memory_space<hbm>>
        tpu.enqueue_indirect_dma source(%dma_start3A_68 : memref<10240x128xf32, #tpu.memory_space<hbm>>) target(%arg12 : memref<128x128xf32, #tpu.memory_space<vmem>>) offsets(%dma_start3A_65 : memref<128xi32, #tpu.memory_space<vmem>>) semaphore(%arg17 : memref<!tpu.dma_semaphore, #tpu.memory_space<semaphore_mem>>)
        %dma_wait3A_69 = arith.constant 0 : i32
        %dma_wait3A_70 = tpu.memref_slice %arg8[%mul3A_39, %dma_wait3A_69] : memref<112x128xi32, #tpu.memory_space<vmem>> -> memref<1x128xi32, #tpu.memory_space<vmem>>
        %dma_wait3A_71 = tpu.memref_squeeze %dma_wait3A_70 : memref<1x128xi32, #tpu.memory_space<vmem>> -> memref<128xi32, #tpu.memory_space<vmem>>
        %dma_wait3A_72 = arith.constant 0 : i32
        %dma_wait3A_73 = arith.constant 0 : i32
        %dma_wait3A_74 = tpu.memref_slice %arg2[%dma_wait3A_72, %dma_wait3A_73] : memref<10240x128xf32, #tpu.memory_space<hbm>> -> memref<10240x128xf32, #tpu.memory_space<hbm>>
        tpu.wait_indirect_dma semaphore(%arg16 : memref<!tpu.dma_semaphore, #tpu.memory_space<semaphore_mem>>) src(%dma_wait3A_74 : memref<10240x128xf32, #tpu.memory_space<hbm>>) dst(%arg11 : memref<128x128xf32, #tpu.memory_space<vmem>>)
        %dma_wait3A_75 = arith.constant 0 : i32
        %dma_wait3A_76 = tpu.memref_slice %arg4[%add3A, %mul3A_39, %dma_wait3A_75] : memref<32x112x128xi32, #tpu.memory_space<hbm>> -> memref<1x1x128xi32, #tpu.memory_space<hbm>>
        %dma_wait3A_77 = tpu.memref_squeeze %dma_wait3A_76 : memref<1x1x128xi32, #tpu.memory_space<hbm>> -> memref<128xi32, #tpu.memory_space<hbm>>
        %dma_wait3A_78 = arith.constant 0 : i32
        %dma_wait3A_79 = tpu.memref_slice %arg4[%add3A, %mul3A_39, %dma_wait3A_78] : memref<32x112x128xi32, #tpu.memory_space<hbm>> -> memref<1x1x128xi32, #tpu.memory_space<hbm>>
        %dma_wait3A_80 = tpu.memref_squeeze %dma_wait3A_79 : memref<1x1x128xi32, #tpu.memory_space<hbm>> -> memref<128xi32, #tpu.memory_space<hbm>>
        tpu.wait_dma2 semaphore(%arg14 : memref<!tpu.dma_semaphore, #tpu.memory_space<semaphore_mem>>) src(%dma_wait3A_80 : memref<128xi32, #tpu.memory_space<hbm>>) dst(%arg9 : memref<128xi32, #tpu.memory_space<vmem>>)
        %dma_start3A_81 = arith.constant 0 : i32
        %dma_start3A_82 = arith.constant 0 : i32
        %dma_start3A_83 = tpu.memref_slice %arg13[%dma_start3A_81, %dma_start3A_82] : memref<10240x128xf32, #tpu.memory_space<vmem_shared>> -> memref<10240x128xf32, #tpu.memory_space<vmem_shared>>
        tpu.enqueue_indirect_dma source(%arg11 : memref<128x128xf32, #tpu.memory_space<vmem>>) target(%dma_start3A_83 : memref<10240x128xf32, #tpu.memory_space<vmem_shared>>) offsets(%arg9 : memref<128xi32, #tpu.memory_space<vmem>>) semaphore(%arg18 : memref<!tpu.dma_semaphore, #tpu.memory_space<semaphore_mem>>) {add = true}
        %dma_wait3A_84 = arith.constant 0 : i32
        %dma_wait3A_85 = tpu.memref_slice %arg8[%add3A_41, %dma_wait3A_84] : memref<112x128xi32, #tpu.memory_space<vmem>> -> memref<1x128xi32, #tpu.memory_space<vmem>>
        %dma_wait3A_86 = tpu.memref_squeeze %dma_wait3A_85 : memref<1x128xi32, #tpu.memory_space<vmem>> -> memref<128xi32, #tpu.memory_space<vmem>>
        %dma_wait3A_87 = arith.constant 0 : i32
        %dma_wait3A_88 = arith.constant 0 : i32
        %dma_wait3A_89 = tpu.memref_slice %arg2[%dma_wait3A_87, %dma_wait3A_88] : memref<10240x128xf32, #tpu.memory_space<hbm>> -> memref<10240x128xf32, #tpu.memory_space<hbm>>
        tpu.wait_indirect_dma semaphore(%arg17 : memref<!tpu.dma_semaphore, #tpu.memory_space<semaphore_mem>>) src(%dma_wait3A_89 : memref<10240x128xf32, #tpu.memory_space<hbm>>) dst(%arg12 : memref<128x128xf32, #tpu.memory_space<vmem>>)
        %dma_wait3A_90 = arith.constant 0 : i32
        %dma_wait3A_91 = tpu.memref_slice %arg4[%add3A, %add3A_41, %dma_wait3A_90] : memref<32x112x128xi32, #tpu.memory_space<hbm>> -> memref<1x1x128xi32, #tpu.memory_space<hbm>>
        %dma_wait3A_92 = tpu.memref_squeeze %dma_wait3A_91 : memref<1x1x128xi32, #tpu.memory_space<hbm>> -> memref<128xi32, #tpu.memory_space<hbm>>
        %dma_wait3A_93 = arith.constant 0 : i32
        %dma_wait3A_94 = tpu.memref_slice %arg4[%add3A, %add3A_41, %dma_wait3A_93] : memref<32x112x128xi32, #tpu.memory_space<hbm>> -> memref<1x1x128xi32, #tpu.memory_space<hbm>>
        %dma_wait3A_95 = tpu.memref_squeeze %dma_wait3A_94 : memref<1x1x128xi32, #tpu.memory_space<hbm>> -> memref<128xi32, #tpu.memory_space<hbm>>
        tpu.wait_dma2 semaphore(%arg15 : memref<!tpu.dma_semaphore, #tpu.memory_space<semaphore_mem>>) src(%dma_wait3A_95 : memref<128xi32, #tpu.memory_space<hbm>>) dst(%arg10 : memref<128xi32, #tpu.memory_space<vmem>>)
        %dma_start3A_96 = arith.constant 0 : i32
        %dma_start3A_97 = arith.constant 0 : i32
        %dma_start3A_98 = tpu.memref_slice %arg13[%dma_start3A_96, %dma_start3A_97] : memref<10240x128xf32, #tpu.memory_space<vmem_shared>> -> memref<10240x128xf32, #tpu.memory_space<vmem_shared>>
        tpu.enqueue_indirect_dma source(%arg12 : memref<128x128xf32, #tpu.memory_space<vmem>>) target(%dma_start3A_98 : memref<10240x128xf32, #tpu.memory_space<vmem_shared>>) offsets(%arg10 : memref<128xi32, #tpu.memory_space<vmem>>) semaphore(%arg19 : memref<!tpu.dma_semaphore, #tpu.memory_space<semaphore_mem>>) {add = true}
      }
      %scan3A_36 = arith.constant 56 : i32
    } else {
    }
    %dma_wait3A = arith.constant 0 : i32
    %dma_wait3A_13 = arith.constant 0 : i32
    %dma_wait3A_14 = tpu.memref_slice %arg5[%dma_wait3A, %dma_wait3A_13] : memref<10240x128xf32, #tpu.memory_space<hbm>> -> memref<128x128xf32, #tpu.memory_space<hbm>>
    %dma_wait3A_15 = arith.constant 0 : i32
    %dma_wait3A_16 = arith.constant 0 : i32
    %dma_wait3A_17 = tpu.memref_slice %arg5[%dma_wait3A_15, %dma_wait3A_16] : memref<10240x128xf32, #tpu.memory_space<hbm>> -> memref<128x128xf32, #tpu.memory_space<hbm>>
    tpu.wait_dma2 semaphore(%arg18 : memref<!tpu.dma_semaphore, #tpu.memory_space<semaphore_mem>>) src(%dma_wait3A_17 : memref<128x128xf32, #tpu.memory_space<hbm>>) dst(%arg11 : memref<128x128xf32, #tpu.memory_space<vmem>>)
    %dma_wait3A_18 = arith.constant 0 : i32
    %dma_wait3A_19 = arith.constant 0 : i32
    %dma_wait3A_20 = tpu.memref_slice %arg5[%dma_wait3A_18, %dma_wait3A_19] : memref<10240x128xf32, #tpu.memory_space<hbm>> -> memref<128x128xf32, #tpu.memory_space<hbm>>
    %dma_wait3A_21 = arith.constant 0 : i32
    %dma_wait3A_22 = arith.constant 0 : i32
    %dma_wait3A_23 = tpu.memref_slice %arg5[%dma_wait3A_21, %dma_wait3A_22] : memref<10240x128xf32, #tpu.memory_space<hbm>> -> memref<128x128xf32, #tpu.memory_space<hbm>>
    tpu.wait_dma2 semaphore(%arg19 : memref<!tpu.dma_semaphore, #tpu.memory_space<semaphore_mem>>) src(%dma_wait3A_23 : memref<128x128xf32, #tpu.memory_space<hbm>>) dst(%arg12 : memref<128x128xf32, #tpu.memory_space<vmem>>)
    %barrier3A_24 = arith.constant 0 : index
    tpu.barrier barrier_id(%barrier3A_24)
    %scan3A_25 = arith.constant 0 : i32
    %scan3A_26 = arith.constant 0 : i32
    %scan3A_27 = arith.constant 5 : i32
    %scan3A_28 = arith.addi %scan3A_26, %scan3A_27 : i32
    %scan3A_29 = arith.constant 1 : i32
    scf.for %scan3A_31 = %scan3A_26 to %scan3A_28 step %scan3A_29  : i32 {
      "tpu.region"() ({
        %run_scoped3A = tpu.sem_alloc : memref<!tpu.dma_semaphore, #tpu.memory_space<semaphore_mem>>
        %dma_start3A_42 = arith.constant 0 : i32
        %dma_start3A_43 = tpu.memref_slice %arg6[%arg1, %scan3A_31, %dma_start3A_42] : memref<16x5x128xi32, #tpu.memory_space<hbm>> -> memref<1x1x128xi32, #tpu.memory_space<hbm>>
        %dma_start3A_44 = tpu.memref_squeeze %dma_start3A_43 : memref<1x1x128xi32, #tpu.memory_space<hbm>> -> memref<128xi32, #tpu.memory_space<hbm>>
        %dma_start3A_45 = arith.constant 0 : i32
        %dma_start3A_46 = tpu.memref_slice %arg6[%arg1, %scan3A_31, %dma_start3A_45] : memref<16x5x128xi32, #tpu.memory_space<hbm>> -> memref<1x1x128xi32, #tpu.memory_space<hbm>>
        %dma_start3A_47 = tpu.memref_squeeze %dma_start3A_46 : memref<1x1x128xi32, #tpu.memory_space<hbm>> -> memref<128xi32, #tpu.memory_space<hbm>>
        tpu.enqueue_dma source(%dma_start3A_47 : memref<128xi32, #tpu.memory_space<hbm>>) target(%arg9 : memref<128xi32, #tpu.memory_space<vmem>>) target_semaphore(%run_scoped3A : memref<!tpu.dma_semaphore, #tpu.memory_space<semaphore_mem>>)
        %dma_wait3A_48 = arith.constant 0 : i32
        %dma_wait3A_49 = tpu.memref_slice %arg6[%arg1, %scan3A_31, %dma_wait3A_48] : memref<16x5x128xi32, #tpu.memory_space<hbm>> -> memref<1x1x128xi32, #tpu.memory_space<hbm>>
        %dma_wait3A_50 = tpu.memref_squeeze %dma_wait3A_49 : memref<1x1x128xi32, #tpu.memory_space<hbm>> -> memref<128xi32, #tpu.memory_space<hbm>>
        %dma_wait3A_51 = arith.constant 0 : i32
        %dma_wait3A_52 = tpu.memref_slice %arg6[%arg1, %scan3A_31, %dma_wait3A_51] : memref<16x5x128xi32, #tpu.memory_space<hbm>> -> memref<1x1x128xi32, #tpu.memory_space<hbm>>
        %dma_wait3A_53 = tpu.memref_squeeze %dma_wait3A_52 : memref<1x1x128xi32, #tpu.memory_space<hbm>> -> memref<128xi32, #tpu.memory_space<hbm>>
        tpu.wait_dma2 semaphore(%run_scoped3A : memref<!tpu.dma_semaphore, #tpu.memory_space<semaphore_mem>>) src(%dma_wait3A_53 : memref<128xi32, #tpu.memory_space<hbm>>) dst(%arg9 : memref<128xi32, #tpu.memory_space<vmem>>)
        tpu.yield
      }) : () -> ()
      %dma_start3A = arith.constant 0 : i32
      %dma_start3A_32 = arith.constant 0 : i32
      %dma_start3A_33 = tpu.memref_slice %arg13[%dma_start3A, %dma_start3A_32] : memref<10240x128xf32, #tpu.memory_space<vmem_shared>> -> memref<10240x128xf32, #tpu.memory_space<vmem_shared>>
      tpu.enqueue_indirect_dma source(%dma_start3A_33 : memref<10240x128xf32, #tpu.memory_space<vmem_shared>>) target(%arg11 : memref<128x128xf32, #tpu.memory_space<vmem>>) offsets(%arg9 : memref<128xi32, #tpu.memory_space<vmem>>) semaphore(%arg16 : memref<!tpu.dma_semaphore, #tpu.memory_space<semaphore_mem>>)
      %dma_wait3A_34 = arith.constant 0 : i32
      %dma_wait3A_35 = arith.constant 0 : i32
      %dma_wait3A_36 = tpu.memref_slice %arg13[%dma_wait3A_34, %dma_wait3A_35] : memref<10240x128xf32, #tpu.memory_space<vmem_shared>> -> memref<10240x128xf32, #tpu.memory_space<vmem_shared>>
      tpu.wait_indirect_dma semaphore(%arg16 : memref<!tpu.dma_semaphore, #tpu.memory_space<semaphore_mem>>) src(%dma_wait3A_36 : memref<10240x128xf32, #tpu.memory_space<vmem_shared>>) dst(%arg11 : memref<128x128xf32, #tpu.memory_space<vmem>>)
      %mul3A_37 = arith.constant 640 : i32
      %mul3A_38 = arith.muli %arg1, %mul3A_37 : i32
      %mul3A_39 = arith.constant 128 : i32
      %mul3A_40 = arith.muli %scan3A_31, %mul3A_39 : i32
      %add3A_41 = arith.addi %mul3A_38, %mul3A_40 : i32
      "tpu.region"() ({
        %run_scoped3A = tpu.sem_alloc : memref<!tpu.dma_semaphore, #tpu.memory_space<semaphore_mem>>
        %dma_start3A_42 = arith.constant 0 : i32
        %dma_start3A_43 = tpu.memref_slice %arg7[%arg0, %add3A_41, %dma_start3A_42] : memref<2x10240x128xf32, #tpu.memory_space<hbm>> -> memref<1x128x128xf32, #tpu.memory_space<hbm>>
        %dma_start3A_44 = tpu.memref_squeeze %dma_start3A_43 : memref<1x128x128xf32, #tpu.memory_space<hbm>> -> memref<128x128xf32, #tpu.memory_space<hbm>>
        %dma_start3A_45 = arith.constant 0 : i32
        %dma_start3A_46 = tpu.memref_slice %arg7[%arg0, %add3A_41, %dma_start3A_45] : memref<2x10240x128xf32, #tpu.memory_space<hbm>> -> memref<1x128x128xf32, #tpu.memory_space<hbm>>
        %dma_start3A_47 = tpu.memref_squeeze %dma_start3A_46 : memref<1x128x128xf32, #tpu.memory_space<hbm>> -> memref<128x128xf32, #tpu.memory_space<hbm>>
        tpu.enqueue_dma source(%arg11 : memref<128x128xf32, #tpu.memory_space<vmem>>) target(%dma_start3A_47 : memref<128x128xf32, #tpu.memory_space<hbm>>) target_semaphore(%run_scoped3A : memref<!tpu.dma_semaphore, #tpu.memory_space<semaphore_mem>>)
        %dma_wait3A_48 = arith.constant 0 : i32
        %dma_wait3A_49 = tpu.memref_slice %arg7[%arg0, %add3A_41, %dma_wait3A_48] : memref<2x10240x128xf32, #tpu.memory_space<hbm>> -> memref<1x128x128xf32, #tpu.memory_space<hbm>>
        %dma_wait3A_50 = tpu.memref_squeeze %dma_wait3A_49 : memref<1x128x128xf32, #tpu.memory_space<hbm>> -> memref<128x128xf32, #tpu.memory_space<hbm>>
        %dma_wait3A_51 = arith.constant 0 : i32
        %dma_wait3A_52 = tpu.memref_slice %arg7[%arg0, %add3A_41, %dma_wait3A_51] : memref<2x10240x128xf32, #tpu.memory_space<hbm>> -> memref<1x128x128xf32, #tpu.memory_space<hbm>>
        %dma_wait3A_53 = tpu.memref_squeeze %dma_wait3A_52 : memref<1x128x128xf32, #tpu.memory_space<hbm>> -> memref<128x128xf32, #tpu.memory_space<hbm>>
        tpu.wait_dma2 semaphore(%run_scoped3A : memref<!tpu.dma_semaphore, #tpu.memory_space<semaphore_mem>>) src(%arg11 : memref<128x128xf32, #tpu.memory_space<vmem>>) dst(%dma_wait3A_53 : memref<128x128xf32, #tpu.memory_space<hbm>>)
        tpu.yield
      }) : () -> ()
    }
    %scan3A_30 = arith.constant 5 : i32
    return
  }
}

#map = affine_map<(d0, d1) -> (0, 0, 0)>
#map1 = affine_map<(d0, d1) -> (0, 0)>
module attributes {stable_mosaic.version = 14 : i64} {
  func.func @body(%arg0: i32, %arg1: i32, %arg2: memref<32x112x128xi32, #tpu.memory_space<hbm>>, %arg3: memref<128x16xf32, #tpu.memory_space<hbm>>, %arg4: memref<10240x16xf32, #tpu.memory_space<hbm>>, %arg5: memref<16x5x128xi32, #tpu.memory_space<hbm>>, %arg6: memref<2x10240x16xf32, #tpu.memory_space<hbm>>, %arg7: memref<128xi32, #tpu.memory_space<vmem>>, %arg8: memref<128x16xf32, #tpu.memory_space<vmem>>, %arg9: memref<128x16xf32, #tpu.memory_space<vmem>>, %arg10: memref<128x16xf32, #tpu.memory_space<vmem>>, %arg11: memref<10240x16xf32, #tpu.memory_space<vmem_shared>>, %arg12: memref<!tpu.dma_semaphore, #tpu.memory_space<semaphore_mem>>) attributes {dimension_semantics = [#tpu.dimension_semantics<core_parallel>, #tpu.dimension_semantics<subcore_parallel>], iteration_bounds = array<i64: 2, 16>, scalar_prefetch = 0 : i64, scratch_operands = 6 : i64, tpu.core_type = #tpu.core_type<sc_vector_subcore>, window_params = [{transform_indices = #map}, {transform_indices = #map1}, {transform_indices = #map1}, {transform_indices = #map}, {transform_indices = #map}]} {
    %mul3A = arith.constant 2 : i32
    %mul3A_0 = arith.muli %arg1, %mul3A : i32
    %add3A = arith.addi %mul3A_0, %arg0 : i32
    "tpu.region"() ({
      %run_scoped3A = tpu.sem_alloc : memref<!tpu.dma_semaphore, #tpu.memory_space<semaphore_mem>>
      tpu.enqueue_dma source(%arg3 : memref<128x16xf32, #tpu.memory_space<hbm>>) target(%arg8 : memref<128x16xf32, #tpu.memory_space<vmem>>) target_semaphore(%run_scoped3A : memref<!tpu.dma_semaphore, #tpu.memory_space<semaphore_mem>>)
      tpu.wait_dma2 semaphore(%run_scoped3A : memref<!tpu.dma_semaphore, #tpu.memory_space<semaphore_mem>>) src(%arg3 : memref<128x16xf32, #tpu.memory_space<hbm>>) dst(%arg8 : memref<128x16xf32, #tpu.memory_space<vmem>>)
      tpu.yield
    }) : () -> ()
    "tpu.region"() ({
      %run_scoped3A = tpu.sem_alloc : memref<!tpu.dma_semaphore, #tpu.memory_space<semaphore_mem>>
      %dma_start3A = arith.constant 0 : i32
      %dma_start3A_20 = arith.constant 0 : i32
      %dma_start3A_21 = tpu.memref_slice %arg4[%dma_start3A, %dma_start3A_20] : memref<10240x16xf32, #tpu.memory_space<hbm>> -> memref<128x16xf32, #tpu.memory_space<hbm>>
      %dma_start3A_22 = arith.constant 0 : i32
      %dma_start3A_23 = arith.constant 0 : i32
      %dma_start3A_24 = tpu.memref_slice %arg4[%dma_start3A_22, %dma_start3A_23] : memref<10240x16xf32, #tpu.memory_space<hbm>> -> memref<128x16xf32, #tpu.memory_space<hbm>>
      tpu.enqueue_dma source(%dma_start3A_24 : memref<128x16xf32, #tpu.memory_space<hbm>>) target(%arg9 : memref<128x16xf32, #tpu.memory_space<vmem>>) target_semaphore(%run_scoped3A : memref<!tpu.dma_semaphore, #tpu.memory_space<semaphore_mem>>)
      %dma_wait3A = arith.constant 0 : i32
      %dma_wait3A_25 = arith.constant 0 : i32
      %dma_wait3A_26 = tpu.memref_slice %arg4[%dma_wait3A, %dma_wait3A_25] : memref<10240x16xf32, #tpu.memory_space<hbm>> -> memref<128x16xf32, #tpu.memory_space<hbm>>
      %dma_wait3A_27 = arith.constant 0 : i32
      %dma_wait3A_28 = arith.constant 0 : i32
      %dma_wait3A_29 = tpu.memref_slice %arg4[%dma_wait3A_27, %dma_wait3A_28] : memref<10240x16xf32, #tpu.memory_space<hbm>> -> memref<128x16xf32, #tpu.memory_space<hbm>>
      tpu.wait_dma2 semaphore(%run_scoped3A : memref<!tpu.dma_semaphore, #tpu.memory_space<semaphore_mem>>) src(%dma_wait3A_29 : memref<128x16xf32, #tpu.memory_space<hbm>>) dst(%arg9 : memref<128x16xf32, #tpu.memory_space<vmem>>)
      tpu.yield
    }) : () -> ()
    %scan3A = arith.constant 0 : i32
    %scan3A_1 = arith.constant 0 : i32
    %scan3A_2 = arith.constant 5 : i32
    %scan3A_3 = arith.addi %scan3A_1, %scan3A_2 : i32
    %scan3A_4 = arith.constant 1 : i32
    scf.for %scan3A_20 = %scan3A_1 to %scan3A_3 step %scan3A_4  : i32 {
      "tpu.region"() ({
        %run_scoped3A = tpu.sem_alloc : memref<!tpu.dma_semaphore, #tpu.memory_space<semaphore_mem>>
        %dma_start3A = arith.constant 0 : i32
        %dma_start3A_21 = tpu.memref_slice %arg5[%arg1, %scan3A_20, %dma_start3A] : memref<16x5x128xi32, #tpu.memory_space<hbm>> -> memref<1x1x128xi32, #tpu.memory_space<hbm>>
        %dma_start3A_22 = tpu.memref_squeeze %dma_start3A_21 : memref<1x1x128xi32, #tpu.memory_space<hbm>> -> memref<128xi32, #tpu.memory_space<hbm>>
        %dma_start3A_23 = arith.constant 0 : i32
        %dma_start3A_24 = tpu.memref_slice %arg5[%arg1, %scan3A_20, %dma_start3A_23] : memref<16x5x128xi32, #tpu.memory_space<hbm>> -> memref<1x1x128xi32, #tpu.memory_space<hbm>>
        %dma_start3A_25 = tpu.memref_squeeze %dma_start3A_24 : memref<1x1x128xi32, #tpu.memory_space<hbm>> -> memref<128xi32, #tpu.memory_space<hbm>>
        tpu.enqueue_dma source(%dma_start3A_25 : memref<128xi32, #tpu.memory_space<hbm>>) target(%arg7 : memref<128xi32, #tpu.memory_space<vmem>>) target_semaphore(%run_scoped3A : memref<!tpu.dma_semaphore, #tpu.memory_space<semaphore_mem>>)
        %dma_wait3A = arith.constant 0 : i32
        %dma_wait3A_26 = tpu.memref_slice %arg5[%arg1, %scan3A_20, %dma_wait3A] : memref<16x5x128xi32, #tpu.memory_space<hbm>> -> memref<1x1x128xi32, #tpu.memory_space<hbm>>
        %dma_wait3A_27 = tpu.memref_squeeze %dma_wait3A_26 : memref<1x1x128xi32, #tpu.memory_space<hbm>> -> memref<128xi32, #tpu.memory_space<hbm>>
        %dma_wait3A_28 = arith.constant 0 : i32
        %dma_wait3A_29 = tpu.memref_slice %arg5[%arg1, %scan3A_20, %dma_wait3A_28] : memref<16x5x128xi32, #tpu.memory_space<hbm>> -> memref<1x1x128xi32, #tpu.memory_space<hbm>>
        %dma_wait3A_30 = tpu.memref_squeeze %dma_wait3A_29 : memref<1x1x128xi32, #tpu.memory_space<hbm>> -> memref<128xi32, #tpu.memory_space<hbm>>
        tpu.wait_dma2 semaphore(%run_scoped3A : memref<!tpu.dma_semaphore, #tpu.memory_space<semaphore_mem>>) src(%dma_wait3A_30 : memref<128xi32, #tpu.memory_space<hbm>>) dst(%arg7 : memref<128xi32, #tpu.memory_space<vmem>>)
        tpu.yield
      }) : () -> ()
      "tpu.region"() ({
        %run_scoped3A = tpu.sem_alloc : memref<!tpu.dma_semaphore, #tpu.memory_space<semaphore_mem>>
        %dma_start3A = arith.constant 0 : i32
        %dma_start3A_21 = arith.constant 0 : i32
        %dma_start3A_22 = tpu.memref_slice %arg11[%dma_start3A, %dma_start3A_21] : memref<10240x16xf32, #tpu.memory_space<vmem_shared>> -> memref<10240x16xf32, #tpu.memory_space<vmem_shared>>
        tpu.enqueue_indirect_dma source(%arg9 : memref<128x16xf32, #tpu.memory_space<vmem>>) target(%dma_start3A_22 : memref<10240x16xf32, #tpu.memory_space<vmem_shared>>) offsets(%arg7 : memref<128xi32, #tpu.memory_space<vmem>>) semaphore(%run_scoped3A : memref<!tpu.dma_semaphore, #tpu.memory_space<semaphore_mem>>)
        %dma_wait3A = arith.constant 0 : i32
        %dma_wait3A_23 = arith.constant 0 : i32
        %dma_wait3A_24 = tpu.memref_slice %arg11[%dma_wait3A, %dma_wait3A_23] : memref<10240x16xf32, #tpu.memory_space<vmem_shared>> -> memref<10240x16xf32, #tpu.memory_space<vmem_shared>>
        tpu.wait_indirect_dma semaphore(%run_scoped3A : memref<!tpu.dma_semaphore, #tpu.memory_space<semaphore_mem>>) src(%arg9 : memref<128x16xf32, #tpu.memory_space<vmem>>) dst(%dma_wait3A_24 : memref<10240x16xf32, #tpu.memory_space<vmem_shared>>)
        tpu.yield
      }) : () -> ()
    }
    %scan3A_5 = arith.constant 5 : i32
    %barrier3A = arith.constant 0 : index
    tpu.barrier barrier_id(%barrier3A)
    %eq3A = arith.constant 0 : i32
    %eq3A_6 = arith.cmpi eq, %arg0, %eq3A : i32
    %convert_element_type3A = arith.extui %eq3A_6 : i1 to i32
    %cond3A = arith.constant 0 : i32
    %cond3A_7 = arith.cmpi ne, %convert_element_type3A, %cond3A : i32
    scf.if %cond3A_7 {
      %scan3A_20 = arith.constant 0 : i32
      %scan3A_21 = arith.constant 0 : i32
      %scan3A_22 = arith.constant 48 : i32
      %scan3A_23 = arith.addi %scan3A_21, %scan3A_22 : i32
      %scan3A_24 = arith.constant 1 : i32
      scf.for %scan3A_26 = %scan3A_21 to %scan3A_23 step %scan3A_24  : i32 {
        "tpu.region"() ({
          %run_scoped3A = tpu.sem_alloc : memref<!tpu.dma_semaphore, #tpu.memory_space<semaphore_mem>>
          %dma_start3A = arith.constant 0 : i32
          %dma_start3A_27 = tpu.memref_slice %arg2[%add3A, %scan3A_26, %dma_start3A] : memref<32x112x128xi32, #tpu.memory_space<hbm>> -> memref<1x1x128xi32, #tpu.memory_space<hbm>>
          %dma_start3A_28 = tpu.memref_squeeze %dma_start3A_27 : memref<1x1x128xi32, #tpu.memory_space<hbm>> -> memref<128xi32, #tpu.memory_space<hbm>>
          %dma_start3A_29 = arith.constant 0 : i32
          %dma_start3A_30 = tpu.memref_slice %arg2[%add3A, %scan3A_26, %dma_start3A_29] : memref<32x112x128xi32, #tpu.memory_space<hbm>> -> memref<1x1x128xi32, #tpu.memory_space<hbm>>
          %dma_start3A_31 = tpu.memref_squeeze %dma_start3A_30 : memref<1x1x128xi32, #tpu.memory_space<hbm>> -> memref<128xi32, #tpu.memory_space<hbm>>
          tpu.enqueue_dma source(%dma_start3A_31 : memref<128xi32, #tpu.memory_space<hbm>>) target(%arg7 : memref<128xi32, #tpu.memory_space<vmem>>) target_semaphore(%run_scoped3A : memref<!tpu.dma_semaphore, #tpu.memory_space<semaphore_mem>>)
          %dma_wait3A = arith.constant 0 : i32
          %dma_wait3A_32 = tpu.memref_slice %arg2[%add3A, %scan3A_26, %dma_wait3A] : memref<32x112x128xi32, #tpu.memory_space<hbm>> -> memref<1x1x128xi32, #tpu.memory_space<hbm>>
          %dma_wait3A_33 = tpu.memref_squeeze %dma_wait3A_32 : memref<1x1x128xi32, #tpu.memory_space<hbm>> -> memref<128xi32, #tpu.memory_space<hbm>>
          %dma_wait3A_34 = arith.constant 0 : i32
          %dma_wait3A_35 = tpu.memref_slice %arg2[%add3A, %scan3A_26, %dma_wait3A_34] : memref<32x112x128xi32, #tpu.memory_space<hbm>> -> memref<1x1x128xi32, #tpu.memory_space<hbm>>
          %dma_wait3A_36 = tpu.memref_squeeze %dma_wait3A_35 : memref<1x1x128xi32, #tpu.memory_space<hbm>> -> memref<128xi32, #tpu.memory_space<hbm>>
          tpu.wait_dma2 semaphore(%run_scoped3A : memref<!tpu.dma_semaphore, #tpu.memory_space<semaphore_mem>>) src(%dma_wait3A_36 : memref<128xi32, #tpu.memory_space<hbm>>) dst(%arg7 : memref<128xi32, #tpu.memory_space<vmem>>)
          tpu.yield
        }) : () -> ()
        "tpu.region"() ({
          %run_scoped3A = tpu.sem_alloc : memref<!tpu.dma_semaphore, #tpu.memory_space<semaphore_mem>>
          %dma_start3A = arith.constant 0 : i32
          %dma_start3A_27 = arith.constant 0 : i32
          %dma_start3A_28 = tpu.memref_slice %arg11[%dma_start3A, %dma_start3A_27] : memref<10240x16xf32, #tpu.memory_space<vmem_shared>> -> memref<10240x16xf32, #tpu.memory_space<vmem_shared>>
          tpu.enqueue_indirect_dma source(%arg8 : memref<128x16xf32, #tpu.memory_space<vmem>>) target(%dma_start3A_28 : memref<10240x16xf32, #tpu.memory_space<vmem_shared>>) offsets(%arg7 : memref<128xi32, #tpu.memory_space<vmem>>) semaphore(%run_scoped3A : memref<!tpu.dma_semaphore, #tpu.memory_space<semaphore_mem>>) {add = true}
          %dma_wait3A = arith.constant 0 : i32
          %dma_wait3A_29 = arith.constant 0 : i32
          %dma_wait3A_30 = tpu.memref_slice %arg11[%dma_wait3A, %dma_wait3A_29] : memref<10240x16xf32, #tpu.memory_space<vmem_shared>> -> memref<10240x16xf32, #tpu.memory_space<vmem_shared>>
          tpu.wait_indirect_dma semaphore(%run_scoped3A : memref<!tpu.dma_semaphore, #tpu.memory_space<semaphore_mem>>) src(%arg8 : memref<128x16xf32, #tpu.memory_space<vmem>>) dst(%dma_wait3A_30 : memref<10240x16xf32, #tpu.memory_space<vmem_shared>>)
          tpu.yield
        }) : () -> ()
      }
      %scan3A_25 = arith.constant 48 : i32
    } else {
    }
    %eq3A_8 = arith.constant 1 : i32
    %eq3A_9 = arith.cmpi eq, %arg0, %eq3A_8 : i32
    %convert_element_type3A_10 = arith.extui %eq3A_9 : i1 to i32
    %cond3A_11 = arith.constant 0 : i32
    %cond3A_12 = arith.cmpi ne, %convert_element_type3A_10, %cond3A_11 : i32
    scf.if %cond3A_12 {
      %scan3A_20 = arith.constant 0 : i32
      %scan3A_21 = arith.constant 0 : i32
      %scan3A_22 = arith.constant 112 : i32
      %scan3A_23 = arith.addi %scan3A_21, %scan3A_22 : i32
      %scan3A_24 = arith.constant 1 : i32
      scf.for %scan3A_26 = %scan3A_21 to %scan3A_23 step %scan3A_24  : i32 {
        "tpu.region"() ({
          %run_scoped3A = tpu.sem_alloc : memref<!tpu.dma_semaphore, #tpu.memory_space<semaphore_mem>>
          %dma_start3A = arith.constant 0 : i32
          %dma_start3A_27 = tpu.memref_slice %arg2[%add3A, %scan3A_26, %dma_start3A] : memref<32x112x128xi32, #tpu.memory_space<hbm>> -> memref<1x1x128xi32, #tpu.memory_space<hbm>>
          %dma_start3A_28 = tpu.memref_squeeze %dma_start3A_27 : memref<1x1x128xi32, #tpu.memory_space<hbm>> -> memref<128xi32, #tpu.memory_space<hbm>>
          %dma_start3A_29 = arith.constant 0 : i32
          %dma_start3A_30 = tpu.memref_slice %arg2[%add3A, %scan3A_26, %dma_start3A_29] : memref<32x112x128xi32, #tpu.memory_space<hbm>> -> memref<1x1x128xi32, #tpu.memory_space<hbm>>
          %dma_start3A_31 = tpu.memref_squeeze %dma_start3A_30 : memref<1x1x128xi32, #tpu.memory_space<hbm>> -> memref<128xi32, #tpu.memory_space<hbm>>
          tpu.enqueue_dma source(%dma_start3A_31 : memref<128xi32, #tpu.memory_space<hbm>>) target(%arg7 : memref<128xi32, #tpu.memory_space<vmem>>) target_semaphore(%run_scoped3A : memref<!tpu.dma_semaphore, #tpu.memory_space<semaphore_mem>>)
          %dma_wait3A = arith.constant 0 : i32
          %dma_wait3A_32 = tpu.memref_slice %arg2[%add3A, %scan3A_26, %dma_wait3A] : memref<32x112x128xi32, #tpu.memory_space<hbm>> -> memref<1x1x128xi32, #tpu.memory_space<hbm>>
          %dma_wait3A_33 = tpu.memref_squeeze %dma_wait3A_32 : memref<1x1x128xi32, #tpu.memory_space<hbm>> -> memref<128xi32, #tpu.memory_space<hbm>>
          %dma_wait3A_34 = arith.constant 0 : i32
          %dma_wait3A_35 = tpu.memref_slice %arg2[%add3A, %scan3A_26, %dma_wait3A_34] : memref<32x112x128xi32, #tpu.memory_space<hbm>> -> memref<1x1x128xi32, #tpu.memory_space<hbm>>
          %dma_wait3A_36 = tpu.memref_squeeze %dma_wait3A_35 : memref<1x1x128xi32, #tpu.memory_space<hbm>> -> memref<128xi32, #tpu.memory_space<hbm>>
          tpu.wait_dma2 semaphore(%run_scoped3A : memref<!tpu.dma_semaphore, #tpu.memory_space<semaphore_mem>>) src(%dma_wait3A_36 : memref<128xi32, #tpu.memory_space<hbm>>) dst(%arg7 : memref<128xi32, #tpu.memory_space<vmem>>)
          tpu.yield
        }) : () -> ()
        "tpu.region"() ({
          %run_scoped3A = tpu.sem_alloc : memref<!tpu.dma_semaphore, #tpu.memory_space<semaphore_mem>>
          %dma_start3A = arith.constant 0 : i32
          %dma_start3A_27 = arith.constant 0 : i32
          %dma_start3A_28 = tpu.memref_slice %arg11[%dma_start3A, %dma_start3A_27] : memref<10240x16xf32, #tpu.memory_space<vmem_shared>> -> memref<10240x16xf32, #tpu.memory_space<vmem_shared>>
          tpu.enqueue_indirect_dma source(%arg8 : memref<128x16xf32, #tpu.memory_space<vmem>>) target(%dma_start3A_28 : memref<10240x16xf32, #tpu.memory_space<vmem_shared>>) offsets(%arg7 : memref<128xi32, #tpu.memory_space<vmem>>) semaphore(%run_scoped3A : memref<!tpu.dma_semaphore, #tpu.memory_space<semaphore_mem>>) {add = true}
          %dma_wait3A = arith.constant 0 : i32
          %dma_wait3A_29 = arith.constant 0 : i32
          %dma_wait3A_30 = tpu.memref_slice %arg11[%dma_wait3A, %dma_wait3A_29] : memref<10240x16xf32, #tpu.memory_space<vmem_shared>> -> memref<10240x16xf32, #tpu.memory_space<vmem_shared>>
          tpu.wait_indirect_dma semaphore(%run_scoped3A : memref<!tpu.dma_semaphore, #tpu.memory_space<semaphore_mem>>) src(%arg8 : memref<128x16xf32, #tpu.memory_space<vmem>>) dst(%dma_wait3A_30 : memref<10240x16xf32, #tpu.memory_space<vmem_shared>>)
          tpu.yield
        }) : () -> ()
      }
      %scan3A_25 = arith.constant 112 : i32
    } else {
    }
    %barrier3A_13 = arith.constant 0 : index
    tpu.barrier barrier_id(%barrier3A_13)
    %scan3A_14 = arith.constant 0 : i32
    %scan3A_15 = arith.constant 0 : i32
    %scan3A_16 = arith.constant 5 : i32
    %scan3A_17 = arith.addi %scan3A_15, %scan3A_16 : i32
    %scan3A_18 = arith.constant 1 : i32
    scf.for %scan3A_20 = %scan3A_15 to %scan3A_17 step %scan3A_18  : i32 {
      "tpu.region"() ({
        %run_scoped3A = tpu.sem_alloc : memref<!tpu.dma_semaphore, #tpu.memory_space<semaphore_mem>>
        %dma_start3A_30 = arith.constant 0 : i32
        %dma_start3A_31 = tpu.memref_slice %arg5[%arg1, %scan3A_20, %dma_start3A_30] : memref<16x5x128xi32, #tpu.memory_space<hbm>> -> memref<1x1x128xi32, #tpu.memory_space<hbm>>
        %dma_start3A_32 = tpu.memref_squeeze %dma_start3A_31 : memref<1x1x128xi32, #tpu.memory_space<hbm>> -> memref<128xi32, #tpu.memory_space<hbm>>
        %dma_start3A_33 = arith.constant 0 : i32
        %dma_start3A_34 = tpu.memref_slice %arg5[%arg1, %scan3A_20, %dma_start3A_33] : memref<16x5x128xi32, #tpu.memory_space<hbm>> -> memref<1x1x128xi32, #tpu.memory_space<hbm>>
        %dma_start3A_35 = tpu.memref_squeeze %dma_start3A_34 : memref<1x1x128xi32, #tpu.memory_space<hbm>> -> memref<128xi32, #tpu.memory_space<hbm>>
        tpu.enqueue_dma source(%dma_start3A_35 : memref<128xi32, #tpu.memory_space<hbm>>) target(%arg7 : memref<128xi32, #tpu.memory_space<vmem>>) target_semaphore(%run_scoped3A : memref<!tpu.dma_semaphore, #tpu.memory_space<semaphore_mem>>)
        %dma_wait3A_36 = arith.constant 0 : i32
        %dma_wait3A_37 = tpu.memref_slice %arg5[%arg1, %scan3A_20, %dma_wait3A_36] : memref<16x5x128xi32, #tpu.memory_space<hbm>> -> memref<1x1x128xi32, #tpu.memory_space<hbm>>
        %dma_wait3A_38 = tpu.memref_squeeze %dma_wait3A_37 : memref<1x1x128xi32, #tpu.memory_space<hbm>> -> memref<128xi32, #tpu.memory_space<hbm>>
        %dma_wait3A_39 = arith.constant 0 : i32
        %dma_wait3A_40 = tpu.memref_slice %arg5[%arg1, %scan3A_20, %dma_wait3A_39] : memref<16x5x128xi32, #tpu.memory_space<hbm>> -> memref<1x1x128xi32, #tpu.memory_space<hbm>>
        %dma_wait3A_41 = tpu.memref_squeeze %dma_wait3A_40 : memref<1x1x128xi32, #tpu.memory_space<hbm>> -> memref<128xi32, #tpu.memory_space<hbm>>
        tpu.wait_dma2 semaphore(%run_scoped3A : memref<!tpu.dma_semaphore, #tpu.memory_space<semaphore_mem>>) src(%dma_wait3A_41 : memref<128xi32, #tpu.memory_space<hbm>>) dst(%arg7 : memref<128xi32, #tpu.memory_space<vmem>>)
        tpu.yield
      }) : () -> ()
      %dma_start3A = arith.constant 0 : i32
      %dma_start3A_21 = arith.constant 0 : i32
      %dma_start3A_22 = tpu.memref_slice %arg11[%dma_start3A, %dma_start3A_21] : memref<10240x16xf32, #tpu.memory_space<vmem_shared>> -> memref<10240x16xf32, #tpu.memory_space<vmem_shared>>
      tpu.enqueue_indirect_dma source(%dma_start3A_22 : memref<10240x16xf32, #tpu.memory_space<vmem_shared>>) target(%arg10 : memref<128x16xf32, #tpu.memory_space<vmem>>) offsets(%arg7 : memref<128xi32, #tpu.memory_space<vmem>>) semaphore(%arg12 : memref<!tpu.dma_semaphore, #tpu.memory_space<semaphore_mem>>)
      %dma_wait3A = arith.constant 0 : i32
      %dma_wait3A_23 = arith.constant 0 : i32
      %dma_wait3A_24 = tpu.memref_slice %arg11[%dma_wait3A, %dma_wait3A_23] : memref<10240x16xf32, #tpu.memory_space<vmem_shared>> -> memref<10240x16xf32, #tpu.memory_space<vmem_shared>>
      tpu.wait_indirect_dma semaphore(%arg12 : memref<!tpu.dma_semaphore, #tpu.memory_space<semaphore_mem>>) src(%dma_wait3A_24 : memref<10240x16xf32, #tpu.memory_space<vmem_shared>>) dst(%arg10 : memref<128x16xf32, #tpu.memory_space<vmem>>)
      %mul3A_25 = arith.constant 640 : i32
      %mul3A_26 = arith.muli %arg1, %mul3A_25 : i32
      %mul3A_27 = arith.constant 128 : i32
      %mul3A_28 = arith.muli %scan3A_20, %mul3A_27 : i32
      %add3A_29 = arith.addi %mul3A_26, %mul3A_28 : i32
      "tpu.region"() ({
        %run_scoped3A = tpu.sem_alloc : memref<!tpu.dma_semaphore, #tpu.memory_space<semaphore_mem>>
        %dma_start3A_30 = arith.constant 0 : i32
        %dma_start3A_31 = tpu.memref_slice %arg6[%arg0, %add3A_29, %dma_start3A_30] : memref<2x10240x16xf32, #tpu.memory_space<hbm>> -> memref<1x128x16xf32, #tpu.memory_space<hbm>>
        %dma_start3A_32 = tpu.memref_squeeze %dma_start3A_31 : memref<1x128x16xf32, #tpu.memory_space<hbm>> -> memref<128x16xf32, #tpu.memory_space<hbm>>
        %dma_start3A_33 = arith.constant 0 : i32
        %dma_start3A_34 = tpu.memref_slice %arg6[%arg0, %add3A_29, %dma_start3A_33] : memref<2x10240x16xf32, #tpu.memory_space<hbm>> -> memref<1x128x16xf32, #tpu.memory_space<hbm>>
        %dma_start3A_35 = tpu.memref_squeeze %dma_start3A_34 : memref<1x128x16xf32, #tpu.memory_space<hbm>> -> memref<128x16xf32, #tpu.memory_space<hbm>>
        tpu.enqueue_dma source(%arg10 : memref<128x16xf32, #tpu.memory_space<vmem>>) target(%dma_start3A_35 : memref<128x16xf32, #tpu.memory_space<hbm>>) target_semaphore(%run_scoped3A : memref<!tpu.dma_semaphore, #tpu.memory_space<semaphore_mem>>)
        %dma_wait3A_36 = arith.constant 0 : i32
        %dma_wait3A_37 = tpu.memref_slice %arg6[%arg0, %add3A_29, %dma_wait3A_36] : memref<2x10240x16xf32, #tpu.memory_space<hbm>> -> memref<1x128x16xf32, #tpu.memory_space<hbm>>
        %dma_wait3A_38 = tpu.memref_squeeze %dma_wait3A_37 : memref<1x128x16xf32, #tpu.memory_space<hbm>> -> memref<128x16xf32, #tpu.memory_space<hbm>>
        %dma_wait3A_39 = arith.constant 0 : i32
        %dma_wait3A_40 = tpu.memref_slice %arg6[%arg0, %add3A_29, %dma_wait3A_39] : memref<2x10240x16xf32, #tpu.memory_space<hbm>> -> memref<1x128x16xf32, #tpu.memory_space<hbm>>
        %dma_wait3A_41 = tpu.memref_squeeze %dma_wait3A_40 : memref<1x128x16xf32, #tpu.memory_space<hbm>> -> memref<128x16xf32, #tpu.memory_space<hbm>>
        tpu.wait_dma2 semaphore(%run_scoped3A : memref<!tpu.dma_semaphore, #tpu.memory_space<semaphore_mem>>) src(%arg10 : memref<128x16xf32, #tpu.memory_space<vmem>>) dst(%dma_wait3A_41 : memref<128x16xf32, #tpu.memory_space<hbm>>)
        tpu.yield
      }) : () -> ()
    }
    %scan3A_19 = arith.constant 5 : i32
    return
  }
}

#map = affine_map<(d0, d1) -> (0, 0)>
#map1 = affine_map<(d0, d1) -> (0, 0, 0)>
module attributes {stable_mosaic.version = 14 : i64} {
  func.func @body(%arg0: i32, %arg1: i32, %arg2: memref<10240x128xf32, #tpu.memory_space<hbm>>, %arg3: memref<32x112x128xi32, #tpu.memory_space<hbm>>, %arg4: memref<32x112x128xi32, #tpu.memory_space<hbm>>, %arg5: memref<10240x128xf32, #tpu.memory_space<hbm>>, %arg6: memref<16x5x128xi32, #tpu.memory_space<hbm>>, %arg7: memref<2x10240x128xf32, #tpu.memory_space<hbm>>, %arg8: memref<112x128xi32, #tpu.memory_space<vmem>>, %arg9: memref<128xi32, #tpu.memory_space<vmem>>, %arg10: memref<128xi32, #tpu.memory_space<vmem>>, %arg11: memref<128x128xf32, #tpu.memory_space<vmem>>, %arg12: memref<128x128xf32, #tpu.memory_space<vmem>>, %arg13: memref<10240x128xf32, #tpu.memory_space<vmem_shared>>, %arg14: memref<!tpu.dma_semaphore, #tpu.memory_space<semaphore_mem>>, %arg15: memref<!tpu.dma_semaphore, #tpu.memory_space<semaphore_mem>>, %arg16: memref<!tpu.dma_semaphore, #tpu.memory_space<semaphore_mem>>, %arg17: memref<!tpu.dma_semaphore, #tpu.memory_space<semaphore_mem>>, %arg18: memref<!tpu.dma_semaphore, #tpu.memory_space<semaphore_mem>>, %arg19: memref<!tpu.dma_semaphore, #tpu.memory_space<semaphore_mem>>) attributes {dimension_semantics = [#tpu.dimension_semantics<core_parallel>, #tpu.dimension_semantics<subcore_parallel>], iteration_bounds = array<i64: 2, 16>, scalar_prefetch = 0 : i64, scratch_operands = 12 : i64, tpu.core_type = #tpu.core_type<sc_vector_subcore>, window_params = [{transform_indices = #map}, {transform_indices = #map1}, {transform_indices = #map1}, {transform_indices = #map}, {transform_indices = #map1}, {transform_indices = #map1}]} {
    %mul3A = arith.constant 2 : i32
    %mul3A_0 = arith.muli %arg1, %mul3A : i32
    %add3A = arith.addi %mul3A_0, %arg0 : i32
    "tpu.region"() ({
      %run_scoped3A = tpu.sem_alloc : memref<!tpu.dma_semaphore, #tpu.memory_space<semaphore_mem>>
      %dma_start3A = arith.constant 0 : i32
      %dma_start3A_31 = arith.constant 0 : i32
      %dma_start3A_32 = tpu.memref_slice %arg3[%add3A, %dma_start3A, %dma_start3A_31] : memref<32x112x128xi32, #tpu.memory_space<hbm>> -> memref<1x112x128xi32, #tpu.memory_space<hbm>>
      %dma_start3A_33 = tpu.memref_squeeze %dma_start3A_32 : memref<1x112x128xi32, #tpu.memory_space<hbm>> -> memref<112x128xi32, #tpu.memory_space<hbm>>
      %dma_start3A_34 = arith.constant 0 : i32
      %dma_start3A_35 = arith.constant 0 : i32
      %dma_start3A_36 = tpu.memref_slice %arg3[%add3A, %dma_start3A_34, %dma_start3A_35] : memref<32x112x128xi32, #tpu.memory_space<hbm>> -> memref<1x112x128xi32, #tpu.memory_space<hbm>>
      %dma_start3A_37 = tpu.memref_squeeze %dma_start3A_36 : memref<1x112x128xi32, #tpu.memory_space<hbm>> -> memref<112x128xi32, #tpu.memory_space<hbm>>
      tpu.enqueue_dma source(%dma_start3A_37 : memref<112x128xi32, #tpu.memory_space<hbm>>) target(%arg8 : memref<112x128xi32, #tpu.memory_space<vmem>>) target_semaphore(%run_scoped3A : memref<!tpu.dma_semaphore, #tpu.memory_space<semaphore_mem>>)
      %dma_wait3A_38 = arith.constant 0 : i32
      %dma_wait3A_39 = arith.constant 0 : i32
      %dma_wait3A_40 = tpu.memref_slice %arg3[%add3A, %dma_wait3A_38, %dma_wait3A_39] : memref<32x112x128xi32, #tpu.memory_space<hbm>> -> memref<1x112x128xi32, #tpu.memory_space<hbm>>
      %dma_wait3A_41 = tpu.memref_squeeze %dma_wait3A_40 : memref<1x112x128xi32, #tpu.memory_space<hbm>> -> memref<112x128xi32, #tpu.memory_space<hbm>>
      %dma_wait3A_42 = arith.constant 0 : i32
      %dma_wait3A_43 = arith.constant 0 : i32
      %dma_wait3A_44 = tpu.memref_slice %arg3[%add3A, %dma_wait3A_42, %dma_wait3A_43] : memref<32x112x128xi32, #tpu.memory_space<hbm>> -> memref<1x112x128xi32, #tpu.memory_space<hbm>>
      %dma_wait3A_45 = tpu.memref_squeeze %dma_wait3A_44 : memref<1x112x128xi32, #tpu.memory_space<hbm>> -> memref<112x128xi32, #tpu.memory_space<hbm>>
      tpu.wait_dma2 semaphore(%run_scoped3A : memref<!tpu.dma_semaphore, #tpu.memory_space<semaphore_mem>>) src(%dma_wait3A_45 : memref<112x128xi32, #tpu.memory_space<hbm>>) dst(%arg8 : memref<112x128xi32, #tpu.memory_space<vmem>>)
      tpu.yield
    }) : () -> ()
    "tpu.region"() ({
      %run_scoped3A = tpu.sem_alloc : memref<!tpu.dma_semaphore, #tpu.memory_space<semaphore_mem>>
      %dma_start3A = arith.constant 0 : i32
      %dma_start3A_31 = arith.constant 0 : i32
      %dma_start3A_32 = tpu.memref_slice %arg5[%dma_start3A, %dma_start3A_31] : memref<10240x128xf32, #tpu.memory_space<hbm>> -> memref<128x128xf32, #tpu.memory_space<hbm>>
      %dma_start3A_33 = arith.constant 0 : i32
      %dma_start3A_34 = arith.constant 0 : i32
      %dma_start3A_35 = tpu.memref_slice %arg5[%dma_start3A_33, %dma_start3A_34] : memref<10240x128xf32, #tpu.memory_space<hbm>> -> memref<128x128xf32, #tpu.memory_space<hbm>>
      tpu.enqueue_dma source(%dma_start3A_35 : memref<128x128xf32, #tpu.memory_space<hbm>>) target(%arg11 : memref<128x128xf32, #tpu.memory_space<vmem>>) target_semaphore(%run_scoped3A : memref<!tpu.dma_semaphore, #tpu.memory_space<semaphore_mem>>)
      %dma_wait3A_36 = arith.constant 0 : i32
      %dma_wait3A_37 = arith.constant 0 : i32
      %dma_wait3A_38 = tpu.memref_slice %arg5[%dma_wait3A_36, %dma_wait3A_37] : memref<10240x128xf32, #tpu.memory_space<hbm>> -> memref<128x128xf32, #tpu.memory_space<hbm>>
      %dma_wait3A_39 = arith.constant 0 : i32
      %dma_wait3A_40 = arith.constant 0 : i32
      %dma_wait3A_41 = tpu.memref_slice %arg5[%dma_wait3A_39, %dma_wait3A_40] : memref<10240x128xf32, #tpu.memory_space<hbm>> -> memref<128x128xf32, #tpu.memory_space<hbm>>
      tpu.wait_dma2 semaphore(%run_scoped3A : memref<!tpu.dma_semaphore, #tpu.memory_space<semaphore_mem>>) src(%dma_wait3A_41 : memref<128x128xf32, #tpu.memory_space<hbm>>) dst(%arg11 : memref<128x128xf32, #tpu.memory_space<vmem>>)
      tpu.yield
    }) : () -> ()
    %scan3A = arith.constant 0 : i32
    %scan3A_1 = arith.constant 0 : i32
    %scan3A_2 = arith.constant 5 : i32
    %scan3A_3 = arith.addi %scan3A_1, %scan3A_2 : i32
    %scan3A_4 = arith.constant 1 : i32
    scf.for %scan3A_31 = %scan3A_1 to %scan3A_3 step %scan3A_4  : i32 {
      "tpu.region"() ({
        %run_scoped3A = tpu.sem_alloc : memref<!tpu.dma_semaphore, #tpu.memory_space<semaphore_mem>>
        %dma_start3A = arith.constant 0 : i32
        %dma_start3A_32 = tpu.memref_slice %arg6[%arg1, %scan3A_31, %dma_start3A] : memref<16x5x128xi32, #tpu.memory_space<hbm>> -> memref<1x1x128xi32, #tpu.memory_space<hbm>>
        %dma_start3A_33 = tpu.memref_squeeze %dma_start3A_32 : memref<1x1x128xi32, #tpu.memory_space<hbm>> -> memref<128xi32, #tpu.memory_space<hbm>>
        %dma_start3A_34 = arith.constant 0 : i32
        %dma_start3A_35 = tpu.memref_slice %arg6[%arg1, %scan3A_31, %dma_start3A_34] : memref<16x5x128xi32, #tpu.memory_space<hbm>> -> memref<1x1x128xi32, #tpu.memory_space<hbm>>
        %dma_start3A_36 = tpu.memref_squeeze %dma_start3A_35 : memref<1x1x128xi32, #tpu.memory_space<hbm>> -> memref<128xi32, #tpu.memory_space<hbm>>
        tpu.enqueue_dma source(%dma_start3A_36 : memref<128xi32, #tpu.memory_space<hbm>>) target(%arg9 : memref<128xi32, #tpu.memory_space<vmem>>) target_semaphore(%run_scoped3A : memref<!tpu.dma_semaphore, #tpu.memory_space<semaphore_mem>>)
        %dma_wait3A_37 = arith.constant 0 : i32
        %dma_wait3A_38 = tpu.memref_slice %arg6[%arg1, %scan3A_31, %dma_wait3A_37] : memref<16x5x128xi32, #tpu.memory_space<hbm>> -> memref<1x1x128xi32, #tpu.memory_space<hbm>>
        %dma_wait3A_39 = tpu.memref_squeeze %dma_wait3A_38 : memref<1x1x128xi32, #tpu.memory_space<hbm>> -> memref<128xi32, #tpu.memory_space<hbm>>
        %dma_wait3A_40 = arith.constant 0 : i32
        %dma_wait3A_41 = tpu.memref_slice %arg6[%arg1, %scan3A_31, %dma_wait3A_40] : memref<16x5x128xi32, #tpu.memory_space<hbm>> -> memref<1x1x128xi32, #tpu.memory_space<hbm>>
        %dma_wait3A_42 = tpu.memref_squeeze %dma_wait3A_41 : memref<1x1x128xi32, #tpu.memory_space<hbm>> -> memref<128xi32, #tpu.memory_space<hbm>>
        tpu.wait_dma2 semaphore(%run_scoped3A : memref<!tpu.dma_semaphore, #tpu.memory_space<semaphore_mem>>) src(%dma_wait3A_42 : memref<128xi32, #tpu.memory_space<hbm>>) dst(%arg9 : memref<128xi32, #tpu.memory_space<vmem>>)
        tpu.yield
      }) : () -> ()
      "tpu.region"() ({
        %run_scoped3A = tpu.sem_alloc : memref<!tpu.dma_semaphore, #tpu.memory_space<semaphore_mem>>
        %dma_start3A = arith.constant 0 : i32
        %dma_start3A_32 = arith.constant 0 : i32
        %dma_start3A_33 = tpu.memref_slice %arg13[%dma_start3A, %dma_start3A_32] : memref<10240x128xf32, #tpu.memory_space<vmem_shared>> -> memref<10240x128xf32, #tpu.memory_space<vmem_shared>>
        tpu.enqueue_indirect_dma source(%arg11 : memref<128x128xf32, #tpu.memory_space<vmem>>) target(%dma_start3A_33 : memref<10240x128xf32, #tpu.memory_space<vmem_shared>>) offsets(%arg9 : memref<128xi32, #tpu.memory_space<vmem>>) semaphore(%run_scoped3A : memref<!tpu.dma_semaphore, #tpu.memory_space<semaphore_mem>>)
        %dma_wait3A_34 = arith.constant 0 : i32
        %dma_wait3A_35 = arith.constant 0 : i32
        %dma_wait3A_36 = tpu.memref_slice %arg13[%dma_wait3A_34, %dma_wait3A_35] : memref<10240x128xf32, #tpu.memory_space<vmem_shared>> -> memref<10240x128xf32, #tpu.memory_space<vmem_shared>>
        tpu.wait_indirect_dma semaphore(%run_scoped3A : memref<!tpu.dma_semaphore, #tpu.memory_space<semaphore_mem>>) src(%arg11 : memref<128x128xf32, #tpu.memory_space<vmem>>) dst(%dma_wait3A_36 : memref<10240x128xf32, #tpu.memory_space<vmem_shared>>)
        tpu.yield
      }) : () -> ()
    }
    %scan3A_5 = arith.constant 5 : i32
    %barrier3A = arith.constant 0 : index
    tpu.barrier barrier_id(%barrier3A)
    %eq3A = arith.constant 0 : i32
    %eq3A_6 = arith.cmpi eq, %arg0, %eq3A : i32
    %convert_element_type3A = arith.extui %eq3A_6 : i1 to i32
    %cond3A = arith.constant 0 : i32
    %cond3A_7 = arith.cmpi ne, %convert_element_type3A, %cond3A : i32
    scf.if %cond3A_7 {
      %scan3A_31 = arith.constant 0 : i32
      %scan3A_32 = arith.constant 0 : i32
      %scan3A_33 = arith.constant 24 : i32
      %scan3A_34 = arith.addi %scan3A_32, %scan3A_33 : i32
      %scan3A_35 = arith.constant 1 : i32
      scf.for %scan3A_37 = %scan3A_32 to %scan3A_34 step %scan3A_35  : i32 {
        %mul3A_38 = arith.constant 2 : i32
        %mul3A_39 = arith.muli %mul3A_38, %scan3A_37 : i32
        %add3A_40 = arith.constant 1 : i32
        %add3A_41 = arith.addi %mul3A_39, %add3A_40 : i32
        %gt3A = arith.constant 0 : i32
        %gt3A_42 = arith.cmpi sgt, %scan3A_37, %gt3A : i32
        %convert_element_type3A_43 = arith.extui %gt3A_42 : i1 to i32
        %cond3A_44 = arith.constant 0 : i32
        %cond3A_45 = arith.cmpi ne, %convert_element_type3A_43, %cond3A_44 : i32
        scf.if %cond3A_45 {
          %dma_wait3A_99 = arith.constant 0 : i32
          %dma_wait3A_100 = arith.constant 0 : i32
          %dma_wait3A_101 = tpu.memref_slice %arg5[%dma_wait3A_99, %dma_wait3A_100] : memref<10240x128xf32, #tpu.memory_space<hbm>> -> memref<128x128xf32, #tpu.memory_space<hbm>>
          %dma_wait3A_102 = arith.constant 0 : i32
          %dma_wait3A_103 = arith.constant 0 : i32
          %dma_wait3A_104 = tpu.memref_slice %arg5[%dma_wait3A_102, %dma_wait3A_103] : memref<10240x128xf32, #tpu.memory_space<hbm>> -> memref<128x128xf32, #tpu.memory_space<hbm>>
          tpu.wait_dma2 semaphore(%arg18 : memref<!tpu.dma_semaphore, #tpu.memory_space<semaphore_mem>>) src(%dma_wait3A_104 : memref<128x128xf32, #tpu.memory_space<hbm>>) dst(%arg11 : memref<128x128xf32, #tpu.memory_space<vmem>>)
          %dma_wait3A_105 = arith.constant 0 : i32
          %dma_wait3A_106 = arith.constant 0 : i32
          %dma_wait3A_107 = tpu.memref_slice %arg5[%dma_wait3A_105, %dma_wait3A_106] : memref<10240x128xf32, #tpu.memory_space<hbm>> -> memref<128x128xf32, #tpu.memory_space<hbm>>
          %dma_wait3A_108 = arith.constant 0 : i32
          %dma_wait3A_109 = arith.constant 0 : i32
          %dma_wait3A_110 = tpu.memref_slice %arg5[%dma_wait3A_108, %dma_wait3A_109] : memref<10240x128xf32, #tpu.memory_space<hbm>> -> memref<128x128xf32, #tpu.memory_space<hbm>>
          tpu.wait_dma2 semaphore(%arg19 : memref<!tpu.dma_semaphore, #tpu.memory_space<semaphore_mem>>) src(%dma_wait3A_110 : memref<128x128xf32, #tpu.memory_space<hbm>>) dst(%arg12 : memref<128x128xf32, #tpu.memory_space<vmem>>)
        } else {
        }
        %dma_start3A = arith.constant 0 : i32
        %dma_start3A_46 = tpu.memref_slice %arg4[%add3A, %mul3A_39, %dma_start3A] : memref<32x112x128xi32, #tpu.memory_space<hbm>> -> memref<1x1x128xi32, #tpu.memory_space<hbm>>
        %dma_start3A_47 = tpu.memref_squeeze %dma_start3A_46 : memref<1x1x128xi32, #tpu.memory_space<hbm>> -> memref<128xi32, #tpu.memory_space<hbm>>
        %dma_start3A_48 = arith.constant 0 : i32
        %dma_start3A_49 = tpu.memref_slice %arg4[%add3A, %mul3A_39, %dma_start3A_48] : memref<32x112x128xi32, #tpu.memory_space<hbm>> -> memref<1x1x128xi32, #tpu.memory_space<hbm>>
        %dma_start3A_50 = tpu.memref_squeeze %dma_start3A_49 : memref<1x1x128xi32, #tpu.memory_space<hbm>> -> memref<128xi32, #tpu.memory_space<hbm>>
        tpu.enqueue_dma source(%dma_start3A_50 : memref<128xi32, #tpu.memory_space<hbm>>) target(%arg9 : memref<128xi32, #tpu.memory_space<vmem>>) target_semaphore(%arg14 : memref<!tpu.dma_semaphore, #tpu.memory_space<semaphore_mem>>)
        %dma_start3A_51 = arith.constant 0 : i32
        %dma_start3A_52 = tpu.memref_slice %arg8[%mul3A_39, %dma_start3A_51] : memref<112x128xi32, #tpu.memory_space<vmem>> -> memref<1x128xi32, #tpu.memory_space<vmem>>
        %dma_start3A_53 = tpu.memref_squeeze %dma_start3A_52 : memref<1x128xi32, #tpu.memory_space<vmem>> -> memref<128xi32, #tpu.memory_space<vmem>>
        %dma_start3A_54 = arith.constant 0 : i32
        %dma_start3A_55 = arith.constant 0 : i32
        %dma_start3A_56 = tpu.memref_slice %arg2[%dma_start3A_54, %dma_start3A_55] : memref<10240x128xf32, #tpu.memory_space<hbm>> -> memref<10240x128xf32, #tpu.memory_space<hbm>>
        tpu.enqueue_indirect_dma source(%dma_start3A_56 : memref<10240x128xf32, #tpu.memory_space<hbm>>) target(%arg11 : memref<128x128xf32, #tpu.memory_space<vmem>>) offsets(%dma_start3A_53 : memref<128xi32, #tpu.memory_space<vmem>>) semaphore(%arg16 : memref<!tpu.dma_semaphore, #tpu.memory_space<semaphore_mem>>)
        %dma_start3A_57 = arith.constant 0 : i32
        %dma_start3A_58 = tpu.memref_slice %arg4[%add3A, %add3A_41, %dma_start3A_57] : memref<32x112x128xi32, #tpu.memory_space<hbm>> -> memref<1x1x128xi32, #tpu.memory_space<hbm>>
        %dma_start3A_59 = tpu.memref_squeeze %dma_start3A_58 : memref<1x1x128xi32, #tpu.memory_space<hbm>> -> memref<128xi32, #tpu.memory_space<hbm>>
        %dma_start3A_60 = arith.constant 0 : i32
        %dma_start3A_61 = tpu.memref_slice %arg4[%add3A, %add3A_41, %dma_start3A_60] : memref<32x112x128xi32, #tpu.memory_space<hbm>> -> memref<1x1x128xi32, #tpu.memory_space<hbm>>
        %dma_start3A_62 = tpu.memref_squeeze %dma_start3A_61 : memref<1x1x128xi32, #tpu.memory_space<hbm>> -> memref<128xi32, #tpu.memory_space<hbm>>
        tpu.enqueue_dma source(%dma_start3A_62 : memref<128xi32, #tpu.memory_space<hbm>>) target(%arg10 : memref<128xi32, #tpu.memory_space<vmem>>) target_semaphore(%arg15 : memref<!tpu.dma_semaphore, #tpu.memory_space<semaphore_mem>>)
        %dma_start3A_63 = arith.constant 0 : i32
        %dma_start3A_64 = tpu.memref_slice %arg8[%add3A_41, %dma_start3A_63] : memref<112x128xi32, #tpu.memory_space<vmem>> -> memref<1x128xi32, #tpu.memory_space<vmem>>
        %dma_start3A_65 = tpu.memref_squeeze %dma_start3A_64 : memref<1x128xi32, #tpu.memory_space<vmem>> -> memref<128xi32, #tpu.memory_space<vmem>>
        %dma_start3A_66 = arith.constant 0 : i32
        %dma_start3A_67 = arith.constant 0 : i32
        %dma_start3A_68 = tpu.memref_slice %arg2[%dma_start3A_66, %dma_start3A_67] : memref<10240x128xf32, #tpu.memory_space<hbm>> -> memref<10240x128xf32, #tpu.memory_space<hbm>>
        tpu.enqueue_indirect_dma source(%dma_start3A_68 : memref<10240x128xf32, #tpu.memory_space<hbm>>) target(%arg12 : memref<128x128xf32, #tpu.memory_space<vmem>>) offsets(%dma_start3A_65 : memref<128xi32, #tpu.memory_space<vmem>>) semaphore(%arg17 : memref<!tpu.dma_semaphore, #tpu.memory_space<semaphore_mem>>)
        %dma_wait3A_69 = arith.constant 0 : i32
        %dma_wait3A_70 = tpu.memref_slice %arg8[%mul3A_39, %dma_wait3A_69] : memref<112x128xi32, #tpu.memory_space<vmem>> -> memref<1x128xi32, #tpu.memory_space<vmem>>
        %dma_wait3A_71 = tpu.memref_squeeze %dma_wait3A_70 : memref<1x128xi32, #tpu.memory_space<vmem>> -> memref<128xi32, #tpu.memory_space<vmem>>
        %dma_wait3A_72 = arith.constant 0 : i32
        %dma_wait3A_73 = arith.constant 0 : i32
        %dma_wait3A_74 = tpu.memref_slice %arg2[%dma_wait3A_72, %dma_wait3A_73] : memref<10240x128xf32, #tpu.memory_space<hbm>> -> memref<10240x128xf32, #tpu.memory_space<hbm>>
        tpu.wait_indirect_dma semaphore(%arg16 : memref<!tpu.dma_semaphore, #tpu.memory_space<semaphore_mem>>) src(%dma_wait3A_74 : memref<10240x128xf32, #tpu.memory_space<hbm>>) dst(%arg11 : memref<128x128xf32, #tpu.memory_space<vmem>>)
        %dma_wait3A_75 = arith.constant 0 : i32
        %dma_wait3A_76 = tpu.memref_slice %arg4[%add3A, %mul3A_39, %dma_wait3A_75] : memref<32x112x128xi32, #tpu.memory_space<hbm>> -> memref<1x1x128xi32, #tpu.memory_space<hbm>>
        %dma_wait3A_77 = tpu.memref_squeeze %dma_wait3A_76 : memref<1x1x128xi32, #tpu.memory_space<hbm>> -> memref<128xi32, #tpu.memory_space<hbm>>
        %dma_wait3A_78 = arith.constant 0 : i32
        %dma_wait3A_79 = tpu.memref_slice %arg4[%add3A, %mul3A_39, %dma_wait3A_78] : memref<32x112x128xi32, #tpu.memory_space<hbm>> -> memref<1x1x128xi32, #tpu.memory_space<hbm>>
        %dma_wait3A_80 = tpu.memref_squeeze %dma_wait3A_79 : memref<1x1x128xi32, #tpu.memory_space<hbm>> -> memref<128xi32, #tpu.memory_space<hbm>>
        tpu.wait_dma2 semaphore(%arg14 : memref<!tpu.dma_semaphore, #tpu.memory_space<semaphore_mem>>) src(%dma_wait3A_80 : memref<128xi32, #tpu.memory_space<hbm>>) dst(%arg9 : memref<128xi32, #tpu.memory_space<vmem>>)
        %dma_start3A_81 = arith.constant 0 : i32
        %dma_start3A_82 = arith.constant 0 : i32
        %dma_start3A_83 = tpu.memref_slice %arg13[%dma_start3A_81, %dma_start3A_82] : memref<10240x128xf32, #tpu.memory_space<vmem_shared>> -> memref<10240x128xf32, #tpu.memory_space<vmem_shared>>
        tpu.enqueue_indirect_dma source(%arg11 : memref<128x128xf32, #tpu.memory_space<vmem>>) target(%dma_start3A_83 : memref<10240x128xf32, #tpu.memory_space<vmem_shared>>) offsets(%arg9 : memref<128xi32, #tpu.memory_space<vmem>>) semaphore(%arg18 : memref<!tpu.dma_semaphore, #tpu.memory_space<semaphore_mem>>) {add = true}
        %dma_wait3A_84 = arith.constant 0 : i32
        %dma_wait3A_85 = tpu.memref_slice %arg8[%add3A_41, %dma_wait3A_84] : memref<112x128xi32, #tpu.memory_space<vmem>> -> memref<1x128xi32, #tpu.memory_space<vmem>>
        %dma_wait3A_86 = tpu.memref_squeeze %dma_wait3A_85 : memref<1x128xi32, #tpu.memory_space<vmem>> -> memref<128xi32, #tpu.memory_space<vmem>>
        %dma_wait3A_87 = arith.constant 0 : i32
        %dma_wait3A_88 = arith.constant 0 : i32
        %dma_wait3A_89 = tpu.memref_slice %arg2[%dma_wait3A_87, %dma_wait3A_88] : memref<10240x128xf32, #tpu.memory_space<hbm>> -> memref<10240x128xf32, #tpu.memory_space<hbm>>
        tpu.wait_indirect_dma semaphore(%arg17 : memref<!tpu.dma_semaphore, #tpu.memory_space<semaphore_mem>>) src(%dma_wait3A_89 : memref<10240x128xf32, #tpu.memory_space<hbm>>) dst(%arg12 : memref<128x128xf32, #tpu.memory_space<vmem>>)
        %dma_wait3A_90 = arith.constant 0 : i32
        %dma_wait3A_91 = tpu.memref_slice %arg4[%add3A, %add3A_41, %dma_wait3A_90] : memref<32x112x128xi32, #tpu.memory_space<hbm>> -> memref<1x1x128xi32, #tpu.memory_space<hbm>>
        %dma_wait3A_92 = tpu.memref_squeeze %dma_wait3A_91 : memref<1x1x128xi32, #tpu.memory_space<hbm>> -> memref<128xi32, #tpu.memory_space<hbm>>
        %dma_wait3A_93 = arith.constant 0 : i32
        %dma_wait3A_94 = tpu.memref_slice %arg4[%add3A, %add3A_41, %dma_wait3A_93] : memref<32x112x128xi32, #tpu.memory_space<hbm>> -> memref<1x1x128xi32, #tpu.memory_space<hbm>>
        %dma_wait3A_95 = tpu.memref_squeeze %dma_wait3A_94 : memref<1x1x128xi32, #tpu.memory_space<hbm>> -> memref<128xi32, #tpu.memory_space<hbm>>
        tpu.wait_dma2 semaphore(%arg15 : memref<!tpu.dma_semaphore, #tpu.memory_space<semaphore_mem>>) src(%dma_wait3A_95 : memref<128xi32, #tpu.memory_space<hbm>>) dst(%arg10 : memref<128xi32, #tpu.memory_space<vmem>>)
        %dma_start3A_96 = arith.constant 0 : i32
        %dma_start3A_97 = arith.constant 0 : i32
        %dma_start3A_98 = tpu.memref_slice %arg13[%dma_start3A_96, %dma_start3A_97] : memref<10240x128xf32, #tpu.memory_space<vmem_shared>> -> memref<10240x128xf32, #tpu.memory_space<vmem_shared>>
        tpu.enqueue_indirect_dma source(%arg12 : memref<128x128xf32, #tpu.memory_space<vmem>>) target(%dma_start3A_98 : memref<10240x128xf32, #tpu.memory_space<vmem_shared>>) offsets(%arg10 : memref<128xi32, #tpu.memory_space<vmem>>) semaphore(%arg19 : memref<!tpu.dma_semaphore, #tpu.memory_space<semaphore_mem>>) {add = true}
      }
      %scan3A_36 = arith.constant 24 : i32
    } else {
    }
    %eq3A_8 = arith.constant 1 : i32
    %eq3A_9 = arith.cmpi eq, %arg0, %eq3A_8 : i32
    %convert_element_type3A_10 = arith.extui %eq3A_9 : i1 to i32
    %cond3A_11 = arith.constant 0 : i32
    %cond3A_12 = arith.cmpi ne, %convert_element_type3A_10, %cond3A_11 : i32
    scf.if %cond3A_12 {
      %scan3A_31 = arith.constant 0 : i32
      %scan3A_32 = arith.constant 0 : i32
      %scan3A_33 = arith.constant 56 : i32
      %scan3A_34 = arith.addi %scan3A_32, %scan3A_33 : i32
      %scan3A_35 = arith.constant 1 : i32
      scf.for %scan3A_37 = %scan3A_32 to %scan3A_34 step %scan3A_35  : i32 {
        %mul3A_38 = arith.constant 2 : i32
        %mul3A_39 = arith.muli %mul3A_38, %scan3A_37 : i32
        %add3A_40 = arith.constant 1 : i32
        %add3A_41 = arith.addi %mul3A_39, %add3A_40 : i32
        %gt3A = arith.constant 0 : i32
        %gt3A_42 = arith.cmpi sgt, %scan3A_37, %gt3A : i32
        %convert_element_type3A_43 = arith.extui %gt3A_42 : i1 to i32
        %cond3A_44 = arith.constant 0 : i32
        %cond3A_45 = arith.cmpi ne, %convert_element_type3A_43, %cond3A_44 : i32
        scf.if %cond3A_45 {
          %dma_wait3A_99 = arith.constant 0 : i32
          %dma_wait3A_100 = arith.constant 0 : i32
          %dma_wait3A_101 = tpu.memref_slice %arg5[%dma_wait3A_99, %dma_wait3A_100] : memref<10240x128xf32, #tpu.memory_space<hbm>> -> memref<128x128xf32, #tpu.memory_space<hbm>>
          %dma_wait3A_102 = arith.constant 0 : i32
          %dma_wait3A_103 = arith.constant 0 : i32
          %dma_wait3A_104 = tpu.memref_slice %arg5[%dma_wait3A_102, %dma_wait3A_103] : memref<10240x128xf32, #tpu.memory_space<hbm>> -> memref<128x128xf32, #tpu.memory_space<hbm>>
          tpu.wait_dma2 semaphore(%arg18 : memref<!tpu.dma_semaphore, #tpu.memory_space<semaphore_mem>>) src(%dma_wait3A_104 : memref<128x128xf32, #tpu.memory_space<hbm>>) dst(%arg11 : memref<128x128xf32, #tpu.memory_space<vmem>>)
          %dma_wait3A_105 = arith.constant 0 : i32
          %dma_wait3A_106 = arith.constant 0 : i32
          %dma_wait3A_107 = tpu.memref_slice %arg5[%dma_wait3A_105, %dma_wait3A_106] : memref<10240x128xf32, #tpu.memory_space<hbm>> -> memref<128x128xf32, #tpu.memory_space<hbm>>
          %dma_wait3A_108 = arith.constant 0 : i32
          %dma_wait3A_109 = arith.constant 0 : i32
          %dma_wait3A_110 = tpu.memref_slice %arg5[%dma_wait3A_108, %dma_wait3A_109] : memref<10240x128xf32, #tpu.memory_space<hbm>> -> memref<128x128xf32, #tpu.memory_space<hbm>>
          tpu.wait_dma2 semaphore(%arg19 : memref<!tpu.dma_semaphore, #tpu.memory_space<semaphore_mem>>) src(%dma_wait3A_110 : memref<128x128xf32, #tpu.memory_space<hbm>>) dst(%arg12 : memref<128x128xf32, #tpu.memory_space<vmem>>)
        } else {
        }
        %dma_start3A = arith.constant 0 : i32
        %dma_start3A_46 = tpu.memref_slice %arg4[%add3A, %mul3A_39, %dma_start3A] : memref<32x112x128xi32, #tpu.memory_space<hbm>> -> memref<1x1x128xi32, #tpu.memory_space<hbm>>
        %dma_start3A_47 = tpu.memref_squeeze %dma_start3A_46 : memref<1x1x128xi32, #tpu.memory_space<hbm>> -> memref<128xi32, #tpu.memory_space<hbm>>
        %dma_start3A_48 = arith.constant 0 : i32
        %dma_start3A_49 = tpu.memref_slice %arg4[%add3A, %mul3A_39, %dma_start3A_48] : memref<32x112x128xi32, #tpu.memory_space<hbm>> -> memref<1x1x128xi32, #tpu.memory_space<hbm>>
        %dma_start3A_50 = tpu.memref_squeeze %dma_start3A_49 : memref<1x1x128xi32, #tpu.memory_space<hbm>> -> memref<128xi32, #tpu.memory_space<hbm>>
        tpu.enqueue_dma source(%dma_start3A_50 : memref<128xi32, #tpu.memory_space<hbm>>) target(%arg9 : memref<128xi32, #tpu.memory_space<vmem>>) target_semaphore(%arg14 : memref<!tpu.dma_semaphore, #tpu.memory_space<semaphore_mem>>)
        %dma_start3A_51 = arith.constant 0 : i32
        %dma_start3A_52 = tpu.memref_slice %arg8[%mul3A_39, %dma_start3A_51] : memref<112x128xi32, #tpu.memory_space<vmem>> -> memref<1x128xi32, #tpu.memory_space<vmem>>
        %dma_start3A_53 = tpu.memref_squeeze %dma_start3A_52 : memref<1x128xi32, #tpu.memory_space<vmem>> -> memref<128xi32, #tpu.memory_space<vmem>>
        %dma_start3A_54 = arith.constant 0 : i32
        %dma_start3A_55 = arith.constant 0 : i32
        %dma_start3A_56 = tpu.memref_slice %arg2[%dma_start3A_54, %dma_start3A_55] : memref<10240x128xf32, #tpu.memory_space<hbm>> -> memref<10240x128xf32, #tpu.memory_space<hbm>>
        tpu.enqueue_indirect_dma source(%dma_start3A_56 : memref<10240x128xf32, #tpu.memory_space<hbm>>) target(%arg11 : memref<128x128xf32, #tpu.memory_space<vmem>>) offsets(%dma_start3A_53 : memref<128xi32, #tpu.memory_space<vmem>>) semaphore(%arg16 : memref<!tpu.dma_semaphore, #tpu.memory_space<semaphore_mem>>)
        %dma_start3A_57 = arith.constant 0 : i32
        %dma_start3A_58 = tpu.memref_slice %arg4[%add3A, %add3A_41, %dma_start3A_57] : memref<32x112x128xi32, #tpu.memory_space<hbm>> -> memref<1x1x128xi32, #tpu.memory_space<hbm>>
        %dma_start3A_59 = tpu.memref_squeeze %dma_start3A_58 : memref<1x1x128xi32, #tpu.memory_space<hbm>> -> memref<128xi32, #tpu.memory_space<hbm>>
        %dma_start3A_60 = arith.constant 0 : i32
        %dma_start3A_61 = tpu.memref_slice %arg4[%add3A, %add3A_41, %dma_start3A_60] : memref<32x112x128xi32, #tpu.memory_space<hbm>> -> memref<1x1x128xi32, #tpu.memory_space<hbm>>
        %dma_start3A_62 = tpu.memref_squeeze %dma_start3A_61 : memref<1x1x128xi32, #tpu.memory_space<hbm>> -> memref<128xi32, #tpu.memory_space<hbm>>
        tpu.enqueue_dma source(%dma_start3A_62 : memref<128xi32, #tpu.memory_space<hbm>>) target(%arg10 : memref<128xi32, #tpu.memory_space<vmem>>) target_semaphore(%arg15 : memref<!tpu.dma_semaphore, #tpu.memory_space<semaphore_mem>>)
        %dma_start3A_63 = arith.constant 0 : i32
        %dma_start3A_64 = tpu.memref_slice %arg8[%add3A_41, %dma_start3A_63] : memref<112x128xi32, #tpu.memory_space<vmem>> -> memref<1x128xi32, #tpu.memory_space<vmem>>
        %dma_start3A_65 = tpu.memref_squeeze %dma_start3A_64 : memref<1x128xi32, #tpu.memory_space<vmem>> -> memref<128xi32, #tpu.memory_space<vmem>>
        %dma_start3A_66 = arith.constant 0 : i32
        %dma_start3A_67 = arith.constant 0 : i32
        %dma_start3A_68 = tpu.memref_slice %arg2[%dma_start3A_66, %dma_start3A_67] : memref<10240x128xf32, #tpu.memory_space<hbm>> -> memref<10240x128xf32, #tpu.memory_space<hbm>>
        tpu.enqueue_indirect_dma source(%dma_start3A_68 : memref<10240x128xf32, #tpu.memory_space<hbm>>) target(%arg12 : memref<128x128xf32, #tpu.memory_space<vmem>>) offsets(%dma_start3A_65 : memref<128xi32, #tpu.memory_space<vmem>>) semaphore(%arg17 : memref<!tpu.dma_semaphore, #tpu.memory_space<semaphore_mem>>)
        %dma_wait3A_69 = arith.constant 0 : i32
        %dma_wait3A_70 = tpu.memref_slice %arg8[%mul3A_39, %dma_wait3A_69] : memref<112x128xi32, #tpu.memory_space<vmem>> -> memref<1x128xi32, #tpu.memory_space<vmem>>
        %dma_wait3A_71 = tpu.memref_squeeze %dma_wait3A_70 : memref<1x128xi32, #tpu.memory_space<vmem>> -> memref<128xi32, #tpu.memory_space<vmem>>
        %dma_wait3A_72 = arith.constant 0 : i32
        %dma_wait3A_73 = arith.constant 0 : i32
        %dma_wait3A_74 = tpu.memref_slice %arg2[%dma_wait3A_72, %dma_wait3A_73] : memref<10240x128xf32, #tpu.memory_space<hbm>> -> memref<10240x128xf32, #tpu.memory_space<hbm>>
        tpu.wait_indirect_dma semaphore(%arg16 : memref<!tpu.dma_semaphore, #tpu.memory_space<semaphore_mem>>) src(%dma_wait3A_74 : memref<10240x128xf32, #tpu.memory_space<hbm>>) dst(%arg11 : memref<128x128xf32, #tpu.memory_space<vmem>>)
        %dma_wait3A_75 = arith.constant 0 : i32
        %dma_wait3A_76 = tpu.memref_slice %arg4[%add3A, %mul3A_39, %dma_wait3A_75] : memref<32x112x128xi32, #tpu.memory_space<hbm>> -> memref<1x1x128xi32, #tpu.memory_space<hbm>>
        %dma_wait3A_77 = tpu.memref_squeeze %dma_wait3A_76 : memref<1x1x128xi32, #tpu.memory_space<hbm>> -> memref<128xi32, #tpu.memory_space<hbm>>
        %dma_wait3A_78 = arith.constant 0 : i32
        %dma_wait3A_79 = tpu.memref_slice %arg4[%add3A, %mul3A_39, %dma_wait3A_78] : memref<32x112x128xi32, #tpu.memory_space<hbm>> -> memref<1x1x128xi32, #tpu.memory_space<hbm>>
        %dma_wait3A_80 = tpu.memref_squeeze %dma_wait3A_79 : memref<1x1x128xi32, #tpu.memory_space<hbm>> -> memref<128xi32, #tpu.memory_space<hbm>>
        tpu.wait_dma2 semaphore(%arg14 : memref<!tpu.dma_semaphore, #tpu.memory_space<semaphore_mem>>) src(%dma_wait3A_80 : memref<128xi32, #tpu.memory_space<hbm>>) dst(%arg9 : memref<128xi32, #tpu.memory_space<vmem>>)
        %dma_start3A_81 = arith.constant 0 : i32
        %dma_start3A_82 = arith.constant 0 : i32
        %dma_start3A_83 = tpu.memref_slice %arg13[%dma_start3A_81, %dma_start3A_82] : memref<10240x128xf32, #tpu.memory_space<vmem_shared>> -> memref<10240x128xf32, #tpu.memory_space<vmem_shared>>
        tpu.enqueue_indirect_dma source(%arg11 : memref<128x128xf32, #tpu.memory_space<vmem>>) target(%dma_start3A_83 : memref<10240x128xf32, #tpu.memory_space<vmem_shared>>) offsets(%arg9 : memref<128xi32, #tpu.memory_space<vmem>>) semaphore(%arg18 : memref<!tpu.dma_semaphore, #tpu.memory_space<semaphore_mem>>) {add = true}
        %dma_wait3A_84 = arith.constant 0 : i32
        %dma_wait3A_85 = tpu.memref_slice %arg8[%add3A_41, %dma_wait3A_84] : memref<112x128xi32, #tpu.memory_space<vmem>> -> memref<1x128xi32, #tpu.memory_space<vmem>>
        %dma_wait3A_86 = tpu.memref_squeeze %dma_wait3A_85 : memref<1x128xi32, #tpu.memory_space<vmem>> -> memref<128xi32, #tpu.memory_space<vmem>>
        %dma_wait3A_87 = arith.constant 0 : i32
        %dma_wait3A_88 = arith.constant 0 : i32
        %dma_wait3A_89 = tpu.memref_slice %arg2[%dma_wait3A_87, %dma_wait3A_88] : memref<10240x128xf32, #tpu.memory_space<hbm>> -> memref<10240x128xf32, #tpu.memory_space<hbm>>
        tpu.wait_indirect_dma semaphore(%arg17 : memref<!tpu.dma_semaphore, #tpu.memory_space<semaphore_mem>>) src(%dma_wait3A_89 : memref<10240x128xf32, #tpu.memory_space<hbm>>) dst(%arg12 : memref<128x128xf32, #tpu.memory_space<vmem>>)
        %dma_wait3A_90 = arith.constant 0 : i32
        %dma_wait3A_91 = tpu.memref_slice %arg4[%add3A, %add3A_41, %dma_wait3A_90] : memref<32x112x128xi32, #tpu.memory_space<hbm>> -> memref<1x1x128xi32, #tpu.memory_space<hbm>>
        %dma_wait3A_92 = tpu.memref_squeeze %dma_wait3A_91 : memref<1x1x128xi32, #tpu.memory_space<hbm>> -> memref<128xi32, #tpu.memory_space<hbm>>
        %dma_wait3A_93 = arith.constant 0 : i32
        %dma_wait3A_94 = tpu.memref_slice %arg4[%add3A, %add3A_41, %dma_wait3A_93] : memref<32x112x128xi32, #tpu.memory_space<hbm>> -> memref<1x1x128xi32, #tpu.memory_space<hbm>>
        %dma_wait3A_95 = tpu.memref_squeeze %dma_wait3A_94 : memref<1x1x128xi32, #tpu.memory_space<hbm>> -> memref<128xi32, #tpu.memory_space<hbm>>
        tpu.wait_dma2 semaphore(%arg15 : memref<!tpu.dma_semaphore, #tpu.memory_space<semaphore_mem>>) src(%dma_wait3A_95 : memref<128xi32, #tpu.memory_space<hbm>>) dst(%arg10 : memref<128xi32, #tpu.memory_space<vmem>>)
        %dma_start3A_96 = arith.constant 0 : i32
        %dma_start3A_97 = arith.constant 0 : i32
        %dma_start3A_98 = tpu.memref_slice %arg13[%dma_start3A_96, %dma_start3A_97] : memref<10240x128xf32, #tpu.memory_space<vmem_shared>> -> memref<10240x128xf32, #tpu.memory_space<vmem_shared>>
        tpu.enqueue_indirect_dma source(%arg12 : memref<128x128xf32, #tpu.memory_space<vmem>>) target(%dma_start3A_98 : memref<10240x128xf32, #tpu.memory_space<vmem_shared>>) offsets(%arg10 : memref<128xi32, #tpu.memory_space<vmem>>) semaphore(%arg19 : memref<!tpu.dma_semaphore, #tpu.memory_space<semaphore_mem>>) {add = true}
      }
      %scan3A_36 = arith.constant 56 : i32
    } else {
    }
    %dma_wait3A = arith.constant 0 : i32
    %dma_wait3A_13 = arith.constant 0 : i32
    %dma_wait3A_14 = tpu.memref_slice %arg5[%dma_wait3A, %dma_wait3A_13] : memref<10240x128xf32, #tpu.memory_space<hbm>> -> memref<128x128xf32, #tpu.memory_space<hbm>>
    %dma_wait3A_15 = arith.constant 0 : i32
    %dma_wait3A_16 = arith.constant 0 : i32
    %dma_wait3A_17 = tpu.memref_slice %arg5[%dma_wait3A_15, %dma_wait3A_16] : memref<10240x128xf32, #tpu.memory_space<hbm>> -> memref<128x128xf32, #tpu.memory_space<hbm>>
    tpu.wait_dma2 semaphore(%arg18 : memref<!tpu.dma_semaphore, #tpu.memory_space<semaphore_mem>>) src(%dma_wait3A_17 : memref<128x128xf32, #tpu.memory_space<hbm>>) dst(%arg11 : memref<128x128xf32, #tpu.memory_space<vmem>>)
    %dma_wait3A_18 = arith.constant 0 : i32
    %dma_wait3A_19 = arith.constant 0 : i32
    %dma_wait3A_20 = tpu.memref_slice %arg5[%dma_wait3A_18, %dma_wait3A_19] : memref<10240x128xf32, #tpu.memory_space<hbm>> -> memref<128x128xf32, #tpu.memory_space<hbm>>
    %dma_wait3A_21 = arith.constant 0 : i32
    %dma_wait3A_22 = arith.constant 0 : i32
    %dma_wait3A_23 = tpu.memref_slice %arg5[%dma_wait3A_21, %dma_wait3A_22] : memref<10240x128xf32, #tpu.memory_space<hbm>> -> memref<128x128xf32, #tpu.memory_space<hbm>>
    tpu.wait_dma2 semaphore(%arg19 : memref<!tpu.dma_semaphore, #tpu.memory_space<semaphore_mem>>) src(%dma_wait3A_23 : memref<128x128xf32, #tpu.memory_space<hbm>>) dst(%arg12 : memref<128x128xf32, #tpu.memory_space<vmem>>)
    %barrier3A_24 = arith.constant 0 : index
    tpu.barrier barrier_id(%barrier3A_24)
    %scan3A_25 = arith.constant 0 : i32
    %scan3A_26 = arith.constant 0 : i32
    %scan3A_27 = arith.constant 5 : i32
    %scan3A_28 = arith.addi %scan3A_26, %scan3A_27 : i32
    %scan3A_29 = arith.constant 1 : i32
    scf.for %scan3A_31 = %scan3A_26 to %scan3A_28 step %scan3A_29  : i32 {
      "tpu.region"() ({
        %run_scoped3A = tpu.sem_alloc : memref<!tpu.dma_semaphore, #tpu.memory_space<semaphore_mem>>
        %dma_start3A_42 = arith.constant 0 : i32
        %dma_start3A_43 = tpu.memref_slice %arg6[%arg1, %scan3A_31, %dma_start3A_42] : memref<16x5x128xi32, #tpu.memory_space<hbm>> -> memref<1x1x128xi32, #tpu.memory_space<hbm>>
        %dma_start3A_44 = tpu.memref_squeeze %dma_start3A_43 : memref<1x1x128xi32, #tpu.memory_space<hbm>> -> memref<128xi32, #tpu.memory_space<hbm>>
        %dma_start3A_45 = arith.constant 0 : i32
        %dma_start3A_46 = tpu.memref_slice %arg6[%arg1, %scan3A_31, %dma_start3A_45] : memref<16x5x128xi32, #tpu.memory_space<hbm>> -> memref<1x1x128xi32, #tpu.memory_space<hbm>>
        %dma_start3A_47 = tpu.memref_squeeze %dma_start3A_46 : memref<1x1x128xi32, #tpu.memory_space<hbm>> -> memref<128xi32, #tpu.memory_space<hbm>>
        tpu.enqueue_dma source(%dma_start3A_47 : memref<128xi32, #tpu.memory_space<hbm>>) target(%arg9 : memref<128xi32, #tpu.memory_space<vmem>>) target_semaphore(%run_scoped3A : memref<!tpu.dma_semaphore, #tpu.memory_space<semaphore_mem>>)
        %dma_wait3A_48 = arith.constant 0 : i32
        %dma_wait3A_49 = tpu.memref_slice %arg6[%arg1, %scan3A_31, %dma_wait3A_48] : memref<16x5x128xi32, #tpu.memory_space<hbm>> -> memref<1x1x128xi32, #tpu.memory_space<hbm>>
        %dma_wait3A_50 = tpu.memref_squeeze %dma_wait3A_49 : memref<1x1x128xi32, #tpu.memory_space<hbm>> -> memref<128xi32, #tpu.memory_space<hbm>>
        %dma_wait3A_51 = arith.constant 0 : i32
        %dma_wait3A_52 = tpu.memref_slice %arg6[%arg1, %scan3A_31, %dma_wait3A_51] : memref<16x5x128xi32, #tpu.memory_space<hbm>> -> memref<1x1x128xi32, #tpu.memory_space<hbm>>
        %dma_wait3A_53 = tpu.memref_squeeze %dma_wait3A_52 : memref<1x1x128xi32, #tpu.memory_space<hbm>> -> memref<128xi32, #tpu.memory_space<hbm>>
        tpu.wait_dma2 semaphore(%run_scoped3A : memref<!tpu.dma_semaphore, #tpu.memory_space<semaphore_mem>>) src(%dma_wait3A_53 : memref<128xi32, #tpu.memory_space<hbm>>) dst(%arg9 : memref<128xi32, #tpu.memory_space<vmem>>)
        tpu.yield
      }) : () -> ()
      %dma_start3A = arith.constant 0 : i32
      %dma_start3A_32 = arith.constant 0 : i32
      %dma_start3A_33 = tpu.memref_slice %arg13[%dma_start3A, %dma_start3A_32] : memref<10240x128xf32, #tpu.memory_space<vmem_shared>> -> memref<10240x128xf32, #tpu.memory_space<vmem_shared>>
      tpu.enqueue_indirect_dma source(%dma_start3A_33 : memref<10240x128xf32, #tpu.memory_space<vmem_shared>>) target(%arg11 : memref<128x128xf32, #tpu.memory_space<vmem>>) offsets(%arg9 : memref<128xi32, #tpu.memory_space<vmem>>) semaphore(%arg16 : memref<!tpu.dma_semaphore, #tpu.memory_space<semaphore_mem>>)
      %dma_wait3A_34 = arith.constant 0 : i32
      %dma_wait3A_35 = arith.constant 0 : i32
      %dma_wait3A_36 = tpu.memref_slice %arg13[%dma_wait3A_34, %dma_wait3A_35] : memref<10240x128xf32, #tpu.memory_space<vmem_shared>> -> memref<10240x128xf32, #tpu.memory_space<vmem_shared>>
      tpu.wait_indirect_dma semaphore(%arg16 : memref<!tpu.dma_semaphore, #tpu.memory_space<semaphore_mem>>) src(%dma_wait3A_36 : memref<10240x128xf32, #tpu.memory_space<vmem_shared>>) dst(%arg11 : memref<128x128xf32, #tpu.memory_space<vmem>>)
      %mul3A_37 = arith.constant 640 : i32
      %mul3A_38 = arith.muli %arg1, %mul3A_37 : i32
      %mul3A_39 = arith.constant 128 : i32
      %mul3A_40 = arith.muli %scan3A_31, %mul3A_39 : i32
      %add3A_41 = arith.addi %mul3A_38, %mul3A_40 : i32
      "tpu.region"() ({
        %run_scoped3A = tpu.sem_alloc : memref<!tpu.dma_semaphore, #tpu.memory_space<semaphore_mem>>
        %dma_start3A_42 = arith.constant 0 : i32
        %dma_start3A_43 = tpu.memref_slice %arg7[%arg0, %add3A_41, %dma_start3A_42] : memref<2x10240x128xf32, #tpu.memory_space<hbm>> -> memref<1x128x128xf32, #tpu.memory_space<hbm>>
        %dma_start3A_44 = tpu.memref_squeeze %dma_start3A_43 : memref<1x128x128xf32, #tpu.memory_space<hbm>> -> memref<128x128xf32, #tpu.memory_space<hbm>>
        %dma_start3A_45 = arith.constant 0 : i32
        %dma_start3A_46 = tpu.memref_slice %arg7[%arg0, %add3A_41, %dma_start3A_45] : memref<2x10240x128xf32, #tpu.memory_space<hbm>> -> memref<1x128x128xf32, #tpu.memory_space<hbm>>
        %dma_start3A_47 = tpu.memref_squeeze %dma_start3A_46 : memref<1x128x128xf32, #tpu.memory_space<hbm>> -> memref<128x128xf32, #tpu.memory_space<hbm>>
        tpu.enqueue_dma source(%arg11 : memref<128x128xf32, #tpu.memory_space<vmem>>) target(%dma_start3A_47 : memref<128x128xf32, #tpu.memory_space<hbm>>) target_semaphore(%run_scoped3A : memref<!tpu.dma_semaphore, #tpu.memory_space<semaphore_mem>>)
        %dma_wait3A_48 = arith.constant 0 : i32
        %dma_wait3A_49 = tpu.memref_slice %arg7[%arg0, %add3A_41, %dma_wait3A_48] : memref<2x10240x128xf32, #tpu.memory_space<hbm>> -> memref<1x128x128xf32, #tpu.memory_space<hbm>>
        %dma_wait3A_50 = tpu.memref_squeeze %dma_wait3A_49 : memref<1x128x128xf32, #tpu.memory_space<hbm>> -> memref<128x128xf32, #tpu.memory_space<hbm>>
        %dma_wait3A_51 = arith.constant 0 : i32
        %dma_wait3A_52 = tpu.memref_slice %arg7[%arg0, %add3A_41, %dma_wait3A_51] : memref<2x10240x128xf32, #tpu.memory_space<hbm>> -> memref<1x128x128xf32, #tpu.memory_space<hbm>>
        %dma_wait3A_53 = tpu.memref_squeeze %dma_wait3A_52 : memref<1x128x128xf32, #tpu.memory_space<hbm>> -> memref<128x128xf32, #tpu.memory_space<hbm>>
        tpu.wait_dma2 semaphore(%run_scoped3A : memref<!tpu.dma_semaphore, #tpu.memory_space<semaphore_mem>>) src(%arg11 : memref<128x128xf32, #tpu.memory_space<vmem>>) dst(%dma_wait3A_53 : memref<128x128xf32, #tpu.memory_space<hbm>>)
        tpu.yield
      }) : () -> ()
    }
    %scan3A_30 = arith.constant 5 : i32
    return
  }
}

module attributes {stable_mosaic.version = 14 : i64} {
  func.func @body(%arg0: i32, %arg1: memref<2x512x16xf32, #tpu.memory_space<vmem>>, %arg2: memref<512x128xf32, #tpu.memory_space<vmem>>, %arg3: memref<128x128xf32, #tpu.memory_space<vmem>>, %arg4: memref<512x16xf32, #tpu.memory_space<vmem>>, %arg5: memref<512x128xf32, #tpu.memory_space<vmem>>) attributes {dimension_semantics = [#tpu.dimension_semantics<arbitrary>], iteration_bounds = array<i64: 20>, scalar_prefetch = 0 : i64, scratch_operands = 0 : i64, tpu.core_type = #tpu.core_type<tc>, window_params = [{transform_indices = @transform_0, window_bounds = array<i64: 2, 512, 16>}, {transform_indices = @transform_1, window_bounds = array<i64: 512, 128>}, {pipeline_mode = #tpu.pipeline_mode<synchronous>, transform_indices = @transform_2, window_bounds = array<i64: 128, 128>}, {transform_indices = @transform_3, window_bounds = array<i64: 512, 16>}, {transform_indices = @transform_4, window_bounds = array<i64: 512, 128>}]} {
    %get3A = arith.constant 0 : index
    %get3A_0 = arith.constant 0 : index
    %get3A_1 = arith.constant 0 : index
    %get3A_2 = vector.load %arg1[%get3A, %get3A_0, %get3A_1] : memref<2x512x16xf32, #tpu.memory_space<vmem>>, vector<1x512x16xf32>
    %get3A_3 = vector.shape_cast %get3A_2 : vector<1x512x16xf32> to vector<512x16xf32>
    %get3A_4 = arith.constant 1 : index
    %get3A_5 = arith.constant 0 : index
    %get3A_6 = arith.constant 0 : index
    %get3A_7 = vector.load %arg1[%get3A_4, %get3A_5, %get3A_6] : memref<2x512x16xf32, #tpu.memory_space<vmem>>, vector<1x512x16xf32>
    %get3A_8 = vector.shape_cast %get3A_7 : vector<1x512x16xf32> to vector<512x16xf32>
    %add3A = arith.addf %get3A_3, %get3A_8 : vector<512x16xf32>
    %add3A_9 = arith.constant 1.000000e+00 : f32
    %add3A_10 = vector.broadcast %add3A_9 : f32 to vector<512x16xf32>
    %add3A_11 = arith.addf %add3A, %add3A_10 : vector<512x16xf32>
    %rsqrt3A = math.rsqrt %add3A_11 : vector<512x16xf32>
    %swap3A = arith.constant 0 : index
    %swap3A_12 = arith.constant 0 : index
    %swap3A_13 = vector.load %arg4[%swap3A, %swap3A_12] : memref<512x16xf32, #tpu.memory_space<vmem>>, vector<512x16xf32>
    tpu.vector_store %arg4[%swap3A, %swap3A_12], %rsqrt3A {strides = array<i32>} : memref<512x16xf32, #tpu.memory_space<vmem>>, vector<512x16xf32>,
    %slice3A = vector.extract_strided_slice %rsqrt3A {offsets = [0, 0], sizes = [512, 1], strides = [1, 1]} : vector<512x16xf32> to vector<512x1xf32>
    %broadcast_in_dim3A = vector.shape_cast %slice3A : vector<512x1xf32> to vector<512x1xf32>
    %broadcast_in_dim3A_14 = vector.broadcast %broadcast_in_dim3A : vector<512x1xf32> to vector<512x128xf32>
    %get3A_15 = arith.constant 0 : index
    %get3A_16 = arith.constant 0 : index
    %get3A_17 = vector.load %arg2[%get3A_15, %get3A_16] : memref<512x128xf32, #tpu.memory_space<vmem>>, vector<512x128xf32>
    %mul3A = arith.mulf %get3A_17, %broadcast_in_dim3A_14 : vector<512x128xf32>
    %get3A_18 = arith.constant 0 : index
    %get3A_19 = arith.constant 0 : index
    %get3A_20 = vector.load %arg3[%get3A_18, %get3A_19] : memref<128x128xf32, #tpu.memory_space<vmem>>, vector<128x128xf32>
    %dot_general3A = arith.constant dense<0.000000e+00> : vector<512x128xf32>
    %dot_general3A_21 = tpu.matmul %mul3A, %get3A_20, %dot_general3A {dimension_numbers = #tpu.dot_dimension_numbers<[1], [0], [0], [1], [0, 0, 1, 1], [], []>, transpose_lhs_hint = false} : vector<512x128xf32>, vector<128x128xf32>, vector<512x128xf32> -> vector<512x128xf32>
    %swap3A_22 = arith.constant 0 : index
    %swap3A_23 = arith.constant 0 : index
    %swap3A_24 = vector.load %arg5[%swap3A_22, %swap3A_23] : memref<512x128xf32, #tpu.memory_space<vmem>>, vector<512x128xf32>
    tpu.vector_store %arg5[%swap3A_22, %swap3A_23], %dot_general3A_21 {strides = array<i32>} : memref<512x128xf32, #tpu.memory_space<vmem>>, vector<512x128xf32>,
    return
  }
  func.func @transform_0(%arg0: i32) -> (i32, i32, i32) {
    %c0_i32 = arith.constant 0 : i32
    %c0_i32_0 = arith.constant 0 : i32
    %c0_i32_1 = arith.constant 0 : i32
    return %c0_i32, %arg0, %c0_i32_0 : i32, i32, i32
  }
  func.func @transform_1(%arg0: i32) -> (i32, i32) {
    %c0_i32 = arith.constant 0 : i32
    %c0_i32_0 = arith.constant 0 : i32
    return %arg0, %c0_i32 : i32, i32
  }
  func.func @transform_2(%arg0: i32) -> (i32, i32) {
    %c0_i32 = arith.constant 0 : i32
    %c0_i32_0 = arith.constant 0 : i32
    %c0_i32_1 = arith.constant 0 : i32
    return %c0_i32, %c0_i32_0 : i32, i32
  }
  func.func @transform_3(%arg0: i32) -> (i32, i32) {
    %c0_i32 = arith.constant 0 : i32
    %c0_i32_0 = arith.constant 0 : i32
    return %arg0, %c0_i32 : i32, i32
  }
  func.func @transform_4(%arg0: i32) -> (i32, i32) {
    %c0_i32 = arith.constant 0 : i32
    %c0_i32_0 = arith.constant 0 : i32
    return %arg0, %c0_i32 : i32, i32
  }
}

module attributes {stable_mosaic.version = 14 : i64} {
  func.func @body(%arg0: i32, %arg1: memref<2x512x128xf32, #tpu.memory_space<vmem>>, %arg2: memref<512x128xf32, #tpu.memory_space<vmem>>, %arg3: memref<512x16xf32, #tpu.memory_space<vmem>>, %arg4: memref<1x128xf32, #tpu.memory_space<vmem>>, %arg5: memref<128x128xf32, #tpu.memory_space<vmem>>, %arg6: memref<512x128xf32, #tpu.memory_space<vmem>>) attributes {dimension_semantics = [#tpu.dimension_semantics<arbitrary>], iteration_bounds = array<i64: 20>, scalar_prefetch = 0 : i64, scratch_operands = 0 : i64, tpu.core_type = #tpu.core_type<tc>, window_params = [{transform_indices = @transform_0, window_bounds = array<i64: 2, 512, 128>}, {transform_indices = @transform_1, window_bounds = array<i64: 512, 128>}, {transform_indices = @transform_2, window_bounds = array<i64: 512, 16>}, {pipeline_mode = #tpu.pipeline_mode<synchronous>, transform_indices = @transform_3, window_bounds = array<i64: 1, 128>}, {pipeline_mode = #tpu.pipeline_mode<synchronous>, transform_indices = @transform_4, window_bounds = array<i64: 128, 128>}, {transform_indices = @transform_5, window_bounds = array<i64: 512, 128>}]} {
    %get3A = arith.constant 0 : index
    %get3A_0 = arith.constant 0 : index
    %get3A_1 = vector.load %arg3[%get3A, %get3A_0] : memref<512x16xf32, #tpu.memory_space<vmem>>, vector<512x16xf32>
    %slice3A = vector.extract_strided_slice %get3A_1 {offsets = [0, 0], sizes = [512, 1], strides = [1, 1]} : vector<512x16xf32> to vector<512x1xf32>
    %broadcast_in_dim3A = vector.shape_cast %slice3A : vector<512x1xf32> to vector<512x1xf32>
    %broadcast_in_dim3A_2 = vector.broadcast %broadcast_in_dim3A : vector<512x1xf32> to vector<512x128xf32>
    %get3A_3 = arith.constant 0 : index
    %get3A_4 = arith.constant 0 : index
    %get3A_5 = arith.constant 0 : index
    %get3A_6 = vector.load %arg1[%get3A_3, %get3A_4, %get3A_5] : memref<2x512x128xf32, #tpu.memory_space<vmem>>, vector<1x512x128xf32>
    %get3A_7 = vector.shape_cast %get3A_6 : vector<1x512x128xf32> to vector<512x128xf32>
    %get3A_8 = arith.constant 1 : index
    %get3A_9 = arith.constant 0 : index
    %get3A_10 = arith.constant 0 : index
    %get3A_11 = vector.load %arg1[%get3A_8, %get3A_9, %get3A_10] : memref<2x512x128xf32, #tpu.memory_space<vmem>>, vector<1x512x128xf32>
    %get3A_12 = vector.shape_cast %get3A_11 : vector<1x512x128xf32> to vector<512x128xf32>
    %add3A = arith.addf %get3A_7, %get3A_12 : vector<512x128xf32>
    %get3A_13 = arith.constant 0 : index
    %get3A_14 = arith.constant 0 : index
    %get3A_15 = vector.load %arg2[%get3A_13, %get3A_14] : memref<512x128xf32, #tpu.memory_space<vmem>>, vector<512x128xf32>
    %add3A_16 = arith.addf %add3A, %get3A_15 : vector<512x128xf32>
    %mul3A = arith.mulf %add3A_16, %broadcast_in_dim3A_2 : vector<512x128xf32>
    %get3A_17 = arith.constant 0 : index
    %get3A_18 = arith.constant 0 : index
    %get3A_19 = vector.load %arg4[%get3A_17, %get3A_18] : memref<1x128xf32, #tpu.memory_space<vmem>>, vector<1x128xf32>
    %add3A_20 = vector.broadcast %get3A_19 : vector<1x128xf32> to vector<512x128xf32>
    %add3A_21 = arith.addf %mul3A, %add3A_20 : vector<512x128xf32>
    %max3A = arith.constant 0.000000e+00 : f32
    %max3A_22 = vector.broadcast %max3A : f32 to vector<512x128xf32>
    %max3A_23 = arith.maximumf %add3A_21, %max3A_22 : vector<512x128xf32>
    %mul3A_24 = arith.mulf %max3A_23, %broadcast_in_dim3A_2 : vector<512x128xf32>
    %get3A_25 = arith.constant 0 : index
    %get3A_26 = arith.constant 0 : index
    %get3A_27 = vector.load %arg5[%get3A_25, %get3A_26] : memref<128x128xf32, #tpu.memory_space<vmem>>, vector<128x128xf32>
    %dot_general3A = arith.constant dense<0.000000e+00> : vector<512x128xf32>
    %dot_general3A_28 = tpu.matmul %mul3A_24, %get3A_27, %dot_general3A {dimension_numbers = #tpu.dot_dimension_numbers<[1], [0], [0], [1], [0, 0, 1, 1], [], []>, transpose_lhs_hint = false} : vector<512x128xf32>, vector<128x128xf32>, vector<512x128xf32> -> vector<512x128xf32>
    %swap3A = arith.constant 0 : index
    %swap3A_29 = arith.constant 0 : index
    %swap3A_30 = vector.load %arg6[%swap3A, %swap3A_29] : memref<512x128xf32, #tpu.memory_space<vmem>>, vector<512x128xf32>
    tpu.vector_store %arg6[%swap3A, %swap3A_29], %dot_general3A_28 {strides = array<i32>} : memref<512x128xf32, #tpu.memory_space<vmem>>, vector<512x128xf32>,
    return
  }
  func.func @transform_0(%arg0: i32) -> (i32, i32, i32) {
    %c0_i32 = arith.constant 0 : i32
    %c0_i32_0 = arith.constant 0 : i32
    %c0_i32_1 = arith.constant 0 : i32
    return %c0_i32, %arg0, %c0_i32_0 : i32, i32, i32
  }
  func.func @transform_1(%arg0: i32) -> (i32, i32) {
    %c0_i32 = arith.constant 0 : i32
    %c0_i32_0 = arith.constant 0 : i32
    return %arg0, %c0_i32 : i32, i32
  }
  func.func @transform_2(%arg0: i32) -> (i32, i32) {
    %c0_i32 = arith.constant 0 : i32
    %c0_i32_0 = arith.constant 0 : i32
    return %arg0, %c0_i32 : i32, i32
  }
  func.func @transform_3(%arg0: i32) -> (i32, i32) {
    %c0_i32 = arith.constant 0 : i32
    %c0_i32_0 = arith.constant 0 : i32
    %c0_i32_1 = arith.constant 0 : i32
    return %c0_i32, %c0_i32_0 : i32, i32
  }
  func.func @transform_4(%arg0: i32) -> (i32, i32) {
    %c0_i32 = arith.constant 0 : i32
    %c0_i32_0 = arith.constant 0 : i32
    %c0_i32_1 = arith.constant 0 : i32
    return %c0_i32, %c0_i32_0 : i32, i32
  }
  func.func @transform_5(%arg0: i32) -> (i32, i32) {
    %c0_i32 = arith.constant 0 : i32
    %c0_i32_0 = arith.constant 0 : i32
    return %arg0, %c0_i32 : i32, i32
  }
}

module attributes {stable_mosaic.version = 14 : i64} {
  func.func @body(%arg0: i32, %arg1: memref<2x512x128xf32, #tpu.memory_space<vmem>>, %arg2: memref<512x128xf32, #tpu.memory_space<vmem>>, %arg3: memref<512x16xf32, #tpu.memory_space<vmem>>, %arg4: memref<1x128xf32, #tpu.memory_space<vmem>>, %arg5: memref<512x16xi32, #tpu.memory_space<vmem>>, %arg6: memref<128x256xf32, #tpu.memory_space<vmem>>) attributes {dimension_semantics = [#tpu.dimension_semantics<arbitrary>], iteration_bounds = array<i64: 20>, scalar_prefetch = 0 : i64, scratch_operands = 0 : i64, tpu.core_type = #tpu.core_type<tc>, window_params = [{transform_indices = @transform_0, window_bounds = array<i64: 2, 512, 128>}, {transform_indices = @transform_1, window_bounds = array<i64: 512, 128>}, {transform_indices = @transform_2, window_bounds = array<i64: 512, 16>}, {pipeline_mode = #tpu.pipeline_mode<synchronous>, transform_indices = @transform_3, window_bounds = array<i64: 1, 128>}, {transform_indices = @transform_4, window_bounds = array<i64: 512, 16>}, {pipeline_mode = #tpu.pipeline_mode<synchronous>, transform_indices = @transform_5, window_bounds = array<i64: 128, 256>}]} {
    %get3A = arith.constant 0 : index
    %get3A_0 = arith.constant 0 : index
    %get3A_1 = vector.load %arg3[%get3A, %get3A_0] : memref<512x16xf32, #tpu.memory_space<vmem>>, vector<512x16xf32>
    %slice3A = vector.extract_strided_slice %get3A_1 {offsets = [0, 0], sizes = [512, 1], strides = [1, 1]} : vector<512x16xf32> to vector<512x1xf32>
    %broadcast_in_dim3A = vector.shape_cast %slice3A : vector<512x1xf32> to vector<512x1xf32>
    %broadcast_in_dim3A_2 = vector.broadcast %broadcast_in_dim3A : vector<512x1xf32> to vector<512x128xf32>
    %get3A_3 = arith.constant 0 : index
    %get3A_4 = arith.constant 0 : index
    %get3A_5 = arith.constant 0 : index
    %get3A_6 = vector.load %arg1[%get3A_3, %get3A_4, %get3A_5] : memref<2x512x128xf32, #tpu.memory_space<vmem>>, vector<1x512x128xf32>
    %get3A_7 = vector.shape_cast %get3A_6 : vector<1x512x128xf32> to vector<512x128xf32>
    %get3A_8 = arith.constant 1 : index
    %get3A_9 = arith.constant 0 : index
    %get3A_10 = arith.constant 0 : index
    %get3A_11 = vector.load %arg1[%get3A_8, %get3A_9, %get3A_10] : memref<2x512x128xf32, #tpu.memory_space<vmem>>, vector<1x512x128xf32>
    %get3A_12 = vector.shape_cast %get3A_11 : vector<1x512x128xf32> to vector<512x128xf32>
    %add3A = arith.addf %get3A_7, %get3A_12 : vector<512x128xf32>
    %get3A_13 = arith.constant 0 : index
    %get3A_14 = arith.constant 0 : index
    %get3A_15 = vector.load %arg2[%get3A_13, %get3A_14] : memref<512x128xf32, #tpu.memory_space<vmem>>, vector<512x128xf32>
    %add3A_16 = arith.addf %add3A, %get3A_15 : vector<512x128xf32>
    %mul3A = arith.mulf %add3A_16, %broadcast_in_dim3A_2 : vector<512x128xf32>
    %get3A_17 = arith.constant 0 : index
    %get3A_18 = arith.constant 0 : index
    %get3A_19 = vector.load %arg4[%get3A_17, %get3A_18] : memref<1x128xf32, #tpu.memory_space<vmem>>, vector<1x128xf32>
    %add3A_20 = vector.broadcast %get3A_19 : vector<1x128xf32> to vector<512x128xf32>
    %add3A_21 = arith.addf %mul3A, %add3A_20 : vector<512x128xf32>
    %max3A = arith.constant 0.000000e+00 : f32
    %max3A_22 = vector.broadcast %max3A : f32 to vector<512x128xf32>
    %max3A_23 = arith.maximumf %add3A_21, %max3A_22 : vector<512x128xf32>
    %iota3A = tpu.iota {dimensions = array<i32: 1>} : vector<512x128xi32>
    %get3A_24 = arith.constant 0 : index
    %get3A_25 = arith.constant 0 : index
    %get3A_26 = vector.load %arg5[%get3A_24, %get3A_25] : memref<512x16xi32, #tpu.memory_space<vmem>>, vector<512x1xi32>
    %broadcast_in_dim3A_27 = vector.shape_cast %get3A_26 : vector<512x1xi32> to vector<512x1xi32>
    %broadcast_in_dim3A_28 = vector.broadcast %broadcast_in_dim3A_27 : vector<512x1xi32> to vector<512x128xi32>
    %eq3A = arith.cmpi eq, %broadcast_in_dim3A_28, %iota3A : vector<512x128xi32>
    %convert_element_type3A = arith.extui %eq3A : vector<512x128xi1> to vector<512x128xi32>
    %convert_element_type3A_29 = arith.sitofp %convert_element_type3A : vector<512x128xi32> to vector<512x128xf32>
    %eq3A_30 = arith.constant 0 : i32
    %eq3A_31 = vector.broadcast %eq3A_30 : i32 to vector<512x128xi32>
    %eq3A_32 = arith.cmpi eq, %iota3A, %eq3A_31 : vector<512x128xi32>
    %convert_element_type3A_33 = arith.extui %eq3A_32 : vector<512x128xi1> to vector<512x128xi32>
    %convert_element_type3A_34 = arith.sitofp %convert_element_type3A_33 : vector<512x128xi32> to vector<512x128xf32>
    %concatenate3A = tpu.concatenate %max3A_23, %convert_element_type3A_34 in 1 : vector<512x128xf32>, vector<512x128xf32> -> vector<512x256xf32>
    %dot_general3A = arith.constant dense<0.000000e+00> : vector<128x256xf32>
    %dot_general3A_35 = tpu.matmul %convert_element_type3A_29, %concatenate3A, %dot_general3A {dimension_numbers = #tpu.dot_dimension_numbers<[0], [0], [1], [1], [0, 1, 1, 1], [], []>, transpose_lhs_hint = false} : vector<512x128xf32>, vector<512x256xf32>, vector<128x256xf32> -> vector<128x256xf32>
    %eq3A_36 = arith.constant 0 : i32
    %eq3A_37 = arith.cmpi eq, %arg0, %eq3A_36 : i32
    %convert_element_type3A_38 = arith.extui %eq3A_37 : i1 to i32
    %cond3A = arith.constant 0 : i32
    %cond3A_39 = arith.cmpi ne, %convert_element_type3A_38, %cond3A : i32
    scf.if %cond3A_39 {
      %broadcast_in_dim3A_46 = arith.constant 0.000000e+00 : f32
      %broadcast_in_dim3A_47 = vector.broadcast %broadcast_in_dim3A_46 : f32 to vector<128x256xf32>
      %swap3A_48 = arith.constant 0 : index
      %swap3A_49 = arith.constant 0 : index
      %swap3A_50 = vector.load %arg6[%swap3A_48, %swap3A_49] : memref<128x256xf32, #tpu.memory_space<vmem>>, vector<128x256xf32>
      tpu.vector_store %arg6[%swap3A_48, %swap3A_49], %broadcast_in_dim3A_47 {strides = array<i32>} : memref<128x256xf32, #tpu.memory_space<vmem>>, vector<128x256xf32>,
    } else {
    }
    %get3A_40 = arith.constant 0 : index
    %get3A_41 = arith.constant 0 : index
    %get3A_42 = vector.load %arg6[%get3A_40, %get3A_41] : memref<128x256xf32, #tpu.memory_space<vmem>>, vector<128x256xf32>
    %add3A_43 = arith.addf %get3A_42, %dot_general3A_35 : vector<128x256xf32>
    %swap3A = arith.constant 0 : index
    %swap3A_44 = arith.constant 0 : index
    %swap3A_45 = vector.load %arg6[%swap3A, %swap3A_44] : memref<128x256xf32, #tpu.memory_space<vmem>>, vector<128x256xf32>
    tpu.vector_store %arg6[%swap3A, %swap3A_44], %add3A_43 {strides = array<i32>} : memref<128x256xf32, #tpu.memory_space<vmem>>, vector<128x256xf32>,
    return
  }
  func.func @transform_0(%arg0: i32) -> (i32, i32, i32) {
    %c0_i32 = arith.constant 0 : i32
    %c0_i32_0 = arith.constant 0 : i32
    %c0_i32_1 = arith.constant 0 : i32
    return %c0_i32, %arg0, %c0_i32_0 : i32, i32, i32
  }
  func.func @transform_1(%arg0: i32) -> (i32, i32) {
    %c0_i32 = arith.constant 0 : i32
    %c0_i32_0 = arith.constant 0 : i32
    return %arg0, %c0_i32 : i32, i32
  }
  func.func @transform_2(%arg0: i32) -> (i32, i32) {
    %c0_i32 = arith.constant 0 : i32
    %c0_i32_0 = arith.constant 0 : i32
    return %arg0, %c0_i32 : i32, i32
  }
  func.func @transform_3(%arg0: i32) -> (i32, i32) {
    %c0_i32 = arith.constant 0 : i32
    %c0_i32_0 = arith.constant 0 : i32
    %c0_i32_1 = arith.constant 0 : i32
    return %c0_i32, %c0_i32_0 : i32, i32
  }
  func.func @transform_4(%arg0: i32) -> (i32, i32) {
    %c0_i32 = arith.constant 0 : i32
    %c0_i32_0 = arith.constant 0 : i32
    return %arg0, %c0_i32 : i32, i32
  }
  func.func @transform_5(%arg0: i32) -> (i32, i32) {
    %c0_i32 = arith.constant 0 : i32
    %c0_i32_0 = arith.constant 0 : i32
    %c0_i32_1 = arith.constant 0 : i32
    return %c0_i32, %c0_i32_0 : i32, i32
  }
}

module attributes {stable_mosaic.version = 14 : i64} {
  func.func @body(%arg0: memref<128x256xf32, #tpu.memory_space<vmem>>, %arg1: memref<128x128xf32, #tpu.memory_space<vmem>>, %arg2: memref<1x128xf32, #tpu.memory_space<vmem>>, %arg3: memref<128x128xf32, #tpu.memory_space<vmem>>, %arg4: memref<1x128xf32, #tpu.memory_space<vmem>>, %arg5: memref<128x128xf32, #tpu.memory_space<vmem>>) attributes {dimension_semantics = [], scalar_prefetch = 0 : i64, scratch_operands = 0 : i64, tpu.core_type = #tpu.core_type<tc>} {
    %get3A = arith.constant 0 : index
    %get3A_0 = arith.constant 0 : index
    %get3A_1 = vector.load %arg0[%get3A, %get3A_0] : memref<128x256xf32, #tpu.memory_space<vmem>>, vector<128x128xf32>
    %get3A_2 = arith.constant 0 : index
    %get3A_3 = arith.constant 128 : index
    %get3A_4 = vector.load %arg0[%get3A_2, %get3A_3] : memref<128x256xf32, #tpu.memory_space<vmem>>, vector<128x1xf32>
    %broadcast_in_dim3A = vector.shape_cast %get3A_4 : vector<128x1xf32> to vector<128x1xf32>
    %broadcast_in_dim3A_5 = vector.broadcast %broadcast_in_dim3A : vector<128x1xf32> to vector<128x128xf32>
    %max3A = arith.constant 1.000000e+00 : f32
    %max3A_6 = vector.broadcast %max3A : f32 to vector<128x128xf32>
    %max3A_7 = arith.maximumf %broadcast_in_dim3A_5, %max3A_6 : vector<128x128xf32>
    %div3A = arith.divf %get3A_1, %max3A_7 : vector<128x128xf32>
    %get3A_8 = arith.constant 0 : index
    %get3A_9 = arith.constant 0 : index
    %get3A_10 = vector.load %arg1[%get3A_8, %get3A_9] : memref<128x128xf32, #tpu.memory_space<vmem>>, vector<128x128xf32>
    %dot_general3A = arith.constant dense<0.000000e+00> : vector<128x128xf32>
    %dot_general3A_11 = tpu.matmul %div3A, %get3A_10, %dot_general3A {dimension_numbers = #tpu.dot_dimension_numbers<[1], [0], [0], [1], [0, 0, 1, 1], [], []>, transpose_lhs_hint = false} : vector<128x128xf32>, vector<128x128xf32>, vector<128x128xf32> -> vector<128x128xf32>
    %get3A_12 = arith.constant 0 : index
    %get3A_13 = arith.constant 0 : index
    %get3A_14 = vector.load %arg2[%get3A_12, %get3A_13] : memref<1x128xf32, #tpu.memory_space<vmem>>, vector<1x128xf32>
    %add3A = vector.broadcast %get3A_14 : vector<1x128xf32> to vector<128x128xf32>
    %add3A_15 = arith.addf %dot_general3A_11, %add3A : vector<128x128xf32>
    %max3A_16 = arith.constant 0.000000e+00 : f32
    %max3A_17 = vector.broadcast %max3A_16 : f32 to vector<128x128xf32>
    %max3A_18 = arith.maximumf %add3A_15, %max3A_17 : vector<128x128xf32>
    %get3A_19 = arith.constant 0 : index
    %get3A_20 = arith.constant 0 : index
    %get3A_21 = vector.load %arg3[%get3A_19, %get3A_20] : memref<128x128xf32, #tpu.memory_space<vmem>>, vector<128x128xf32>
    %dot_general3A_22 = arith.constant dense<0.000000e+00> : vector<128x128xf32>
    %dot_general3A_23 = tpu.matmul %max3A_18, %get3A_21, %dot_general3A_22 {dimension_numbers = #tpu.dot_dimension_numbers<[1], [0], [0], [1], [0, 0, 1, 1], [], []>, transpose_lhs_hint = false} : vector<128x128xf32>, vector<128x128xf32>, vector<128x128xf32> -> vector<128x128xf32>
    %get3A_24 = arith.constant 0 : index
    %get3A_25 = arith.constant 0 : index
    %get3A_26 = vector.load %arg4[%get3A_24, %get3A_25] : memref<1x128xf32, #tpu.memory_space<vmem>>, vector<1x128xf32>
    %add3A_27 = vector.broadcast %get3A_26 : vector<1x128xf32> to vector<128x128xf32>
    %add3A_28 = arith.addf %dot_general3A_23, %add3A_27 : vector<128x128xf32>
    %reduce_max3A = arith.constant dense<0xFF800000> : vector<128xf32>
    %reduce_max3A_29 = vector.multi_reduction <maximumf>, %add3A_28, %reduce_max3A [1] : vector<128x128xf32> to vector<128xf32>
    %broadcast_in_dim3A_30 = vector.shape_cast %reduce_max3A_29 : vector<128xf32> to vector<128x1xf32>
    %sub3A = vector.broadcast %broadcast_in_dim3A_30 : vector<128x1xf32> to vector<128x128xf32>
    %sub3A_31 = arith.subf %add3A_28, %sub3A : vector<128x128xf32>
    %exp3A = math.exp %sub3A_31 : vector<128x128xf32>
    %reduce_sum3A = arith.constant dense<0.000000e+00> : vector<128xf32>
    %reduce_sum3A_32 = vector.multi_reduction <add>, %exp3A, %reduce_sum3A [1] : vector<128x128xf32> to vector<128xf32>
    %broadcast_in_dim3A_33 = vector.shape_cast %reduce_sum3A_32 : vector<128xf32> to vector<128x1xf32>
    %log3A = math.log %broadcast_in_dim3A_33 : vector<128x1xf32>
    %add3A_34 = arith.addf %log3A, %broadcast_in_dim3A_30 : vector<128x1xf32>
    %sub3A_35 = vector.broadcast %add3A_34 : vector<128x1xf32> to vector<128x128xf32>
    %sub3A_36 = arith.subf %add3A_28, %sub3A_35 : vector<128x128xf32>
    %swap3A = arith.constant 0 : index
    %swap3A_37 = arith.constant 0 : index
    %swap3A_38 = vector.load %arg5[%swap3A, %swap3A_37] : memref<128x128xf32, #tpu.memory_space<vmem>>, vector<128x128xf32>
    tpu.vector_store %arg5[%swap3A, %swap3A_37], %sub3A_36 {strides = array<i32>} : memref<128x128xf32, #tpu.memory_space<vmem>>, vector<128x128xf32>,
    return
  }
}

</mosaic_0001>

<sc_bundles>
// kernel: kernel.11.cloned.1.call-start
scs
__scs_entry_jumppad:
0x0: {  	(pc) =	sbr.rel $0x88, $3  }
0x1: {  	(tag) =	ssettag $0x0;
	lr =	simm.s32 $0x1  }
0x2: {  	[smem:$0x3F94] =	sst lr;
	_ =	strace $0xD0000000  }
0x3: {  	_ = 	snop  }
0x4: {  	_ = 	snop  }
0x5: {  	_ = 	snop  }
0x6: {  	_ = 	snop  }
0x7: {  	_ = 	snop  }
__scs_overlays_trampoline_lowered:
0x8: {  	[smem:$0x3FA3] =	sst s0  }
0x9: {  	[smem:$0x3FA4] =	sst s1  }
0xa: {  	[smem:$0x3FA5] =	sst s2  }
0xb: {  	[smem:$0x3FA6] =	sst s3  }
0xc: {  	[smem:$0x3FA7] =	sst s4  }
0xd: {  	[smem:$0x3FA8] =	sst s5  }
0xe: {  	[smem:$0x3FA9] =	sst s6  }
0xf: {  	[smem:$0x3FAA] =	sst s7  }
0x10: {  	[smem:$0x3FAB] =	sst s8  }
0x11: {  	[smem:$0x3FAC] =	sst s9;
	s0 =	simm.s32 @!p0 $0x0  }
0x12: {  	s1 =	sld [smem:$0x3F92];
	s0 =	simm.s32 @p0 $0x1  }
0x13: {  	[smem:$0x3FAD] =	sst s0;
	s0 =	simm.s32 @!p1 $0x0  }
0x14: {  	s2 =	sld [smem:$0x3F91];
	s0 =	simm.s32 @p1 $0x1  }
0x15: {  	[smem:$0x3FAE] =	sst s0;
	s0 =	simm.s32 @!p2 $0x0  }
0x16: {  	s3 =	sld [smem:$0x3FDB];
	s0 =	simm.s32 @p2 $0x1  }
0x17: {  	s4 =	simm.s32 $0x1BF5;
	[smem:$0x3FB0] =	sst s0  }
0x18: {  	s0 =	sld [smem:$0x3F93];
	_ =	swait.ge [sflag:s4], $0x0  }
0x19: {  	s7 =	sld [smem:$0x3F94]  }
0x1a: {  	s8 =	sadd.s32 $0xFFFFE003, lr  }
0x1b: {  	s9 =	sadd.s32 $0xFFFFFEF7, lr;
	s5 =	simm.s32 $0xFFFFFFFF;
	p2 =	slt.u32 s8, $0xFFFFF086  }
0x1c: {  	p1 =	slt.u32 s9, $0xF7A;
	s5 =	simm.s32 @!p2 $0x0  }
0x1d: {  	s5 =	simm.s32 @p1 $0x1;
	p0 =	seq.s32 s7, s2  }
0x1e: {  	s7 =	smul.u32 @!p0 $0xF7A, s2;
	p2 =	seq.s32 @!p0 s5, $0x0  }
0x1f: {  	s9 =	smul.u32 $0xF7A, s1;
	s8 =	simm.s32 @!p0 $0x1BF5;
	p2 =	por !p2, p0  }
0x20: {  	[sflag:s8] =	ssyncset.s32 @!p0 $0xFFFFF086;
	s6 =	sadd.s32 @!p0 s3, s7;
	s7 =	simm.s32 @!p0 $0x108  }
0x21: {  	s3 =	sadd.s32 s3, s9;
	s6 =	sadd.s32 @!p0 $0x88, s6;
	s7 =	simm.s32 @p2 $0x1082  }
0x22: {  	[simem:s7], [sflag:s8] =	dma.local @!p0 [hbm:s6], $0xF7A  }
0x23: {  	s9 =	sor.u32 $0xD0000000, s2;
	s6 =	simm.s32 $0x108;
	_ =	swait.ge @!p0 [sflag:s8], $0x0  }
0x24: {  	s3 =	sadd.s32 $0x88, s3;
	s6 =	simm.s32 @!p1 $0x1082;
	[sflag:s4] =	ssyncset.s32 $0xFFFFF086  }
0x25: {  	[simem:s6], [sflag:s4] =	dma.local [hbm:s3], $0xF7A  }
0x26: {  	[smem:$0x3F94] =	sst s1;
	(tag) =	ssettag s2;
	_ =	strace s9  }
0x27: {  	s1 =	sld [smem:$0x3FA4]  }
0x28: {  	s2 =	sld [smem:$0x3FA5]  }
0x29: {  	s4 =	sld [smem:$0x3FA7]  }
0x2a: {  	p0 =	seq.s32 s5, $0x0;
	s5 =	sld [smem:$0x3FA8]  }
0x2b: {  	s6 =	sld [smem:$0x3FA9]  }
0x2c: {  	s7 =	sld [smem:$0x3FAA]  }
0x2d: {  	s3 =	simm.s32 $0x108;
	s8 =	sld [smem:$0x3FAB]  }
0x2e: {  	s3 =	simm.s32 @!p0 $0x1082;
	s9 =	sld [smem:$0x3FAC]  }
0x2f: {  	lr =	sadd.s32 s0, s3;
	s0 =	sld [smem:$0x3FA3]  }
0x30: {  	s3 =	sld [smem:$0x3FA6]  }
0x31: {  	[smem:$0x3FAF] =	sst s10  }
0x32: {  	s10 =	sld [smem:$0x3FAD];
	_ =	sdelay $0x3  }
0x33: {  	p0 =	seq.s32 s10, $0x1;
	s10 =	sld [smem:$0x3FAF];
	_ =	sdelay $0x3  }
0x34: {  	[smem:$0x3FAF] =	sst s10  }
0x35: {  	s10 =	sld [smem:$0x3FAE];
	_ =	sdelay $0x3  }
0x36: {  	p1 =	seq.s32 s10, $0x1;
	s10 =	sld [smem:$0x3FAF];
	_ =	sdelay $0x3  }
0x37: {  	[smem:$0x3FAF] =	sst s10  }
0x38: {  	s10 =	sld [smem:$0x3FB0]  }
0x39: {  	_ = 	snop;
	(pc) =	sbr.ind lr, $3  }
0x3a: {  	_ = 	snop  }
0x3b: {  	_ = 	snop  }
0x3c: {  	p2 =	seq.s32 s10, $0x1;
	s10 =	sld [smem:$0x3FAF]  }
0x3d: {  	_ =	shalt  }
0x3e: {  	_ =	shalt  }
0x3f: {  	_ =	shalt  }
0x40: {  	_ =	shalt  }
0x41: {  	_ =	shalt  }
0x42: {  	_ =	shalt  }
0x43: {  	_ =	shalt  }
0x44: {  	_ =	shalt  }
0x45: {  	_ =	shalt  }
0x46: {  	_ =	shalt  }
0x47: {  	_ =	shalt  }
0x48: {  	_ =	shalt  }
0x49: {  	_ =	shalt  }
0x4a: {  	_ =	shalt  }
0x4b: {  	_ =	shalt  }
0x4c: {  	_ =	shalt  }
0x4d: {  	_ =	shalt  }
0x4e: {  	_ =	shalt  }
0x4f: {  	_ =	shalt  }
0x50: {  	_ =	shalt  }
0x51: {  	_ =	shalt  }
0x52: {  	_ =	shalt  }
0x53: {  	_ =	shalt  }
0x54: {  	_ =	shalt  }
0x55: {  	_ =	shalt  }
0x56: {  	_ =	shalt  }
0x57: {  	_ =	shalt  }
0x58: {  	_ =	shalt  }
0x59: {  	_ =	shalt  }
0x5a: {  	_ =	shalt  }
0x5b: {  	_ =	shalt  }
0x5c: {  	_ =	shalt  }
0x5d: {  	_ =	shalt  }
0x5e: {  	_ =	shalt  }
0x5f: {  	_ =	shalt  }
0x60: {  	_ =	shalt  }
0x61: {  	_ =	shalt  }
0x62: {  	_ =	shalt  }
0x63: {  	_ =	shalt  }
0x64: {  	_ =	shalt  }
0x65: {  	_ =	shalt  }
0x66: {  	_ =	shalt  }
0x67: {  	_ =	shalt  }
0x68: {  	_ =	shalt  }
0x69: {  	_ =	shalt  }
0x6a: {  	_ =	shalt  }
0x6b: {  	_ =	shalt  }
0x6c: {  	_ =	shalt  }
0x6d: {  	_ =	shalt  }
0x6e: {  	_ =	shalt  }
0x6f: {  	_ =	shalt  }
0x70: {  	_ =	shalt  }
0x71: {  	_ =	shalt  }
0x72: {  	_ =	shalt  }
0x73: {  	_ =	shalt  }
0x74: {  	_ =	shalt  }
0x75: {  	_ =	shalt  }
0x76: {  	_ =	shalt  }
0x77: {  	_ =	shalt  }
0x78: {  	_ =	shalt  }
0x79: {  	_ =	shalt  }
0x7a: {  	_ =	shalt  }
0x7b: {  	_ =	shalt  }
0x7c: {  	_ =	shalt  }
0x7d: {  	_ =	shalt  }
0x7e: {  	_ =	shalt  }
0x7f: {  	_ =	shalt  }
0x80: {  	_ =	shalt  }
0x81: {  	_ =	shalt  }
0x82: {  	_ =	shalt  }
0x83: {  	_ =	shalt  }
0x84: {  	_ =	shalt  }
0x85: {  	_ =	shalt  }
0x86: {  	_ =	shalt  }
0x87: {  	_ =	shalt  }
.Lfunc_end0:
.L_simem_size_0:
called_computation_lowered:
.L_overlay_start_0:
0x88: {  	s2 =	sld [smem:$0x3FD9]  }
0x89: {  	s3 =	sld [smem:$0x3FFE];
	_ =	sdelay $0x1  }
0x8a: {  	s1 =	srdreg.scid  }
0x8b: {  	s0 =	sand.u32 $0x1, s1  }
0x8c: {  	s16 =	sshll.u32 s0, $0xA;
	s2 =	sadd.s32 s3, s2  }
0x8d: {  	s2 =	sadd.s32 s2, s16  }
0x8e: {  	[smem:$0x3FBB] =	sst s2  }
0x8f: {  	_ = 	snop  }
0x90: {  	(tm) =	ssettm $0x1  }
0x91: {  	s17 =	sld [smem:$0x3FFB];
	_ =	sdelay $0x3  }
0x92: {  	_ =	strace s17  }
0x93: {  	s2 =	sld [smem:$0x3FFC];
	_ =	sdelay $0x3  }
0x94: {  	_ =	strace s2  }
0x95: {  	s2 =	sld [smem:$0x3FFD];
	_ =	sdelay $0x3  }
0x96: {  	_ =	strace s2  }
0x97: {  	_ =	strace $0x8FFFFFFF  }
0x98: {  	s18 =	sld [smem:$0x3FDB];
	_ =	sdelay $0x1  }
0x99: {  	s19 =	simm.s32 $_scs_section_size  }
0x9a: {  	s4 =	simm.s32 $_size__tile_overlayer_lowered;
	s5 =	simm.s32 $_tile_overlayer_lowered  }
0x9b: {  	s22 =	simm.s32 $0x1BFF;
	s21 =	sshll.u32 s5, $0x1;
	s2 =	sadd.s32 s19, s18  }
0x9c: {  	s6 =	simm.s32 $0x0;
	s20 =	sshll.u32 s4, $0x1;
	s4 =	sadd.s32 s21, s2  }
0x9d: {  	[timem:s6], [sflag:s22] =	dma.local [hbm:s4], s20  }
0x9e: {  	_ =	swait.ge [sflag:s22], s20  }
0x9f: {  	s3 =	ssub.s32 $0x0, s20;
	[sflag:s22] =	ssyncset.done $0x0  }
0xa0: {  	[sflag:s22] =	ssyncadd.s32 s3;
	_ =	sdelay $0x1  }
0xa1: {  	s23 =	simm.s32 $0x1B8B  }
0xa2: {  	_ =	swait.ge [sflag:s23], $0x1  }
0xa3: {  	[sflag:s23] =	ssyncset.done $0x0  }
0xa4: {  	s25 =	simm.s32 $0x1B8E;
	s24 =	sld [smem:$0x3FFE];
	[sflag:s23] =	ssyncadd.s32 $0xFFFFFFFF  }
0xa5: {  	s26 =	simm.s32 $execute0_lowered;
	[smem:$0x3FD2] =	sst s25  }
0xa6: {  	s4 =	sshll.u32 s26, $0x1;
	_ =	strace $0x80000046;
	[dreg:$0x1] =	wrdreg $0xFFFFFFFF  }
0xa7: {  	s28 =	simm.s32 $_size_execute0_lowered;
	s2 =	sadd.s32 s2, s4;
	[dreg:$0x0] =	wrdreg $0x0  }
0xa8: {  	s4 =	sshll.u32 s28, $0x1;
	[dreg:$0x2] =	wrdreg s2  }
0xa9: {  	[dreg:$0x3] =	wrdreg s4  }
0xaa: {  	[dreg:$0x4] =	wrdreg $0xC0  }
0xab: {  	_ =	task [dreg:s6], $0x5FFFF  }
0xac: {  	[dreg:$0x1] =	wrdreg $0xFFFFFFFF  }
0xad: {  	[dreg:$0x0] =	wrdreg $0x60  }
0xae: {  	[dreg:$0x2] =	wrdreg s24  }
0xaf: {  	[dreg:$0x3] =	wrdreg $0xC0800  }
0xb0: {  	[dreg:$0x4] =	wrdreg $0x9  }
0xb1: {  	_ =	task.clear_ibuf [dreg:s6], $0x5FFFF;
	_ =	strace $0x90000046  }
0xb2: {  	s29 =	simm.s32 $0x9;
	_ =	strace $0x80000048  }
0xb3: {  	_ =	swait.ge [sflag:s29], $0x1  }
0xb4: {  	[sflag:s29] =	ssyncadd.s32 $0xFFFFFFFF  }
0xb5: {  	_ =	strace $0x90000048  }
0xb6: {  	_ =	sfence  }
0xb7: {  	s30 =	sld [smem:$0x0];
	_ =	sdelay $0x2  }
0xb8: {  	s31 =	sshll.u32 s1, $0xD;
	s1 =	sshrl.u32 s1, $0x2  }
0xb9: {  	s3 =	sand.u32 $0x4000, s31;
	s1 =	sadd.s32 s1, s30  }
0xba: {  	s0 =	sor.u32 s3, s0;
	s1 =	sshll.u32 s1, $0x11  }
0xbb: {  	s0 =	sor.u32 s1, s0  }
0xbc: {  	s0 =	sadd.s32 $0x8F2B, s0  }
0xbd: {  	[sflag:s0] =	ssyncadd.remote.s32 $0x1  }
0xbe: {  	_ =	sfence.sel $0xFFFF  }
0xbf: {  	[dreg:$0x0] =	wrdreg $0xFFFFFFFF;
	(pc) =	sbr.abs _section_cstart, $3  }
0xc0: {  	[dreg:$0x1] =	wrdreg $0xFFFFFFFF  }
0xc1: {  	_ =	task.clear_ibuf [dreg:s6], $0x2FFFF;
	_ =	strace $0x9FFFFFFF  }
0xc2: {  	(tm) =	ssettm $0x7FFFFFFF  }
0xc3: {  	_ =	shalt  }
tec
execute0_lowered:
.L_overlay_start_1:
0x0: {  	(tag) =	ssettag $0x1  }
0x1: {  	s8 =	rddreg [dreg:$0x0]  }
0x2: {  	s1 =	rddreg [dreg:$0x1]  }
0x3: {  	s0 =	rddreg [dreg:$0x2];
	s3 =	simm.s32 $0x0  }
0x4: {  	s2 =	srdreg.scid;
	s20 =	simm.s32 $0x80;
	s21 =	simm.s32 $0x2  }
0x5: {  	s22 =	simm.s32 $0x4080;
	s23 =	simm.s32 $0x8080;
	s24 =	simm.s32 $0x1  }
0x6: {  	s25 =	simm.s32 $0x0;
	[smem:$0x7FF] =	sst s3;
	s9 =	sand.u32 $0x1, s2  }
0x7: {  	s2 =	stileid.u32;
	s4 =	sadd.s32 $0x4000, s8;
	s5 =	sadd.s32 $0x3A000, s8  }
0x8: {  	s6 =	sadd.s32 $0x12000, s8;
	s7 =	smul.u32 $0x140000, s9;
	_ =	strace $0x80000047  }
0x9: {  	s10 =	smul.u32 $0x14000, s2;
	s11 =	sshll.u32 s2, $0x7;
	s30 =	ssub.s32 $0x2, s9  }
0xa: {  	p0 =	seq.s32 s9, $0x1;
	s14 =	sadd.s32 s11, s8;
	s12 =	sshrl.u32 s30, $0x1  }
0xb: {  	s7 =	sadd.s32 s10, s7;
	s10 =	ssub.s32 s30, s12;
	s11 =	sadd.s32 $0x3810, s14  }
.Ltmp0:
0xc: {  	s12 =	sadd.s32 $0x3820, s14;
	s13 =	sadd.s32 $0x3830, s14;
	(pc) =	sbr.rel .LBB2_1-.Ltmp0, $4  }
0xd: {  	s31 =	sshrl.u32 s7, $0x3;
	s7 =	smul.u32 $0x7000, s2;
	s10 =	smax.u32 s10, $0x1  }
0xe: {  	s19 =	sadd.s32 s31, s8;
	s8 =	sadd.s32 $0x3800, s14;
	s14 =	sadd.s32 $0x3840, s14  }
0xf: {  	s9 =	sadd.s32 $0x3800, s7;
	s15 =	sadd.s32 $0x3A800, s19;
	s16 =	sadd.s32 $0x3B000, s19  }
0x10: {  	s17 =	sadd.s32 $0x3B800, s19;
	s18 =	sadd.s32 $0x3C000, s19;
	s19 =	sadd.s32 $0x3C800, s19  }
.LBB2_7:
0x11: {  	s26 =	sshrl.u32 s28, $0x3  }
0x12: {  	[sflag:s21] =	ssyncadd.s32 $0xFFFFF800;
	s26 =	sadd.s32 s4, s26  }
0x13: {  	[tilespmem:s3], [sflag:$0x2] =	stream.linear.gather [hbm4b:s26+s3], $0x80, $0x38;
	[tilespmem:$0xE880] =	vst v63  }
0x14: {  	_ =	swait.ge [sflag:s21], $0x80  }
0x15: {  	[sflag:s21] =	ssyncset.done $0x0  }
0x16: {  	[sflag:s21] =	ssyncadd.s32 $0xFFFFFF80  }
0x17: {  	[spmem:s1] =	stream.indirect.scatter.add.f32 [tilespmem:s20], [sflag:$0x2], $0x10, s3, s20, $0xb8;
	[tilespmem:$0xE880] =	vst v63  }
0x18: {  	_ =	swait.ge [sflag:s21], $0x800  }
0x19: {  	[sflag:s21] =	ssyncset.done $0x0  }
0x1a: {  	[sflag:s21] =	ssyncadd.s32 $0xFFFFF800  }
.LBB2_8:
0x1b: {  	[bflag:$0x0] =	sbarrier.arrive $0xFFFF  }
0x1c: {  	[tilespmem:s3], [sflag:$0x2] =	stream.linear.gather [hbm4b:s8+s3], $0x80, $0x38;
	[tilespmem:$0xE880] =	vst v63  }
0x1d: {  	_ =	swait.ge [sflag:s21], $0x80  }
0x1e: {  	[sflag:s21] =	ssyncset.done $0x0  }
0x1f: {  	[sflag:s21] =	ssyncadd.s32 $0xFFFFFF80  }
0x20: {  	[tilespmem:s23], [sflag:$0x1] =	stream.indirect.gather [spmem:s1], $0x10, s3, s20, $0xb8;
	[tilespmem:$0xE880] =	vst v63  }
0x21: {  	_ =	swait.ge [sflag:s24], $0x800  }
0x22: {  	[sflag:s24] =	ssyncset.done $0x0  }
0x23: {  	[sflag:s24] =	ssyncadd.s32 $0xFFFFF800  }
0x24: {  	[hbm4b:s15+s3] =	stream.linear.scatter [tilespmem:s23], [sflag:$0x2], $0x4000, $0x38;
	[tilespmem:$0xE880] =	vst v63  }
0x25: {  	_ =	swait.ge [sflag:s21], $0x4000  }
0x26: {  	[sflag:s21] =	ssyncset.done $0x0  }
0x27: {  	[sflag:s21] =	ssyncadd.s32 $0xFFFFC000  }
0x28: {  	[tilespmem:s3], [sflag:$0x2] =	stream.linear.gather [hbm4b:s11+s3], $0x80, $0x38;
	[tilespmem:$0xE880] =	vst v63  }
0x29: {  	_ =	swait.ge [sflag:s21], $0x80  }
0x2a: {  	[sflag:s21] =	ssyncset.done $0x0  }
0x2b: {  	[sflag:s21] =	ssyncadd.s32 $0xFFFFFF80  }
0x2c: {  	[tilespmem:s23], [sflag:$0x1] =	stream.indirect.gather [spmem:s1], $0x10, s3, s20, $0xb8;
	[tilespmem:$0xE880] =	vst v63  }
0x2d: {  	_ =	swait.ge [sflag:s24], $0x800  }
0x2e: {  	[sflag:s24] =	ssyncset.done $0x0  }
0x2f: {  	[sflag:s24] =	ssyncadd.s32 $0xFFFFF800  }
0x30: {  	[hbm4b:s16+s3] =	stream.linear.scatter [tilespmem:s23], [sflag:$0x2], $0x4000, $0x38;
	[tilespmem:$0xE880] =	vst v63  }
0x31: {  	_ =	swait.ge [sflag:s21], $0x4000  }
0x32: {  	[sflag:s21] =	ssyncset.done $0x0  }
0x33: {  	[sflag:s21] =	ssyncadd.s32 $0xFFFFC000  }
0x34: {  	[tilespmem:s3], [sflag:$0x2] =	stream.linear.gather [hbm4b:s12+s3], $0x80, $0x38;
	[tilespmem:$0xE880] =	vst v63  }
0x35: {  	_ =	swait.ge [sflag:s21], $0x80  }
0x36: {  	[sflag:s21] =	ssyncset.done $0x0  }
0x37: {  	[sflag:s21] =	ssyncadd.s32 $0xFFFFFF80  }
0x38: {  	[tilespmem:s23], [sflag:$0x1] =	stream.indirect.gather [spmem:s1], $0x10, s3, s20, $0xb8;
	[tilespmem:$0xE880] =	vst v63  }
0x39: {  	_ =	swait.ge [sflag:s24], $0x800  }
0x3a: {  	[sflag:s24] =	ssyncset.done $0x0  }
0x3b: {  	[sflag:s24] =	ssyncadd.s32 $0xFFFFF800  }
0x3c: {  	[hbm4b:s17+s3] =	stream.linear.scatter [tilespmem:s23], [sflag:$0x2], $0x4000, $0x38;
	[tilespmem:$0xE880] =	vst v63  }
0x3d: {  	_ =	swait.ge [sflag:s21], $0x4000  }
0x3e: {  	[sflag:s21] =	ssyncset.done $0x0  }
0x3f: {  	[sflag:s21] =	ssyncadd.s32 $0xFFFFC000  }
0x40: {  	[tilespmem:s3], [sflag:$0x2] =	stream.linear.gather [hbm4b:s13+s3], $0x80, $0x38;
	[tilespmem:$0xE880] =	vst v63  }
0x41: {  	_ =	swait.ge [sflag:s21], $0x80  }
0x42: {  	[sflag:s21] =	ssyncset.done $0x0  }
0x43: {  	[sflag:s21] =	ssyncadd.s32 $0xFFFFFF80  }
0x44: {  	[tilespmem:s23], [sflag:$0x1] =	stream.indirect.gather [spmem:s1], $0x10, s3, s20, $0xb8;
	[tilespmem:$0xE880] =	vst v63  }
0x45: {  	_ =	swait.ge [sflag:s24], $0x800  }
0x46: {  	[sflag:s24] =	ssyncset.done $0x0  }
0x47: {  	[sflag:s24] =	ssyncadd.s32 $0xFFFFF800  }
0x48: {  	[hbm4b:s18+s3] =	stream.linear.scatter [tilespmem:s23], [sflag:$0x2], $0x4000, $0x38;
	[tilespmem:$0xE880] =	vst v63  }
0x49: {  	_ =	swait.ge [sflag:s21], $0x4000  }
0x4a: {  	[sflag:s21] =	ssyncset.done $0x0  }
0x4b: {  	[sflag:s21] =	ssyncadd.s32 $0xFFFFC000  }
0x4c: {  	[tilespmem:s3], [sflag:$0x2] =	stream.linear.gather [hbm4b:s14+s3], $0x80, $0x38;
	[tilespmem:$0xE880] =	vst v63  }
0x4d: {  	_ =	swait.ge [sflag:s21], $0x80  }
0x4e: {  	[sflag:s21] =	ssyncset.done $0x0  }
0x4f: {  	[sflag:s21] =	ssyncadd.s32 $0xFFFFFF80  }
0x50: {  	[tilespmem:s23], [sflag:$0x1] =	stream.indirect.gather [spmem:s1], $0x10, s3, s20, $0xb8;
	[tilespmem:$0xE880] =	vst v63  }
0x51: {  	s25 =	sadd.s32 $0x1, s25;
	_ =	swait.ge [sflag:s24], $0x800  }
0x52: {  	p1 =	sne.s32 s25, s10;
	[sflag:s24] =	ssyncset.done $0x0  }
.Ltmp1:
0x53: {  	[sflag:s24] =	ssyncadd.s32 $0xFFFFF800;
	(pc) =	sbr.rel @!p1 .LBB2_9-.Ltmp1, $4  }
0x54: {  	[hbm4b:s19+s3] =	stream.linear.scatter [tilespmem:s23], [sflag:$0x2], $0x4000, $0x38;
	[tilespmem:$0xE880] =	vst v63  }
0x55: {  	_ =	swait.ge [sflag:s21], $0x4000  }
0x56: {  	[sflag:s21] =	ssyncset.done $0x0  }
0x57: {  	[sflag:s21] =	ssyncadd.s32 $0xFFFFC000  }
.LBB2_1:
0x58: {  	[tilespmem:s20], [sflag:$0x2] =	stream.linear.gather [hbm4b:s5+s3], $0x4000, $0x38;
	[tilespmem:$0xE880] =	vst v63  }
0x59: {  	_ =	swait.ge [sflag:s21], $0x4000  }
0x5a: {  	[sflag:s21] =	ssyncset.done $0x0  }
0x5b: {  	[sflag:s21] =	ssyncadd.s32 $0xFFFFC000  }
0x5c: {  	[tilespmem:s22], [sflag:$0x2] =	stream.linear.gather [hbm4b:s6+s3], $0x4000, $0x38;
	[tilespmem:$0xE880] =	vst v63  }
0x5d: {  	_ =	swait.ge [sflag:s21], $0x4000  }
0x5e: {  	[sflag:s21] =	ssyncset.done $0x0  }
0x5f: {  	[sflag:s21] =	ssyncadd.s32 $0xFFFFC000  }
0x60: {  	[tilespmem:s3], [sflag:$0x2] =	stream.linear.gather [hbm4b:s8+s3], $0x80, $0x38;
	[tilespmem:$0xE880] =	vst v63  }
0x61: {  	_ =	swait.ge [sflag:s21], $0x80  }
0x62: {  	[sflag:s21] =	ssyncset.done $0x0  }
0x63: {  	[sflag:s21] =	ssyncadd.s32 $0xFFFFFF80  }
0x64: {  	[spmem:s1] =	stream.indirect.scatter [tilespmem:s22], [sflag:$0x2], $0x10, s3, s20, $0xb8;
	[tilespmem:$0xE880] =	vst v63  }
0x65: {  	_ =	swait.ge [sflag:s21], $0x800  }
0x66: {  	[sflag:s21] =	ssyncset.done $0x0  }
0x67: {  	[sflag:s21] =	ssyncadd.s32 $0xFFFFF800  }
0x68: {  	[tilespmem:s3], [sflag:$0x2] =	stream.linear.gather [hbm4b:s11+s3], $0x80, $0x38;
	[tilespmem:$0xE880] =	vst v63  }
0x69: {  	_ =	swait.ge [sflag:s21], $0x80  }
0x6a: {  	[sflag:s21] =	ssyncset.done $0x0  }
0x6b: {  	[sflag:s21] =	ssyncadd.s32 $0xFFFFFF80  }
0x6c: {  	[spmem:s1] =	stream.indirect.scatter [tilespmem:s22], [sflag:$0x2], $0x10, s3, s20, $0xb8;
	[tilespmem:$0xE880] =	vst v63  }
0x6d: {  	_ =	swait.ge [sflag:s21], $0x800  }
0x6e: {  	[sflag:s21] =	ssyncset.done $0x0  }
0x6f: {  	[sflag:s21] =	ssyncadd.s32 $0xFFFFF800  }
0x70: {  	[tilespmem:s3], [sflag:$0x2] =	stream.linear.gather [hbm4b:s12+s3], $0x80, $0x38;
	[tilespmem:$0xE880] =	vst v63  }
0x71: {  	_ =	swait.ge [sflag:s21], $0x80  }
0x72: {  	[sflag:s21] =	ssyncset.done $0x0  }
0x73: {  	[sflag:s21] =	ssyncadd.s32 $0xFFFFFF80  }
0x74: {  	[spmem:s1] =	stream.indirect.scatter [tilespmem:s22], [sflag:$0x2], $0x10, s3, s20, $0xb8;
	[tilespmem:$0xE880] =	vst v63  }
0x75: {  	_ =	swait.ge [sflag:s21], $0x800  }
0x76: {  	[sflag:s21] =	ssyncset.done $0x0  }
0x77: {  	[sflag:s21] =	ssyncadd.s32 $0xFFFFF800  }
0x78: {  	[tilespmem:s3], [sflag:$0x2] =	stream.linear.gather [hbm4b:s13+s3], $0x80, $0x38;
	[tilespmem:$0xE880] =	vst v63  }
0x79: {  	_ =	swait.ge [sflag:s21], $0x80  }
0x7a: {  	[sflag:s21] =	ssyncset.done $0x0  }
0x7b: {  	[sflag:s21] =	ssyncadd.s32 $0xFFFFFF80  }
0x7c: {  	[spmem:s1] =	stream.indirect.scatter [tilespmem:s22], [sflag:$0x2], $0x10, s3, s20, $0xb8;
	[tilespmem:$0xE880] =	vst v63  }
0x7d: {  	_ =	swait.ge [sflag:s21], $0x800  }
0x7e: {  	[sflag:s21] =	ssyncset.done $0x0  }
0x7f: {  	[sflag:s21] =	ssyncadd.s32 $0xFFFFF800  }
0x80: {  	[tilespmem:s3], [sflag:$0x2] =	stream.linear.gather [hbm4b:s14+s3], $0x80, $0x38;
	[tilespmem:$0xE880] =	vst v63  }
0x81: {  	_ =	swait.ge [sflag:s21], $0x80  }
0x82: {  	[sflag:s21] =	ssyncset.done $0x0  }
0x83: {  	[sflag:s21] =	ssyncadd.s32 $0xFFFFFF80  }
0x84: {  	[spmem:s1] =	stream.indirect.scatter [tilespmem:s22], [sflag:$0x2], $0x10, s3, s20, $0xb8;
	[tilespmem:$0xE880] =	vst v63  }
.Ltmp2:
0x85: {  	_ =	swait.ge [sflag:s21], $0x800;
	(pc) =	sbr.rel @!p0 .LBB2_2-.Ltmp2, $3  }
0x86: {  	[sflag:s21] =	ssyncset.done $0x0  }
0x87: {  	[sflag:s21] =	ssyncadd.s32 $0xFFFFF800  }
0x88: {  	[bflag:$0x0] =	sbarrier.arrive $0xFFFF;
	_ =	sdelay $0x1  }
0x89: {  	s26 =	sand.u32 $0x3C00, s3  }
0x8a: {  	s28 =	sand.u32 $0x380, s3;
	s26 =	sadd.s32 s9, s26  }
0x8b: {  	s26 =	sor.u32 s28, s26  }
0x8c: {  	s26 =	sshrl.u32 s26, $0x3  }
0x8d: {  	s26 =	sadd.s32 s4, s26  }
0x8e: {  	[tilespmem:s3], [sflag:$0x2] =	stream.linear.gather [hbm4b:s26+s3], $0x80, $0x38;
	[tilespmem:$0xE880] =	vst v63  }
0x8f: {  	_ =	swait.ge [sflag:s21], $0x80  }
0x90: {  	s31 =	simm.s32 $0x80;
	[sflag:s21] =	ssyncset.done $0x0  }
0x91: {  	s28 =	sand.u32 $0x3C00, s31;
	[sflag:s21] =	ssyncadd.s32 $0xFFFFFF80  }
0x92: {  	[spmem:s1] =	stream.indirect.scatter.add.f32 [tilespmem:s20], [sflag:$0x2], $0x10, s3, s20, $0xb8;
	[tilespmem:$0xE880] =	vst v63  }
0x93: {  	s29 =	sand.u32 $0x380, s31;
	s28 =	sadd.s32 s9, s28;
	_ =	swait.ge [sflag:s21], $0x800  }
0x94: {  	s28 =	sor.u32 s29, s28;
	s26 =	simm.s32 $0x100;
	[sflag:s21] =	ssyncset.done $0x0  }
.LBB2_6:
0x95: {  	s28 =	sshrl.u32 s28, $0x3  }
0x96: {  	[sflag:s21] =	ssyncadd.s32 $0xFFFFF800;
	s29 =	smov.u32 s26;
	s30 =	sadd.s32 $0x80, s26  }
0x97: {  	p1 =	sne.s32 s26, $0x3780;
	s26 =	sadd.s32 s4, s28  }
0x98: {  	[tilespmem:s3], [sflag:$0x2] =	stream.linear.gather [hbm4b:s26+s3], $0x80, $0x38;
	[tilespmem:$0xE880] =	vst v63  }
0x99: {  	_ =	swait.ge [sflag:s21], $0x80  }
.Ltmp3:
0x9a: {  	[sflag:s21] =	ssyncset.done $0x0;
	(pc) =	sbr.rel @p1 .LBB2_6-.Ltmp3, $4  }
0x9b: {  	s26 =	sand.u32 $0x3C00, s29;
	[sflag:s21] =	ssyncadd.s32 $0xFFFFFF80  }
0x9c: {  	[spmem:s1] =	stream.indirect.scatter.add.f32 [tilespmem:s20], [sflag:$0x2], $0x10, s3, s20, $0xb8;
	[tilespmem:$0xE880] =	vst v63  }
0x9d: {  	s28 =	sand.u32 $0x380, s29;
	s26 =	sadd.s32 s9, s26;
	_ =	swait.ge [sflag:s21], $0x800  }
0x9e: {  	s28 =	sor.u32 s28, s26;
	s26 =	smov.u32 s30;
	[sflag:s21] =	ssyncset.done $0x0  }
.Ltmp4:
0x9f: {  	_ = 	snop;
	(pc) =	sbr.rel .LBB2_7-.Ltmp4, $1  }
0xa0: {  	_ =	sdelay $0x3  }
.LBB2_2:
0xa1: {  	s26 =	sand.u32 $0x1C00, s3  }
0xa2: {  	s28 =	sand.u32 $0x380, s3;
	s26 =	sadd.s32 s7, s26  }
0xa3: {  	s26 =	sor.u32 s28, s26  }
0xa4: {  	s26 =	sshrl.u32 s26, $0x3  }
0xa5: {  	s26 =	sadd.s32 s4, s26  }
0xa6: {  	[tilespmem:s3], [sflag:$0x2] =	stream.linear.gather [hbm4b:s26+s3], $0x80, $0x38;
	[tilespmem:$0xE880] =	vst v63  }
0xa7: {  	_ =	swait.ge [sflag:s21], $0x80  }
0xa8: {  	s31 =	simm.s32 $0x80;
	[sflag:s21] =	ssyncset.done $0x0  }
0xa9: {  	s28 =	sand.u32 $0x1C00, s31;
	[sflag:s21] =	ssyncadd.s32 $0xFFFFFF80  }
0xaa: {  	[spmem:s1] =	stream.indirect.scatter.add.f32 [tilespmem:s20], [sflag:$0x2], $0x10, s3, s20, $0xb8;
	[tilespmem:$0xE880] =	vst v63  }
0xab: {  	s29 =	sand.u32 $0x380, s31;
	s28 =	sadd.s32 s7, s28;
	_ =	swait.ge [sflag:s21], $0x800  }
0xac: {  	s28 =	sor.u32 s29, s28;
	s26 =	simm.s32 $0x100;
	[sflag:s21] =	ssyncset.done $0x0  }
.LBB2_3:
0xad: {  	s28 =	sshrl.u32 s28, $0x3  }
0xae: {  	[sflag:s21] =	ssyncadd.s32 $0xFFFFF800;
	s29 =	smov.u32 s26;
	s30 =	sadd.s32 $0x80, s26  }
0xaf: {  	p1 =	seq.s32 s26, $0x1780;
	s26 =	sadd.s32 s4, s28  }
0xb0: {  	[tilespmem:s3], [sflag:$0x2] =	stream.linear.gather [hbm4b:s26+s3], $0x80, $0x38;
	[tilespmem:$0xE880] =	vst v63  }
0xb1: {  	_ =	swait.ge [sflag:s21], $0x80  }
.Ltmp5:
0xb2: {  	[sflag:s21] =	ssyncset.done $0x0;
	(pc) =	sbr.rel @!p1 .LBB2_3-.Ltmp5, $4  }
0xb3: {  	s26 =	sand.u32 $0x1C00, s29;
	[sflag:s21] =	ssyncadd.s32 $0xFFFFFF80  }
0xb4: {  	[spmem:s1] =	stream.indirect.scatter.add.f32 [tilespmem:s20], [sflag:$0x2], $0x10, s3, s20, $0xb8;
	[tilespmem:$0xE880] =	vst v63  }
0xb5: {  	s28 =	sand.u32 $0x380, s29;
	s26 =	sadd.s32 s7, s26;
	_ =	swait.ge [sflag:s21], $0x800  }
0xb6: {  	s28 =	sor.u32 s28, s26;
	s26 =	smov.u32 s30;
	[sflag:s21] =	ssyncset.done $0x0  }
0xb7: {  	s26 =	sshrl.u32 s28, $0x3  }
0xb8: {  	[sflag:s21] =	ssyncadd.s32 $0xFFFFF800;
	s26 =	sadd.s32 s4, s26  }
0xb9: {  	[tilespmem:s3], [sflag:$0x2] =	stream.linear.gather [hbm4b:s26+s3], $0x80, $0x38;
	[tilespmem:$0xE880] =	vst v63  }
0xba: {  	_ =	swait.ge [sflag:s21], $0x80  }
0xbb: {  	[sflag:s21] =	ssyncset.done $0x0  }
.Ltmp6:
0xbc: {  	[sflag:s21] =	ssyncadd.s32 $0xFFFFFF80;
	(pc) =	sbr.rel .LBB2_8-.Ltmp6, $4  }
0xbd: {  	[spmem:s1] =	stream.indirect.scatter.add.f32 [tilespmem:s20], [sflag:$0x2], $0x10, s3, s20, $0xb8;
	[tilespmem:$0xE880] =	vst v63  }
0xbe: {  	_ =	swait.ge [sflag:s21], $0x800  }
0xbf: {  	[sflag:s21] =	ssyncset.done $0x0  }
0xc0: {  	[sflag:s21] =	ssyncadd.s32 $0xFFFFF800  }
.LBB2_9:
0xc1: {  	_ =	sfence.sel $0x180000  }
0xc2: {  	[bflag:$0x0] =	sbarrier.arrive $0xFFFF  }
0xc3: {  	p0 =	sne.s32 s2, $0x0;
	_ =	strace $0x90000047  }
0xc4: {  	s0 =	sadd.s32 @!p0 $0x100000, s0;
	[bflag:$0x2] =	sbarrier.arrive $0xFFFF  }
0xc5: {  	[sflag:s0] =	ssyncadd.tile.s32 @!p0 $0x1;
	_ =	shalt  }
.Lfunc_end2:
_tile_overlayer_lowered:
.L_overlay_start_2:
0xc6: {  	(tag) =	ssettag $0x2  }
0xc7: {  	s0 =	rddreg [dreg:$0x0];
	s2 =	stileid.u32  }
0xc8: {  	s1 =	rddreg [dreg:$0x1];
	p0 =	sne.s32 s2, $0x0  }
0xc9: {  	s3 =	rddreg [dreg:$0x2];
	[bflag:$0x3] =	sbarrier.arrive $0xFFFF;
	s2 =	simm.s32 @!p0 $0x1C02  }
0xca: {  	[timem:s3], [sflag:s2] =	dma.local @!p0 [hbm:s0], s1  }
0xcb: {  	s0 =	simm.s32 @!p0 $0x2  }
0xcc: {  	_ =	swait.ge @!p0 [sflag:s0], s1  }
0xcd: {  	s1 =	ssub.s32 @!p0 $0x0, s1;
	[sflag:s0] =	ssyncset.done @!p0 $0x0  }
0xce: {  	[sflag:s0] =	ssyncadd.s32 @!p0 s1  }
0xcf: {  	[bflag:$0x3] =	sbarrier.arrive $0xFFFF  }
0xd0: {  	_ =	shalt  }

// kernel: kernel.14.cloned.1.call-start
scs
__scs_entry_jumppad:
0x0: {  	(pc) =	sbr.rel $0x88, $3  }
0x1: {  	(tag) =	ssettag $0x0;
	lr =	simm.s32 $0x1  }
0x2: {  	[smem:$0x3F94] =	sst lr;
	_ =	strace $0xD0000000  }
0x3: {  	_ = 	snop  }
0x4: {  	_ = 	snop  }
0x5: {  	_ = 	snop  }
0x6: {  	_ = 	snop  }
0x7: {  	_ = 	snop  }
__scs_overlays_trampoline_lowered:
0x8: {  	[smem:$0x3FA3] =	sst s0  }
0x9: {  	[smem:$0x3FA4] =	sst s1  }
0xa: {  	[smem:$0x3FA5] =	sst s2  }
0xb: {  	[smem:$0x3FA6] =	sst s3  }
0xc: {  	[smem:$0x3FA7] =	sst s4  }
0xd: {  	[smem:$0x3FA8] =	sst s5  }
0xe: {  	[smem:$0x3FA9] =	sst s6  }
0xf: {  	[smem:$0x3FAA] =	sst s7  }
0x10: {  	[smem:$0x3FAB] =	sst s8  }
0x11: {  	[smem:$0x3FAC] =	sst s9;
	s0 =	simm.s32 @!p0 $0x0  }
0x12: {  	s1 =	sld [smem:$0x3F92];
	s0 =	simm.s32 @p0 $0x1  }
0x13: {  	[smem:$0x3FAD] =	sst s0;
	s0 =	simm.s32 @!p1 $0x0  }
0x14: {  	s2 =	sld [smem:$0x3F91];
	s0 =	simm.s32 @p1 $0x1  }
0x15: {  	[smem:$0x3FAE] =	sst s0;
	s0 =	simm.s32 @!p2 $0x0  }
0x16: {  	s3 =	sld [smem:$0x3FDB];
	s0 =	simm.s32 @p2 $0x1  }
0x17: {  	s4 =	simm.s32 $0x1BF5;
	[smem:$0x3FB0] =	sst s0  }
0x18: {  	s0 =	sld [smem:$0x3F93];
	_ =	swait.ge [sflag:s4], $0x0  }
0x19: {  	s7 =	sld [smem:$0x3F94]  }
0x1a: {  	s8 =	sadd.s32 $0xFFFFE003, lr  }
0x1b: {  	s9 =	sadd.s32 $0xFFFFFEF7, lr;
	s5 =	simm.s32 $0xFFFFFFFF;
	p2 =	slt.u32 s8, $0xFFFFF086  }
0x1c: {  	p1 =	slt.u32 s9, $0xF7A;
	s5 =	simm.s32 @!p2 $0x0  }
0x1d: {  	s5 =	simm.s32 @p1 $0x1;
	p0 =	seq.s32 s7, s2  }
0x1e: {  	s7 =	smul.u32 @!p0 $0xF7A, s2;
	p2 =	seq.s32 @!p0 s5, $0x0  }
0x1f: {  	s9 =	smul.u32 $0xF7A, s1;
	s8 =	simm.s32 @!p0 $0x1BF5;
	p2 =	por !p2, p0  }
0x20: {  	[sflag:s8] =	ssyncset.s32 @!p0 $0xFFFFF086;
	s6 =	sadd.s32 @!p0 s3, s7;
	s7 =	simm.s32 @!p0 $0x108  }
0x21: {  	s3 =	sadd.s32 s3, s9;
	s6 =	sadd.s32 @!p0 $0x88, s6;
	s7 =	simm.s32 @p2 $0x1082  }
0x22: {  	[simem:s7], [sflag:s8] =	dma.local @!p0 [hbm:s6], $0xF7A  }
0x23: {  	s9 =	sor.u32 $0xD0000000, s2;
	s6 =	simm.s32 $0x108;
	_ =	swait.ge @!p0 [sflag:s8], $0x0  }
0x24: {  	s3 =	sadd.s32 $0x88, s3;
	s6 =	simm.s32 @!p1 $0x1082;
	[sflag:s4] =	ssyncset.s32 $0xFFFFF086  }
0x25: {  	[simem:s6], [sflag:s4] =	dma.local [hbm:s3], $0xF7A  }
0x26: {  	[smem:$0x3F94] =	sst s1;
	(tag) =	ssettag s2;
	_ =	strace s9  }
0x27: {  	s1 =	sld [smem:$0x3FA4]  }
0x28: {  	s2 =	sld [smem:$0x3FA5]  }
0x29: {  	s4 =	sld [smem:$0x3FA7]  }
0x2a: {  	p0 =	seq.s32 s5, $0x0;
	s5 =	sld [smem:$0x3FA8]  }
0x2b: {  	s6 =	sld [smem:$0x3FA9]  }
0x2c: {  	s7 =	sld [smem:$0x3FAA]  }
0x2d: {  	s3 =	simm.s32 $0x108;
	s8 =	sld [smem:$0x3FAB]  }
0x2e: {  	s3 =	simm.s32 @!p0 $0x1082;
	s9 =	sld [smem:$0x3FAC]  }
0x2f: {  	lr =	sadd.s32 s0, s3;
	s0 =	sld [smem:$0x3FA3]  }
0x30: {  	s3 =	sld [smem:$0x3FA6]  }
0x31: {  	[smem:$0x3FAF] =	sst s10  }
0x32: {  	s10 =	sld [smem:$0x3FAD];
	_ =	sdelay $0x3  }
0x33: {  	p0 =	seq.s32 s10, $0x1;
	s10 =	sld [smem:$0x3FAF];
	_ =	sdelay $0x3  }
0x34: {  	[smem:$0x3FAF] =	sst s10  }
0x35: {  	s10 =	sld [smem:$0x3FAE];
	_ =	sdelay $0x3  }
0x36: {  	p1 =	seq.s32 s10, $0x1;
	s10 =	sld [smem:$0x3FAF];
	_ =	sdelay $0x3  }
0x37: {  	[smem:$0x3FAF] =	sst s10  }
0x38: {  	s10 =	sld [smem:$0x3FB0]  }
0x39: {  	_ = 	snop;
	(pc) =	sbr.ind lr, $3  }
0x3a: {  	_ = 	snop  }
0x3b: {  	_ = 	snop  }
0x3c: {  	p2 =	seq.s32 s10, $0x1;
	s10 =	sld [smem:$0x3FAF]  }
0x3d: {  	_ =	shalt  }
0x3e: {  	_ =	shalt  }
0x3f: {  	_ =	shalt  }
0x40: {  	_ =	shalt  }
0x41: {  	_ =	shalt  }
0x42: {  	_ =	shalt  }
0x43: {  	_ =	shalt  }
0x44: {  	_ =	shalt  }
0x45: {  	_ =	shalt  }
0x46: {  	_ =	shalt  }
0x47: {  	_ =	shalt  }
0x48: {  	_ =	shalt  }
0x49: {  	_ =	shalt  }
0x4a: {  	_ =	shalt  }
0x4b: {  	_ =	shalt  }
0x4c: {  	_ =	shalt  }
0x4d: {  	_ =	shalt  }
0x4e: {  	_ =	shalt  }
0x4f: {  	_ =	shalt  }
0x50: {  	_ =	shalt  }
0x51: {  	_ =	shalt  }
0x52: {  	_ =	shalt  }
0x53: {  	_ =	shalt  }
0x54: {  	_ =	shalt  }
0x55: {  	_ =	shalt  }
0x56: {  	_ =	shalt  }
0x57: {  	_ =	shalt  }
0x58: {  	_ =	shalt  }
0x59: {  	_ =	shalt  }
0x5a: {  	_ =	shalt  }
0x5b: {  	_ =	shalt  }
0x5c: {  	_ =	shalt  }
0x5d: {  	_ =	shalt  }
0x5e: {  	_ =	shalt  }
0x5f: {  	_ =	shalt  }
0x60: {  	_ =	shalt  }
0x61: {  	_ =	shalt  }
0x62: {  	_ =	shalt  }
0x63: {  	_ =	shalt  }
0x64: {  	_ =	shalt  }
0x65: {  	_ =	shalt  }
0x66: {  	_ =	shalt  }
0x67: {  	_ =	shalt  }
0x68: {  	_ =	shalt  }
0x69: {  	_ =	shalt  }
0x6a: {  	_ =	shalt  }
0x6b: {  	_ =	shalt  }
0x6c: {  	_ =	shalt  }
0x6d: {  	_ =	shalt  }
0x6e: {  	_ =	shalt  }
0x6f: {  	_ =	shalt  }
0x70: {  	_ =	shalt  }
0x71: {  	_ =	shalt  }
0x72: {  	_ =	shalt  }
0x73: {  	_ =	shalt  }
0x74: {  	_ =	shalt  }
0x75: {  	_ =	shalt  }
0x76: {  	_ =	shalt  }
0x77: {  	_ =	shalt  }
0x78: {  	_ =	shalt  }
0x79: {  	_ =	shalt  }
0x7a: {  	_ =	shalt  }
0x7b: {  	_ =	shalt  }
0x7c: {  	_ =	shalt  }
0x7d: {  	_ =	shalt  }
0x7e: {  	_ =	shalt  }
0x7f: {  	_ =	shalt  }
0x80: {  	_ =	shalt  }
0x81: {  	_ =	shalt  }
0x82: {  	_ =	shalt  }
0x83: {  	_ =	shalt  }
0x84: {  	_ =	shalt  }
0x85: {  	_ =	shalt  }
0x86: {  	_ =	shalt  }
0x87: {  	_ =	shalt  }
.Lfunc_end0:
.L_simem_size_0:
called_computation.1_lowered:
.L_overlay_start_0:
0x88: {  	s2 =	sld [smem:$0x3FD9]  }
0x89: {  	s3 =	sld [smem:$0x3FFE];
	_ =	sdelay $0x1  }
0x8a: {  	s1 =	srdreg.scid  }
0x8b: {  	s0 =	sand.u32 $0x1, s1  }
0x8c: {  	s16 =	sshll.u32 s0, $0xA;
	s2 =	sadd.s32 s3, s2  }
0x8d: {  	s2 =	sadd.s32 s2, s16  }
0x8e: {  	[smem:$0x3FBB] =	sst s2  }
0x8f: {  	_ = 	snop  }
0x90: {  	(tm) =	ssettm $0x1  }
0x91: {  	s17 =	sld [smem:$0x3FFB];
	_ =	sdelay $0x3  }
0x92: {  	_ =	strace s17  }
0x93: {  	s2 =	sld [smem:$0x3FFC];
	_ =	sdelay $0x3  }
0x94: {  	_ =	strace s2  }
0x95: {  	s2 =	sld [smem:$0x3FFD];
	_ =	sdelay $0x3  }
0x96: {  	_ =	strace s2  }
0x97: {  	_ =	strace $0x8FFFFFFF  }
0x98: {  	s18 =	sld [smem:$0x3FDB];
	_ =	sdelay $0x1  }
0x99: {  	s19 =	simm.s32 $_scs_section_size  }
0x9a: {  	s4 =	simm.s32 $_size__tile_overlayer_lowered;
	s5 =	simm.s32 $_tile_overlayer_lowered  }
0x9b: {  	s22 =	simm.s32 $0x1BFF;
	s21 =	sshll.u32 s5, $0x1;
	s2 =	sadd.s32 s19, s18  }
0x9c: {  	s6 =	simm.s32 $0x0;
	s20 =	sshll.u32 s4, $0x1;
	s4 =	sadd.s32 s21, s2  }
0x9d: {  	[timem:s6], [sflag:s22] =	dma.local [hbm:s4], s20  }
0x9e: {  	_ =	swait.ge [sflag:s22], s20  }
0x9f: {  	s3 =	ssub.s32 $0x0, s20;
	[sflag:s22] =	ssyncset.done $0x0  }
0xa0: {  	[sflag:s22] =	ssyncadd.s32 s3;
	_ =	sdelay $0x1  }
0xa1: {  	s23 =	simm.s32 $0x1B8B  }
0xa2: {  	_ =	swait.ge [sflag:s23], $0x1  }
0xa3: {  	[sflag:s23] =	ssyncset.done $0x0  }
0xa4: {  	s25 =	simm.s32 $0x1B8E;
	s24 =	sld [smem:$0x3FFE];
	[sflag:s23] =	ssyncadd.s32 $0xFFFFFFFF  }
0xa5: {  	s26 =	simm.s32 $execute0_lowered;
	[smem:$0x3FD2] =	sst s25  }
0xa6: {  	s4 =	sshll.u32 s26, $0x1;
	_ =	strace $0x80000049;
	[dreg:$0x1] =	wrdreg $0xFFFFFFFF  }
0xa7: {  	s28 =	simm.s32 $_size_execute0_lowered;
	s2 =	sadd.s32 s2, s4;
	[dreg:$0x0] =	wrdreg $0x0  }
0xa8: {  	s4 =	sshll.u32 s28, $0x1;
	[dreg:$0x2] =	wrdreg s2  }
0xa9: {  	[dreg:$0x3] =	wrdreg s4  }
0xaa: {  	[dreg:$0x4] =	wrdreg $0xC0  }
0xab: {  	_ =	task [dreg:s6], $0x5FFFF  }
0xac: {  	[dreg:$0x1] =	wrdreg $0xFFFFFFFF  }
0xad: {  	[dreg:$0x0] =	wrdreg $0x60  }
0xae: {  	[dreg:$0x2] =	wrdreg s24  }
0xaf: {  	[dreg:$0x3] =	wrdreg $0xB9000  }
0xb0: {  	[dreg:$0x4] =	wrdreg $0x9  }
0xb1: {  	_ =	task.clear_ibuf [dreg:s6], $0x5FFFF;
	_ =	strace $0x90000049  }
0xb2: {  	s29 =	simm.s32 $0x9;
	_ =	strace $0x8000004B  }
0xb3: {  	_ =	swait.ge [sflag:s29], $0x1  }
0xb4: {  	[sflag:s29] =	ssyncadd.s32 $0xFFFFFFFF  }
0xb5: {  	_ =	strace $0x9000004B  }
0xb6: {  	_ =	sfence  }
0xb7: {  	s30 =	sld [smem:$0x0];
	_ =	sdelay $0x2  }
0xb8: {  	s31 =	sshll.u32 s1, $0xD;
	s1 =	sshrl.u32 s1, $0x2  }
0xb9: {  	s3 =	sand.u32 $0x4000, s31;
	s1 =	sadd.s32 s1, s30  }
0xba: {  	s0 =	sor.u32 s3, s0;
	s1 =	sshll.u32 s1, $0x11  }
0xbb: {  	s0 =	sor.u32 s1, s0  }
0xbc: {  	s0 =	sadd.s32 $0x8F2B, s0  }
0xbd: {  	[sflag:s0] =	ssyncadd.remote.s32 $0x1  }
0xbe: {  	_ =	sfence.sel $0xFFFF  }
0xbf: {  	[dreg:$0x0] =	wrdreg $0xFFFFFFFF;
	(pc) =	sbr.abs _section_cstart, $3  }
0xc0: {  	[dreg:$0x1] =	wrdreg $0xFFFFFFFF  }
0xc1: {  	_ =	task.clear_ibuf [dreg:s6], $0x2FFFF;
	_ =	strace $0x9FFFFFFF  }
0xc2: {  	(tm) =	ssettm $0x7FFFFFFF  }
0xc3: {  	_ =	shalt  }
tec
execute0_lowered:
.L_overlay_start_1:
0x0: {  	(tag) =	ssettag $0x1  }
0x1: {  	s0 =	rddreg [dreg:$0x0];
	s1 =	srdreg.scid  }
0x2: {  	s11 =	stileid.u32;
	s2 =	rddreg [dreg:$0x1];
	s3 =	simm.s32 $0x0  }
0x3: {  	s28 =	simm.s32 $0x7900;
	s29 =	simm.s32 $0x3;
	s30 =	simm.s32 $0x1  }
0x4: {  	s31 =	simm.s32 $0x4;
	s1 =	sand.u32 $0x1, s1;
	s4 =	sshll.u32 s11, $0x1  }
0x5: {  	[smem:$0x7FF] =	sst s3;
	s5 =	sadd.s32 $0x12000, s0;
	s9 =	smul.u32 $0x14000, s11  }
0x6: {  	s6 =	sadd.s32 $0x4000, s0;
	s12 =	sadd.s32 $0x3A000, s0;
	s11 =	sshll.u32 s11, $0x7  }
0x7: {  	s4 =	sor.u32 s1, s4;
	_ =	strace $0x8000004A;
	s7 =	smul.u32 $0x140000, s1  }
0x8: {  	[dreg:$0x3] =	wrdreg s12;
	s18 =	ssub.s32 $0x2, s1;
	s15 =	sadd.s32 s11, s0  }
0x9: {  	p0 =	seq.s32 s1, $0x1;
	s1 =	simm.s32 $0x2;
	s4 =	smul.u32 $0x3800, s4  }
0xa: {  	s19 =	sshrl.u32 s18, $0x1;
	s11 =	sadd.s32 $0x3810, s15;
	s12 =	sadd.s32 $0x3820, s15  }
0xb: {  	s14 =	sadd.s32 $0x3830, s15;
	s7 =	sadd.s32 s9, s7;
	s20 =	ssub.s32 s18, s19  }
0xc: {  	s9 =	sadd.s32 $0x3800, s15;
	s15 =	sadd.s32 $0x3840, s15;
	s8 =	sshrl.u32 s4, $0x3  }
0xd: {  	s7 =	sshrl.u32 s7, $0x3;
	s22 =	smax.u32 s20, $0x1;
	s10 =	sadd.s32 s8, s0  }
0xe: {  	[dreg:$0x5] =	wrdreg s22;
	s13 =	sadd.s32 s6, s8;
	s21 =	sadd.s32 $0x8A800, s10  }
0xf: {  	s0 =	sadd.s32 s7, s0;
	s23 =	sadd.s32 $0x10, s13;
	[dreg:$0x4] =	wrdreg s21  }
0x10: {  	s22 =	simm.s32 $0x7;
	s24 =	sadd.s32 $0x98800, s0;
	[dreg:$0x6] =	wrdreg s23  }
.Ltmp0:
0x11: {  	s25 =	sadd.s32 $0x99000, s0;
	[dreg:$0x7] =	wrdreg s24;
	(pc) =	sbr.rel .LBB2_1-.Ltmp0, $4  }
0x12: {  	s7 =	simm.s32 $0x6;
	s26 =	sadd.s32 $0x99800, s0;
	[dreg:$0x8] =	wrdreg s25  }
0x13: {  	s8 =	simm.s32 $0x0;
	s20 =	sadd.s32 $0x9A000, s0;
	[dreg:$0x9] =	wrdreg s26  }
0x14: {  	s21 =	sadd.s32 $0x9A800, s0;
	s23 =	simm.s32 $0x3900;
	s24 =	simm.s32 $0x3800  }
0x15: {  	s25 =	simm.s32 $0x80;
	s26 =	simm.s32 $0x3880;
	s0 =	simm.s32 $0x5  }
.LBB2_7:
0x16: {  	[spmem:s2] =	stream.indirect.scatter.add.f32 [tilespmem:s28], [sflag:$0x6], $0x80, s26, s25, $0xb8;
	[tilespmem:$0x1F900] =	vst v63  }
.LBB2_8:
0x17: {  	_ =	swait.ge [sflag:s0], $0x4000  }
0x18: {  	[sflag:s0] =	ssyncset.done $0x0  }
0x19: {  	[sflag:s0] =	ssyncadd.s32 $0xFFFFC000  }
0x1a: {  	_ =	swait.ge [sflag:s7], $0x4000  }
0x1b: {  	[sflag:s7] =	ssyncset.done $0x0  }
0x1c: {  	[sflag:s7] =	ssyncadd.s32 $0xFFFFC000  }
0x1d: {  	[bflag:$0x0] =	sbarrier.arrive $0xFFFF  }
0x1e: {  	[tilespmem:s24], [sflag:$0x7] =	stream.linear.gather [hbm4b:s9+s3], $0x80, $0x38;
	[tilespmem:$0x1F900] =	vst v63  }
0x1f: {  	_ =	swait.ge [sflag:s22], $0x80  }
0x20: {  	[sflag:s22] =	ssyncset.done $0x0  }
0x21: {  	[sflag:s22] =	ssyncadd.s32 $0xFFFFFF80  }
0x22: {  	[tilespmem:s23], [sflag:$0x3] =	stream.indirect.gather [spmem:s2], $0x80, s24, s25, $0xb8;
	[tilespmem:$0x1F900] =	vst v63  }
0x23: {  	_ =	swait.ge [sflag:s29], $0x4000  }
0x24: {  	[sflag:s29] =	ssyncset.done $0x0  }
0x25: {  	s10 =	rddreg [dreg:$0x7];
	[sflag:s29] =	ssyncadd.s32 $0xFFFFC000  }
0x26: {  	[hbm4b:s10+s3] =	stream.linear.scatter [tilespmem:s23], [sflag:$0x7], $0x4000, $0x38;
	[tilespmem:$0x1F900] =	vst v63  }
0x27: {  	_ =	swait.ge [sflag:s22], $0x4000  }
0x28: {  	[sflag:s22] =	ssyncset.done $0x0  }
0x29: {  	[sflag:s22] =	ssyncadd.s32 $0xFFFFC000  }
0x2a: {  	[tilespmem:s24], [sflag:$0x7] =	stream.linear.gather [hbm4b:s11+s3], $0x80, $0x38;
	[tilespmem:$0x1F900] =	vst v63  }
0x2b: {  	_ =	swait.ge [sflag:s22], $0x80  }
0x2c: {  	[sflag:s22] =	ssyncset.done $0x0  }
0x2d: {  	[sflag:s22] =	ssyncadd.s32 $0xFFFFFF80  }
0x2e: {  	[tilespmem:s23], [sflag:$0x3] =	stream.indirect.gather [spmem:s2], $0x80, s24, s25, $0xb8;
	[tilespmem:$0x1F900] =	vst v63  }
0x2f: {  	_ =	swait.ge [sflag:s29], $0x4000  }
0x30: {  	[sflag:s29] =	ssyncset.done $0x0  }
0x31: {  	s17 =	rddreg [dreg:$0x8];
	[sflag:s29] =	ssyncadd.s32 $0xFFFFC000  }
0x32: {  	[hbm4b:s17+s3] =	stream.linear.scatter [tilespmem:s23], [sflag:$0x7], $0x4000, $0x38;
	[tilespmem:$0x1F900] =	vst v63  }
0x33: {  	_ =	swait.ge [sflag:s22], $0x4000  }
0x34: {  	[sflag:s22] =	ssyncset.done $0x0  }
0x35: {  	[sflag:s22] =	ssyncadd.s32 $0xFFFFC000  }
0x36: {  	[tilespmem:s24], [sflag:$0x7] =	stream.linear.gather [hbm4b:s12+s3], $0x80, $0x38;
	[tilespmem:$0x1F900] =	vst v63  }
0x37: {  	_ =	swait.ge [sflag:s22], $0x80  }
0x38: {  	[sflag:s22] =	ssyncset.done $0x0  }
0x39: {  	[sflag:s22] =	ssyncadd.s32 $0xFFFFFF80  }
0x3a: {  	[tilespmem:s23], [sflag:$0x3] =	stream.indirect.gather [spmem:s2], $0x80, s24, s25, $0xb8;
	[tilespmem:$0x1F900] =	vst v63  }
0x3b: {  	_ =	swait.ge [sflag:s29], $0x4000  }
0x3c: {  	[sflag:s29] =	ssyncset.done $0x0  }
0x3d: {  	s18 =	rddreg [dreg:$0x9];
	[sflag:s29] =	ssyncadd.s32 $0xFFFFC000  }
0x3e: {  	[hbm4b:s18+s3] =	stream.linear.scatter [tilespmem:s23], [sflag:$0x7], $0x4000, $0x38;
	[tilespmem:$0x1F900] =	vst v63  }
0x3f: {  	_ =	swait.ge [sflag:s22], $0x4000  }
0x40: {  	[sflag:s22] =	ssyncset.done $0x0  }
0x41: {  	[sflag:s22] =	ssyncadd.s32 $0xFFFFC000  }
0x42: {  	[tilespmem:s24], [sflag:$0x7] =	stream.linear.gather [hbm4b:s14+s3], $0x80, $0x38;
	[tilespmem:$0x1F900] =	vst v63  }
0x43: {  	_ =	swait.ge [sflag:s22], $0x80  }
0x44: {  	[sflag:s22] =	ssyncset.done $0x0  }
0x45: {  	[sflag:s22] =	ssyncadd.s32 $0xFFFFFF80  }
0x46: {  	[tilespmem:s23], [sflag:$0x3] =	stream.indirect.gather [spmem:s2], $0x80, s24, s25, $0xb8;
	[tilespmem:$0x1F900] =	vst v63  }
0x47: {  	_ =	swait.ge [sflag:s29], $0x4000  }
0x48: {  	[sflag:s29] =	ssyncset.done $0x0  }
0x49: {  	[sflag:s29] =	ssyncadd.s32 $0xFFFFC000  }
0x4a: {  	[hbm4b:s20+s3] =	stream.linear.scatter [tilespmem:s23], [sflag:$0x7], $0x4000, $0x38;
	[tilespmem:$0x1F900] =	vst v63  }
0x4b: {  	_ =	swait.ge [sflag:s22], $0x4000  }
0x4c: {  	[sflag:s22] =	ssyncset.done $0x0  }
0x4d: {  	[sflag:s22] =	ssyncadd.s32 $0xFFFFC000  }
0x4e: {  	[tilespmem:s24], [sflag:$0x7] =	stream.linear.gather [hbm4b:s15+s3], $0x80, $0x38;
	[tilespmem:$0x1F900] =	vst v63  }
0x4f: {  	_ =	swait.ge [sflag:s22], $0x80  }
0x50: {  	[sflag:s22] =	ssyncset.done $0x0  }
0x51: {  	[sflag:s22] =	ssyncadd.s32 $0xFFFFFF80  }
0x52: {  	[tilespmem:s23], [sflag:$0x3] =	stream.indirect.gather [spmem:s2], $0x80, s24, s25, $0xb8;
	[tilespmem:$0x1F900] =	vst v63  }
0x53: {  	_ =	swait.ge [sflag:s29], $0x4000  }
0x54: {  	[sflag:s29] =	ssyncset.done $0x0  }
0x55: {  	[sflag:s29] =	ssyncadd.s32 $0xFFFFC000  }
0x56: {  	[hbm4b:s21+s3] =	stream.linear.scatter [tilespmem:s23], [sflag:$0x7], $0x4000, $0x38;
	[tilespmem:$0x1F900] =	vst v63  }
0x57: {  	_ =	swait.ge [sflag:s22], $0x4000  }
0x58: {  	s8 =	sadd.s32 $0x1, s8;
	s19 =	rddreg [dreg:$0x5]  }
0x59: {  	p1 =	sne.s32 s8, s19  }
.Ltmp1:
0x5a: {  	_ = 	snop;
	(pc) =	sbr.rel @!p1 .LBB2_9-.Ltmp1, $3  }
0x5b: {  	_ =	sdelay $0x1  }
0x5c: {  	[sflag:s22] =	ssyncset.done $0x0  }
0x5d: {  	[sflag:s22] =	ssyncadd.s32 $0xFFFFC000  }
.LBB2_1:
0x5e: {  	s10 =	rddreg [dreg:$0x4]  }
0x5f: {  	[tilespmem:s3], [sflag:$0x7] =	stream.linear.gather [hbm4b:s10+s3], $0x3800, $0x38;
	[tilespmem:$0x1F900] =	vst v63  }
0x60: {  	_ =	swait.ge [sflag:s22], $0x3800  }
0x61: {  	[sflag:s22] =	ssyncset.done $0x0  }
0x62: {  	s19 =	rddreg [dreg:$0x3];
	[sflag:s22] =	ssyncadd.s32 $0xFFFFC800  }
0x63: {  	[tilespmem:s23], [sflag:$0x7] =	stream.linear.gather [hbm4b:s19+s3], $0x4000, $0x38;
	[tilespmem:$0x1F900] =	vst v63  }
0x64: {  	_ =	swait.ge [sflag:s22], $0x4000  }
0x65: {  	[sflag:s22] =	ssyncset.done $0x0  }
0x66: {  	[sflag:s22] =	ssyncadd.s32 $0xFFFFC000  }
0x67: {  	[tilespmem:s24], [sflag:$0x7] =	stream.linear.gather [hbm4b:s9+s3], $0x80, $0x38;
	[tilespmem:$0x1F900] =	vst v63  }
0x68: {  	_ =	swait.ge [sflag:s22], $0x80  }
0x69: {  	[sflag:s22] =	ssyncset.done $0x0  }
0x6a: {  	[sflag:s22] =	ssyncadd.s32 $0xFFFFFF80  }
0x6b: {  	[spmem:s2] =	stream.indirect.scatter [tilespmem:s23], [sflag:$0x7], $0x80, s24, s25, $0xb8;
	[tilespmem:$0x1F900] =	vst v63  }
0x6c: {  	_ =	swait.ge [sflag:s22], $0x4000  }
0x6d: {  	[sflag:s22] =	ssyncset.done $0x0  }
0x6e: {  	[sflag:s22] =	ssyncadd.s32 $0xFFFFC000  }
0x6f: {  	[tilespmem:s24], [sflag:$0x7] =	stream.linear.gather [hbm4b:s11+s3], $0x80, $0x38;
	[tilespmem:$0x1F900] =	vst v63  }
0x70: {  	_ =	swait.ge [sflag:s22], $0x80  }
0x71: {  	[sflag:s22] =	ssyncset.done $0x0  }
0x72: {  	[sflag:s22] =	ssyncadd.s32 $0xFFFFFF80  }
0x73: {  	[spmem:s2] =	stream.indirect.scatter [tilespmem:s23], [sflag:$0x7], $0x80, s24, s25, $0xb8;
	[tilespmem:$0x1F900] =	vst v63  }
0x74: {  	_ =	swait.ge [sflag:s22], $0x4000  }
0x75: {  	[sflag:s22] =	ssyncset.done $0x0  }
0x76: {  	[sflag:s22] =	ssyncadd.s32 $0xFFFFC000  }
0x77: {  	[tilespmem:s24], [sflag:$0x7] =	stream.linear.gather [hbm4b:s12+s3], $0x80, $0x38;
	[tilespmem:$0x1F900] =	vst v63  }
0x78: {  	_ =	swait.ge [sflag:s22], $0x80  }
0x79: {  	[sflag:s22] =	ssyncset.done $0x0  }
0x7a: {  	[sflag:s22] =	ssyncadd.s32 $0xFFFFFF80  }
0x7b: {  	[spmem:s2] =	stream.indirect.scatter [tilespmem:s23], [sflag:$0x7], $0x80, s24, s25, $0xb8;
	[tilespmem:$0x1F900] =	vst v63  }
0x7c: {  	_ =	swait.ge [sflag:s22], $0x4000  }
0x7d: {  	[sflag:s22] =	ssyncset.done $0x0  }
0x7e: {  	[sflag:s22] =	ssyncadd.s32 $0xFFFFC000  }
0x7f: {  	[tilespmem:s24], [sflag:$0x7] =	stream.linear.gather [hbm4b:s14+s3], $0x80, $0x38;
	[tilespmem:$0x1F900] =	vst v63  }
0x80: {  	_ =	swait.ge [sflag:s22], $0x80  }
0x81: {  	[sflag:s22] =	ssyncset.done $0x0  }
0x82: {  	[sflag:s22] =	ssyncadd.s32 $0xFFFFFF80  }
0x83: {  	[spmem:s2] =	stream.indirect.scatter [tilespmem:s23], [sflag:$0x7], $0x80, s24, s25, $0xb8;
	[tilespmem:$0x1F900] =	vst v63  }
0x84: {  	_ =	swait.ge [sflag:s22], $0x4000  }
0x85: {  	[sflag:s22] =	ssyncset.done $0x0  }
0x86: {  	[sflag:s22] =	ssyncadd.s32 $0xFFFFC000  }
0x87: {  	[tilespmem:s24], [sflag:$0x7] =	stream.linear.gather [hbm4b:s15+s3], $0x80, $0x38;
	[tilespmem:$0x1F900] =	vst v63  }
0x88: {  	_ =	swait.ge [sflag:s22], $0x80  }
0x89: {  	[sflag:s22] =	ssyncset.done $0x0  }
0x8a: {  	[sflag:s22] =	ssyncadd.s32 $0xFFFFFF80  }
0x8b: {  	[spmem:s2] =	stream.indirect.scatter [tilespmem:s23], [sflag:$0x7], $0x80, s24, s25, $0xb8;
	[tilespmem:$0x1F900] =	vst v63  }
.Ltmp2:
0x8c: {  	_ =	swait.ge [sflag:s22], $0x4000;
	(pc) =	sbr.rel @!p0 .LBB2_2-.Ltmp2, $3  }
0x8d: {  	[sflag:s22] =	ssyncset.done $0x0  }
0x8e: {  	[sflag:s22] =	ssyncadd.s32 $0xFFFFC000  }
0x8f: {  	[bflag:$0x0] =	sbarrier.arrive $0xFFFF;
	_ =	sdelay $0x1  }
0x90: {  	[tilespmem:s24], [sflag:$0x1] =	stream.linear.gather [hbm4b:s13+s3], $0x80, $0x38;
	[tilespmem:$0x1F900] =	vst v63  }
0x91: {  	_ = 	snop  }
0x92: {  	[tilespmem:s23], [sflag:$0x3] =	stream.indirect.gather [hbm4b:s5+s25], $0x80, s3, s25, $0xb8;
	[tilespmem:$0x1F900] =	vst v63  }
0x93: {  	s10 =	rddreg [dreg:$0x6]  }
0x94: {  	[tilespmem:s26], [sflag:$0x2] =	stream.linear.gather [hbm4b:s10+s3], $0x80, $0x38;
	[tilespmem:$0x1F900] =	vst v63  }
0x95: {  	_ = 	snop  }
0x96: {  	[tilespmem:s28], [sflag:$0x4] =	stream.indirect.gather [hbm4b:s5+s25], $0x80, s25, s25, $0xb8;
	[tilespmem:$0x1F900] =	vst v63  }
0x97: {  	_ =	swait.ge [sflag:s29], $0x4000  }
0x98: {  	[sflag:s29] =	ssyncset.done $0x0  }
0x99: {  	[sflag:s29] =	ssyncadd.s32 $0xFFFFC000  }
0x9a: {  	_ =	swait.ge [sflag:s30], $0x80  }
0x9b: {  	[sflag:s30] =	ssyncset.done $0x0  }
0x9c: {  	[sflag:s30] =	ssyncadd.s32 $0xFFFFFF80  }
0x9d: {  	[spmem:s2] =	stream.indirect.scatter.add.f32 [tilespmem:s23], [sflag:$0x5], $0x80, s24, s25, $0xb8;
	[tilespmem:$0x1F900] =	vst v63  }
0x9e: {  	_ =	swait.ge [sflag:s31], $0x4000  }
0x9f: {  	[sflag:s31] =	ssyncset.done $0x0  }
0xa0: {  	[sflag:s31] =	ssyncadd.s32 $0xFFFFC000  }
0xa1: {  	_ =	swait.ge [sflag:s1], $0x80  }
0xa2: {  	[sflag:s1] =	ssyncset.done $0x0  }
0xa3: {  	[sflag:s1] =	ssyncadd.s32 $0xFFFFFF80  }
0xa4: {  	[spmem:s2] =	stream.indirect.scatter.add.f32 [tilespmem:s28], [sflag:$0x6], $0x80, s26, s25, $0xb8;
	[tilespmem:$0x1F900] =	vst v63  }
0xa5: {  	s17 =	simm.s32 $0x100;
	_ =	swait.ge [sflag:s0], $0x4000  }
0xa6: {  	s18 =	sand.u32 $0x3C00, s17;
	[sflag:s0] =	ssyncset.done $0x0  }
0xa7: {  	s17 =	sand.u32 $0x300, s17;
	s18 =	sadd.s32 s4, s18;
	[sflag:s0] =	ssyncadd.s32 $0xFFFFC000  }
0xa8: {  	s16 =	simm.s32 $0x180;
	s17 =	sor.u32 s17, s18;
	_ =	swait.ge [sflag:s7], $0x4000  }
0xa9: {  	s16 =	sand.u32 $0x380, s16;
	s17 =	sshrl.u32 s17, $0x3;
	[sflag:s7] =	ssyncset.done $0x0  }
0xaa: {  	s16 =	sor.u32 s18, s16;
	s17 =	sadd.s32 s6, s17;
	[sflag:s7] =	ssyncadd.s32 $0xFFFFC000  }
0xab: {  	[tilespmem:s24], [sflag:$0x1] =	stream.linear.gather [hbm4b:s17+s3], $0x80, $0x38;
	[tilespmem:$0x1F900] =	vst v63  }
0xac: {  	s19 =	simm.s32 $0x100;
	s16 =	sshrl.u32 s16, $0x3  }
0xad: {  	[tilespmem:s23], [sflag:$0x3] =	stream.indirect.gather [hbm4b:s5+s25], $0x80, s19, s25, $0xb8;
	[tilespmem:$0x1F900] =	vst v63  }
0xae: {  	s18 =	sadd.s32 s6, s16  }
0xaf: {  	[tilespmem:s26], [sflag:$0x2] =	stream.linear.gather [hbm4b:s18+s3], $0x80, $0x38;
	[tilespmem:$0x1F900] =	vst v63  }
0xb0: {  	s19 =	simm.s32 $0x180  }
0xb1: {  	[tilespmem:s28], [sflag:$0x4] =	stream.indirect.gather [hbm4b:s5+s25], $0x80, s19, s25, $0xb8;
	[tilespmem:$0x1F900] =	vst v63  }
0xb2: {  	_ =	swait.ge [sflag:s29], $0x4000  }
0xb3: {  	[sflag:s29] =	ssyncset.done $0x0  }
0xb4: {  	[sflag:s29] =	ssyncadd.s32 $0xFFFFC000  }
0xb5: {  	_ =	swait.ge [sflag:s30], $0x80  }
0xb6: {  	[sflag:s30] =	ssyncset.done $0x0  }
0xb7: {  	[sflag:s30] =	ssyncadd.s32 $0xFFFFFF80  }
0xb8: {  	[spmem:s2] =	stream.indirect.scatter.add.f32 [tilespmem:s23], [sflag:$0x5], $0x80, s24, s25, $0xb8;
	[tilespmem:$0x1F900] =	vst v63  }
0xb9: {  	_ =	swait.ge [sflag:s31], $0x4000  }
0xba: {  	[sflag:s31] =	ssyncset.done $0x0  }
0xbb: {  	[sflag:s31] =	ssyncadd.s32 $0xFFFFC000  }
0xbc: {  	_ =	swait.ge [sflag:s1], $0x80  }
0xbd: {  	[sflag:s1] =	ssyncset.done $0x0  }
0xbe: {  	s10 =	simm.s32 $0x280;
	s16 =	simm.s32 $0x200;
	[sflag:s1] =	ssyncadd.s32 $0xFFFFFF80  }
.LBB2_6:
0xbf: {  	[spmem:s2] =	stream.indirect.scatter.add.f32 [tilespmem:s28], [sflag:$0x6], $0x80, s26, s25, $0xb8;
	[tilespmem:$0x1F900] =	vst v63  }
0xc0: {  	s17 =	sadd.s32 $0xFFFFFF80, s10;
	p1 =	sne.s32 s10, $0x3780;
	_ =	swait.ge [sflag:s0], $0x4000  }
0xc1: {  	s19 =	sand.u32 $0x380, s10;
	s18 =	sand.u32 $0x3C00, s17;
	[sflag:s0] =	ssyncset.done $0x0  }
0xc2: {  	s17 =	sand.u32 $0x300, s17;
	s18 =	sadd.s32 s4, s18;
	[sflag:s0] =	ssyncadd.s32 $0xFFFFC000  }
0xc3: {  	s17 =	sor.u32 s17, s18;
	s18 =	sor.u32 s18, s19;
	_ =	swait.ge [sflag:s7], $0x4000  }
0xc4: {  	s17 =	sshrl.u32 s17, $0x3;
	s18 =	sshrl.u32 s18, $0x3;
	[sflag:s7] =	ssyncset.done $0x0  }
0xc5: {  	s10 =	sadd.s32 $0x100, s10;
	s17 =	sadd.s32 s6, s17;
	[sflag:s7] =	ssyncadd.s32 $0xFFFFC000  }
0xc6: {  	[tilespmem:s24], [sflag:$0x1] =	stream.linear.gather [hbm4b:s17+s3], $0x80, $0x38;
	[tilespmem:$0x1F900] =	vst v63  }
0xc7: {  	_ = 	snop  }
0xc8: {  	[tilespmem:s23], [sflag:$0x3] =	stream.indirect.gather [hbm4b:s5+s25], $0x80, s16, s25, $0xb8;
	[tilespmem:$0x1F900] =	vst v63  }
0xc9: {  	s17 =	sadd.s32 s6, s18  }
0xca: {  	[tilespmem:s26], [sflag:$0x2] =	stream.linear.gather [hbm4b:s17+s3], $0x80, $0x38;
	[tilespmem:$0x1F900] =	vst v63  }
0xcb: {  	s17 =	sadd.s32 $0x80, s16  }
0xcc: {  	[tilespmem:s28], [sflag:$0x4] =	stream.indirect.gather [hbm4b:s5+s25], $0x80, s17, s25, $0xb8;
	[tilespmem:$0x1F900] =	vst v63  }
0xcd: {  	_ =	swait.ge [sflag:s29], $0x4000  }
0xce: {  	[sflag:s29] =	ssyncset.done $0x0  }
0xcf: {  	[sflag:s29] =	ssyncadd.s32 $0xFFFFC000  }
0xd0: {  	_ =	swait.ge [sflag:s30], $0x80  }
0xd1: {  	[sflag:s30] =	ssyncset.done $0x0  }
0xd2: {  	[sflag:s30] =	ssyncadd.s32 $0xFFFFFF80  }
0xd3: {  	[spmem:s2] =	stream.indirect.scatter.add.f32 [tilespmem:s23], [sflag:$0x5], $0x80, s24, s25, $0xb8;
	[tilespmem:$0x1F900] =	vst v63  }
0xd4: {  	_ =	swait.ge [sflag:s31], $0x4000  }
.Ltmp3:
0xd5: {  	[sflag:s31] =	ssyncset.done $0x0;
	(pc) =	sbr.rel @p1 .LBB2_6-.Ltmp3, $4  }
0xd6: {  	[sflag:s31] =	ssyncadd.s32 $0xFFFFC000  }
0xd7: {  	_ =	swait.ge [sflag:s1], $0x80  }
0xd8: {  	[sflag:s1] =	ssyncset.done $0x0  }
0xd9: {  	s16 =	sadd.s32 $0x100, s16;
	[sflag:s1] =	ssyncadd.s32 $0xFFFFFF80  }
.Ltmp4:
0xda: {  	_ = 	snop;
	(pc) =	sbr.rel .LBB2_7-.Ltmp4, $1  }
0xdb: {  	_ =	sdelay $0x3  }
.LBB2_2:
0xdc: {  	[tilespmem:s24], [sflag:$0x1] =	stream.linear.gather [hbm4b:s13+s3], $0x80, $0x38;
	[tilespmem:$0x1F900] =	vst v63  }
0xdd: {  	_ = 	snop  }
0xde: {  	[tilespmem:s23], [sflag:$0x3] =	stream.indirect.gather [hbm4b:s5+s25], $0x80, s3, s25, $0xb8;
	[tilespmem:$0x1F900] =	vst v63  }
0xdf: {  	s10 =	rddreg [dreg:$0x6]  }
0xe0: {  	[tilespmem:s26], [sflag:$0x2] =	stream.linear.gather [hbm4b:s10+s3], $0x80, $0x38;
	[tilespmem:$0x1F900] =	vst v63  }
0xe1: {  	_ = 	snop  }
0xe2: {  	[tilespmem:s28], [sflag:$0x4] =	stream.indirect.gather [hbm4b:s5+s25], $0x80, s25, s25, $0xb8;
	[tilespmem:$0x1F900] =	vst v63  }
0xe3: {  	_ =	swait.ge [sflag:s29], $0x4000  }
0xe4: {  	[sflag:s29] =	ssyncset.done $0x0  }
0xe5: {  	[sflag:s29] =	ssyncadd.s32 $0xFFFFC000  }
0xe6: {  	_ =	swait.ge [sflag:s30], $0x80  }
0xe7: {  	[sflag:s30] =	ssyncset.done $0x0  }
0xe8: {  	[sflag:s30] =	ssyncadd.s32 $0xFFFFFF80  }
0xe9: {  	[spmem:s2] =	stream.indirect.scatter.add.f32 [tilespmem:s23], [sflag:$0x5], $0x80, s24, s25, $0xb8;
	[tilespmem:$0x1F900] =	vst v63  }
0xea: {  	_ =	swait.ge [sflag:s31], $0x4000  }
0xeb: {  	[sflag:s31] =	ssyncset.done $0x0  }
0xec: {  	[sflag:s31] =	ssyncadd.s32 $0xFFFFC000  }
0xed: {  	_ =	swait.ge [sflag:s1], $0x80  }
0xee: {  	[sflag:s1] =	ssyncset.done $0x0  }
0xef: {  	[sflag:s1] =	ssyncadd.s32 $0xFFFFFF80  }
0xf0: {  	[spmem:s2] =	stream.indirect.scatter.add.f32 [tilespmem:s28], [sflag:$0x6], $0x80, s26, s25, $0xb8;
	[tilespmem:$0x1F900] =	vst v63  }
0xf1: {  	s17 =	simm.s32 $0x100;
	_ =	swait.ge [sflag:s0], $0x4000  }
0xf2: {  	s18 =	sand.u32 $0x1C00, s17;
	[sflag:s0] =	ssyncset.done $0x0  }
0xf3: {  	s17 =	sand.u32 $0x300, s17;
	s18 =	sadd.s32 s4, s18;
	[sflag:s0] =	ssyncadd.s32 $0xFFFFC000  }
0xf4: {  	s16 =	simm.s32 $0x180;
	s17 =	sor.u32 s17, s18;
	_ =	swait.ge [sflag:s7], $0x4000  }
0xf5: {  	s16 =	sand.u32 $0x380, s16;
	s17 =	sshrl.u32 s17, $0x3;
	[sflag:s7] =	ssyncset.done $0x0  }
0xf6: {  	s16 =	sor.u32 s18, s16;
	s17 =	sadd.s32 s6, s17;
	[sflag:s7] =	ssyncadd.s32 $0xFFFFC000  }
0xf7: {  	[tilespmem:s24], [sflag:$0x1] =	stream.linear.gather [hbm4b:s17+s3], $0x80, $0x38;
	[tilespmem:$0x1F900] =	vst v63  }
0xf8: {  	s19 =	simm.s32 $0x100;
	s16 =	sshrl.u32 s16, $0x3  }
0xf9: {  	[tilespmem:s23], [sflag:$0x3] =	stream.indirect.gather [hbm4b:s5+s25], $0x80, s19, s25, $0xb8;
	[tilespmem:$0x1F900] =	vst v63  }
0xfa: {  	s18 =	sadd.s32 s6, s16  }
0xfb: {  	[tilespmem:s26], [sflag:$0x2] =	stream.linear.gather [hbm4b:s18+s3], $0x80, $0x38;
	[tilespmem:$0x1F900] =	vst v63  }
0xfc: {  	s19 =	simm.s32 $0x180  }
0xfd: {  	[tilespmem:s28], [sflag:$0x4] =	stream.indirect.gather [hbm4b:s5+s25], $0x80, s19, s25, $0xb8;
	[tilespmem:$0x1F900] =	vst v63  }
0xfe: {  	_ =	swait.ge [sflag:s29], $0x4000  }
0xff: {  	[sflag:s29] =	ssyncset.done $0x0  }
0x100: {  	[sflag:s29] =	ssyncadd.s32 $0xFFFFC000  }
0x101: {  	_ =	swait.ge [sflag:s30], $0x80  }
0x102: {  	[sflag:s30] =	ssyncset.done $0x0  }
0x103: {  	[sflag:s30] =	ssyncadd.s32 $0xFFFFFF80  }
0x104: {  	[spmem:s2] =	stream.indirect.scatter.add.f32 [tilespmem:s23], [sflag:$0x5], $0x80, s24, s25, $0xb8;
	[tilespmem:$0x1F900] =	vst v63  }
0x105: {  	_ =	swait.ge [sflag:s31], $0x4000  }
0x106: {  	[sflag:s31] =	ssyncset.done $0x0  }
0x107: {  	[sflag:s31] =	ssyncadd.s32 $0xFFFFC000  }
0x108: {  	_ =	swait.ge [sflag:s1], $0x80  }
0x109: {  	[sflag:s1] =	ssyncset.done $0x0  }
0x10a: {  	s10 =	simm.s32 $0x280;
	s16 =	simm.s32 $0x200;
	[sflag:s1] =	ssyncadd.s32 $0xFFFFFF80  }
.LBB2_3:
0x10b: {  	[spmem:s2] =	stream.indirect.scatter.add.f32 [tilespmem:s28], [sflag:$0x6], $0x80, s26, s25, $0xb8;
	[tilespmem:$0x1F900] =	vst v63  }
0x10c: {  	s17 =	sadd.s32 $0xFFFFFF80, s10;
	p1 =	seq.s32 s10, $0x1780;
	_ =	swait.ge [sflag:s0], $0x4000  }
0x10d: {  	s19 =	sand.u32 $0x380, s10;
	s18 =	sand.u32 $0x1C00, s17;
	[sflag:s0] =	ssyncset.done $0x0  }
0x10e: {  	s17 =	sand.u32 $0x300, s17;
	s18 =	sadd.s32 s4, s18;
	[sflag:s0] =	ssyncadd.s32 $0xFFFFC000  }
0x10f: {  	s17 =	sor.u32 s17, s18;
	s18 =	sor.u32 s18, s19;
	_ =	swait.ge [sflag:s7], $0x4000  }
0x110: {  	s17 =	sshrl.u32 s17, $0x3;
	s18 =	sshrl.u32 s18, $0x3;
	[sflag:s7] =	ssyncset.done $0x0  }
0x111: {  	s10 =	sadd.s32 $0x100, s10;
	s17 =	sadd.s32 s6, s17;
	[sflag:s7] =	ssyncadd.s32 $0xFFFFC000  }
0x112: {  	[tilespmem:s24], [sflag:$0x1] =	stream.linear.gather [hbm4b:s17+s3], $0x80, $0x38;
	[tilespmem:$0x1F900] =	vst v63  }
0x113: {  	_ = 	snop  }
0x114: {  	[tilespmem:s23], [sflag:$0x3] =	stream.indirect.gather [hbm4b:s5+s25], $0x80, s16, s25, $0xb8;
	[tilespmem:$0x1F900] =	vst v63  }
0x115: {  	s17 =	sadd.s32 s6, s18  }
0x116: {  	[tilespmem:s26], [sflag:$0x2] =	stream.linear.gather [hbm4b:s17+s3], $0x80, $0x38;
	[tilespmem:$0x1F900] =	vst v63  }
0x117: {  	s17 =	sadd.s32 $0x80, s16  }
0x118: {  	[tilespmem:s28], [sflag:$0x4] =	stream.indirect.gather [hbm4b:s5+s25], $0x80, s17, s25, $0xb8;
	[tilespmem:$0x1F900] =	vst v63  }
0x119: {  	_ =	swait.ge [sflag:s29], $0x4000  }
0x11a: {  	[sflag:s29] =	ssyncset.done $0x0  }
0x11b: {  	[sflag:s29] =	ssyncadd.s32 $0xFFFFC000  }
0x11c: {  	_ =	swait.ge [sflag:s30], $0x80  }
0x11d: {  	[sflag:s30] =	ssyncset.done $0x0  }
0x11e: {  	[sflag:s30] =	ssyncadd.s32 $0xFFFFFF80  }
0x11f: {  	[spmem:s2] =	stream.indirect.scatter.add.f32 [tilespmem:s23], [sflag:$0x5], $0x80, s24, s25, $0xb8;
	[tilespmem:$0x1F900] =	vst v63  }
0x120: {  	_ =	swait.ge [sflag:s31], $0x4000  }
.Ltmp5:
0x121: {  	[sflag:s31] =	ssyncset.done $0x0;
	(pc) =	sbr.rel @!p1 .LBB2_3-.Ltmp5, $4  }
0x122: {  	[sflag:s31] =	ssyncadd.s32 $0xFFFFC000  }
0x123: {  	_ =	swait.ge [sflag:s1], $0x80  }
0x124: {  	[sflag:s1] =	ssyncset.done $0x0  }
0x125: {  	s16 =	sadd.s32 $0x100, s16;
	[sflag:s1] =	ssyncadd.s32 $0xFFFFFF80  }
.Ltmp6:
0x126: {  	(pc) =	sbr.rel .LBB2_8-.Ltmp6, $2  }
0x127: {  	_ =	sdelay $0x2  }
0x128: {  	[spmem:s2] =	stream.indirect.scatter.add.f32 [tilespmem:s28], [sflag:$0x6], $0x80, s26, s25, $0xb8;
	[tilespmem:$0x1F900] =	vst v63  }
.LBB2_9:
0x129: {  	_ =	sfence.sel $0x180000  }
0x12a: {  	[bflag:$0x0] =	sbarrier.arrive $0xFFFF  }
0x12b: {  	_ =	strace $0x9000004A  }
0x12c: {  	s0 =	stileid.u32;
	[bflag:$0x2] =	sbarrier.arrive $0xFFFF  }
0x12d: {  	p0 =	sne.s32 s0, $0x0;
	s0 =	rddreg [dreg:$0x2]  }
0x12e: {  	s0 =	sadd.s32 @!p0 $0x100000, s0  }
0x12f: {  	[sflag:s0] =	ssyncadd.tile.s32 @!p0 $0x1;
	_ =	shalt  }
.Lfunc_end2:
_tile_overlayer_lowered:
.L_overlay_start_2:
0x130: {  	(tag) =	ssettag $0x2  }
0x131: {  	s0 =	rddreg [dreg:$0x0];
	s2 =	stileid.u32  }
0x132: {  	s1 =	rddreg [dreg:$0x1];
	p0 =	sne.s32 s2, $0x0  }
0x133: {  	s3 =	rddreg [dreg:$0x2];
	[bflag:$0x3] =	sbarrier.arrive $0xFFFF;
	s2 =	simm.s32 @!p0 $0x1C07  }
0x134: {  	[timem:s3], [sflag:s2] =	dma.local @!p0 [hbm:s0], s1  }
0x135: {  	s0 =	simm.s32 @!p0 $0x7  }
0x136: {  	_ =	swait.ge @!p0 [sflag:s0], s1  }
0x137: {  	s1 =	ssub.s32 @!p0 $0x0, s1;
	[sflag:s0] =	ssyncset.done @!p0 $0x0  }
0x138: {  	[sflag:s0] =	ssyncadd.s32 @!p0 s1  }
0x139: {  	[bflag:$0x3] =	sbarrier.arrive $0xFFFF  }
0x13a: {  	_ =	shalt  }

// kernel: kernel.17.cloned.1.call-start
scs
__scs_entry_jumppad:
0x0: {  	(pc) =	sbr.rel $0x88, $3  }
0x1: {  	(tag) =	ssettag $0x0;
	lr =	simm.s32 $0x1  }
0x2: {  	[smem:$0x3F94] =	sst lr;
	_ =	strace $0xD0000000  }
0x3: {  	_ = 	snop  }
0x4: {  	_ = 	snop  }
0x5: {  	_ = 	snop  }
0x6: {  	_ = 	snop  }
0x7: {  	_ = 	snop  }
__scs_overlays_trampoline_lowered:
0x8: {  	[smem:$0x3FA3] =	sst s0  }
0x9: {  	[smem:$0x3FA4] =	sst s1  }
0xa: {  	[smem:$0x3FA5] =	sst s2  }
0xb: {  	[smem:$0x3FA6] =	sst s3  }
0xc: {  	[smem:$0x3FA7] =	sst s4  }
0xd: {  	[smem:$0x3FA8] =	sst s5  }
0xe: {  	[smem:$0x3FA9] =	sst s6  }
0xf: {  	[smem:$0x3FAA] =	sst s7  }
0x10: {  	[smem:$0x3FAB] =	sst s8  }
0x11: {  	[smem:$0x3FAC] =	sst s9;
	s0 =	simm.s32 @!p0 $0x0  }
0x12: {  	s1 =	sld [smem:$0x3F92];
	s0 =	simm.s32 @p0 $0x1  }
0x13: {  	[smem:$0x3FAD] =	sst s0;
	s0 =	simm.s32 @!p1 $0x0  }
0x14: {  	s2 =	sld [smem:$0x3F91];
	s0 =	simm.s32 @p1 $0x1  }
0x15: {  	[smem:$0x3FAE] =	sst s0;
	s0 =	simm.s32 @!p2 $0x0  }
0x16: {  	s3 =	sld [smem:$0x3FDB];
	s0 =	simm.s32 @p2 $0x1  }
0x17: {  	s4 =	simm.s32 $0x1BF5;
	[smem:$0x3FB0] =	sst s0  }
0x18: {  	s0 =	sld [smem:$0x3F93];
	_ =	swait.ge [sflag:s4], $0x0  }
0x19: {  	s7 =	sld [smem:$0x3F94]  }
0x1a: {  	s8 =	sadd.s32 $0xFFFFE003, lr  }
0x1b: {  	s9 =	sadd.s32 $0xFFFFFEF7, lr;
	s5 =	simm.s32 $0xFFFFFFFF;
	p2 =	slt.u32 s8, $0xFFFFF086  }
0x1c: {  	p1 =	slt.u32 s9, $0xF7A;
	s5 =	simm.s32 @!p2 $0x0  }
0x1d: {  	s5 =	simm.s32 @p1 $0x1;
	p0 =	seq.s32 s7, s2  }
0x1e: {  	s7 =	smul.u32 @!p0 $0xF7A, s2;
	p2 =	seq.s32 @!p0 s5, $0x0  }
0x1f: {  	s9 =	smul.u32 $0xF7A, s1;
	s8 =	simm.s32 @!p0 $0x1BF5;
	p2 =	por !p2, p0  }
0x20: {  	[sflag:s8] =	ssyncset.s32 @!p0 $0xFFFFF086;
	s6 =	sadd.s32 @!p0 s3, s7;
	s7 =	simm.s32 @!p0 $0x108  }
0x21: {  	s3 =	sadd.s32 s3, s9;
	s6 =	sadd.s32 @!p0 $0x88, s6;
	s7 =	simm.s32 @p2 $0x1082  }
0x22: {  	[simem:s7], [sflag:s8] =	dma.local @!p0 [hbm:s6], $0xF7A  }
0x23: {  	s9 =	sor.u32 $0xD0000000, s2;
	s6 =	simm.s32 $0x108;
	_ =	swait.ge @!p0 [sflag:s8], $0x0  }
0x24: {  	s3 =	sadd.s32 $0x88, s3;
	s6 =	simm.s32 @!p1 $0x1082;
	[sflag:s4] =	ssyncset.s32 $0xFFFFF086  }
0x25: {  	[simem:s6], [sflag:s4] =	dma.local [hbm:s3], $0xF7A  }
0x26: {  	[smem:$0x3F94] =	sst s1;
	(tag) =	ssettag s2;
	_ =	strace s9  }
0x27: {  	s1 =	sld [smem:$0x3FA4]  }
0x28: {  	s2 =	sld [smem:$0x3FA5]  }
0x29: {  	s4 =	sld [smem:$0x3FA7]  }
0x2a: {  	p0 =	seq.s32 s5, $0x0;
	s5 =	sld [smem:$0x3FA8]  }
0x2b: {  	s6 =	sld [smem:$0x3FA9]  }
0x2c: {  	s7 =	sld [smem:$0x3FAA]  }
0x2d: {  	s3 =	simm.s32 $0x108;
	s8 =	sld [smem:$0x3FAB]  }
0x2e: {  	s3 =	simm.s32 @!p0 $0x1082;
	s9 =	sld [smem:$0x3FAC]  }
0x2f: {  	lr =	sadd.s32 s0, s3;
	s0 =	sld [smem:$0x3FA3]  }
0x30: {  	s3 =	sld [smem:$0x3FA6]  }
0x31: {  	[smem:$0x3FAF] =	sst s10  }
0x32: {  	s10 =	sld [smem:$0x3FAD];
	_ =	sdelay $0x3  }
0x33: {  	p0 =	seq.s32 s10, $0x1;
	s10 =	sld [smem:$0x3FAF];
	_ =	sdelay $0x3  }
0x34: {  	[smem:$0x3FAF] =	sst s10  }
0x35: {  	s10 =	sld [smem:$0x3FAE];
	_ =	sdelay $0x3  }
0x36: {  	p1 =	seq.s32 s10, $0x1;
	s10 =	sld [smem:$0x3FAF];
	_ =	sdelay $0x3  }
0x37: {  	[smem:$0x3FAF] =	sst s10  }
0x38: {  	s10 =	sld [smem:$0x3FB0]  }
0x39: {  	_ = 	snop;
	(pc) =	sbr.ind lr, $3  }
0x3a: {  	_ = 	snop  }
0x3b: {  	_ = 	snop  }
0x3c: {  	p2 =	seq.s32 s10, $0x1;
	s10 =	sld [smem:$0x3FAF]  }
0x3d: {  	_ =	shalt  }
0x3e: {  	_ =	shalt  }
0x3f: {  	_ =	shalt  }
0x40: {  	_ =	shalt  }
0x41: {  	_ =	shalt  }
0x42: {  	_ =	shalt  }
0x43: {  	_ =	shalt  }
0x44: {  	_ =	shalt  }
0x45: {  	_ =	shalt  }
0x46: {  	_ =	shalt  }
0x47: {  	_ =	shalt  }
0x48: {  	_ =	shalt  }
0x49: {  	_ =	shalt  }
0x4a: {  	_ =	shalt  }
0x4b: {  	_ =	shalt  }
0x4c: {  	_ =	shalt  }
0x4d: {  	_ =	shalt  }
0x4e: {  	_ =	shalt  }
0x4f: {  	_ =	shalt  }
0x50: {  	_ =	shalt  }
0x51: {  	_ =	shalt  }
0x52: {  	_ =	shalt  }
0x53: {  	_ =	shalt  }
0x54: {  	_ =	shalt  }
0x55: {  	_ =	shalt  }
0x56: {  	_ =	shalt  }
0x57: {  	_ =	shalt  }
0x58: {  	_ =	shalt  }
0x59: {  	_ =	shalt  }
0x5a: {  	_ =	shalt  }
0x5b: {  	_ =	shalt  }
0x5c: {  	_ =	shalt  }
0x5d: {  	_ =	shalt  }
0x5e: {  	_ =	shalt  }
0x5f: {  	_ =	shalt  }
0x60: {  	_ =	shalt  }
0x61: {  	_ =	shalt  }
0x62: {  	_ =	shalt  }
0x63: {  	_ =	shalt  }
0x64: {  	_ =	shalt  }
0x65: {  	_ =	shalt  }
0x66: {  	_ =	shalt  }
0x67: {  	_ =	shalt  }
0x68: {  	_ =	shalt  }
0x69: {  	_ =	shalt  }
0x6a: {  	_ =	shalt  }
0x6b: {  	_ =	shalt  }
0x6c: {  	_ =	shalt  }
0x6d: {  	_ =	shalt  }
0x6e: {  	_ =	shalt  }
0x6f: {  	_ =	shalt  }
0x70: {  	_ =	shalt  }
0x71: {  	_ =	shalt  }
0x72: {  	_ =	shalt  }
0x73: {  	_ =	shalt  }
0x74: {  	_ =	shalt  }
0x75: {  	_ =	shalt  }
0x76: {  	_ =	shalt  }
0x77: {  	_ =	shalt  }
0x78: {  	_ =	shalt  }
0x79: {  	_ =	shalt  }
0x7a: {  	_ =	shalt  }
0x7b: {  	_ =	shalt  }
0x7c: {  	_ =	shalt  }
0x7d: {  	_ =	shalt  }
0x7e: {  	_ =	shalt  }
0x7f: {  	_ =	shalt  }
0x80: {  	_ =	shalt  }
0x81: {  	_ =	shalt  }
0x82: {  	_ =	shalt  }
0x83: {  	_ =	shalt  }
0x84: {  	_ =	shalt  }
0x85: {  	_ =	shalt  }
0x86: {  	_ =	shalt  }
0x87: {  	_ =	shalt  }
.Lfunc_end0:
.L_simem_size_0:
called_computation.2_lowered:
.L_overlay_start_0:
0x88: {  	s2 =	sld [smem:$0x3FD9]  }
0x89: {  	s3 =	sld [smem:$0x3FFE];
	_ =	sdelay $0x1  }
0x8a: {  	s1 =	srdreg.scid  }
0x8b: {  	s0 =	sand.u32 $0x1, s1  }
0x8c: {  	s16 =	sshll.u32 s0, $0xA;
	s2 =	sadd.s32 s3, s2  }
0x8d: {  	s2 =	sadd.s32 s2, s16  }
0x8e: {  	[smem:$0x3FBB] =	sst s2  }
0x8f: {  	_ = 	snop  }
0x90: {  	(tm) =	ssettm $0x1  }
0x91: {  	s17 =	sld [smem:$0x3FFB];
	_ =	sdelay $0x3  }
0x92: {  	_ =	strace s17  }
0x93: {  	s2 =	sld [smem:$0x3FFC];
	_ =	sdelay $0x3  }
0x94: {  	_ =	strace s2  }
0x95: {  	s2 =	sld [smem:$0x3FFD];
	_ =	sdelay $0x3  }
0x96: {  	_ =	strace s2  }
0x97: {  	_ =	strace $0x8FFFFFFF  }
0x98: {  	s18 =	sld [smem:$0x3FDB];
	_ =	sdelay $0x1  }
0x99: {  	s19 =	simm.s32 $_scs_section_size  }
0x9a: {  	s4 =	simm.s32 $_size__tile_overlayer_lowered;
	s5 =	simm.s32 $_tile_overlayer_lowered  }
0x9b: {  	s22 =	simm.s32 $0x1BFF;
	s21 =	sshll.u32 s5, $0x1;
	s2 =	sadd.s32 s19, s18  }
0x9c: {  	s6 =	simm.s32 $0x0;
	s20 =	sshll.u32 s4, $0x1;
	s4 =	sadd.s32 s21, s2  }
0x9d: {  	[timem:s6], [sflag:s22] =	dma.local [hbm:s4], s20  }
0x9e: {  	_ =	swait.ge [sflag:s22], s20  }
0x9f: {  	s3 =	ssub.s32 $0x0, s20;
	[sflag:s22] =	ssyncset.done $0x0  }
0xa0: {  	[sflag:s22] =	ssyncadd.s32 s3;
	_ =	sdelay $0x1  }
0xa1: {  	s23 =	simm.s32 $0x1B8B  }
0xa2: {  	_ =	swait.ge [sflag:s23], $0x1  }
0xa3: {  	[sflag:s23] =	ssyncset.done $0x0  }
0xa4: {  	s25 =	simm.s32 $0x1B8E;
	s24 =	sld [smem:$0x3FFE];
	[sflag:s23] =	ssyncadd.s32 $0xFFFFFFFF  }
0xa5: {  	s26 =	simm.s32 $execute0_lowered;
	[smem:$0x3FD2] =	sst s25  }
0xa6: {  	s4 =	sshll.u32 s26, $0x1;
	_ =	strace $0x8000004C;
	[dreg:$0x1] =	wrdreg $0xFFFFFFFF  }
0xa7: {  	s28 =	simm.s32 $_size_execute0_lowered;
	s2 =	sadd.s32 s2, s4;
	[dreg:$0x0] =	wrdreg $0x0  }
0xa8: {  	s4 =	sshll.u32 s28, $0x1;
	[dreg:$0x2] =	wrdreg s2  }
0xa9: {  	[dreg:$0x3] =	wrdreg s4  }
0xaa: {  	[dreg:$0x4] =	wrdreg $0xC0  }
0xab: {  	_ =	task [dreg:s6], $0x5FFFF  }
0xac: {  	[dreg:$0x1] =	wrdreg $0xFFFFFFFF  }
0xad: {  	[dreg:$0x0] =	wrdreg $0x60  }
0xae: {  	[dreg:$0x2] =	wrdreg s24  }
0xaf: {  	[dreg:$0x3] =	wrdreg $0xB9000  }
0xb0: {  	[dreg:$0x4] =	wrdreg $0x9  }
0xb1: {  	_ =	task.clear_ibuf [dreg:s6], $0x5FFFF;
	_ =	strace $0x9000004C  }
0xb2: {  	s29 =	simm.s32 $0x9;
	_ =	strace $0x8000004E  }
0xb3: {  	_ =	swait.ge [sflag:s29], $0x1  }
0xb4: {  	[sflag:s29] =	ssyncadd.s32 $0xFFFFFFFF  }
0xb5: {  	_ =	strace $0x9000004E  }
0xb6: {  	_ =	sfence  }
0xb7: {  	s30 =	sld [smem:$0x0];
	_ =	sdelay $0x2  }
0xb8: {  	s31 =	sshll.u32 s1, $0xD;
	s1 =	sshrl.u32 s1, $0x2  }
0xb9: {  	s3 =	sand.u32 $0x4000, s31;
	s1 =	sadd.s32 s1, s30  }
0xba: {  	s0 =	sor.u32 s3, s0;
	s1 =	sshll.u32 s1, $0x11  }
0xbb: {  	s0 =	sor.u32 s1, s0  }
0xbc: {  	s0 =	sadd.s32 $0x8F2B, s0  }
0xbd: {  	[sflag:s0] =	ssyncadd.remote.s32 $0x1  }
0xbe: {  	_ =	sfence.sel $0xFFFF  }
0xbf: {  	[dreg:$0x0] =	wrdreg $0xFFFFFFFF;
	(pc) =	sbr.abs _section_cstart, $3  }
0xc0: {  	[dreg:$0x1] =	wrdreg $0xFFFFFFFF  }
0xc1: {  	_ =	task.clear_ibuf [dreg:s6], $0x2FFFF;
	_ =	strace $0x9FFFFFFF  }
0xc2: {  	(tm) =	ssettm $0x7FFFFFFF  }
0xc3: {  	_ =	shalt  }
tec
execute0_lowered:
.L_overlay_start_1:
0x0: {  	(tag) =	ssettag $0x1  }
0x1: {  	s0 =	rddreg [dreg:$0x0];
	s1 =	srdreg.scid  }
0x2: {  	s11 =	stileid.u32;
	s2 =	rddreg [dreg:$0x1];
	s3 =	simm.s32 $0x0  }
0x3: {  	s28 =	simm.s32 $0x7900;
	s29 =	simm.s32 $0x3;
	s30 =	simm.s32 $0x1  }
0x4: {  	s31 =	simm.s32 $0x4;
	s1 =	sand.u32 $0x1, s1;
	s4 =	sshll.u32 s11, $0x1  }
0x5: {  	[smem:$0x7FF] =	sst s3;
	s5 =	sadd.s32 $0x12000, s0;
	s9 =	smul.u32 $0x14000, s11  }
0x6: {  	s6 =	sadd.s32 $0x4000, s0;
	s12 =	sadd.s32 $0x3A000, s0;
	s11 =	sshll.u32 s11, $0x7  }
0x7: {  	s4 =	sor.u32 s1, s4;
	_ =	strace $0x8000004D;
	s7 =	smul.u32 $0x140000, s1  }
0x8: {  	[dreg:$0x3] =	wrdreg s12;
	s18 =	ssub.s32 $0x2, s1;
	s15 =	sadd.s32 s11, s0  }
0x9: {  	p0 =	seq.s32 s1, $0x1;
	s1 =	simm.s32 $0x2;
	s4 =	smul.u32 $0x3800, s4  }
0xa: {  	s19 =	sshrl.u32 s18, $0x1;
	s11 =	sadd.s32 $0x3810, s15;
	s12 =	sadd.s32 $0x3820, s15  }
0xb: {  	s14 =	sadd.s32 $0x3830, s15;
	s7 =	sadd.s32 s9, s7;
	s20 =	ssub.s32 s18, s19  }
0xc: {  	s9 =	sadd.s32 $0x3800, s15;
	s15 =	sadd.s32 $0x3840, s15;
	s8 =	sshrl.u32 s4, $0x3  }
0xd: {  	s7 =	sshrl.u32 s7, $0x3;
	s22 =	smax.u32 s20, $0x1;
	s10 =	sadd.s32 s8, s0  }
0xe: {  	[dreg:$0x5] =	wrdreg s22;
	s13 =	sadd.s32 s6, s8;
	s21 =	sadd.s32 $0x8A800, s10  }
0xf: {  	s0 =	sadd.s32 s7, s0;
	s23 =	sadd.s32 $0x10, s13;
	[dreg:$0x4] =	wrdreg s21  }
0x10: {  	s22 =	simm.s32 $0x7;
	s24 =	sadd.s32 $0x98800, s0;
	[dreg:$0x6] =	wrdreg s23  }
.Ltmp0:
0x11: {  	s25 =	sadd.s32 $0x99000, s0;
	[dreg:$0x7] =	wrdreg s24;
	(pc) =	sbr.rel .LBB2_1-.Ltmp0, $4  }
0x12: {  	s7 =	simm.s32 $0x6;
	s26 =	sadd.s32 $0x99800, s0;
	[dreg:$0x8] =	wrdreg s25  }
0x13: {  	s8 =	simm.s32 $0x0;
	s20 =	sadd.s32 $0x9A000, s0;
	[dreg:$0x9] =	wrdreg s26  }
0x14: {  	s21 =	sadd.s32 $0x9A800, s0;
	s23 =	simm.s32 $0x3900;
	s24 =	simm.s32 $0x3800  }
0x15: {  	s25 =	simm.s32 $0x80;
	s26 =	simm.s32 $0x3880;
	s0 =	simm.s32 $0x5  }
.LBB2_7:
0x16: {  	[spmem:s2] =	stream.indirect.scatter.add.f32 [tilespmem:s28], [sflag:$0x6], $0x80, s26, s25, $0xb8;
	[tilespmem:$0x1F900] =	vst v63  }
.LBB2_8:
0x17: {  	_ =	swait.ge [sflag:s0], $0x4000  }
0x18: {  	[sflag:s0] =	ssyncset.done $0x0  }
0x19: {  	[sflag:s0] =	ssyncadd.s32 $0xFFFFC000  }
0x1a: {  	_ =	swait.ge [sflag:s7], $0x4000  }
0x1b: {  	[sflag:s7] =	ssyncset.done $0x0  }
0x1c: {  	[sflag:s7] =	ssyncadd.s32 $0xFFFFC000  }
0x1d: {  	[bflag:$0x0] =	sbarrier.arrive $0xFFFF  }
0x1e: {  	[tilespmem:s24], [sflag:$0x7] =	stream.linear.gather [hbm4b:s9+s3], $0x80, $0x38;
	[tilespmem:$0x1F900] =	vst v63  }
0x1f: {  	_ =	swait.ge [sflag:s22], $0x80  }
0x20: {  	[sflag:s22] =	ssyncset.done $0x0  }
0x21: {  	[sflag:s22] =	ssyncadd.s32 $0xFFFFFF80  }
0x22: {  	[tilespmem:s23], [sflag:$0x3] =	stream.indirect.gather [spmem:s2], $0x80, s24, s25, $0xb8;
	[tilespmem:$0x1F900] =	vst v63  }
0x23: {  	_ =	swait.ge [sflag:s29], $0x4000  }
0x24: {  	[sflag:s29] =	ssyncset.done $0x0  }
0x25: {  	s10 =	rddreg [dreg:$0x7];
	[sflag:s29] =	ssyncadd.s32 $0xFFFFC000  }
0x26: {  	[hbm4b:s10+s3] =	stream.linear.scatter [tilespmem:s23], [sflag:$0x7], $0x4000, $0x38;
	[tilespmem:$0x1F900] =	vst v63  }
0x27: {  	_ =	swait.ge [sflag:s22], $0x4000  }
0x28: {  	[sflag:s22] =	ssyncset.done $0x0  }
0x29: {  	[sflag:s22] =	ssyncadd.s32 $0xFFFFC000  }
0x2a: {  	[tilespmem:s24], [sflag:$0x7] =	stream.linear.gather [hbm4b:s11+s3], $0x80, $0x38;
	[tilespmem:$0x1F900] =	vst v63  }
0x2b: {  	_ =	swait.ge [sflag:s22], $0x80  }
0x2c: {  	[sflag:s22] =	ssyncset.done $0x0  }
0x2d: {  	[sflag:s22] =	ssyncadd.s32 $0xFFFFFF80  }
0x2e: {  	[tilespmem:s23], [sflag:$0x3] =	stream.indirect.gather [spmem:s2], $0x80, s24, s25, $0xb8;
	[tilespmem:$0x1F900] =	vst v63  }
0x2f: {  	_ =	swait.ge [sflag:s29], $0x4000  }
0x30: {  	[sflag:s29] =	ssyncset.done $0x0  }
0x31: {  	s17 =	rddreg [dreg:$0x8];
	[sflag:s29] =	ssyncadd.s32 $0xFFFFC000  }
0x32: {  	[hbm4b:s17+s3] =	stream.linear.scatter [tilespmem:s23], [sflag:$0x7], $0x4000, $0x38;
	[tilespmem:$0x1F900] =	vst v63  }
0x33: {  	_ =	swait.ge [sflag:s22], $0x4000  }
0x34: {  	[sflag:s22] =	ssyncset.done $0x0  }
0x35: {  	[sflag:s22] =	ssyncadd.s32 $0xFFFFC000  }
0x36: {  	[tilespmem:s24], [sflag:$0x7] =	stream.linear.gather [hbm4b:s12+s3], $0x80, $0x38;
	[tilespmem:$0x1F900] =	vst v63  }
0x37: {  	_ =	swait.ge [sflag:s22], $0x80  }
0x38: {  	[sflag:s22] =	ssyncset.done $0x0  }
0x39: {  	[sflag:s22] =	ssyncadd.s32 $0xFFFFFF80  }
0x3a: {  	[tilespmem:s23], [sflag:$0x3] =	stream.indirect.gather [spmem:s2], $0x80, s24, s25, $0xb8;
	[tilespmem:$0x1F900] =	vst v63  }
0x3b: {  	_ =	swait.ge [sflag:s29], $0x4000  }
0x3c: {  	[sflag:s29] =	ssyncset.done $0x0  }
0x3d: {  	s18 =	rddreg [dreg:$0x9];
	[sflag:s29] =	ssyncadd.s32 $0xFFFFC000  }
0x3e: {  	[hbm4b:s18+s3] =	stream.linear.scatter [tilespmem:s23], [sflag:$0x7], $0x4000, $0x38;
	[tilespmem:$0x1F900] =	vst v63  }
0x3f: {  	_ =	swait.ge [sflag:s22], $0x4000  }
0x40: {  	[sflag:s22] =	ssyncset.done $0x0  }
0x41: {  	[sflag:s22] =	ssyncadd.s32 $0xFFFFC000  }
0x42: {  	[tilespmem:s24], [sflag:$0x7] =	stream.linear.gather [hbm4b:s14+s3], $0x80, $0x38;
	[tilespmem:$0x1F900] =	vst v63  }
0x43: {  	_ =	swait.ge [sflag:s22], $0x80  }
0x44: {  	[sflag:s22] =	ssyncset.done $0x0  }
0x45: {  	[sflag:s22] =	ssyncadd.s32 $0xFFFFFF80  }
0x46: {  	[tilespmem:s23], [sflag:$0x3] =	stream.indirect.gather [spmem:s2], $0x80, s24, s25, $0xb8;
	[tilespmem:$0x1F900] =	vst v63  }
0x47: {  	_ =	swait.ge [sflag:s29], $0x4000  }
0x48: {  	[sflag:s29] =	ssyncset.done $0x0  }
0x49: {  	[sflag:s29] =	ssyncadd.s32 $0xFFFFC000  }
0x4a: {  	[hbm4b:s20+s3] =	stream.linear.scatter [tilespmem:s23], [sflag:$0x7], $0x4000, $0x38;
	[tilespmem:$0x1F900] =	vst v63  }
0x4b: {  	_ =	swait.ge [sflag:s22], $0x4000  }
0x4c: {  	[sflag:s22] =	ssyncset.done $0x0  }
0x4d: {  	[sflag:s22] =	ssyncadd.s32 $0xFFFFC000  }
0x4e: {  	[tilespmem:s24], [sflag:$0x7] =	stream.linear.gather [hbm4b:s15+s3], $0x80, $0x38;
	[tilespmem:$0x1F900] =	vst v63  }
0x4f: {  	_ =	swait.ge [sflag:s22], $0x80  }
0x50: {  	[sflag:s22] =	ssyncset.done $0x0  }
0x51: {  	[sflag:s22] =	ssyncadd.s32 $0xFFFFFF80  }
0x52: {  	[tilespmem:s23], [sflag:$0x3] =	stream.indirect.gather [spmem:s2], $0x80, s24, s25, $0xb8;
	[tilespmem:$0x1F900] =	vst v63  }
0x53: {  	_ =	swait.ge [sflag:s29], $0x4000  }
0x54: {  	[sflag:s29] =	ssyncset.done $0x0  }
0x55: {  	[sflag:s29] =	ssyncadd.s32 $0xFFFFC000  }
0x56: {  	[hbm4b:s21+s3] =	stream.linear.scatter [tilespmem:s23], [sflag:$0x7], $0x4000, $0x38;
	[tilespmem:$0x1F900] =	vst v63  }
0x57: {  	_ =	swait.ge [sflag:s22], $0x4000  }
0x58: {  	s8 =	sadd.s32 $0x1, s8;
	s19 =	rddreg [dreg:$0x5]  }
0x59: {  	p1 =	sne.s32 s8, s19  }
.Ltmp1:
0x5a: {  	_ = 	snop;
	(pc) =	sbr.rel @!p1 .LBB2_9-.Ltmp1, $3  }
0x5b: {  	_ =	sdelay $0x1  }
0x5c: {  	[sflag:s22] =	ssyncset.done $0x0  }
0x5d: {  	[sflag:s22] =	ssyncadd.s32 $0xFFFFC000  }
.LBB2_1:
0x5e: {  	s10 =	rddreg [dreg:$0x4]  }
0x5f: {  	[tilespmem:s3], [sflag:$0x7] =	stream.linear.gather [hbm4b:s10+s3], $0x3800, $0x38;
	[tilespmem:$0x1F900] =	vst v63  }
0x60: {  	_ =	swait.ge [sflag:s22], $0x3800  }
0x61: {  	[sflag:s22] =	ssyncset.done $0x0  }
0x62: {  	s19 =	rddreg [dreg:$0x3];
	[sflag:s22] =	ssyncadd.s32 $0xFFFFC800  }
0x63: {  	[tilespmem:s23], [sflag:$0x7] =	stream.linear.gather [hbm4b:s19+s3], $0x4000, $0x38;
	[tilespmem:$0x1F900] =	vst v63  }
0x64: {  	_ =	swait.ge [sflag:s22], $0x4000  }
0x65: {  	[sflag:s22] =	ssyncset.done $0x0  }
0x66: {  	[sflag:s22] =	ssyncadd.s32 $0xFFFFC000  }
0x67: {  	[tilespmem:s24], [sflag:$0x7] =	stream.linear.gather [hbm4b:s9+s3], $0x80, $0x38;
	[tilespmem:$0x1F900] =	vst v63  }
0x68: {  	_ =	swait.ge [sflag:s22], $0x80  }
0x69: {  	[sflag:s22] =	ssyncset.done $0x0  }
0x6a: {  	[sflag:s22] =	ssyncadd.s32 $0xFFFFFF80  }
0x6b: {  	[spmem:s2] =	stream.indirect.scatter [tilespmem:s23], [sflag:$0x7], $0x80, s24, s25, $0xb8;
	[tilespmem:$0x1F900] =	vst v63  }
0x6c: {  	_ =	swait.ge [sflag:s22], $0x4000  }
0x6d: {  	[sflag:s22] =	ssyncset.done $0x0  }
0x6e: {  	[sflag:s22] =	ssyncadd.s32 $0xFFFFC000  }
0x6f: {  	[tilespmem:s24], [sflag:$0x7] =	stream.linear.gather [hbm4b:s11+s3], $0x80, $0x38;
	[tilespmem:$0x1F900] =	vst v63  }
0x70: {  	_ =	swait.ge [sflag:s22], $0x80  }
0x71: {  	[sflag:s22] =	ssyncset.done $0x0  }
0x72: {  	[sflag:s22] =	ssyncadd.s32 $0xFFFFFF80  }
0x73: {  	[spmem:s2] =	stream.indirect.scatter [tilespmem:s23], [sflag:$0x7], $0x80, s24, s25, $0xb8;
	[tilespmem:$0x1F900] =	vst v63  }
0x74: {  	_ =	swait.ge [sflag:s22], $0x4000  }
0x75: {  	[sflag:s22] =	ssyncset.done $0x0  }
0x76: {  	[sflag:s22] =	ssyncadd.s32 $0xFFFFC000  }
0x77: {  	[tilespmem:s24], [sflag:$0x7] =	stream.linear.gather [hbm4b:s12+s3], $0x80, $0x38;
	[tilespmem:$0x1F900] =	vst v63  }
0x78: {  	_ =	swait.ge [sflag:s22], $0x80  }
0x79: {  	[sflag:s22] =	ssyncset.done $0x0  }
0x7a: {  	[sflag:s22] =	ssyncadd.s32 $0xFFFFFF80  }
0x7b: {  	[spmem:s2] =	stream.indirect.scatter [tilespmem:s23], [sflag:$0x7], $0x80, s24, s25, $0xb8;
	[tilespmem:$0x1F900] =	vst v63  }
0x7c: {  	_ =	swait.ge [sflag:s22], $0x4000  }
0x7d: {  	[sflag:s22] =	ssyncset.done $0x0  }
0x7e: {  	[sflag:s22] =	ssyncadd.s32 $0xFFFFC000  }
0x7f: {  	[tilespmem:s24], [sflag:$0x7] =	stream.linear.gather [hbm4b:s14+s3], $0x80, $0x38;
	[tilespmem:$0x1F900] =	vst v63  }
0x80: {  	_ =	swait.ge [sflag:s22], $0x80  }
0x81: {  	[sflag:s22] =	ssyncset.done $0x0  }
0x82: {  	[sflag:s22] =	ssyncadd.s32 $0xFFFFFF80  }
0x83: {  	[spmem:s2] =	stream.indirect.scatter [tilespmem:s23], [sflag:$0x7], $0x80, s24, s25, $0xb8;
	[tilespmem:$0x1F900] =	vst v63  }
0x84: {  	_ =	swait.ge [sflag:s22], $0x4000  }
0x85: {  	[sflag:s22] =	ssyncset.done $0x0  }
0x86: {  	[sflag:s22] =	ssyncadd.s32 $0xFFFFC000  }
0x87: {  	[tilespmem:s24], [sflag:$0x7] =	stream.linear.gather [hbm4b:s15+s3], $0x80, $0x38;
	[tilespmem:$0x1F900] =	vst v63  }
0x88: {  	_ =	swait.ge [sflag:s22], $0x80  }
0x89: {  	[sflag:s22] =	ssyncset.done $0x0  }
0x8a: {  	[sflag:s22] =	ssyncadd.s32 $0xFFFFFF80  }
0x8b: {  	[spmem:s2] =	stream.indirect.scatter [tilespmem:s23], [sflag:$0x7], $0x80, s24, s25, $0xb8;
	[tilespmem:$0x1F900] =	vst v63  }
.Ltmp2:
0x8c: {  	_ =	swait.ge [sflag:s22], $0x4000;
	(pc) =	sbr.rel @!p0 .LBB2_2-.Ltmp2, $3  }
0x8d: {  	[sflag:s22] =	ssyncset.done $0x0  }
0x8e: {  	[sflag:s22] =	ssyncadd.s32 $0xFFFFC000  }
0x8f: {  	[bflag:$0x0] =	sbarrier.arrive $0xFFFF;
	_ =	sdelay $0x1  }
0x90: {  	[tilespmem:s24], [sflag:$0x1] =	stream.linear.gather [hbm4b:s13+s3], $0x80, $0x38;
	[tilespmem:$0x1F900] =	vst v63  }
0x91: {  	_ = 	snop  }
0x92: {  	[tilespmem:s23], [sflag:$0x3] =	stream.indirect.gather [hbm4b:s5+s25], $0x80, s3, s25, $0xb8;
	[tilespmem:$0x1F900] =	vst v63  }
0x93: {  	s10 =	rddreg [dreg:$0x6]  }
0x94: {  	[tilespmem:s26], [sflag:$0x2] =	stream.linear.gather [hbm4b:s10+s3], $0x80, $0x38;
	[tilespmem:$0x1F900] =	vst v63  }
0x95: {  	_ = 	snop  }
0x96: {  	[tilespmem:s28], [sflag:$0x4] =	stream.indirect.gather [hbm4b:s5+s25], $0x80, s25, s25, $0xb8;
	[tilespmem:$0x1F900] =	vst v63  }
0x97: {  	_ =	swait.ge [sflag:s29], $0x4000  }
0x98: {  	[sflag:s29] =	ssyncset.done $0x0  }
0x99: {  	[sflag:s29] =	ssyncadd.s32 $0xFFFFC000  }
0x9a: {  	_ =	swait.ge [sflag:s30], $0x80  }
0x9b: {  	[sflag:s30] =	ssyncset.done $0x0  }
0x9c: {  	[sflag:s30] =	ssyncadd.s32 $0xFFFFFF80  }
0x9d: {  	[spmem:s2] =	stream.indirect.scatter.add.f32 [tilespmem:s23], [sflag:$0x5], $0x80, s24, s25, $0xb8;
	[tilespmem:$0x1F900] =	vst v63  }
0x9e: {  	_ =	swait.ge [sflag:s31], $0x4000  }
0x9f: {  	[sflag:s31] =	ssyncset.done $0x0  }
0xa0: {  	[sflag:s31] =	ssyncadd.s32 $0xFFFFC000  }
0xa1: {  	_ =	swait.ge [sflag:s1], $0x80  }
0xa2: {  	[sflag:s1] =	ssyncset.done $0x0  }
0xa3: {  	[sflag:s1] =	ssyncadd.s32 $0xFFFFFF80  }
0xa4: {  	[spmem:s2] =	stream.indirect.scatter.add.f32 [tilespmem:s28], [sflag:$0x6], $0x80, s26, s25, $0xb8;
	[tilespmem:$0x1F900] =	vst v63  }
0xa5: {  	s17 =	simm.s32 $0x100;
	_ =	swait.ge [sflag:s0], $0x4000  }
0xa6: {  	s18 =	sand.u32 $0x3C00, s17;
	[sflag:s0] =	ssyncset.done $0x0  }
0xa7: {  	s17 =	sand.u32 $0x300, s17;
	s18 =	sadd.s32 s4, s18;
	[sflag:s0] =	ssyncadd.s32 $0xFFFFC000  }
0xa8: {  	s16 =	simm.s32 $0x180;
	s17 =	sor.u32 s17, s18;
	_ =	swait.ge [sflag:s7], $0x4000  }
0xa9: {  	s16 =	sand.u32 $0x380, s16;
	s17 =	sshrl.u32 s17, $0x3;
	[sflag:s7] =	ssyncset.done $0x0  }
0xaa: {  	s16 =	sor.u32 s18, s16;
	s17 =	sadd.s32 s6, s17;
	[sflag:s7] =	ssyncadd.s32 $0xFFFFC000  }
0xab: {  	[tilespmem:s24], [sflag:$0x1] =	stream.linear.gather [hbm4b:s17+s3], $0x80, $0x38;
	[tilespmem:$0x1F900] =	vst v63  }
0xac: {  	s19 =	simm.s32 $0x100;
	s16 =	sshrl.u32 s16, $0x3  }
0xad: {  	[tilespmem:s23], [sflag:$0x3] =	stream.indirect.gather [hbm4b:s5+s25], $0x80, s19, s25, $0xb8;
	[tilespmem:$0x1F900] =	vst v63  }
0xae: {  	s18 =	sadd.s32 s6, s16  }
0xaf: {  	[tilespmem:s26], [sflag:$0x2] =	stream.linear.gather [hbm4b:s18+s3], $0x80, $0x38;
	[tilespmem:$0x1F900] =	vst v63  }
0xb0: {  	s19 =	simm.s32 $0x180  }
0xb1: {  	[tilespmem:s28], [sflag:$0x4] =	stream.indirect.gather [hbm4b:s5+s25], $0x80, s19, s25, $0xb8;
	[tilespmem:$0x1F900] =	vst v63  }
0xb2: {  	_ =	swait.ge [sflag:s29], $0x4000  }
0xb3: {  	[sflag:s29] =	ssyncset.done $0x0  }
0xb4: {  	[sflag:s29] =	ssyncadd.s32 $0xFFFFC000  }
0xb5: {  	_ =	swait.ge [sflag:s30], $0x80  }
0xb6: {  	[sflag:s30] =	ssyncset.done $0x0  }
0xb7: {  	[sflag:s30] =	ssyncadd.s32 $0xFFFFFF80  }
0xb8: {  	[spmem:s2] =	stream.indirect.scatter.add.f32 [tilespmem:s23], [sflag:$0x5], $0x80, s24, s25, $0xb8;
	[tilespmem:$0x1F900] =	vst v63  }
0xb9: {  	_ =	swait.ge [sflag:s31], $0x4000  }
0xba: {  	[sflag:s31] =	ssyncset.done $0x0  }
0xbb: {  	[sflag:s31] =	ssyncadd.s32 $0xFFFFC000  }
0xbc: {  	_ =	swait.ge [sflag:s1], $0x80  }
0xbd: {  	[sflag:s1] =	ssyncset.done $0x0  }
0xbe: {  	s10 =	simm.s32 $0x280;
	s16 =	simm.s32 $0x200;
	[sflag:s1] =	ssyncadd.s32 $0xFFFFFF80  }
.LBB2_6:
0xbf: {  	[spmem:s2] =	stream.indirect.scatter.add.f32 [tilespmem:s28], [sflag:$0x6], $0x80, s26, s25, $0xb8;
	[tilespmem:$0x1F900] =	vst v63  }
0xc0: {  	s17 =	sadd.s32 $0xFFFFFF80, s10;
	p1 =	sne.s32 s10, $0x3780;
	_ =	swait.ge [sflag:s0], $0x4000  }
0xc1: {  	s19 =	sand.u32 $0x380, s10;
	s18 =	sand.u32 $0x3C00, s17;
	[sflag:s0] =	ssyncset.done $0x0  }
0xc2: {  	s17 =	sand.u32 $0x300, s17;
	s18 =	sadd.s32 s4, s18;
	[sflag:s0] =	ssyncadd.s32 $0xFFFFC000  }
0xc3: {  	s17 =	sor.u32 s17, s18;
	s18 =	sor.u32 s18, s19;
	_ =	swait.ge [sflag:s7], $0x4000  }
0xc4: {  	s17 =	sshrl.u32 s17, $0x3;
	s18 =	sshrl.u32 s18, $0x3;
	[sflag:s7] =	ssyncset.done $0x0  }
0xc5: {  	s10 =	sadd.s32 $0x100, s10;
	s17 =	sadd.s32 s6, s17;
	[sflag:s7] =	ssyncadd.s32 $0xFFFFC000  }
0xc6: {  	[tilespmem:s24], [sflag:$0x1] =	stream.linear.gather [hbm4b:s17+s3], $0x80, $0x38;
	[tilespmem:$0x1F900] =	vst v63  }
0xc7: {  	_ = 	snop  }
0xc8: {  	[tilespmem:s23], [sflag:$0x3] =	stream.indirect.gather [hbm4b:s5+s25], $0x80, s16, s25, $0xb8;
	[tilespmem:$0x1F900] =	vst v63  }
0xc9: {  	s17 =	sadd.s32 s6, s18  }
0xca: {  	[tilespmem:s26], [sflag:$0x2] =	stream.linear.gather [hbm4b:s17+s3], $0x80, $0x38;
	[tilespmem:$0x1F900] =	vst v63  }
0xcb: {  	s17 =	sadd.s32 $0x80, s16  }
0xcc: {  	[tilespmem:s28], [sflag:$0x4] =	stream.indirect.gather [hbm4b:s5+s25], $0x80, s17, s25, $0xb8;
	[tilespmem:$0x1F900] =	vst v63  }
0xcd: {  	_ =	swait.ge [sflag:s29], $0x4000  }
0xce: {  	[sflag:s29] =	ssyncset.done $0x0  }
0xcf: {  	[sflag:s29] =	ssyncadd.s32 $0xFFFFC000  }
0xd0: {  	_ =	swait.ge [sflag:s30], $0x80  }
0xd1: {  	[sflag:s30] =	ssyncset.done $0x0  }
0xd2: {  	[sflag:s30] =	ssyncadd.s32 $0xFFFFFF80  }
0xd3: {  	[spmem:s2] =	stream.indirect.scatter.add.f32 [tilespmem:s23], [sflag:$0x5], $0x80, s24, s25, $0xb8;
	[tilespmem:$0x1F900] =	vst v63  }
0xd4: {  	_ =	swait.ge [sflag:s31], $0x4000  }
.Ltmp3:
0xd5: {  	[sflag:s31] =	ssyncset.done $0x0;
	(pc) =	sbr.rel @p1 .LBB2_6-.Ltmp3, $4  }
0xd6: {  	[sflag:s31] =	ssyncadd.s32 $0xFFFFC000  }
0xd7: {  	_ =	swait.ge [sflag:s1], $0x80  }
0xd8: {  	[sflag:s1] =	ssyncset.done $0x0  }
0xd9: {  	s16 =	sadd.s32 $0x100, s16;
	[sflag:s1] =	ssyncadd.s32 $0xFFFFFF80  }
.Ltmp4:
0xda: {  	_ = 	snop;
	(pc) =	sbr.rel .LBB2_7-.Ltmp4, $1  }
0xdb: {  	_ =	sdelay $0x3  }
.LBB2_2:
0xdc: {  	[tilespmem:s24], [sflag:$0x1] =	stream.linear.gather [hbm4b:s13+s3], $0x80, $0x38;
	[tilespmem:$0x1F900] =	vst v63  }
0xdd: {  	_ = 	snop  }
0xde: {  	[tilespmem:s23], [sflag:$0x3] =	stream.indirect.gather [hbm4b:s5+s25], $0x80, s3, s25, $0xb8;
	[tilespmem:$0x1F900] =	vst v63  }
0xdf: {  	s10 =	rddreg [dreg:$0x6]  }
0xe0: {  	[tilespmem:s26], [sflag:$0x2] =	stream.linear.gather [hbm4b:s10+s3], $0x80, $0x38;
	[tilespmem:$0x1F900] =	vst v63  }
0xe1: {  	_ = 	snop  }
0xe2: {  	[tilespmem:s28], [sflag:$0x4] =	stream.indirect.gather [hbm4b:s5+s25], $0x80, s25, s25, $0xb8;
	[tilespmem:$0x1F900] =	vst v63  }
0xe3: {  	_ =	swait.ge [sflag:s29], $0x4000  }
0xe4: {  	[sflag:s29] =	ssyncset.done $0x0  }
0xe5: {  	[sflag:s29] =	ssyncadd.s32 $0xFFFFC000  }
0xe6: {  	_ =	swait.ge [sflag:s30], $0x80  }
0xe7: {  	[sflag:s30] =	ssyncset.done $0x0  }
0xe8: {  	[sflag:s30] =	ssyncadd.s32 $0xFFFFFF80  }
0xe9: {  	[spmem:s2] =	stream.indirect.scatter.add.f32 [tilespmem:s23], [sflag:$0x5], $0x80, s24, s25, $0xb8;
	[tilespmem:$0x1F900] =	vst v63  }
0xea: {  	_ =	swait.ge [sflag:s31], $0x4000  }
0xeb: {  	[sflag:s31] =	ssyncset.done $0x0  }
0xec: {  	[sflag:s31] =	ssyncadd.s32 $0xFFFFC000  }
0xed: {  	_ =	swait.ge [sflag:s1], $0x80  }
0xee: {  	[sflag:s1] =	ssyncset.done $0x0  }
0xef: {  	[sflag:s1] =	ssyncadd.s32 $0xFFFFFF80  }
0xf0: {  	[spmem:s2] =	stream.indirect.scatter.add.f32 [tilespmem:s28], [sflag:$0x6], $0x80, s26, s25, $0xb8;
	[tilespmem:$0x1F900] =	vst v63  }
0xf1: {  	s17 =	simm.s32 $0x100;
	_ =	swait.ge [sflag:s0], $0x4000  }
0xf2: {  	s18 =	sand.u32 $0x1C00, s17;
	[sflag:s0] =	ssyncset.done $0x0  }
0xf3: {  	s17 =	sand.u32 $0x300, s17;
	s18 =	sadd.s32 s4, s18;
	[sflag:s0] =	ssyncadd.s32 $0xFFFFC000  }
0xf4: {  	s16 =	simm.s32 $0x180;
	s17 =	sor.u32 s17, s18;
	_ =	swait.ge [sflag:s7], $0x4000  }
0xf5: {  	s16 =	sand.u32 $0x380, s16;
	s17 =	sshrl.u32 s17, $0x3;
	[sflag:s7] =	ssyncset.done $0x0  }
0xf6: {  	s16 =	sor.u32 s18, s16;
	s17 =	sadd.s32 s6, s17;
	[sflag:s7] =	ssyncadd.s32 $0xFFFFC000  }
0xf7: {  	[tilespmem:s24], [sflag:$0x1] =	stream.linear.gather [hbm4b:s17+s3], $0x80, $0x38;
	[tilespmem:$0x1F900] =	vst v63  }
0xf8: {  	s19 =	simm.s32 $0x100;
	s16 =	sshrl.u32 s16, $0x3  }
0xf9: {  	[tilespmem:s23], [sflag:$0x3] =	stream.indirect.gather [hbm4b:s5+s25], $0x80, s19, s25, $0xb8;
	[tilespmem:$0x1F900] =	vst v63  }
0xfa: {  	s18 =	sadd.s32 s6, s16  }
0xfb: {  	[tilespmem:s26], [sflag:$0x2] =	stream.linear.gather [hbm4b:s18+s3], $0x80, $0x38;
	[tilespmem:$0x1F900] =	vst v63  }
0xfc: {  	s19 =	simm.s32 $0x180  }
0xfd: {  	[tilespmem:s28], [sflag:$0x4] =	stream.indirect.gather [hbm4b:s5+s25], $0x80, s19, s25, $0xb8;
	[tilespmem:$0x1F900] =	vst v63  }
0xfe: {  	_ =	swait.ge [sflag:s29], $0x4000  }
0xff: {  	[sflag:s29] =	ssyncset.done $0x0  }
0x100: {  	[sflag:s29] =	ssyncadd.s32 $0xFFFFC000  }
0x101: {  	_ =	swait.ge [sflag:s30], $0x80  }
0x102: {  	[sflag:s30] =	ssyncset.done $0x0  }
0x103: {  	[sflag:s30] =	ssyncadd.s32 $0xFFFFFF80  }
0x104: {  	[spmem:s2] =	stream.indirect.scatter.add.f32 [tilespmem:s23], [sflag:$0x5], $0x80, s24, s25, $0xb8;
	[tilespmem:$0x1F900] =	vst v63  }
0x105: {  	_ =	swait.ge [sflag:s31], $0x4000  }
0x106: {  	[sflag:s31] =	ssyncset.done $0x0  }
0x107: {  	[sflag:s31] =	ssyncadd.s32 $0xFFFFC000  }
0x108: {  	_ =	swait.ge [sflag:s1], $0x80  }
0x109: {  	[sflag:s1] =	ssyncset.done $0x0  }
0x10a: {  	s10 =	simm.s32 $0x280;
	s16 =	simm.s32 $0x200;
	[sflag:s1] =	ssyncadd.s32 $0xFFFFFF80  }
.LBB2_3:
0x10b: {  	[spmem:s2] =	stream.indirect.scatter.add.f32 [tilespmem:s28], [sflag:$0x6], $0x80, s26, s25, $0xb8;
	[tilespmem:$0x1F900] =	vst v63  }
0x10c: {  	s17 =	sadd.s32 $0xFFFFFF80, s10;
	p1 =	seq.s32 s10, $0x1780;
	_ =	swait.ge [sflag:s0], $0x4000  }
0x10d: {  	s19 =	sand.u32 $0x380, s10;
	s18 =	sand.u32 $0x1C00, s17;
	[sflag:s0] =	ssyncset.done $0x0  }
0x10e: {  	s17 =	sand.u32 $0x300, s17;
	s18 =	sadd.s32 s4, s18;
	[sflag:s0] =	ssyncadd.s32 $0xFFFFC000  }
0x10f: {  	s17 =	sor.u32 s17, s18;
	s18 =	sor.u32 s18, s19;
	_ =	swait.ge [sflag:s7], $0x4000  }
0x110: {  	s17 =	sshrl.u32 s17, $0x3;
	s18 =	sshrl.u32 s18, $0x3;
	[sflag:s7] =	ssyncset.done $0x0  }
0x111: {  	s10 =	sadd.s32 $0x100, s10;
	s17 =	sadd.s32 s6, s17;
	[sflag:s7] =	ssyncadd.s32 $0xFFFFC000  }
0x112: {  	[tilespmem:s24], [sflag:$0x1] =	stream.linear.gather [hbm4b:s17+s3], $0x80, $0x38;
	[tilespmem:$0x1F900] =	vst v63  }
0x113: {  	_ = 	snop  }
0x114: {  	[tilespmem:s23], [sflag:$0x3] =	stream.indirect.gather [hbm4b:s5+s25], $0x80, s16, s25, $0xb8;
	[tilespmem:$0x1F900] =	vst v63  }
0x115: {  	s17 =	sadd.s32 s6, s18  }
0x116: {  	[tilespmem:s26], [sflag:$0x2] =	stream.linear.gather [hbm4b:s17+s3], $0x80, $0x38;
	[tilespmem:$0x1F900] =	vst v63  }
0x117: {  	s17 =	sadd.s32 $0x80, s16  }
0x118: {  	[tilespmem:s28], [sflag:$0x4] =	stream.indirect.gather [hbm4b:s5+s25], $0x80, s17, s25, $0xb8;
	[tilespmem:$0x1F900] =	vst v63  }
0x119: {  	_ =	swait.ge [sflag:s29], $0x4000  }
0x11a: {  	[sflag:s29] =	ssyncset.done $0x0  }
0x11b: {  	[sflag:s29] =	ssyncadd.s32 $0xFFFFC000  }
0x11c: {  	_ =	swait.ge [sflag:s30], $0x80  }
0x11d: {  	[sflag:s30] =	ssyncset.done $0x0  }
0x11e: {  	[sflag:s30] =	ssyncadd.s32 $0xFFFFFF80  }
0x11f: {  	[spmem:s2] =	stream.indirect.scatter.add.f32 [tilespmem:s23], [sflag:$0x5], $0x80, s24, s25, $0xb8;
	[tilespmem:$0x1F900] =	vst v63  }
0x120: {  	_ =	swait.ge [sflag:s31], $0x4000  }
.Ltmp5:
0x121: {  	[sflag:s31] =	ssyncset.done $0x0;
	(pc) =	sbr.rel @!p1 .LBB2_3-.Ltmp5, $4  }
0x122: {  	[sflag:s31] =	ssyncadd.s32 $0xFFFFC000  }
0x123: {  	_ =	swait.ge [sflag:s1], $0x80  }
0x124: {  	[sflag:s1] =	ssyncset.done $0x0  }
0x125: {  	s16 =	sadd.s32 $0x100, s16;
	[sflag:s1] =	ssyncadd.s32 $0xFFFFFF80  }
.Ltmp6:
0x126: {  	(pc) =	sbr.rel .LBB2_8-.Ltmp6, $2  }
0x127: {  	_ =	sdelay $0x2  }
0x128: {  	[spmem:s2] =	stream.indirect.scatter.add.f32 [tilespmem:s28], [sflag:$0x6], $0x80, s26, s25, $0xb8;
	[tilespmem:$0x1F900] =	vst v63  }
.LBB2_9:
0x129: {  	_ =	sfence.sel $0x180000  }
0x12a: {  	[bflag:$0x0] =	sbarrier.arrive $0xFFFF  }
0x12b: {  	_ =	strace $0x9000004D  }
0x12c: {  	s0 =	stileid.u32;
	[bflag:$0x2] =	sbarrier.arrive $0xFFFF  }
0x12d: {  	p0 =	sne.s32 s0, $0x0;
	s0 =	rddreg [dreg:$0x2]  }
0x12e: {  	s0 =	sadd.s32 @!p0 $0x100000, s0  }
0x12f: {  	[sflag:s0] =	ssyncadd.tile.s32 @!p0 $0x1;
	_ =	shalt  }
.Lfunc_end2:
_tile_overlayer_lowered:
.L_overlay_start_2:
0x130: {  	(tag) =	ssettag $0x2  }
0x131: {  	s0 =	rddreg [dreg:$0x0];
	s2 =	stileid.u32  }
0x132: {  	s1 =	rddreg [dreg:$0x1];
	p0 =	sne.s32 s2, $0x0  }
0x133: {  	s3 =	rddreg [dreg:$0x2];
	[bflag:$0x3] =	sbarrier.arrive $0xFFFF;
	s2 =	simm.s32 @!p0 $0x1C07  }
0x134: {  	[timem:s3], [sflag:s2] =	dma.local @!p0 [hbm:s0], s1  }
0x135: {  	s0 =	simm.s32 @!p0 $0x7  }
0x136: {  	_ =	swait.ge @!p0 [sflag:s0], s1  }
0x137: {  	s1 =	ssub.s32 @!p0 $0x0, s1;
	[sflag:s0] =	ssyncset.done @!p0 $0x0  }
0x138: {  	[sflag:s0] =	ssyncadd.s32 @!p0 s1  }
0x139: {  	[bflag:$0x3] =	sbarrier.arrive $0xFFFF  }
0x13a: {  	_ =	shalt  }

// kernel: kernel.20.cloned.1.call-start
scs
__scs_entry_jumppad:
0x0: {  	(pc) =	sbr.rel $0x88, $3  }
0x1: {  	(tag) =	ssettag $0x0;
	lr =	simm.s32 $0x1  }
0x2: {  	[smem:$0x3F94] =	sst lr;
	_ =	strace $0xD0000000  }
0x3: {  	_ = 	snop  }
0x4: {  	_ = 	snop  }
0x5: {  	_ = 	snop  }
0x6: {  	_ = 	snop  }
0x7: {  	_ = 	snop  }
__scs_overlays_trampoline_lowered:
0x8: {  	[smem:$0x3FA3] =	sst s0  }
0x9: {  	[smem:$0x3FA4] =	sst s1  }
0xa: {  	[smem:$0x3FA5] =	sst s2  }
0xb: {  	[smem:$0x3FA6] =	sst s3  }
0xc: {  	[smem:$0x3FA7] =	sst s4  }
0xd: {  	[smem:$0x3FA8] =	sst s5  }
0xe: {  	[smem:$0x3FA9] =	sst s6  }
0xf: {  	[smem:$0x3FAA] =	sst s7  }
0x10: {  	[smem:$0x3FAB] =	sst s8  }
0x11: {  	[smem:$0x3FAC] =	sst s9;
	s0 =	simm.s32 @!p0 $0x0  }
0x12: {  	s1 =	sld [smem:$0x3F92];
	s0 =	simm.s32 @p0 $0x1  }
0x13: {  	[smem:$0x3FAD] =	sst s0;
	s0 =	simm.s32 @!p1 $0x0  }
0x14: {  	s2 =	sld [smem:$0x3F91];
	s0 =	simm.s32 @p1 $0x1  }
0x15: {  	[smem:$0x3FAE] =	sst s0;
	s0 =	simm.s32 @!p2 $0x0  }
0x16: {  	s3 =	sld [smem:$0x3FDB];
	s0 =	simm.s32 @p2 $0x1  }
0x17: {  	s4 =	simm.s32 $0x1BF5;
	[smem:$0x3FB0] =	sst s0  }
0x18: {  	s0 =	sld [smem:$0x3F93];
	_ =	swait.ge [sflag:s4], $0x0  }
0x19: {  	s7 =	sld [smem:$0x3F94]  }
0x1a: {  	s8 =	sadd.s32 $0xFFFFE003, lr  }
0x1b: {  	s9 =	sadd.s32 $0xFFFFFEF7, lr;
	s5 =	simm.s32 $0xFFFFFFFF;
	p2 =	slt.u32 s8, $0xFFFFF086  }
0x1c: {  	p1 =	slt.u32 s9, $0xF7A;
	s5 =	simm.s32 @!p2 $0x0  }
0x1d: {  	s5 =	simm.s32 @p1 $0x1;
	p0 =	seq.s32 s7, s2  }
0x1e: {  	s7 =	smul.u32 @!p0 $0xF7A, s2;
	p2 =	seq.s32 @!p0 s5, $0x0  }
0x1f: {  	s9 =	smul.u32 $0xF7A, s1;
	s8 =	simm.s32 @!p0 $0x1BF5;
	p2 =	por !p2, p0  }
0x20: {  	[sflag:s8] =	ssyncset.s32 @!p0 $0xFFFFF086;
	s6 =	sadd.s32 @!p0 s3, s7;
	s7 =	simm.s32 @!p0 $0x108  }
0x21: {  	s3 =	sadd.s32 s3, s9;
	s6 =	sadd.s32 @!p0 $0x88, s6;
	s7 =	simm.s32 @p2 $0x1082  }
0x22: {  	[simem:s7], [sflag:s8] =	dma.local @!p0 [hbm:s6], $0xF7A  }
0x23: {  	s9 =	sor.u32 $0xD0000000, s2;
	s6 =	simm.s32 $0x108;
	_ =	swait.ge @!p0 [sflag:s8], $0x0  }
0x24: {  	s3 =	sadd.s32 $0x88, s3;
	s6 =	simm.s32 @!p1 $0x1082;
	[sflag:s4] =	ssyncset.s32 $0xFFFFF086  }
0x25: {  	[simem:s6], [sflag:s4] =	dma.local [hbm:s3], $0xF7A  }
0x26: {  	[smem:$0x3F94] =	sst s1;
	(tag) =	ssettag s2;
	_ =	strace s9  }
0x27: {  	s1 =	sld [smem:$0x3FA4]  }
0x28: {  	s2 =	sld [smem:$0x3FA5]  }
0x29: {  	s4 =	sld [smem:$0x3FA7]  }
0x2a: {  	p0 =	seq.s32 s5, $0x0;
	s5 =	sld [smem:$0x3FA8]  }
0x2b: {  	s6 =	sld [smem:$0x3FA9]  }
0x2c: {  	s7 =	sld [smem:$0x3FAA]  }
0x2d: {  	s3 =	simm.s32 $0x108;
	s8 =	sld [smem:$0x3FAB]  }
0x2e: {  	s3 =	simm.s32 @!p0 $0x1082;
	s9 =	sld [smem:$0x3FAC]  }
0x2f: {  	lr =	sadd.s32 s0, s3;
	s0 =	sld [smem:$0x3FA3]  }
0x30: {  	s3 =	sld [smem:$0x3FA6]  }
0x31: {  	[smem:$0x3FAF] =	sst s10  }
0x32: {  	s10 =	sld [smem:$0x3FAD];
	_ =	sdelay $0x3  }
0x33: {  	p0 =	seq.s32 s10, $0x1;
	s10 =	sld [smem:$0x3FAF];
	_ =	sdelay $0x3  }
0x34: {  	[smem:$0x3FAF] =	sst s10  }
0x35: {  	s10 =	sld [smem:$0x3FAE];
	_ =	sdelay $0x3  }
0x36: {  	p1 =	seq.s32 s10, $0x1;
	s10 =	sld [smem:$0x3FAF];
	_ =	sdelay $0x3  }
0x37: {  	[smem:$0x3FAF] =	sst s10  }
0x38: {  	s10 =	sld [smem:$0x3FB0]  }
0x39: {  	_ = 	snop;
	(pc) =	sbr.ind lr, $3  }
0x3a: {  	_ = 	snop  }
0x3b: {  	_ = 	snop  }
0x3c: {  	p2 =	seq.s32 s10, $0x1;
	s10 =	sld [smem:$0x3FAF]  }
0x3d: {  	_ =	shalt  }
0x3e: {  	_ =	shalt  }
0x3f: {  	_ =	shalt  }
0x40: {  	_ =	shalt  }
0x41: {  	_ =	shalt  }
0x42: {  	_ =	shalt  }
0x43: {  	_ =	shalt  }
0x44: {  	_ =	shalt  }
0x45: {  	_ =	shalt  }
0x46: {  	_ =	shalt  }
0x47: {  	_ =	shalt  }
0x48: {  	_ =	shalt  }
0x49: {  	_ =	shalt  }
0x4a: {  	_ =	shalt  }
0x4b: {  	_ =	shalt  }
0x4c: {  	_ =	shalt  }
0x4d: {  	_ =	shalt  }
0x4e: {  	_ =	shalt  }
0x4f: {  	_ =	shalt  }
0x50: {  	_ =	shalt  }
0x51: {  	_ =	shalt  }
0x52: {  	_ =	shalt  }
0x53: {  	_ =	shalt  }
0x54: {  	_ =	shalt  }
0x55: {  	_ =	shalt  }
0x56: {  	_ =	shalt  }
0x57: {  	_ =	shalt  }
0x58: {  	_ =	shalt  }
0x59: {  	_ =	shalt  }
0x5a: {  	_ =	shalt  }
0x5b: {  	_ =	shalt  }
0x5c: {  	_ =	shalt  }
0x5d: {  	_ =	shalt  }
0x5e: {  	_ =	shalt  }
0x5f: {  	_ =	shalt  }
0x60: {  	_ =	shalt  }
0x61: {  	_ =	shalt  }
0x62: {  	_ =	shalt  }
0x63: {  	_ =	shalt  }
0x64: {  	_ =	shalt  }
0x65: {  	_ =	shalt  }
0x66: {  	_ =	shalt  }
0x67: {  	_ =	shalt  }
0x68: {  	_ =	shalt  }
0x69: {  	_ =	shalt  }
0x6a: {  	_ =	shalt  }
0x6b: {  	_ =	shalt  }
0x6c: {  	_ =	shalt  }
0x6d: {  	_ =	shalt  }
0x6e: {  	_ =	shalt  }
0x6f: {  	_ =	shalt  }
0x70: {  	_ =	shalt  }
0x71: {  	_ =	shalt  }
0x72: {  	_ =	shalt  }
0x73: {  	_ =	shalt  }
0x74: {  	_ =	shalt  }
0x75: {  	_ =	shalt  }
0x76: {  	_ =	shalt  }
0x77: {  	_ =	shalt  }
0x78: {  	_ =	shalt  }
0x79: {  	_ =	shalt  }
0x7a: {  	_ =	shalt  }
0x7b: {  	_ =	shalt  }
0x7c: {  	_ =	shalt  }
0x7d: {  	_ =	shalt  }
0x7e: {  	_ =	shalt  }
0x7f: {  	_ =	shalt  }
0x80: {  	_ =	shalt  }
0x81: {  	_ =	shalt  }
0x82: {  	_ =	shalt  }
0x83: {  	_ =	shalt  }
0x84: {  	_ =	shalt  }
0x85: {  	_ =	shalt  }
0x86: {  	_ =	shalt  }
0x87: {  	_ =	shalt  }
.Lfunc_end0:
.L_simem_size_0:
called_computation.3_lowered:
.L_overlay_start_0:
0x88: {  	s2 =	sld [smem:$0x3FD9]  }
0x89: {  	s3 =	sld [smem:$0x3FFE];
	_ =	sdelay $0x1  }
0x8a: {  	s1 =	srdreg.scid  }
0x8b: {  	s0 =	sand.u32 $0x1, s1  }
0x8c: {  	s16 =	sshll.u32 s0, $0xA;
	s2 =	sadd.s32 s3, s2  }
0x8d: {  	s2 =	sadd.s32 s2, s16  }
0x8e: {  	[smem:$0x3FBB] =	sst s2  }
0x8f: {  	_ = 	snop  }
0x90: {  	(tm) =	ssettm $0x1  }
0x91: {  	s17 =	sld [smem:$0x3FFB];
	_ =	sdelay $0x3  }
0x92: {  	_ =	strace s17  }
0x93: {  	s2 =	sld [smem:$0x3FFC];
	_ =	sdelay $0x3  }
0x94: {  	_ =	strace s2  }
0x95: {  	s2 =	sld [smem:$0x3FFD];
	_ =	sdelay $0x3  }
0x96: {  	_ =	strace s2  }
0x97: {  	_ =	strace $0x8FFFFFFF  }
0x98: {  	s18 =	sld [smem:$0x3FDB];
	_ =	sdelay $0x1  }
0x99: {  	s19 =	simm.s32 $_scs_section_size  }
0x9a: {  	s4 =	simm.s32 $_size__tile_overlayer_lowered;
	s5 =	simm.s32 $_tile_overlayer_lowered  }
0x9b: {  	s22 =	simm.s32 $0x1BFF;
	s21 =	sshll.u32 s5, $0x1;
	s2 =	sadd.s32 s19, s18  }
0x9c: {  	s6 =	simm.s32 $0x0;
	s20 =	sshll.u32 s4, $0x1;
	s4 =	sadd.s32 s21, s2  }
0x9d: {  	[timem:s6], [sflag:s22] =	dma.local [hbm:s4], s20  }
0x9e: {  	_ =	swait.ge [sflag:s22], s20  }
0x9f: {  	s3 =	ssub.s32 $0x0, s20;
	[sflag:s22] =	ssyncset.done $0x0  }
0xa0: {  	[sflag:s22] =	ssyncadd.s32 s3;
	_ =	sdelay $0x1  }
0xa1: {  	s23 =	simm.s32 $0x1B8B  }
0xa2: {  	_ =	swait.ge [sflag:s23], $0x1  }
0xa3: {  	[sflag:s23] =	ssyncset.done $0x0  }
0xa4: {  	s25 =	simm.s32 $0x1B8E;
	s24 =	sld [smem:$0x3FFE];
	[sflag:s23] =	ssyncadd.s32 $0xFFFFFFFF  }
0xa5: {  	s26 =	simm.s32 $execute0_lowered;
	[smem:$0x3FD2] =	sst s25  }
0xa6: {  	s4 =	sshll.u32 s26, $0x1;
	_ =	strace $0x8000004F;
	[dreg:$0x1] =	wrdreg $0xFFFFFFFF  }
0xa7: {  	s28 =	simm.s32 $_size_execute0_lowered;
	s2 =	sadd.s32 s2, s4;
	[dreg:$0x0] =	wrdreg $0x0  }
0xa8: {  	s4 =	sshll.u32 s28, $0x1;
	[dreg:$0x2] =	wrdreg s2  }
0xa9: {  	[dreg:$0x3] =	wrdreg s4  }
0xaa: {  	[dreg:$0x4] =	wrdreg $0xC0  }
0xab: {  	_ =	task [dreg:s6], $0x5FFFF  }
0xac: {  	[dreg:$0x1] =	wrdreg $0xFFFFFFFF  }
0xad: {  	[dreg:$0x0] =	wrdreg $0x60  }
0xae: {  	[dreg:$0x2] =	wrdreg s24  }
0xaf: {  	[dreg:$0x3] =	wrdreg $0xB9000  }
0xb0: {  	[dreg:$0x4] =	wrdreg $0x9  }
0xb1: {  	_ =	task.clear_ibuf [dreg:s6], $0x5FFFF;
	_ =	strace $0x9000004F  }
0xb2: {  	s29 =	simm.s32 $0x9;
	_ =	strace $0x80000051  }
0xb3: {  	_ =	swait.ge [sflag:s29], $0x1  }
0xb4: {  	[sflag:s29] =	ssyncadd.s32 $0xFFFFFFFF  }
0xb5: {  	_ =	strace $0x90000051  }
0xb6: {  	_ =	sfence  }
0xb7: {  	s30 =	sld [smem:$0x0];
	_ =	sdelay $0x2  }
0xb8: {  	s31 =	sshll.u32 s1, $0xD;
	s1 =	sshrl.u32 s1, $0x2  }
0xb9: {  	s3 =	sand.u32 $0x4000, s31;
	s1 =	sadd.s32 s1, s30  }
0xba: {  	s0 =	sor.u32 s3, s0;
	s1 =	sshll.u32 s1, $0x11  }
0xbb: {  	s0 =	sor.u32 s1, s0  }
0xbc: {  	s0 =	sadd.s32 $0x8F2B, s0  }
0xbd: {  	[sflag:s0] =	ssyncadd.remote.s32 $0x1  }
0xbe: {  	_ =	sfence.sel $0xFFFF  }
0xbf: {  	[dreg:$0x0] =	wrdreg $0xFFFFFFFF;
	(pc) =	sbr.abs _section_cstart, $3  }
0xc0: {  	[dreg:$0x1] =	wrdreg $0xFFFFFFFF  }
0xc1: {  	_ =	task.clear_ibuf [dreg:s6], $0x2FFFF;
	_ =	strace $0x9FFFFFFF  }
0xc2: {  	(tm) =	ssettm $0x7FFFFFFF  }
0xc3: {  	_ =	shalt  }
tec
execute0_lowered:
.L_overlay_start_1:
0x0: {  	(tag) =	ssettag $0x1  }
0x1: {  	s0 =	rddreg [dreg:$0x0];
	s1 =	srdreg.scid  }
0x2: {  	s11 =	stileid.u32;
	s2 =	rddreg [dreg:$0x1];
	s3 =	simm.s32 $0x0  }
0x3: {  	s28 =	simm.s32 $0x7900;
	s29 =	simm.s32 $0x3;
	s30 =	simm.s32 $0x1  }
0x4: {  	s31 =	simm.s32 $0x4;
	s1 =	sand.u32 $0x1, s1;
	s4 =	sshll.u32 s11, $0x1  }
0x5: {  	[smem:$0x7FF] =	sst s3;
	s5 =	sadd.s32 $0x12000, s0;
	s9 =	smul.u32 $0x14000, s11  }
0x6: {  	s6 =	sadd.s32 $0x4000, s0;
	s12 =	sadd.s32 $0x3A000, s0;
	s11 =	sshll.u32 s11, $0x7  }
0x7: {  	s4 =	sor.u32 s1, s4;
	_ =	strace $0x80000050;
	s7 =	smul.u32 $0x140000, s1  }
0x8: {  	[dreg:$0x3] =	wrdreg s12;
	s18 =	ssub.s32 $0x2, s1;
	s15 =	sadd.s32 s11, s0  }
0x9: {  	p0 =	seq.s32 s1, $0x1;
	s1 =	simm.s32 $0x2;
	s4 =	smul.u32 $0x3800, s4  }
0xa: {  	s19 =	sshrl.u32 s18, $0x1;
	s11 =	sadd.s32 $0x3810, s15;
	s12 =	sadd.s32 $0x3820, s15  }
0xb: {  	s14 =	sadd.s32 $0x3830, s15;
	s7 =	sadd.s32 s9, s7;
	s20 =	ssub.s32 s18, s19  }
0xc: {  	s9 =	sadd.s32 $0x3800, s15;
	s15 =	sadd.s32 $0x3840, s15;
	s8 =	sshrl.u32 s4, $0x3  }
0xd: {  	s7 =	sshrl.u32 s7, $0x3;
	s22 =	smax.u32 s20, $0x1;
	s10 =	sadd.s32 s8, s0  }
0xe: {  	[dreg:$0x5] =	wrdreg s22;
	s13 =	sadd.s32 s6, s8;
	s21 =	sadd.s32 $0x8A800, s10  }
0xf: {  	s0 =	sadd.s32 s7, s0;
	s23 =	sadd.s32 $0x10, s13;
	[dreg:$0x4] =	wrdreg s21  }
0x10: {  	s22 =	simm.s32 $0x7;
	s24 =	sadd.s32 $0x98800, s0;
	[dreg:$0x6] =	wrdreg s23  }
.Ltmp0:
0x11: {  	s25 =	sadd.s32 $0x99000, s0;
	[dreg:$0x7] =	wrdreg s24;
	(pc) =	sbr.rel .LBB2_1-.Ltmp0, $4  }
0x12: {  	s7 =	simm.s32 $0x6;
	s26 =	sadd.s32 $0x99800, s0;
	[dreg:$0x8] =	wrdreg s25  }
0x13: {  	s8 =	simm.s32 $0x0;
	s20 =	sadd.s32 $0x9A000, s0;
	[dreg:$0x9] =	wrdreg s26  }
0x14: {  	s21 =	sadd.s32 $0x9A800, s0;
	s23 =	simm.s32 $0x3900;
	s24 =	simm.s32 $0x3800  }
0x15: {  	s25 =	simm.s32 $0x80;
	s26 =	simm.s32 $0x3880;
	s0 =	simm.s32 $0x5  }
.LBB2_7:
0x16: {  	[spmem:s2] =	stream.indirect.scatter.add.f32 [tilespmem:s28], [sflag:$0x6], $0x80, s26, s25, $0xb8;
	[tilespmem:$0x1F900] =	vst v63  }
.LBB2_8:
0x17: {  	_ =	swait.ge [sflag:s0], $0x4000  }
0x18: {  	[sflag:s0] =	ssyncset.done $0x0  }
0x19: {  	[sflag:s0] =	ssyncadd.s32 $0xFFFFC000  }
0x1a: {  	_ =	swait.ge [sflag:s7], $0x4000  }
0x1b: {  	[sflag:s7] =	ssyncset.done $0x0  }
0x1c: {  	[sflag:s7] =	ssyncadd.s32 $0xFFFFC000  }
0x1d: {  	[bflag:$0x0] =	sbarrier.arrive $0xFFFF  }
0x1e: {  	[tilespmem:s24], [sflag:$0x7] =	stream.linear.gather [hbm4b:s9+s3], $0x80, $0x38;
	[tilespmem:$0x1F900] =	vst v63  }
0x1f: {  	_ =	swait.ge [sflag:s22], $0x80  }
0x20: {  	[sflag:s22] =	ssyncset.done $0x0  }
0x21: {  	[sflag:s22] =	ssyncadd.s32 $0xFFFFFF80  }
0x22: {  	[tilespmem:s23], [sflag:$0x3] =	stream.indirect.gather [spmem:s2], $0x80, s24, s25, $0xb8;
	[tilespmem:$0x1F900] =	vst v63  }
0x23: {  	_ =	swait.ge [sflag:s29], $0x4000  }
0x24: {  	[sflag:s29] =	ssyncset.done $0x0  }
0x25: {  	s10 =	rddreg [dreg:$0x7];
	[sflag:s29] =	ssyncadd.s32 $0xFFFFC000  }
0x26: {  	[hbm4b:s10+s3] =	stream.linear.scatter [tilespmem:s23], [sflag:$0x7], $0x4000, $0x38;
	[tilespmem:$0x1F900] =	vst v63  }
0x27: {  	_ =	swait.ge [sflag:s22], $0x4000  }
0x28: {  	[sflag:s22] =	ssyncset.done $0x0  }
0x29: {  	[sflag:s22] =	ssyncadd.s32 $0xFFFFC000  }
0x2a: {  	[tilespmem:s24], [sflag:$0x7] =	stream.linear.gather [hbm4b:s11+s3], $0x80, $0x38;
	[tilespmem:$0x1F900] =	vst v63  }
0x2b: {  	_ =	swait.ge [sflag:s22], $0x80  }
0x2c: {  	[sflag:s22] =	ssyncset.done $0x0  }
0x2d: {  	[sflag:s22] =	ssyncadd.s32 $0xFFFFFF80  }
0x2e: {  	[tilespmem:s23], [sflag:$0x3] =	stream.indirect.gather [spmem:s2], $0x80, s24, s25, $0xb8;
	[tilespmem:$0x1F900] =	vst v63  }
0x2f: {  	_ =	swait.ge [sflag:s29], $0x4000  }
0x30: {  	[sflag:s29] =	ssyncset.done $0x0  }
0x31: {  	s17 =	rddreg [dreg:$0x8];
	[sflag:s29] =	ssyncadd.s32 $0xFFFFC000  }
0x32: {  	[hbm4b:s17+s3] =	stream.linear.scatter [tilespmem:s23], [sflag:$0x7], $0x4000, $0x38;
	[tilespmem:$0x1F900] =	vst v63  }
0x33: {  	_ =	swait.ge [sflag:s22], $0x4000  }
0x34: {  	[sflag:s22] =	ssyncset.done $0x0  }
0x35: {  	[sflag:s22] =	ssyncadd.s32 $0xFFFFC000  }
0x36: {  	[tilespmem:s24], [sflag:$0x7] =	stream.linear.gather [hbm4b:s12+s3], $0x80, $0x38;
	[tilespmem:$0x1F900] =	vst v63  }
0x37: {  	_ =	swait.ge [sflag:s22], $0x80  }
0x38: {  	[sflag:s22] =	ssyncset.done $0x0  }
0x39: {  	[sflag:s22] =	ssyncadd.s32 $0xFFFFFF80  }
0x3a: {  	[tilespmem:s23], [sflag:$0x3] =	stream.indirect.gather [spmem:s2], $0x80, s24, s25, $0xb8;
	[tilespmem:$0x1F900] =	vst v63  }
0x3b: {  	_ =	swait.ge [sflag:s29], $0x4000  }
0x3c: {  	[sflag:s29] =	ssyncset.done $0x0  }
0x3d: {  	s18 =	rddreg [dreg:$0x9];
	[sflag:s29] =	ssyncadd.s32 $0xFFFFC000  }
0x3e: {  	[hbm4b:s18+s3] =	stream.linear.scatter [tilespmem:s23], [sflag:$0x7], $0x4000, $0x38;
	[tilespmem:$0x1F900] =	vst v63  }
0x3f: {  	_ =	swait.ge [sflag:s22], $0x4000  }
0x40: {  	[sflag:s22] =	ssyncset.done $0x0  }
0x41: {  	[sflag:s22] =	ssyncadd.s32 $0xFFFFC000  }
0x42: {  	[tilespmem:s24], [sflag:$0x7] =	stream.linear.gather [hbm4b:s14+s3], $0x80, $0x38;
	[tilespmem:$0x1F900] =	vst v63  }
0x43: {  	_ =	swait.ge [sflag:s22], $0x80  }
0x44: {  	[sflag:s22] =	ssyncset.done $0x0  }
0x45: {  	[sflag:s22] =	ssyncadd.s32 $0xFFFFFF80  }
0x46: {  	[tilespmem:s23], [sflag:$0x3] =	stream.indirect.gather [spmem:s2], $0x80, s24, s25, $0xb8;
	[tilespmem:$0x1F900] =	vst v63  }
0x47: {  	_ =	swait.ge [sflag:s29], $0x4000  }
0x48: {  	[sflag:s29] =	ssyncset.done $0x0  }
0x49: {  	[sflag:s29] =	ssyncadd.s32 $0xFFFFC000  }
0x4a: {  	[hbm4b:s20+s3] =	stream.linear.scatter [tilespmem:s23], [sflag:$0x7], $0x4000, $0x38;
	[tilespmem:$0x1F900] =	vst v63  }
0x4b: {  	_ =	swait.ge [sflag:s22], $0x4000  }
0x4c: {  	[sflag:s22] =	ssyncset.done $0x0  }
0x4d: {  	[sflag:s22] =	ssyncadd.s32 $0xFFFFC000  }
0x4e: {  	[tilespmem:s24], [sflag:$0x7] =	stream.linear.gather [hbm4b:s15+s3], $0x80, $0x38;
	[tilespmem:$0x1F900] =	vst v63  }
0x4f: {  	_ =	swait.ge [sflag:s22], $0x80  }
0x50: {  	[sflag:s22] =	ssyncset.done $0x0  }
0x51: {  	[sflag:s22] =	ssyncadd.s32 $0xFFFFFF80  }
0x52: {  	[tilespmem:s23], [sflag:$0x3] =	stream.indirect.gather [spmem:s2], $0x80, s24, s25, $0xb8;
	[tilespmem:$0x1F900] =	vst v63  }
0x53: {  	_ =	swait.ge [sflag:s29], $0x4000  }
0x54: {  	[sflag:s29] =	ssyncset.done $0x0  }
0x55: {  	[sflag:s29] =	ssyncadd.s32 $0xFFFFC000  }
0x56: {  	[hbm4b:s21+s3] =	stream.linear.scatter [tilespmem:s23], [sflag:$0x7], $0x4000, $0x38;
	[tilespmem:$0x1F900] =	vst v63  }
0x57: {  	_ =	swait.ge [sflag:s22], $0x4000  }
0x58: {  	s8 =	sadd.s32 $0x1, s8;
	s19 =	rddreg [dreg:$0x5]  }
0x59: {  	p1 =	sne.s32 s8, s19  }
.Ltmp1:
0x5a: {  	_ = 	snop;
	(pc) =	sbr.rel @!p1 .LBB2_9-.Ltmp1, $3  }
0x5b: {  	_ =	sdelay $0x1  }
0x5c: {  	[sflag:s22] =	ssyncset.done $0x0  }
0x5d: {  	[sflag:s22] =	ssyncadd.s32 $0xFFFFC000  }
.LBB2_1:
0x5e: {  	s10 =	rddreg [dreg:$0x4]  }
0x5f: {  	[tilespmem:s3], [sflag:$0x7] =	stream.linear.gather [hbm4b:s10+s3], $0x3800, $0x38;
	[tilespmem:$0x1F900] =	vst v63  }
0x60: {  	_ =	swait.ge [sflag:s22], $0x3800  }
0x61: {  	[sflag:s22] =	ssyncset.done $0x0  }
0x62: {  	s19 =	rddreg [dreg:$0x3];
	[sflag:s22] =	ssyncadd.s32 $0xFFFFC800  }
0x63: {  	[tilespmem:s23], [sflag:$0x7] =	stream.linear.gather [hbm4b:s19+s3], $0x4000, $0x38;
	[tilespmem:$0x1F900] =	vst v63  }
0x64: {  	_ =	swait.ge [sflag:s22], $0x4000  }
0x65: {  	[sflag:s22] =	ssyncset.done $0x0  }
0x66: {  	[sflag:s22] =	ssyncadd.s32 $0xFFFFC000  }
0x67: {  	[tilespmem:s24], [sflag:$0x7] =	stream.linear.gather [hbm4b:s9+s3], $0x80, $0x38;
	[tilespmem:$0x1F900] =	vst v63  }
0x68: {  	_ =	swait.ge [sflag:s22], $0x80  }
0x69: {  	[sflag:s22] =	ssyncset.done $0x0  }
0x6a: {  	[sflag:s22] =	ssyncadd.s32 $0xFFFFFF80  }
0x6b: {  	[spmem:s2] =	stream.indirect.scatter [tilespmem:s23], [sflag:$0x7], $0x80, s24, s25, $0xb8;
	[tilespmem:$0x1F900] =	vst v63  }
0x6c: {  	_ =	swait.ge [sflag:s22], $0x4000  }
0x6d: {  	[sflag:s22] =	ssyncset.done $0x0  }
0x6e: {  	[sflag:s22] =	ssyncadd.s32 $0xFFFFC000  }
0x6f: {  	[tilespmem:s24], [sflag:$0x7] =	stream.linear.gather [hbm4b:s11+s3], $0x80, $0x38;
	[tilespmem:$0x1F900] =	vst v63  }
0x70: {  	_ =	swait.ge [sflag:s22], $0x80  }
0x71: {  	[sflag:s22] =	ssyncset.done $0x0  }
0x72: {  	[sflag:s22] =	ssyncadd.s32 $0xFFFFFF80  }
0x73: {  	[spmem:s2] =	stream.indirect.scatter [tilespmem:s23], [sflag:$0x7], $0x80, s24, s25, $0xb8;
	[tilespmem:$0x1F900] =	vst v63  }
0x74: {  	_ =	swait.ge [sflag:s22], $0x4000  }
0x75: {  	[sflag:s22] =	ssyncset.done $0x0  }
0x76: {  	[sflag:s22] =	ssyncadd.s32 $0xFFFFC000  }
0x77: {  	[tilespmem:s24], [sflag:$0x7] =	stream.linear.gather [hbm4b:s12+s3], $0x80, $0x38;
	[tilespmem:$0x1F900] =	vst v63  }
0x78: {  	_ =	swait.ge [sflag:s22], $0x80  }
0x79: {  	[sflag:s22] =	ssyncset.done $0x0  }
0x7a: {  	[sflag:s22] =	ssyncadd.s32 $0xFFFFFF80  }
0x7b: {  	[spmem:s2] =	stream.indirect.scatter [tilespmem:s23], [sflag:$0x7], $0x80, s24, s25, $0xb8;
	[tilespmem:$0x1F900] =	vst v63  }
0x7c: {  	_ =	swait.ge [sflag:s22], $0x4000  }
0x7d: {  	[sflag:s22] =	ssyncset.done $0x0  }
0x7e: {  	[sflag:s22] =	ssyncadd.s32 $0xFFFFC000  }
0x7f: {  	[tilespmem:s24], [sflag:$0x7] =	stream.linear.gather [hbm4b:s14+s3], $0x80, $0x38;
	[tilespmem:$0x1F900] =	vst v63  }
0x80: {  	_ =	swait.ge [sflag:s22], $0x80  }
0x81: {  	[sflag:s22] =	ssyncset.done $0x0  }
0x82: {  	[sflag:s22] =	ssyncadd.s32 $0xFFFFFF80  }
0x83: {  	[spmem:s2] =	stream.indirect.scatter [tilespmem:s23], [sflag:$0x7], $0x80, s24, s25, $0xb8;
	[tilespmem:$0x1F900] =	vst v63  }
0x84: {  	_ =	swait.ge [sflag:s22], $0x4000  }
0x85: {  	[sflag:s22] =	ssyncset.done $0x0  }
0x86: {  	[sflag:s22] =	ssyncadd.s32 $0xFFFFC000  }
0x87: {  	[tilespmem:s24], [sflag:$0x7] =	stream.linear.gather [hbm4b:s15+s3], $0x80, $0x38;
	[tilespmem:$0x1F900] =	vst v63  }
0x88: {  	_ =	swait.ge [sflag:s22], $0x80  }
0x89: {  	[sflag:s22] =	ssyncset.done $0x0  }
0x8a: {  	[sflag:s22] =	ssyncadd.s32 $0xFFFFFF80  }
0x8b: {  	[spmem:s2] =	stream.indirect.scatter [tilespmem:s23], [sflag:$0x7], $0x80, s24, s25, $0xb8;
	[tilespmem:$0x1F900] =	vst v63  }
.Ltmp2:
0x8c: {  	_ =	swait.ge [sflag:s22], $0x4000;
	(pc) =	sbr.rel @!p0 .LBB2_2-.Ltmp2, $3  }
0x8d: {  	[sflag:s22] =	ssyncset.done $0x0  }
0x8e: {  	[sflag:s22] =	ssyncadd.s32 $0xFFFFC000  }
0x8f: {  	[bflag:$0x0] =	sbarrier.arrive $0xFFFF;
	_ =	sdelay $0x1  }
0x90: {  	[tilespmem:s24], [sflag:$0x1] =	stream.linear.gather [hbm4b:s13+s3], $0x80, $0x38;
	[tilespmem:$0x1F900] =	vst v63  }
0x91: {  	_ = 	snop  }
0x92: {  	[tilespmem:s23], [sflag:$0x3] =	stream.indirect.gather [hbm4b:s5+s25], $0x80, s3, s25, $0xb8;
	[tilespmem:$0x1F900] =	vst v63  }
0x93: {  	s10 =	rddreg [dreg:$0x6]  }
0x94: {  	[tilespmem:s26], [sflag:$0x2] =	stream.linear.gather [hbm4b:s10+s3], $0x80, $0x38;
	[tilespmem:$0x1F900] =	vst v63  }
0x95: {  	_ = 	snop  }
0x96: {  	[tilespmem:s28], [sflag:$0x4] =	stream.indirect.gather [hbm4b:s5+s25], $0x80, s25, s25, $0xb8;
	[tilespmem:$0x1F900] =	vst v63  }
0x97: {  	_ =	swait.ge [sflag:s29], $0x4000  }
0x98: {  	[sflag:s29] =	ssyncset.done $0x0  }
0x99: {  	[sflag:s29] =	ssyncadd.s32 $0xFFFFC000  }
0x9a: {  	_ =	swait.ge [sflag:s30], $0x80  }
0x9b: {  	[sflag:s30] =	ssyncset.done $0x0  }
0x9c: {  	[sflag:s30] =	ssyncadd.s32 $0xFFFFFF80  }
0x9d: {  	[spmem:s2] =	stream.indirect.scatter.add.f32 [tilespmem:s23], [sflag:$0x5], $0x80, s24, s25, $0xb8;
	[tilespmem:$0x1F900] =	vst v63  }
0x9e: {  	_ =	swait.ge [sflag:s31], $0x4000  }
0x9f: {  	[sflag:s31] =	ssyncset.done $0x0  }
0xa0: {  	[sflag:s31] =	ssyncadd.s32 $0xFFFFC000  }
0xa1: {  	_ =	swait.ge [sflag:s1], $0x80  }
0xa2: {  	[sflag:s1] =	ssyncset.done $0x0  }
0xa3: {  	[sflag:s1] =	ssyncadd.s32 $0xFFFFFF80  }
0xa4: {  	[spmem:s2] =	stream.indirect.scatter.add.f32 [tilespmem:s28], [sflag:$0x6], $0x80, s26, s25, $0xb8;
	[tilespmem:$0x1F900] =	vst v63  }
0xa5: {  	s17 =	simm.s32 $0x100;
	_ =	swait.ge [sflag:s0], $0x4000  }
0xa6: {  	s18 =	sand.u32 $0x3C00, s17;
	[sflag:s0] =	ssyncset.done $0x0  }
0xa7: {  	s17 =	sand.u32 $0x300, s17;
	s18 =	sadd.s32 s4, s18;
	[sflag:s0] =	ssyncadd.s32 $0xFFFFC000  }
0xa8: {  	s16 =	simm.s32 $0x180;
	s17 =	sor.u32 s17, s18;
	_ =	swait.ge [sflag:s7], $0x4000  }
0xa9: {  	s16 =	sand.u32 $0x380, s16;
	s17 =	sshrl.u32 s17, $0x3;
	[sflag:s7] =	ssyncset.done $0x0  }
0xaa: {  	s16 =	sor.u32 s18, s16;
	s17 =	sadd.s32 s6, s17;
	[sflag:s7] =	ssyncadd.s32 $0xFFFFC000  }
0xab: {  	[tilespmem:s24], [sflag:$0x1] =	stream.linear.gather [hbm4b:s17+s3], $0x80, $0x38;
	[tilespmem:$0x1F900] =	vst v63  }
0xac: {  	s19 =	simm.s32 $0x100;
	s16 =	sshrl.u32 s16, $0x3  }
0xad: {  	[tilespmem:s23], [sflag:$0x3] =	stream.indirect.gather [hbm4b:s5+s25], $0x80, s19, s25, $0xb8;
	[tilespmem:$0x1F900] =	vst v63  }
0xae: {  	s18 =	sadd.s32 s6, s16  }
0xaf: {  	[tilespmem:s26], [sflag:$0x2] =	stream.linear.gather [hbm4b:s18+s3], $0x80, $0x38;
	[tilespmem:$0x1F900] =	vst v63  }
0xb0: {  	s19 =	simm.s32 $0x180  }
0xb1: {  	[tilespmem:s28], [sflag:$0x4] =	stream.indirect.gather [hbm4b:s5+s25], $0x80, s19, s25, $0xb8;
	[tilespmem:$0x1F900] =	vst v63  }
0xb2: {  	_ =	swait.ge [sflag:s29], $0x4000  }
0xb3: {  	[sflag:s29] =	ssyncset.done $0x0  }
0xb4: {  	[sflag:s29] =	ssyncadd.s32 $0xFFFFC000  }
0xb5: {  	_ =	swait.ge [sflag:s30], $0x80  }
0xb6: {  	[sflag:s30] =	ssyncset.done $0x0  }
0xb7: {  	[sflag:s30] =	ssyncadd.s32 $0xFFFFFF80  }
0xb8: {  	[spmem:s2] =	stream.indirect.scatter.add.f32 [tilespmem:s23], [sflag:$0x5], $0x80, s24, s25, $0xb8;
	[tilespmem:$0x1F900] =	vst v63  }
0xb9: {  	_ =	swait.ge [sflag:s31], $0x4000  }
0xba: {  	[sflag:s31] =	ssyncset.done $0x0  }
0xbb: {  	[sflag:s31] =	ssyncadd.s32 $0xFFFFC000  }
0xbc: {  	_ =	swait.ge [sflag:s1], $0x80  }
0xbd: {  	[sflag:s1] =	ssyncset.done $0x0  }
0xbe: {  	s10 =	simm.s32 $0x280;
	s16 =	simm.s32 $0x200;
	[sflag:s1] =	ssyncadd.s32 $0xFFFFFF80  }
.LBB2_6:
0xbf: {  	[spmem:s2] =	stream.indirect.scatter.add.f32 [tilespmem:s28], [sflag:$0x6], $0x80, s26, s25, $0xb8;
	[tilespmem:$0x1F900] =	vst v63  }
0xc0: {  	s17 =	sadd.s32 $0xFFFFFF80, s10;
	p1 =	sne.s32 s10, $0x3780;
	_ =	swait.ge [sflag:s0], $0x4000  }
0xc1: {  	s19 =	sand.u32 $0x380, s10;
	s18 =	sand.u32 $0x3C00, s17;
	[sflag:s0] =	ssyncset.done $0x0  }
0xc2: {  	s17 =	sand.u32 $0x300, s17;
	s18 =	sadd.s32 s4, s18;
	[sflag:s0] =	ssyncadd.s32 $0xFFFFC000  }
0xc3: {  	s17 =	sor.u32 s17, s18;
	s18 =	sor.u32 s18, s19;
	_ =	swait.ge [sflag:s7], $0x4000  }
0xc4: {  	s17 =	sshrl.u32 s17, $0x3;
	s18 =	sshrl.u32 s18, $0x3;
	[sflag:s7] =	ssyncset.done $0x0  }
0xc5: {  	s10 =	sadd.s32 $0x100, s10;
	s17 =	sadd.s32 s6, s17;
	[sflag:s7] =	ssyncadd.s32 $0xFFFFC000  }
0xc6: {  	[tilespmem:s24], [sflag:$0x1] =	stream.linear.gather [hbm4b:s17+s3], $0x80, $0x38;
	[tilespmem:$0x1F900] =	vst v63  }
0xc7: {  	_ = 	snop  }
0xc8: {  	[tilespmem:s23], [sflag:$0x3] =	stream.indirect.gather [hbm4b:s5+s25], $0x80, s16, s25, $0xb8;
	[tilespmem:$0x1F900] =	vst v63  }
0xc9: {  	s17 =	sadd.s32 s6, s18  }
0xca: {  	[tilespmem:s26], [sflag:$0x2] =	stream.linear.gather [hbm4b:s17+s3], $0x80, $0x38;
	[tilespmem:$0x1F900] =	vst v63  }
0xcb: {  	s17 =	sadd.s32 $0x80, s16  }
0xcc: {  	[tilespmem:s28], [sflag:$0x4] =	stream.indirect.gather [hbm4b:s5+s25], $0x80, s17, s25, $0xb8;
	[tilespmem:$0x1F900] =	vst v63  }
0xcd: {  	_ =	swait.ge [sflag:s29], $0x4000  }
0xce: {  	[sflag:s29] =	ssyncset.done $0x0  }
0xcf: {  	[sflag:s29] =	ssyncadd.s32 $0xFFFFC000  }
0xd0: {  	_ =	swait.ge [sflag:s30], $0x80  }
0xd1: {  	[sflag:s30] =	ssyncset.done $0x0  }
0xd2: {  	[sflag:s30] =	ssyncadd.s32 $0xFFFFFF80  }
0xd3: {  	[spmem:s2] =	stream.indirect.scatter.add.f32 [tilespmem:s23], [sflag:$0x5], $0x80, s24, s25, $0xb8;
	[tilespmem:$0x1F900] =	vst v63  }
0xd4: {  	_ =	swait.ge [sflag:s31], $0x4000  }
.Ltmp3:
0xd5: {  	[sflag:s31] =	ssyncset.done $0x0;
	(pc) =	sbr.rel @p1 .LBB2_6-.Ltmp3, $4  }
0xd6: {  	[sflag:s31] =	ssyncadd.s32 $0xFFFFC000  }
0xd7: {  	_ =	swait.ge [sflag:s1], $0x80  }
0xd8: {  	[sflag:s1] =	ssyncset.done $0x0  }
0xd9: {  	s16 =	sadd.s32 $0x100, s16;
	[sflag:s1] =	ssyncadd.s32 $0xFFFFFF80  }
.Ltmp4:
0xda: {  	_ = 	snop;
	(pc) =	sbr.rel .LBB2_7-.Ltmp4, $1  }
0xdb: {  	_ =	sdelay $0x3  }
.LBB2_2:
0xdc: {  	[tilespmem:s24], [sflag:$0x1] =	stream.linear.gather [hbm4b:s13+s3], $0x80, $0x38;
	[tilespmem:$0x1F900] =	vst v63  }
0xdd: {  	_ = 	snop  }
0xde: {  	[tilespmem:s23], [sflag:$0x3] =	stream.indirect.gather [hbm4b:s5+s25], $0x80, s3, s25, $0xb8;
	[tilespmem:$0x1F900] =	vst v63  }
0xdf: {  	s10 =	rddreg [dreg:$0x6]  }
0xe0: {  	[tilespmem:s26], [sflag:$0x2] =	stream.linear.gather [hbm4b:s10+s3], $0x80, $0x38;
	[tilespmem:$0x1F900] =	vst v63  }
0xe1: {  	_ = 	snop  }
0xe2: {  	[tilespmem:s28], [sflag:$0x4] =	stream.indirect.gather [hbm4b:s5+s25], $0x80, s25, s25, $0xb8;
	[tilespmem:$0x1F900] =	vst v63  }
0xe3: {  	_ =	swait.ge [sflag:s29], $0x4000  }
0xe4: {  	[sflag:s29] =	ssyncset.done $0x0  }
0xe5: {  	[sflag:s29] =	ssyncadd.s32 $0xFFFFC000  }
0xe6: {  	_ =	swait.ge [sflag:s30], $0x80  }
0xe7: {  	[sflag:s30] =	ssyncset.done $0x0  }
0xe8: {  	[sflag:s30] =	ssyncadd.s32 $0xFFFFFF80  }
0xe9: {  	[spmem:s2] =	stream.indirect.scatter.add.f32 [tilespmem:s23], [sflag:$0x5], $0x80, s24, s25, $0xb8;
	[tilespmem:$0x1F900] =	vst v63  }
0xea: {  	_ =	swait.ge [sflag:s31], $0x4000  }
0xeb: {  	[sflag:s31] =	ssyncset.done $0x0  }
0xec: {  	[sflag:s31] =	ssyncadd.s32 $0xFFFFC000  }
0xed: {  	_ =	swait.ge [sflag:s1], $0x80  }
0xee: {  	[sflag:s1] =	ssyncset.done $0x0  }
0xef: {  	[sflag:s1] =	ssyncadd.s32 $0xFFFFFF80  }
0xf0: {  	[spmem:s2] =	stream.indirect.scatter.add.f32 [tilespmem:s28], [sflag:$0x6], $0x80, s26, s25, $0xb8;
	[tilespmem:$0x1F900] =	vst v63  }
0xf1: {  	s17 =	simm.s32 $0x100;
	_ =	swait.ge [sflag:s0], $0x4000  }
0xf2: {  	s18 =	sand.u32 $0x1C00, s17;
	[sflag:s0] =	ssyncset.done $0x0  }
0xf3: {  	s17 =	sand.u32 $0x300, s17;
	s18 =	sadd.s32 s4, s18;
	[sflag:s0] =	ssyncadd.s32 $0xFFFFC000  }
0xf4: {  	s16 =	simm.s32 $0x180;
	s17 =	sor.u32 s17, s18;
	_ =	swait.ge [sflag:s7], $0x4000  }
0xf5: {  	s16 =	sand.u32 $0x380, s16;
	s17 =	sshrl.u32 s17, $0x3;
	[sflag:s7] =	ssyncset.done $0x0  }
0xf6: {  	s16 =	sor.u32 s18, s16;
	s17 =	sadd.s32 s6, s17;
	[sflag:s7] =	ssyncadd.s32 $0xFFFFC000  }
0xf7: {  	[tilespmem:s24], [sflag:$0x1] =	stream.linear.gather [hbm4b:s17+s3], $0x80, $0x38;
	[tilespmem:$0x1F900] =	vst v63  }
0xf8: {  	s19 =	simm.s32 $0x100;
	s16 =	sshrl.u32 s16, $0x3  }
0xf9: {  	[tilespmem:s23], [sflag:$0x3] =	stream.indirect.gather [hbm4b:s5+s25], $0x80, s19, s25, $0xb8;
	[tilespmem:$0x1F900] =	vst v63  }
0xfa: {  	s18 =	sadd.s32 s6, s16  }
0xfb: {  	[tilespmem:s26], [sflag:$0x2] =	stream.linear.gather [hbm4b:s18+s3], $0x80, $0x38;
	[tilespmem:$0x1F900] =	vst v63  }
0xfc: {  	s19 =	simm.s32 $0x180  }
0xfd: {  	[tilespmem:s28], [sflag:$0x4] =	stream.indirect.gather [hbm4b:s5+s25], $0x80, s19, s25, $0xb8;
	[tilespmem:$0x1F900] =	vst v63  }
0xfe: {  	_ =	swait.ge [sflag:s29], $0x4000  }
0xff: {  	[sflag:s29] =	ssyncset.done $0x0  }
0x100: {  	[sflag:s29] =	ssyncadd.s32 $0xFFFFC000  }
0x101: {  	_ =	swait.ge [sflag:s30], $0x80  }
0x102: {  	[sflag:s30] =	ssyncset.done $0x0  }
0x103: {  	[sflag:s30] =	ssyncadd.s32 $0xFFFFFF80  }
0x104: {  	[spmem:s2] =	stream.indirect.scatter.add.f32 [tilespmem:s23], [sflag:$0x5], $0x80, s24, s25, $0xb8;
	[tilespmem:$0x1F900] =	vst v63  }
0x105: {  	_ =	swait.ge [sflag:s31], $0x4000  }
0x106: {  	[sflag:s31] =	ssyncset.done $0x0  }
0x107: {  	[sflag:s31] =	ssyncadd.s32 $0xFFFFC000  }
0x108: {  	_ =	swait.ge [sflag:s1], $0x80  }
0x109: {  	[sflag:s1] =	ssyncset.done $0x0  }
0x10a: {  	s10 =	simm.s32 $0x280;
	s16 =	simm.s32 $0x200;
	[sflag:s1] =	ssyncadd.s32 $0xFFFFFF80  }
.LBB2_3:
0x10b: {  	[spmem:s2] =	stream.indirect.scatter.add.f32 [tilespmem:s28], [sflag:$0x6], $0x80, s26, s25, $0xb8;
	[tilespmem:$0x1F900] =	vst v63  }
0x10c: {  	s17 =	sadd.s32 $0xFFFFFF80, s10;
	p1 =	seq.s32 s10, $0x1780;
	_ =	swait.ge [sflag:s0], $0x4000  }
0x10d: {  	s19 =	sand.u32 $0x380, s10;
	s18 =	sand.u32 $0x1C00, s17;
	[sflag:s0] =	ssyncset.done $0x0  }
0x10e: {  	s17 =	sand.u32 $0x300, s17;
	s18 =	sadd.s32 s4, s18;
	[sflag:s0] =	ssyncadd.s32 $0xFFFFC000  }
0x10f: {  	s17 =	sor.u32 s17, s18;
	s18 =	sor.u32 s18, s19;
	_ =	swait.ge [sflag:s7], $0x4000  }
0x110: {  	s17 =	sshrl.u32 s17, $0x3;
	s18 =	sshrl.u32 s18, $0x3;
	[sflag:s7] =	ssyncset.done $0x0  }
0x111: {  	s10 =	sadd.s32 $0x100, s10;
	s17 =	sadd.s32 s6, s17;
	[sflag:s7] =	ssyncadd.s32 $0xFFFFC000  }
0x112: {  	[tilespmem:s24], [sflag:$0x1] =	stream.linear.gather [hbm4b:s17+s3], $0x80, $0x38;
	[tilespmem:$0x1F900] =	vst v63  }
0x113: {  	_ = 	snop  }
0x114: {  	[tilespmem:s23], [sflag:$0x3] =	stream.indirect.gather [hbm4b:s5+s25], $0x80, s16, s25, $0xb8;
	[tilespmem:$0x1F900] =	vst v63  }
0x115: {  	s17 =	sadd.s32 s6, s18  }
0x116: {  	[tilespmem:s26], [sflag:$0x2] =	stream.linear.gather [hbm4b:s17+s3], $0x80, $0x38;
	[tilespmem:$0x1F900] =	vst v63  }
0x117: {  	s17 =	sadd.s32 $0x80, s16  }
0x118: {  	[tilespmem:s28], [sflag:$0x4] =	stream.indirect.gather [hbm4b:s5+s25], $0x80, s17, s25, $0xb8;
	[tilespmem:$0x1F900] =	vst v63  }
0x119: {  	_ =	swait.ge [sflag:s29], $0x4000  }
0x11a: {  	[sflag:s29] =	ssyncset.done $0x0  }
0x11b: {  	[sflag:s29] =	ssyncadd.s32 $0xFFFFC000  }
0x11c: {  	_ =	swait.ge [sflag:s30], $0x80  }
0x11d: {  	[sflag:s30] =	ssyncset.done $0x0  }
0x11e: {  	[sflag:s30] =	ssyncadd.s32 $0xFFFFFF80  }
0x11f: {  	[spmem:s2] =	stream.indirect.scatter.add.f32 [tilespmem:s23], [sflag:$0x5], $0x80, s24, s25, $0xb8;
	[tilespmem:$0x1F900] =	vst v63  }
0x120: {  	_ =	swait.ge [sflag:s31], $0x4000  }
.Ltmp5:
0x121: {  	[sflag:s31] =	ssyncset.done $0x0;
	(pc) =	sbr.rel @!p1 .LBB2_3-.Ltmp5, $4  }
0x122: {  	[sflag:s31] =	ssyncadd.s32 $0xFFFFC000  }
0x123: {  	_ =	swait.ge [sflag:s1], $0x80  }
0x124: {  	[sflag:s1] =	ssyncset.done $0x0  }
0x125: {  	s16 =	sadd.s32 $0x100, s16;
	[sflag:s1] =	ssyncadd.s32 $0xFFFFFF80  }
.Ltmp6:
0x126: {  	(pc) =	sbr.rel .LBB2_8-.Ltmp6, $2  }
0x127: {  	_ =	sdelay $0x2  }
0x128: {  	[spmem:s2] =	stream.indirect.scatter.add.f32 [tilespmem:s28], [sflag:$0x6], $0x80, s26, s25, $0xb8;
	[tilespmem:$0x1F900] =	vst v63  }
.LBB2_9:
0x129: {  	_ =	sfence.sel $0x180000  }
0x12a: {  	[bflag:$0x0] =	sbarrier.arrive $0xFFFF  }
0x12b: {  	_ =	strace $0x90000050  }
0x12c: {  	s0 =	stileid.u32;
	[bflag:$0x2] =	sbarrier.arrive $0xFFFF  }
0x12d: {  	p0 =	sne.s32 s0, $0x0;
	s0 =	rddreg [dreg:$0x2]  }
0x12e: {  	s0 =	sadd.s32 @!p0 $0x100000, s0  }
0x12f: {  	[sflag:s0] =	ssyncadd.tile.s32 @!p0 $0x1;
	_ =	shalt  }
.Lfunc_end2:
_tile_overlayer_lowered:
.L_overlay_start_2:
0x130: {  	(tag) =	ssettag $0x2  }
0x131: {  	s0 =	rddreg [dreg:$0x0];
	s2 =	stileid.u32  }
0x132: {  	s1 =	rddreg [dreg:$0x1];
	p0 =	sne.s32 s2, $0x0  }
0x133: {  	s3 =	rddreg [dreg:$0x2];
	[bflag:$0x3] =	sbarrier.arrive $0xFFFF;
	s2 =	simm.s32 @!p0 $0x1C07  }
0x134: {  	[timem:s3], [sflag:s2] =	dma.local @!p0 [hbm:s0], s1  }
0x135: {  	s0 =	simm.s32 @!p0 $0x7  }
0x136: {  	_ =	swait.ge @!p0 [sflag:s0], s1  }
0x137: {  	s1 =	ssub.s32 @!p0 $0x0, s1;
	[sflag:s0] =	ssyncset.done @!p0 $0x0  }
0x138: {  	[sflag:s0] =	ssyncadd.s32 @!p0 s1  }
0x139: {  	[bflag:$0x3] =	sbarrier.arrive $0xFFFF  }
0x13a: {  	_ =	shalt  }

</sc_bundles>
